<compile_context>
chip_gen: v7x
topology: tpu7x:2x2x1
jax: 0.10.2.dev20260603
libtpu: 0.0.44.dev20260713+nightly
codegen_flags: <defaults>
</compile_context>

<pallas_src>
import jax
import jax.numpy as jnp
from jax import lax
from jax.experimental import pallas as pl
from jax.experimental.pallas import tpu as pltpu
from jax.experimental.pallas import tpu_sc as plsc

H, W = 512, 512
B = 64
P = 8192
PBLK = P // 128
ROWS = 32
CHUNK = ROWS * W
CROWS = CHUNK // 128
NCHUNK = H // ROWS
NBKT = 4
QUART = H * W // NBKT
BCAP = P + 16
NC, NS = 2, 16
NW = NC * NS
BPW = B // NW
GROUPS = P // 16
BROWS = H * W // 128
NBUF = 3


def _sc_body(pts_hbm, out_hbm, pts_v, bk0, bk1, bk2, bk3, acc0, acc1, acc2,
             zsh, zs0, zs1, zs2, os0, os1, os2):
    wid = lax.axis_index("s") * NC + lax.axis_index("c")
    sid = lax.axis_index("s")
    lanes = lax.iota(jnp.int32, 16)
    ones = jnp.full((16,), 1.0, dtype=jnp.float32)
    zeros = jnp.zeros((16,), dtype=jnp.float32)
    bkts = (bk0, bk1, bk2, bk3)
    bufs = (acc0, acc1, acc2)
    zsems = (zs0, zs1, zs2)
    osems = (os0, os1, os2)
    zdescs = [None] * NBUF
    odescs = [None] * NBUF

    @pl.when(sid == 0)
    def _():
        def zb(r, _):
            for u in range(128 // 16):
                acc0[r, pl.ds(u * 16, 16)] = zeros
            return 0

        lax.fori_loop(0, CROWS, zb, 0)
        pltpu.sync_copy(acc0, zsh)

    plsc.subcore_barrier()

    for pb in range(NBUF):
        zdescs[pb] = pltpu.async_copy(zsh, bufs[pb], zsems[pb])

    for j in range(BPW):
        b = wid * BPW + j
        pltpu.sync_copy(pts_hbm.at[pl.ds(b * 2 * PBLK, 2 * PBLK)], pts_v)

        def part_body(g, offs):
            o0, o1, o2, o3 = offs
            blk = lax.shift_right_logical(g, 3) * 2
            u = (g & 7) * 16
            y = pts_v[blk, pl.ds(u, 16)]
            x = pts_v[blk + 1, pl.ds(u, 16)]
            v = y * W + x
            q = lax.shift_right_logical(v, 16)
            m0 = q == 0
            m1 = q == 1
            m2 = q == 2
            m3 = q == 3
            plsc.store_compressed(bk0.at[pl.ds(o0, 16)], v, mask=m0)
            plsc.store_compressed(bk1.at[pl.ds(o1, 16)], v, mask=m1)
            plsc.store_compressed(bk2.at[pl.ds(o2, 16)], v, mask=m2)
            plsc.store_compressed(bk3.at[pl.ds(o3, 16)], v, mask=m3)
            c0 = plsc.all_reduce_population_count(m0)[0]
            c1 = plsc.all_reduce_population_count(m1)[0]
            c2 = plsc.all_reduce_population_count(m2)[0]
            no0 = o0 + c0
            no1 = o1 + c1
            no2 = o2 + c2
            no3 = (g + 1) * 16 - no0 - no1 - no2
            return (no0, no1, no2, no3)

        z32 = jnp.int32(0)
        n0, n1, n2, n3 = lax.fori_loop(
            0, GROUPS, part_body, (z32, z32, z32, z32)
        )
        ns = (n0, n1, n2, n3)

        for c in range(NCHUNK):
            cg = j * NCHUNK + c
            pb = cg % NBUF
            acc = bufs[pb]
            bk = bkts[c // (NCHUNK // NBKT)]
            nk = ns[c // (NCHUNK // NBKT)]
            zdescs[pb].wait()
            lo = c * CHUNK

            def scat_body(g2, _):
                for u in range(2):
                    g = g2 * 2 + u
                    v = bk[pl.ds(g * 16, 16)] - lo
                    m = lax.bitcast_convert_type(
                        v, jnp.uint32
                    ) < jnp.uint32(CHUNK)
                    m = m & (g * 16 + lanes < nk)
                    safe = jnp.where(m, v, 0)
                    iy = lax.shift_right_logical(safe, 7)
                    ix = safe & 127
                    plsc.addupdate_scatter(acc, [iy, ix], ones, mask=m)
                return 0

            niter = lax.shift_right_logical(nk + 31, 5)
            lax.fori_loop(0, niter, scat_body, 0)

            odescs[pb] = pltpu.async_copy(
                acc,
                out_hbm.at[pl.ds(b * BROWS + c * CROWS, CROWS)],
                osems[pb],
            )

            if cg >= 1 and cg + 2 < BPW * NCHUNK:
                npb = (cg + 2) % NBUF
                odescs[npb].wait()
                zdescs[npb] = pltpu.async_copy(zsh, bufs[npb], zsems[npb])

    for pb in range(NBUF):
        if odescs[pb] is not None:
            odescs[pb].wait()


def kernel(points):
    pts = points.reshape(B, PBLK, 128, 2).transpose(0, 1, 3, 2)
    pts = pts.reshape(B * PBLK * 2, 128)
    mesh = plsc.VectorSubcoreMesh(core_axis_name="c", subcore_axis_name="s")
    out = pl.kernel(
        _sc_body,
        mesh=mesh,
        compiler_params=pltpu.CompilerParams(needs_layout_passes=False),
        out_type=jax.ShapeDtypeStruct((B * BROWS, 128), jnp.float32),
        scratch_types=[
            pltpu.VMEM((2 * PBLK, 128), jnp.int32),
            pltpu.VMEM((BCAP,), jnp.int32),
            pltpu.VMEM((BCAP,), jnp.int32),
            pltpu.VMEM((BCAP,), jnp.int32),
            pltpu.VMEM((BCAP,), jnp.int32),
            pltpu.VMEM((CROWS, 128), jnp.float32),
            pltpu.VMEM((CROWS, 128), jnp.float32),
            pltpu.VMEM((CROWS, 128), jnp.float32),
            pltpu.VMEM_SHARED((CROWS, 128), jnp.float32),
            pltpu.SemaphoreType.DMA,
            pltpu.SemaphoreType.DMA,
            pltpu.SemaphoreType.DMA,
            pltpu.SemaphoreType.DMA,
            pltpu.SemaphoreType.DMA,
            pltpu.SemaphoreType.DMA,
        ],
    )(pts)
    return out.reshape(B, H, W, 1)

# --- scband reference (transcript-rebuilt; emitter-appended) ---
"""Pipeline reference for scband-project-points-28037546508814 (READ-ONLY COPY).

The authoritative reference and input builder live on the scoring server;
editing this copy changes nothing except your own understanding.
"""

import jax, jax.numpy as jnp
import numpy as np

IMAGE_SIZE = (512, 512, 1)
BATCH = 64
NUM_POINTS = 8192


def setup_inputs(seed: int = 0) -> dict:
    key = jax.random.key(seed)
    points = jax.random.randint(key, (BATCH, NUM_POINTS, 2), 0, 512, dtype=jnp.int32)
    return {"points": points}


def reference(points):
    H, W, C = IMAGE_SIZE
    batch = points.shape[0]
    prod_img = int(np.prod(IMAGE_SIZE))
    # image_starts = range(batch) * prod(image_size)
    image_starts = jnp.arange(0, batch, 1, dtype=jnp.int32) * np.int32(prod_img)
    pts = points.reshape(-1, 2)
    # flattened_points = (y * W + x) * C
    flattened_points = (pts[:, 0] * W + pts[:, 1]) * C
    col_image_starts = image_starts.reshape(batch, 1)
    flattened_points = (flattened_points.reshape(batch, -1) + col_image_starts).reshape(-1)
    num_points = flattened_points.shape[0]
    # tf.scatter_nd accumulates duplicate indices -> .at[].add
    result = jnp.zeros(prod_img * batch, dtype=jnp.float32).at[flattened_points].add(
        jnp.ones((num_points,), dtype=jnp.float32)
    )
    return result.reshape((batch,) + IMAGE_SIZE)

if __name__ == "__main__":
    import jax
    _d = setup_inputs()
    print(jax.jit(kernel)(*tuple(_d.values())))

</pallas_src>

<mosaic_0001>
#map = affine_map<(d0, d1) -> (0, 0)>
module attributes {stable_mosaic.version = 14 : i64} {
  func.func @_sc_body(%arg0: i32, %arg1: i32, %arg2: memref<8192x128xi32, #tpu.memory_space<hbm>>, %arg3: memref<131072x128xf32, #tpu.memory_space<hbm>>, %arg4: memref<128x128xi32, #tpu.memory_space<vmem>>, %arg5: memref<8208xi32, #tpu.memory_space<vmem>>, %arg6: memref<8208xi32, #tpu.memory_space<vmem>>, %arg7: memref<8208xi32, #tpu.memory_space<vmem>>, %arg8: memref<8208xi32, #tpu.memory_space<vmem>>, %arg9: memref<128x128xf32, #tpu.memory_space<vmem>>, %arg10: memref<128x128xf32, #tpu.memory_space<vmem>>, %arg11: memref<128x128xf32, #tpu.memory_space<vmem>>, %arg12: memref<128x128xf32, #tpu.memory_space<vmem_shared>>, %arg13: memref<!tpu.dma_semaphore, #tpu.memory_space<semaphore_mem>>, %arg14: memref<!tpu.dma_semaphore, #tpu.memory_space<semaphore_mem>>, %arg15: memref<!tpu.dma_semaphore, #tpu.memory_space<semaphore_mem>>, %arg16: memref<!tpu.dma_semaphore, #tpu.memory_space<semaphore_mem>>, %arg17: memref<!tpu.dma_semaphore, #tpu.memory_space<semaphore_mem>>, %arg18: memref<!tpu.dma_semaphore, #tpu.memory_space<semaphore_mem>>) attributes {dimension_semantics = [#tpu.dimension_semantics<core_parallel>, #tpu.dimension_semantics<subcore_parallel>], iteration_bounds = array<i64: 2, 16>, scalar_prefetch = 0 : i64, scratch_operands = 15 : i64, tpu.core_type = #tpu.core_type<sc_vector_subcore>, window_params = [{transform_indices = #map}, {transform_indices = #map}]} {
    %mul3A = arith.constant 2 : i32
    %mul3A_0 = arith.muli %arg1, %mul3A : i32
    %add3A = arith.addi %mul3A_0, %arg0 : i32
    %iota3A = tpu.iota {dimensions = array<i32: 0>} : vector<16xi32>
    %broadcast_in_dim3A = arith.constant 1.000000e+00 : f32
    %broadcast_in_dim3A_1 = vector.broadcast %broadcast_in_dim3A : f32 to vector<16xf32>
    %broadcast_in_dim3A_2 = arith.constant 0.000000e+00 : f32
    %broadcast_in_dim3A_3 = vector.broadcast %broadcast_in_dim3A_2 : f32 to vector<16xf32>
    %eq3A = arith.constant 0 : i32
    %eq3A_4 = arith.cmpi eq, %arg1, %eq3A : i32
    %convert_element_type3A = arith.extui %eq3A_4 : i1 to i32
    %cond3A = arith.constant 0 : i32
    %cond3A_5 = arith.cmpi ne, %convert_element_type3A, %cond3A : i32
    scf.if %cond3A_5 {
      %scan3A_933 = arith.constant 0 : i32
      %scan3A_934 = arith.constant 0 : i32
      %scan3A_935 = arith.constant 128 : i32
      %scan3A_936 = arith.addi %scan3A_934, %scan3A_935 : i32
      %scan3A_937 = arith.constant 1 : i32
      %scan3A_938 = scf.for %scan3A_940 = %scan3A_934 to %scan3A_936 step %scan3A_937 iter_args(%scan3A_941 = %scan3A_933) -> (i32)  : i32 {
        %swap3A = arith.index_cast %scan3A_940 : i32 to index
        %swap3A_942 = arith.constant 0 : index
        %swap3A_943 = tpu.vector_load %arg9[%swap3A, %swap3A_942] {strides = array<i32>} : memref<128x128xf32, #tpu.memory_space<vmem>>, vector<16xf32>,
        tpu.vector_store %arg9[%swap3A, %swap3A_942], %broadcast_in_dim3A_3 {strides = array<i32>} : memref<128x128xf32, #tpu.memory_space<vmem>>, vector<16xf32>,
        %swap3A_944 = arith.index_cast %scan3A_940 : i32 to index
        %swap3A_945 = arith.constant 16 : index
        %swap3A_946 = tpu.vector_load %arg9[%swap3A_944, %swap3A_945] {strides = array<i32>} : memref<128x128xf32, #tpu.memory_space<vmem>>, vector<16xf32>,
        tpu.vector_store %arg9[%swap3A_944, %swap3A_945], %broadcast_in_dim3A_3 {strides = array<i32>} : memref<128x128xf32, #tpu.memory_space<vmem>>, vector<16xf32>,
        %swap3A_947 = arith.index_cast %scan3A_940 : i32 to index
        %swap3A_948 = arith.constant 32 : index
        %swap3A_949 = tpu.vector_load %arg9[%swap3A_947, %swap3A_948] {strides = array<i32>} : memref<128x128xf32, #tpu.memory_space<vmem>>, vector<16xf32>,
        tpu.vector_store %arg9[%swap3A_947, %swap3A_948], %broadcast_in_dim3A_3 {strides = array<i32>} : memref<128x128xf32, #tpu.memory_space<vmem>>, vector<16xf32>,
        %swap3A_950 = arith.index_cast %scan3A_940 : i32 to index
        %swap3A_951 = arith.constant 48 : index
        %swap3A_952 = tpu.vector_load %arg9[%swap3A_950, %swap3A_951] {strides = array<i32>} : memref<128x128xf32, #tpu.memory_space<vmem>>, vector<16xf32>,
        tpu.vector_store %arg9[%swap3A_950, %swap3A_951], %broadcast_in_dim3A_3 {strides = array<i32>} : memref<128x128xf32, #tpu.memory_space<vmem>>, vector<16xf32>,
        %swap3A_953 = arith.index_cast %scan3A_940 : i32 to index
        %swap3A_954 = arith.constant 64 : index
        %swap3A_955 = tpu.vector_load %arg9[%swap3A_953, %swap3A_954] {strides = array<i32>} : memref<128x128xf32, #tpu.memory_space<vmem>>, vector<16xf32>,
        tpu.vector_store %arg9[%swap3A_953, %swap3A_954], %broadcast_in_dim3A_3 {strides = array<i32>} : memref<128x128xf32, #tpu.memory_space<vmem>>, vector<16xf32>,
        %swap3A_956 = arith.index_cast %scan3A_940 : i32 to index
        %swap3A_957 = arith.constant 80 : index
        %swap3A_958 = tpu.vector_load %arg9[%swap3A_956, %swap3A_957] {strides = array<i32>} : memref<128x128xf32, #tpu.memory_space<vmem>>, vector<16xf32>,
        tpu.vector_store %arg9[%swap3A_956, %swap3A_957], %broadcast_in_dim3A_3 {strides = array<i32>} : memref<128x128xf32, #tpu.memory_space<vmem>>, vector<16xf32>,
        %swap3A_959 = arith.index_cast %scan3A_940 : i32 to index
        %swap3A_960 = arith.constant 96 : index
        %swap3A_961 = tpu.vector_load %arg9[%swap3A_959, %swap3A_960] {strides = array<i32>} : memref<128x128xf32, #tpu.memory_space<vmem>>, vector<16xf32>,
        tpu.vector_store %arg9[%swap3A_959, %swap3A_960], %broadcast_in_dim3A_3 {strides = array<i32>} : memref<128x128xf32, #tpu.memory_space<vmem>>, vector<16xf32>,
        %swap3A_962 = arith.index_cast %scan3A_940 : i32 to index
        %swap3A_963 = arith.constant 112 : index
        %swap3A_964 = tpu.vector_load %arg9[%swap3A_962, %swap3A_963] {strides = array<i32>} : memref<128x128xf32, #tpu.memory_space<vmem>>, vector<16xf32>,
        tpu.vector_store %arg9[%swap3A_962, %swap3A_963], %broadcast_in_dim3A_3 {strides = array<i32>} : memref<128x128xf32, #tpu.memory_space<vmem>>, vector<16xf32>,
        %scan3A_965 = arith.constant 0 : i32
        scf.yield %scan3A_965 : i32
      }
      %scan3A_939 = arith.constant 128 : i32
      "tpu.region"() ({
        %run_scoped3A = tpu.sem_alloc : memref<!tpu.dma_semaphore, #tpu.memory_space<semaphore_mem>>
        tpu.enqueue_dma source(%arg9 : memref<128x128xf32, #tpu.memory_space<vmem>>) target(%arg12 : memref<128x128xf32, #tpu.memory_space<vmem_shared>>) target_semaphore(%run_scoped3A : memref<!tpu.dma_semaphore, #tpu.memory_space<semaphore_mem>>)
        tpu.wait_dma2 semaphore(%run_scoped3A : memref<!tpu.dma_semaphore, #tpu.memory_space<semaphore_mem>>) src(%arg9 : memref<128x128xf32, #tpu.memory_space<vmem>>) dst(%arg12 : memref<128x128xf32, #tpu.memory_space<vmem_shared>>)
        tpu.yield
      }) : () -> ()
    } else {
    }
    %barrier3A = arith.constant 0 : index
    tpu.barrier barrier_id(%barrier3A)
    tpu.enqueue_dma source(%arg12 : memref<128x128xf32, #tpu.memory_space<vmem_shared>>) target(%arg9 : memref<128x128xf32, #tpu.memory_space<vmem>>) target_semaphore(%arg13 : memref<!tpu.dma_semaphore, #tpu.memory_space<semaphore_mem>>)
    tpu.enqueue_dma source(%arg12 : memref<128x128xf32, #tpu.memory_space<vmem_shared>>) target(%arg10 : memref<128x128xf32, #tpu.memory_space<vmem>>) target_semaphore(%arg14 : memref<!tpu.dma_semaphore, #tpu.memory_space<semaphore_mem>>)
    tpu.enqueue_dma source(%arg12 : memref<128x128xf32, #tpu.memory_space<vmem_shared>>) target(%arg11 : memref<128x128xf32, #tpu.memory_space<vmem>>) target_semaphore(%arg15 : memref<!tpu.dma_semaphore, #tpu.memory_space<semaphore_mem>>)
    %mul3A_6 = arith.constant 2 : i32
    %mul3A_7 = arith.muli %add3A, %mul3A_6 : i32
    %add3A_8 = arith.constant 0 : i32
    %add3A_9 = arith.addi %mul3A_7, %add3A_8 : i32
    %mul3A_10 = arith.constant 2 : i32
    %mul3A_11 = arith.muli %add3A_9, %mul3A_10 : i32
    %mul3A_12 = arith.constant 64 : i32
    %mul3A_13 = arith.muli %mul3A_11, %mul3A_12 : i32
    "tpu.region"() ({
      %run_scoped3A = tpu.sem_alloc : memref<!tpu.dma_semaphore, #tpu.memory_space<semaphore_mem>>
      %dma_start3A_933 = arith.constant 0 : i32
      %dma_start3A_934 = tpu.memref_slice %arg2[%mul3A_13, %dma_start3A_933] : memref<8192x128xi32, #tpu.memory_space<hbm>> -> memref<128x128xi32, #tpu.memory_space<hbm>>
      %dma_start3A_935 = arith.constant 0 : i32
      %dma_start3A_936 = tpu.memref_slice %arg2[%mul3A_13, %dma_start3A_935] : memref<8192x128xi32, #tpu.memory_space<hbm>> -> memref<128x128xi32, #tpu.memory_space<hbm>>
      tpu.enqueue_dma source(%dma_start3A_936 : memref<128x128xi32, #tpu.memory_space<hbm>>) target(%arg4 : memref<128x128xi32, #tpu.memory_space<vmem>>) target_semaphore(%run_scoped3A : memref<!tpu.dma_semaphore, #tpu.memory_space<semaphore_mem>>)
      %dma_wait3A_937 = arith.constant 0 : i32
      %dma_wait3A_938 = tpu.memref_slice %arg2[%mul3A_13, %dma_wait3A_937] : memref<8192x128xi32, #tpu.memory_space<hbm>> -> memref<128x128xi32, #tpu.memory_space<hbm>>
      %dma_wait3A_939 = arith.constant 0 : i32
      %dma_wait3A_940 = tpu.memref_slice %arg2[%mul3A_13, %dma_wait3A_939] : memref<8192x128xi32, #tpu.memory_space<hbm>> -> memref<128x128xi32, #tpu.memory_space<hbm>>
      tpu.wait_dma2 semaphore(%run_scoped3A : memref<!tpu.dma_semaphore, #tpu.memory_space<semaphore_mem>>) src(%dma_wait3A_940 : memref<128x128xi32, #tpu.memory_space<hbm>>) dst(%arg4 : memref<128x128xi32, #tpu.memory_space<vmem>>)
      tpu.yield
    }) : () -> ()
    %scan3A = arith.constant 0 : i32
    %scan3A_14 = arith.constant 0 : i32
    %scan3A_15 = arith.constant 0 : i32
    %scan3A_16 = arith.constant 0 : i32
    %scan3A_17 = arith.constant 0 : i32
    %scan3A_18 = arith.constant 512 : i32
    %scan3A_19 = arith.addi %scan3A_17, %scan3A_18 : i32
    %scan3A_20 = arith.constant 1 : i32
    %scan3A_21:4 = scf.for %scan3A_933 = %scan3A_17 to %scan3A_19 step %scan3A_20 iter_args(%scan3A_934 = %scan3A, %scan3A_935 = %scan3A_14, %scan3A_936 = %scan3A_15, %scan3A_937 = %scan3A_16) -> (i32, i32, i32, i32)  : i32 {
      %shift_right_logical3A_938 = arith.constant 3 : i32
      %shift_right_logical3A_939 = arith.shrui %scan3A_933, %shift_right_logical3A_938 : i32
      %mul3A_940 = arith.constant 2 : i32
      %mul3A_941 = arith.muli %shift_right_logical3A_939, %mul3A_940 : i32
      %and3A = arith.constant 7 : i32
      %and3A_942 = arith.andi %scan3A_933, %and3A : i32
      %mul3A_943 = arith.constant 16 : i32
      %mul3A_944 = arith.muli %and3A_942, %mul3A_943 : i32
      %get3A = arith.index_cast %mul3A_941 : i32 to index
      %get3A_945 = arith.index_cast %mul3A_944 : i32 to index
      %get3A_946 = tpu.vector_load %arg4[%get3A, %get3A_945] {strides = array<i32>} : memref<128x128xi32, #tpu.memory_space<vmem>>, vector<16xi32>,
      %add3A_947 = arith.constant 1 : i32
      %add3A_948 = arith.addi %mul3A_941, %add3A_947 : i32
      %get3A_949 = arith.index_cast %add3A_948 : i32 to index
      %get3A_950 = arith.index_cast %mul3A_944 : i32 to index
      %get3A_951 = tpu.vector_load %arg4[%get3A_949, %get3A_950] {strides = array<i32>} : memref<128x128xi32, #tpu.memory_space<vmem>>, vector<16xi32>,
      %mul3A_952 = arith.constant 512 : i32
      %mul3A_953 = vector.broadcast %mul3A_952 : i32 to vector<16xi32>
      %mul3A_954 = arith.muli %get3A_946, %mul3A_953 : vector<16xi32>
      %add3A_955 = arith.addi %mul3A_954, %get3A_951 : vector<16xi32>
      %shift_right_logical3A_956 = arith.constant 16 : i32
      %shift_right_logical3A_957 = vector.broadcast %shift_right_logical3A_956 : i32 to vector<16xi32>
      %shift_right_logical3A_958 = arith.shrui %add3A_955, %shift_right_logical3A_957 : vector<16xi32>
      %eq3A_959 = arith.constant 0 : i32
      %eq3A_960 = vector.broadcast %eq3A_959 : i32 to vector<16xi32>
      %eq3A_961 = arith.cmpi eq, %shift_right_logical3A_958, %eq3A_960 : vector<16xi32>
      %eq3A_962 = arith.constant 1 : i32
      %eq3A_963 = vector.broadcast %eq3A_962 : i32 to vector<16xi32>
      %eq3A_964 = arith.cmpi eq, %shift_right_logical3A_958, %eq3A_963 : vector<16xi32>
      %eq3A_965 = arith.constant 2 : i32
      %eq3A_966 = vector.broadcast %eq3A_965 : i32 to vector<16xi32>
      %eq3A_967 = arith.cmpi eq, %shift_right_logical3A_958, %eq3A_966 : vector<16xi32>
      %eq3A_968 = arith.constant 3 : i32
      %eq3A_969 = vector.broadcast %eq3A_968 : i32 to vector<16xi32>
      %eq3A_970 = arith.cmpi eq, %shift_right_logical3A_958, %eq3A_969 : vector<16xi32>
      %swap3A = arith.index_cast %scan3A_934 : i32 to index
      %swap3A_971 = tpu.vector_load %arg5[%swap3A] masked %eq3A_961 {strides = array<i32>} : memref<8208xi32, #tpu.memory_space<vmem>>, vector<16xi32>, vector<16xi1>
      tpu.vector_store %arg5[%swap3A], %add3A_955 masked %eq3A_961 {strides = array<i32>} : memref<8208xi32, #tpu.memory_space<vmem>>, vector<16xi32>, vector<16xi1>
      %swap3A_972 = arith.index_cast %scan3A_935 : i32 to index
      %swap3A_973 = tpu.vector_load %arg6[%swap3A_972] masked %eq3A_964 {strides = array<i32>} : memref<8208xi32, #tpu.memory_space<vmem>>, vector<16xi32>, vector<16xi1>
      tpu.vector_store %arg6[%swap3A_972], %add3A_955 masked %eq3A_964 {strides = array<i32>} : memref<8208xi32, #tpu.memory_space<vmem>>, vector<16xi32>, vector<16xi1>
      %swap3A_974 = arith.index_cast %scan3A_936 : i32 to index
      %swap3A_975 = tpu.vector_load %arg7[%swap3A_974] masked %eq3A_967 {strides = array<i32>} : memref<8208xi32, #tpu.memory_space<vmem>>, vector<16xi32>, vector<16xi1>
      tpu.vector_store %arg7[%swap3A_974], %add3A_955 masked %eq3A_967 {strides = array<i32>} : memref<8208xi32, #tpu.memory_space<vmem>>, vector<16xi32>, vector<16xi1>
      %swap3A_976 = arith.index_cast %scan3A_937 : i32 to index
      %swap3A_977 = tpu.vector_load %arg8[%swap3A_976] masked %eq3A_970 {strides = array<i32>} : memref<8208xi32, #tpu.memory_space<vmem>>, vector<16xi32>, vector<16xi1>
      tpu.vector_store %arg8[%swap3A_976], %add3A_955 masked %eq3A_970 {strides = array<i32>} : memref<8208xi32, #tpu.memory_space<vmem>>, vector<16xi32>, vector<16xi1>
      %all_reduce_population_count3A = tpu.all_reduce %eq3A_961 {dim = 0 : i64, kind = #tpu.reduction_kind<sum>} : vector<16xi1> -> vector<16xi32>
      %slice3A = vector.extract_strided_slice %all_reduce_population_count3A {offsets = [0], sizes = [1], strides = [1]} : vector<16xi32> to vector<1xi32>
      %squeeze3A = vector.extract %slice3A[0] : i32 from vector<1xi32>
      %all_reduce_population_count3A_978 = tpu.all_reduce %eq3A_964 {dim = 0 : i64, kind = #tpu.reduction_kind<sum>} : vector<16xi1> -> vector<16xi32>
      %slice3A_979 = vector.extract_strided_slice %all_reduce_population_count3A_978 {offsets = [0], sizes = [1], strides = [1]} : vector<16xi32> to vector<1xi32>
      %squeeze3A_980 = vector.extract %slice3A_979[0] : i32 from vector<1xi32>
      %all_reduce_population_count3A_981 = tpu.all_reduce %eq3A_967 {dim = 0 : i64, kind = #tpu.reduction_kind<sum>} : vector<16xi1> -> vector<16xi32>
      %slice3A_982 = vector.extract_strided_slice %all_reduce_population_count3A_981 {offsets = [0], sizes = [1], strides = [1]} : vector<16xi32> to vector<1xi32>
      %squeeze3A_983 = vector.extract %slice3A_982[0] : i32 from vector<1xi32>
      %add3A_984 = arith.addi %scan3A_934, %squeeze3A : i32
      %add3A_985 = arith.addi %scan3A_935, %squeeze3A_980 : i32
      %add3A_986 = arith.addi %scan3A_936, %squeeze3A_983 : i32
      %add3A_987 = arith.constant 1 : i32
      %add3A_988 = arith.addi %scan3A_933, %add3A_987 : i32
      %mul3A_989 = arith.constant 16 : i32
      %mul3A_990 = arith.muli %add3A_988, %mul3A_989 : i32
      %sub3A = arith.subi %mul3A_990, %add3A_984 : i32
      %sub3A_991 = arith.subi %sub3A, %add3A_985 : i32
      %sub3A_992 = arith.subi %sub3A_991, %add3A_986 : i32
      scf.yield %add3A_984, %add3A_985, %add3A_986, %sub3A_992 : i32, i32, i32, i32
    }
    %scan3A_22 = arith.constant 512 : i32
    tpu.wait_dma2 semaphore(%arg13 : memref<!tpu.dma_semaphore, #tpu.memory_space<semaphore_mem>>) src(%arg12 : memref<128x128xf32, #tpu.memory_space<vmem_shared>>) dst(%arg9 : memref<128x128xf32, #tpu.memory_space<vmem>>)
    %add3A_23 = arith.constant 31 : i32
    %add3A_24 = arith.addi %scan3A_21#0, %add3A_23 : i32
    %shift_right_logical3A = arith.constant 5 : i32
    %shift_right_logical3A_25 = arith.shrui %add3A_24, %shift_right_logical3A : i32
    %while3A = arith.constant 0 : i32
    %while3A_26 = arith.constant 0 : i32
    %while3A_27 = arith.subi %shift_right_logical3A_25, %while3A : i32
    %while3A_28 = arith.addi %while3A, %while3A_27 : i32
    %while3A_29 = arith.constant 1 : i32
    %while3A_30 = arith.divsi %while3A_27, %while3A_29 : i32
    %while3A_31 = arith.muli %while3A_30, %while3A_29 : i32
    %while3A_32 = arith.addi %while3A, %while3A_31 : i32
    %while3A_33 = arith.constant 1 : i32
    %while3A_34 = scf.for %while3A_933 = %while3A to %while3A_32 step %while3A_33 iter_args(%while3A_934 = %while3A_26) -> (i32)  : i32 {
      %mul3A_935 = arith.constant 2 : i32
      %mul3A_936 = arith.muli %while3A_933, %mul3A_935 : i32
      %add3A_937 = arith.constant 0 : i32
      %add3A_938 = arith.addi %mul3A_936, %add3A_937 : i32
      %mul3A_939 = arith.constant 16 : i32
      %mul3A_940 = arith.muli %add3A_938, %mul3A_939 : i32
      %get3A = arith.index_cast %mul3A_940 : i32 to index
      %get3A_941 = tpu.vector_load %arg5[%get3A] {strides = array<i32>} : memref<8208xi32, #tpu.memory_space<vmem>>, vector<16xi32>,
      %sub3A = arith.constant 0 : i32
      %sub3A_942 = vector.broadcast %sub3A : i32 to vector<16xi32>
      %sub3A_943 = arith.subi %get3A_941, %sub3A_942 : vector<16xi32>
      %bitcast_convert_type3A = tpu.bitcast %sub3A_943 : vector<16xi32> -> vector<16xi32>
      %lt3A = arith.constant 16384 : i32
      %lt3A_944 = vector.broadcast %lt3A : i32 to vector<16xi32>
      %lt3A_945 = arith.cmpi ult, %bitcast_convert_type3A, %lt3A_944 : vector<16xi32>
      %mul3A_946 = arith.constant 16 : i32
      %mul3A_947 = arith.muli %add3A_938, %mul3A_946 : i32
      %add3A_948 = vector.broadcast %mul3A_947 : i32 to vector<16xi32>
      %add3A_949 = arith.addi %add3A_948, %iota3A : vector<16xi32>
      %lt3A_950 = vector.broadcast %scan3A_21#0 : i32 to vector<16xi32>
      %lt3A_951 = arith.cmpi slt, %add3A_949, %lt3A_950 : vector<16xi32>
      %and3A = arith.andi %lt3A_945, %lt3A_951 : vector<16xi1>
      %jit3A = arith.constant 0 : i32
      %broadcast_in_dim3A_952 = vector.broadcast %jit3A : i32 to vector<16xi32>
      %select_n3A = arith.select %and3A, %sub3A_943, %broadcast_in_dim3A_952 : vector<16xi1>, vector<16xi32>
      %shift_right_logical3A_953 = arith.constant 7 : i32
      %shift_right_logical3A_954 = vector.broadcast %shift_right_logical3A_953 : i32 to vector<16xi32>
      %shift_right_logical3A_955 = arith.shrui %select_n3A, %shift_right_logical3A_954 : vector<16xi32>
      %and3A_956 = arith.constant 127 : i32
      %and3A_957 = vector.broadcast %and3A_956 : i32 to vector<16xi32>
      %and3A_958 = arith.andi %select_n3A, %and3A_957 : vector<16xi32>
      tpu.vector_store_idx %arg9[%shift_right_logical3A_955, %and3A_958], %broadcast_in_dim3A_1 masked %and3A {add = true} : memref<128x128xf32, #tpu.memory_space<vmem>>[vector<16xi32>, vector<16xi32>], vector<16xf32>, vector<16xi1>
      %mul3A_959 = arith.constant 2 : i32
      %mul3A_960 = arith.muli %while3A_933, %mul3A_959 : i32
      %add3A_961 = arith.constant 1 : i32
      %add3A_962 = arith.addi %mul3A_960, %add3A_961 : i32
      %mul3A_963 = arith.constant 16 : i32
      %mul3A_964 = arith.muli %add3A_962, %mul3A_963 : i32
      %get3A_965 = arith.index_cast %mul3A_964 : i32 to index
      %get3A_966 = tpu.vector_load %arg5[%get3A_965] {strides = array<i32>} : memref<8208xi32, #tpu.memory_space<vmem>>, vector<16xi32>,
      %sub3A_967 = arith.constant 0 : i32
      %sub3A_968 = vector.broadcast %sub3A_967 : i32 to vector<16xi32>
      %sub3A_969 = arith.subi %get3A_966, %sub3A_968 : vector<16xi32>
      %bitcast_convert_type3A_970 = tpu.bitcast %sub3A_969 : vector<16xi32> -> vector<16xi32>
      %lt3A_971 = arith.constant 16384 : i32
      %lt3A_972 = vector.broadcast %lt3A_971 : i32 to vector<16xi32>
      %lt3A_973 = arith.cmpi ult, %bitcast_convert_type3A_970, %lt3A_972 : vector<16xi32>
      %mul3A_974 = arith.constant 16 : i32
      %mul3A_975 = arith.muli %add3A_962, %mul3A_974 : i32
      %add3A_976 = vector.broadcast %mul3A_975 : i32 to vector<16xi32>
      %add3A_977 = arith.addi %add3A_976, %iota3A : vector<16xi32>
      %lt3A_978 = vector.broadcast %scan3A_21#0 : i32 to vector<16xi32>
      %lt3A_979 = arith.cmpi slt, %add3A_977, %lt3A_978 : vector<16xi32>
      %and3A_980 = arith.andi %lt3A_973, %lt3A_979 : vector<16xi1>
      %jit3A_981 = arith.constant 0 : i32
      %broadcast_in_dim3A_982 = vector.broadcast %jit3A_981 : i32 to vector<16xi32>
      %select_n3A_983 = arith.select %and3A_980, %sub3A_969, %broadcast_in_dim3A_982 : vector<16xi1>, vector<16xi32>
      %shift_right_logical3A_984 = arith.constant 7 : i32
      %shift_right_logical3A_985 = vector.broadcast %shift_right_logical3A_984 : i32 to vector<16xi32>
      %shift_right_logical3A_986 = arith.shrui %select_n3A_983, %shift_right_logical3A_985 : vector<16xi32>
      %and3A_987 = arith.constant 127 : i32
      %and3A_988 = vector.broadcast %and3A_987 : i32 to vector<16xi32>
      %and3A_989 = arith.andi %select_n3A_983, %and3A_988 : vector<16xi32>
      tpu.vector_store_idx %arg9[%shift_right_logical3A_986, %and3A_989], %broadcast_in_dim3A_1 masked %and3A_980 {add = true} : memref<128x128xf32, #tpu.memory_space<vmem>>[vector<16xi32>, vector<16xi32>], vector<16xf32>, vector<16xi1>
      %while3A_990 = arith.constant 0 : i32
      scf.yield %while3A_990 : i32
    }
    %while3A_35 = arith.constant 1 : i32
    %while3A_36 = scf.for %while3A_933 = %while3A_32 to %while3A_28 step %while3A_35 iter_args(%while3A_934 = %while3A_34) -> (i32)  : i32 {
      %mul3A_935 = arith.constant 2 : i32
      %mul3A_936 = arith.muli %while3A_933, %mul3A_935 : i32
      %add3A_937 = arith.constant 0 : i32
      %add3A_938 = arith.addi %mul3A_936, %add3A_937 : i32
      %mul3A_939 = arith.constant 16 : i32
      %mul3A_940 = arith.muli %add3A_938, %mul3A_939 : i32
      %get3A = arith.index_cast %mul3A_940 : i32 to index
      %get3A_941 = tpu.vector_load %arg5[%get3A] {strides = array<i32>} : memref<8208xi32, #tpu.memory_space<vmem>>, vector<16xi32>,
      %sub3A = arith.constant 0 : i32
      %sub3A_942 = vector.broadcast %sub3A : i32 to vector<16xi32>
      %sub3A_943 = arith.subi %get3A_941, %sub3A_942 : vector<16xi32>
      %bitcast_convert_type3A = tpu.bitcast %sub3A_943 : vector<16xi32> -> vector<16xi32>
      %lt3A = arith.constant 16384 : i32
      %lt3A_944 = vector.broadcast %lt3A : i32 to vector<16xi32>
      %lt3A_945 = arith.cmpi ult, %bitcast_convert_type3A, %lt3A_944 : vector<16xi32>
      %mul3A_946 = arith.constant 16 : i32
      %mul3A_947 = arith.muli %add3A_938, %mul3A_946 : i32
      %add3A_948 = vector.broadcast %mul3A_947 : i32 to vector<16xi32>
      %add3A_949 = arith.addi %add3A_948, %iota3A : vector<16xi32>
      %lt3A_950 = vector.broadcast %scan3A_21#0 : i32 to vector<16xi32>
      %lt3A_951 = arith.cmpi slt, %add3A_949, %lt3A_950 : vector<16xi32>
      %and3A = arith.andi %lt3A_945, %lt3A_951 : vector<16xi1>
      %jit3A = arith.constant 0 : i32
      %broadcast_in_dim3A_952 = vector.broadcast %jit3A : i32 to vector<16xi32>
      %select_n3A = arith.select %and3A, %sub3A_943, %broadcast_in_dim3A_952 : vector<16xi1>, vector<16xi32>
      %shift_right_logical3A_953 = arith.constant 7 : i32
      %shift_right_logical3A_954 = vector.broadcast %shift_right_logical3A_953 : i32 to vector<16xi32>
      %shift_right_logical3A_955 = arith.shrui %select_n3A, %shift_right_logical3A_954 : vector<16xi32>
      %and3A_956 = arith.constant 127 : i32
      %and3A_957 = vector.broadcast %and3A_956 : i32 to vector<16xi32>
      %and3A_958 = arith.andi %select_n3A, %and3A_957 : vector<16xi32>
      tpu.vector_store_idx %arg9[%shift_right_logical3A_955, %and3A_958], %broadcast_in_dim3A_1 masked %and3A {add = true} : memref<128x128xf32, #tpu.memory_space<vmem>>[vector<16xi32>, vector<16xi32>], vector<16xf32>, vector<16xi1>
      %mul3A_959 = arith.constant 2 : i32
      %mul3A_960 = arith.muli %while3A_933, %mul3A_959 : i32
      %add3A_961 = arith.constant 1 : i32
      %add3A_962 = arith.addi %mul3A_960, %add3A_961 : i32
      %mul3A_963 = arith.constant 16 : i32
      %mul3A_964 = arith.muli %add3A_962, %mul3A_963 : i32
      %get3A_965 = arith.index_cast %mul3A_964 : i32 to index
      %get3A_966 = tpu.vector_load %arg5[%get3A_965] {strides = array<i32>} : memref<8208xi32, #tpu.memory_space<vmem>>, vector<16xi32>,
      %sub3A_967 = arith.constant 0 : i32
      %sub3A_968 = vector.broadcast %sub3A_967 : i32 to vector<16xi32>
      %sub3A_969 = arith.subi %get3A_966, %sub3A_968 : vector<16xi32>
      %bitcast_convert_type3A_970 = tpu.bitcast %sub3A_969 : vector<16xi32> -> vector<16xi32>
      %lt3A_971 = arith.constant 16384 : i32
      %lt3A_972 = vector.broadcast %lt3A_971 : i32 to vector<16xi32>
      %lt3A_973 = arith.cmpi ult, %bitcast_convert_type3A_970, %lt3A_972 : vector<16xi32>
      %mul3A_974 = arith.constant 16 : i32
      %mul3A_975 = arith.muli %add3A_962, %mul3A_974 : i32
      %add3A_976 = vector.broadcast %mul3A_975 : i32 to vector<16xi32>
      %add3A_977 = arith.addi %add3A_976, %iota3A : vector<16xi32>
      %lt3A_978 = vector.broadcast %scan3A_21#0 : i32 to vector<16xi32>
      %lt3A_979 = arith.cmpi slt, %add3A_977, %lt3A_978 : vector<16xi32>
      %and3A_980 = arith.andi %lt3A_973, %lt3A_979 : vector<16xi1>
      %jit3A_981 = arith.constant 0 : i32
      %broadcast_in_dim3A_982 = vector.broadcast %jit3A_981 : i32 to vector<16xi32>
      %select_n3A_983 = arith.select %and3A_980, %sub3A_969, %broadcast_in_dim3A_982 : vector<16xi1>, vector<16xi32>
      %shift_right_logical3A_984 = arith.constant 7 : i32
      %shift_right_logical3A_985 = vector.broadcast %shift_right_logical3A_984 : i32 to vector<16xi32>
      %shift_right_logical3A_986 = arith.shrui %select_n3A_983, %shift_right_logical3A_985 : vector<16xi32>
      %and3A_987 = arith.constant 127 : i32
      %and3A_988 = vector.broadcast %and3A_987 : i32 to vector<16xi32>
      %and3A_989 = arith.andi %select_n3A_983, %and3A_988 : vector<16xi32>
      tpu.vector_store_idx %arg9[%shift_right_logical3A_986, %and3A_989], %broadcast_in_dim3A_1 masked %and3A_980 {add = true} : memref<128x128xf32, #tpu.memory_space<vmem>>[vector<16xi32>, vector<16xi32>], vector<16xf32>, vector<16xi1>
      %while3A_990 = arith.constant 0 : i32
      scf.yield %while3A_990 : i32
    }
    %mul3A_37 = arith.constant 2048 : i32
    %mul3A_38 = arith.muli %add3A_9, %mul3A_37 : i32
    %add3A_39 = arith.constant 0 : i32
    %add3A_40 = arith.addi %mul3A_38, %add3A_39 : i32
    %dma_start3A = arith.constant 0 : i32
    %dma_start3A_41 = tpu.memref_slice %arg3[%add3A_40, %dma_start3A] : memref<131072x128xf32, #tpu.memory_space<hbm>> -> memref<128x128xf32, #tpu.memory_space<hbm>>
    %dma_start3A_42 = arith.constant 0 : i32
    %dma_start3A_43 = tpu.memref_slice %arg3[%add3A_40, %dma_start3A_42] : memref<131072x128xf32, #tpu.memory_space<hbm>> -> memref<128x128xf32, #tpu.memory_space<hbm>>
    tpu.enqueue_dma source(%arg9 : memref<128x128xf32, #tpu.memory_space<vmem>>) target(%dma_start3A_43 : memref<128x128xf32, #tpu.memory_space<hbm>>) target_semaphore(%arg16 : memref<!tpu.dma_semaphore, #tpu.memory_space<semaphore_mem>>)
    tpu.wait_dma2 semaphore(%arg14 : memref<!tpu.dma_semaphore, #tpu.memory_space<semaphore_mem>>) src(%arg12 : memref<128x128xf32, #tpu.memory_space<vmem_shared>>) dst(%arg10 : memref<128x128xf32, #tpu.memory_space<vmem>>)
    %add3A_44 = arith.constant 31 : i32
    %add3A_45 = arith.addi %scan3A_21#0, %add3A_44 : i32
    %shift_right_logical3A_46 = arith.constant 5 : i32
    %shift_right_logical3A_47 = arith.shrui %add3A_45, %shift_right_logical3A_46 : i32
    %while3A_48 = arith.constant 0 : i32
    %while3A_49 = arith.constant 0 : i32
    %while3A_50 = arith.subi %shift_right_logical3A_47, %while3A_48 : i32
    %while3A_51 = arith.addi %while3A_48, %while3A_50 : i32
    %while3A_52 = arith.constant 1 : i32
    %while3A_53 = arith.divsi %while3A_50, %while3A_52 : i32
    %while3A_54 = arith.muli %while3A_53, %while3A_52 : i32
    %while3A_55 = arith.addi %while3A_48, %while3A_54 : i32
    %while3A_56 = arith.constant 1 : i32
    %while3A_57 = scf.for %while3A_933 = %while3A_48 to %while3A_55 step %while3A_56 iter_args(%while3A_934 = %while3A_49) -> (i32)  : i32 {
      %mul3A_935 = arith.constant 2 : i32
      %mul3A_936 = arith.muli %while3A_933, %mul3A_935 : i32
      %add3A_937 = arith.constant 0 : i32
      %add3A_938 = arith.addi %mul3A_936, %add3A_937 : i32
      %mul3A_939 = arith.constant 16 : i32
      %mul3A_940 = arith.muli %add3A_938, %mul3A_939 : i32
      %get3A = arith.index_cast %mul3A_940 : i32 to index
      %get3A_941 = tpu.vector_load %arg5[%get3A] {strides = array<i32>} : memref<8208xi32, #tpu.memory_space<vmem>>, vector<16xi32>,
      %sub3A = arith.constant 16384 : i32
      %sub3A_942 = vector.broadcast %sub3A : i32 to vector<16xi32>
      %sub3A_943 = arith.subi %get3A_941, %sub3A_942 : vector<16xi32>
      %bitcast_convert_type3A = tpu.bitcast %sub3A_943 : vector<16xi32> -> vector<16xi32>
      %lt3A = arith.constant 16384 : i32
      %lt3A_944 = vector.broadcast %lt3A : i32 to vector<16xi32>
      %lt3A_945 = arith.cmpi ult, %bitcast_convert_type3A, %lt3A_944 : vector<16xi32>
      %mul3A_946 = arith.constant 16 : i32
      %mul3A_947 = arith.muli %add3A_938, %mul3A_946 : i32
      %add3A_948 = vector.broadcast %mul3A_947 : i32 to vector<16xi32>
      %add3A_949 = arith.addi %add3A_948, %iota3A : vector<16xi32>
      %lt3A_950 = vector.broadcast %scan3A_21#0 : i32 to vector<16xi32>
      %lt3A_951 = arith.cmpi slt, %add3A_949, %lt3A_950 : vector<16xi32>
      %and3A = arith.andi %lt3A_945, %lt3A_951 : vector<16xi1>
      %jit3A = arith.constant 0 : i32
      %broadcast_in_dim3A_952 = vector.broadcast %jit3A : i32 to vector<16xi32>
      %select_n3A = arith.select %and3A, %sub3A_943, %broadcast_in_dim3A_952 : vector<16xi1>, vector<16xi32>
      %shift_right_logical3A_953 = arith.constant 7 : i32
      %shift_right_logical3A_954 = vector.broadcast %shift_right_logical3A_953 : i32 to vector<16xi32>
      %shift_right_logical3A_955 = arith.shrui %select_n3A, %shift_right_logical3A_954 : vector<16xi32>
      %and3A_956 = arith.constant 127 : i32
      %and3A_957 = vector.broadcast %and3A_956 : i32 to vector<16xi32>
      %and3A_958 = arith.andi %select_n3A, %and3A_957 : vector<16xi32>
      tpu.vector_store_idx %arg10[%shift_right_logical3A_955, %and3A_958], %broadcast_in_dim3A_1 masked %and3A {add = true} : memref<128x128xf32, #tpu.memory_space<vmem>>[vector<16xi32>, vector<16xi32>], vector<16xf32>, vector<16xi1>
      %mul3A_959 = arith.constant 2 : i32
      %mul3A_960 = arith.muli %while3A_933, %mul3A_959 : i32
      %add3A_961 = arith.constant 1 : i32
      %add3A_962 = arith.addi %mul3A_960, %add3A_961 : i32
      %mul3A_963 = arith.constant 16 : i32
      %mul3A_964 = arith.muli %add3A_962, %mul3A_963 : i32
      %get3A_965 = arith.index_cast %mul3A_964 : i32 to index
      %get3A_966 = tpu.vector_load %arg5[%get3A_965] {strides = array<i32>} : memref<8208xi32, #tpu.memory_space<vmem>>, vector<16xi32>,
      %sub3A_967 = arith.constant 16384 : i32
      %sub3A_968 = vector.broadcast %sub3A_967 : i32 to vector<16xi32>
      %sub3A_969 = arith.subi %get3A_966, %sub3A_968 : vector<16xi32>
      %bitcast_convert_type3A_970 = tpu.bitcast %sub3A_969 : vector<16xi32> -> vector<16xi32>
      %lt3A_971 = arith.constant 16384 : i32
      %lt3A_972 = vector.broadcast %lt3A_971 : i32 to vector<16xi32>
      %lt3A_973 = arith.cmpi ult, %bitcast_convert_type3A_970, %lt3A_972 : vector<16xi32>
      %mul3A_974 = arith.constant 16 : i32
      %mul3A_975 = arith.muli %add3A_962, %mul3A_974 : i32
      %add3A_976 = vector.broadcast %mul3A_975 : i32 to vector<16xi32>
      %add3A_977 = arith.addi %add3A_976, %iota3A : vector<16xi32>
      %lt3A_978 = vector.broadcast %scan3A_21#0 : i32 to vector<16xi32>
      %lt3A_979 = arith.cmpi slt, %add3A_977, %lt3A_978 : vector<16xi32>
      %and3A_980 = arith.andi %lt3A_973, %lt3A_979 : vector<16xi1>
      %jit3A_981 = arith.constant 0 : i32
      %broadcast_in_dim3A_982 = vector.broadcast %jit3A_981 : i32 to vector<16xi32>
      %select_n3A_983 = arith.select %and3A_980, %sub3A_969, %broadcast_in_dim3A_982 : vector<16xi1>, vector<16xi32>
      %shift_right_logical3A_984 = arith.constant 7 : i32
      %shift_right_logical3A_985 = vector.broadcast %shift_right_logical3A_984 : i32 to vector<16xi32>
      %shift_right_logical3A_986 = arith.shrui %select_n3A_983, %shift_right_logical3A_985 : vector<16xi32>
      %and3A_987 = arith.constant 127 : i32
      %and3A_988 = vector.broadcast %and3A_987 : i32 to vector<16xi32>
      %and3A_989 = arith.andi %select_n3A_983, %and3A_988 : vector<16xi32>
      tpu.vector_store_idx %arg10[%shift_right_logical3A_986, %and3A_989], %broadcast_in_dim3A_1 masked %and3A_980 {add = true} : memref<128x128xf32, #tpu.memory_space<vmem>>[vector<16xi32>, vector<16xi32>], vector<16xf32>, vector<16xi1>
      %while3A_990 = arith.constant 0 : i32
      scf.yield %while3A_990 : i32
    }
    %while3A_58 = arith.constant 1 : i32
    %while3A_59 = scf.for %while3A_933 = %while3A_55 to %while3A_51 step %while3A_58 iter_args(%while3A_934 = %while3A_57) -> (i32)  : i32 {
      %mul3A_935 = arith.constant 2 : i32
      %mul3A_936 = arith.muli %while3A_933, %mul3A_935 : i32
      %add3A_937 = arith.constant 0 : i32
      %add3A_938 = arith.addi %mul3A_936, %add3A_937 : i32
      %mul3A_939 = arith.constant 16 : i32
      %mul3A_940 = arith.muli %add3A_938, %mul3A_939 : i32
      %get3A = arith.index_cast %mul3A_940 : i32 to index
      %get3A_941 = tpu.vector_load %arg5[%get3A] {strides = array<i32>} : memref<8208xi32, #tpu.memory_space<vmem>>, vector<16xi32>,
      %sub3A = arith.constant 16384 : i32
      %sub3A_942 = vector.broadcast %sub3A : i32 to vector<16xi32>
      %sub3A_943 = arith.subi %get3A_941, %sub3A_942 : vector<16xi32>
      %bitcast_convert_type3A = tpu.bitcast %sub3A_943 : vector<16xi32> -> vector<16xi32>
      %lt3A = arith.constant 16384 : i32
      %lt3A_944 = vector.broadcast %lt3A : i32 to vector<16xi32>
      %lt3A_945 = arith.cmpi ult, %bitcast_convert_type3A, %lt3A_944 : vector<16xi32>
      %mul3A_946 = arith.constant 16 : i32
      %mul3A_947 = arith.muli %add3A_938, %mul3A_946 : i32
      %add3A_948 = vector.broadcast %mul3A_947 : i32 to vector<16xi32>
      %add3A_949 = arith.addi %add3A_948, %iota3A : vector<16xi32>
      %lt3A_950 = vector.broadcast %scan3A_21#0 : i32 to vector<16xi32>
      %lt3A_951 = arith.cmpi slt, %add3A_949, %lt3A_950 : vector<16xi32>
      %and3A = arith.andi %lt3A_945, %lt3A_951 : vector<16xi1>
      %jit3A = arith.constant 0 : i32
      %broadcast_in_dim3A_952 = vector.broadcast %jit3A : i32 to vector<16xi32>
      %select_n3A = arith.select %and3A, %sub3A_943, %broadcast_in_dim3A_952 : vector<16xi1>, vector<16xi32>
      %shift_right_logical3A_953 = arith.constant 7 : i32
      %shift_right_logical3A_954 = vector.broadcast %shift_right_logical3A_953 : i32 to vector<16xi32>
      %shift_right_logical3A_955 = arith.shrui %select_n3A, %shift_right_logical3A_954 : vector<16xi32>
      %and3A_956 = arith.constant 127 : i32
      %and3A_957 = vector.broadcast %and3A_956 : i32 to vector<16xi32>
      %and3A_958 = arith.andi %select_n3A, %and3A_957 : vector<16xi32>
      tpu.vector_store_idx %arg10[%shift_right_logical3A_955, %and3A_958], %broadcast_in_dim3A_1 masked %and3A {add = true} : memref<128x128xf32, #tpu.memory_space<vmem>>[vector<16xi32>, vector<16xi32>], vector<16xf32>, vector<16xi1>
      %mul3A_959 = arith.constant 2 : i32
      %mul3A_960 = arith.muli %while3A_933, %mul3A_959 : i32
      %add3A_961 = arith.constant 1 : i32
      %add3A_962 = arith.addi %mul3A_960, %add3A_961 : i32
      %mul3A_963 = arith.constant 16 : i32
      %mul3A_964 = arith.muli %add3A_962, %mul3A_963 : i32
      %get3A_965 = arith.index_cast %mul3A_964 : i32 to index
      %get3A_966 = tpu.vector_load %arg5[%get3A_965] {strides = array<i32>} : memref<8208xi32, #tpu.memory_space<vmem>>, vector<16xi32>,
      %sub3A_967 = arith.constant 16384 : i32
      %sub3A_968 = vector.broadcast %sub3A_967 : i32 to vector<16xi32>
      %sub3A_969 = arith.subi %get3A_966, %sub3A_968 : vector<16xi32>
      %bitcast_convert_type3A_970 = tpu.bitcast %sub3A_969 : vector<16xi32> -> vector<16xi32>
      %lt3A_971 = arith.constant 16384 : i32
      %lt3A_972 = vector.broadcast %lt3A_971 : i32 to vector<16xi32>
      %lt3A_973 = arith.cmpi ult, %bitcast_convert_type3A_970, %lt3A_972 : vector<16xi32>
      %mul3A_974 = arith.constant 16 : i32
      %mul3A_975 = arith.muli %add3A_962, %mul3A_974 : i32
      %add3A_976 = vector.broadcast %mul3A_975 : i32 to vector<16xi32>
      %add3A_977 = arith.addi %add3A_976, %iota3A : vector<16xi32>
      %lt3A_978 = vector.broadcast %scan3A_21#0 : i32 to vector<16xi32>
      %lt3A_979 = arith.cmpi slt, %add3A_977, %lt3A_978 : vector<16xi32>
      %and3A_980 = arith.andi %lt3A_973, %lt3A_979 : vector<16xi1>
      %jit3A_981 = arith.constant 0 : i32
      %broadcast_in_dim3A_982 = vector.broadcast %jit3A_981 : i32 to vector<16xi32>
      %select_n3A_983 = arith.select %and3A_980, %sub3A_969, %broadcast_in_dim3A_982 : vector<16xi1>, vector<16xi32>
      %shift_right_logical3A_984 = arith.constant 7 : i32
      %shift_right_logical3A_985 = vector.broadcast %shift_right_logical3A_984 : i32 to vector<16xi32>
      %shift_right_logical3A_986 = arith.shrui %select_n3A_983, %shift_right_logical3A_985 : vector<16xi32>
      %and3A_987 = arith.constant 127 : i32
      %and3A_988 = vector.broadcast %and3A_987 : i32 to vector<16xi32>
      %and3A_989 = arith.andi %select_n3A_983, %and3A_988 : vector<16xi32>
      tpu.vector_store_idx %arg10[%shift_right_logical3A_986, %and3A_989], %broadcast_in_dim3A_1 masked %and3A_980 {add = true} : memref<128x128xf32, #tpu.memory_space<vmem>>[vector<16xi32>, vector<16xi32>], vector<16xf32>, vector<16xi1>
      %while3A_990 = arith.constant 0 : i32
      scf.yield %while3A_990 : i32
    }
    %mul3A_60 = arith.constant 2048 : i32
    %mul3A_61 = arith.muli %add3A_9, %mul3A_60 : i32
    %add3A_62 = arith.constant 128 : i32
    %add3A_63 = arith.addi %mul3A_61, %add3A_62 : i32
    %dma_start3A_64 = arith.constant 0 : i32
    %dma_start3A_65 = tpu.memref_slice %arg3[%add3A_63, %dma_start3A_64] : memref<131072x128xf32, #tpu.memory_space<hbm>> -> memref<128x128xf32, #tpu.memory_space<hbm>>
    %dma_start3A_66 = arith.constant 0 : i32
    %dma_start3A_67 = tpu.memref_slice %arg3[%add3A_63, %dma_start3A_66] : memref<131072x128xf32, #tpu.memory_space<hbm>> -> memref<128x128xf32, #tpu.memory_space<hbm>>
    tpu.enqueue_dma source(%arg10 : memref<128x128xf32, #tpu.memory_space<vmem>>) target(%dma_start3A_67 : memref<128x128xf32, #tpu.memory_space<hbm>>) target_semaphore(%arg17 : memref<!tpu.dma_semaphore, #tpu.memory_space<semaphore_mem>>)
    %dma_wait3A = arith.constant 0 : i32
    %dma_wait3A_68 = tpu.memref_slice %arg3[%add3A_40, %dma_wait3A] : memref<131072x128xf32, #tpu.memory_space<hbm>> -> memref<128x128xf32, #tpu.memory_space<hbm>>
    %dma_wait3A_69 = arith.constant 0 : i32
    %dma_wait3A_70 = tpu.memref_slice %arg3[%add3A_40, %dma_wait3A_69] : memref<131072x128xf32, #tpu.memory_space<hbm>> -> memref<128x128xf32, #tpu.memory_space<hbm>>
    tpu.wait_dma2 semaphore(%arg16 : memref<!tpu.dma_semaphore, #tpu.memory_space<semaphore_mem>>) src(%arg9 : memref<128x128xf32, #tpu.memory_space<vmem>>) dst(%dma_wait3A_70 : memref<128x128xf32, #tpu.memory_space<hbm>>)
    tpu.enqueue_dma source(%arg12 : memref<128x128xf32, #tpu.memory_space<vmem_shared>>) target(%arg9 : memref<128x128xf32, #tpu.memory_space<vmem>>) target_semaphore(%arg13 : memref<!tpu.dma_semaphore, #tpu.memory_space<semaphore_mem>>)
    tpu.wait_dma2 semaphore(%arg15 : memref<!tpu.dma_semaphore, #tpu.memory_space<semaphore_mem>>) src(%arg12 : memref<128x128xf32, #tpu.memory_space<vmem_shared>>) dst(%arg11 : memref<128x128xf32, #tpu.memory_space<vmem>>)
    %add3A_71 = arith.constant 31 : i32
    %add3A_72 = arith.addi %scan3A_21#0, %add3A_71 : i32
    %shift_right_logical3A_73 = arith.constant 5 : i32
    %shift_right_logical3A_74 = arith.shrui %add3A_72, %shift_right_logical3A_73 : i32
    %while3A_75 = arith.constant 0 : i32
    %while3A_76 = arith.constant 0 : i32
    %while3A_77 = arith.subi %shift_right_logical3A_74, %while3A_75 : i32
    %while3A_78 = arith.addi %while3A_75, %while3A_77 : i32
    %while3A_79 = arith.constant 1 : i32
    %while3A_80 = arith.divsi %while3A_77, %while3A_79 : i32
    %while3A_81 = arith.muli %while3A_80, %while3A_79 : i32
    %while3A_82 = arith.addi %while3A_75, %while3A_81 : i32
    %while3A_83 = arith.constant 1 : i32
    %while3A_84 = scf.for %while3A_933 = %while3A_75 to %while3A_82 step %while3A_83 iter_args(%while3A_934 = %while3A_76) -> (i32)  : i32 {
      %mul3A_935 = arith.constant 2 : i32
      %mul3A_936 = arith.muli %while3A_933, %mul3A_935 : i32
      %add3A_937 = arith.constant 0 : i32
      %add3A_938 = arith.addi %mul3A_936, %add3A_937 : i32
      %mul3A_939 = arith.constant 16 : i32
      %mul3A_940 = arith.muli %add3A_938, %mul3A_939 : i32
      %get3A = arith.index_cast %mul3A_940 : i32 to index
      %get3A_941 = tpu.vector_load %arg5[%get3A] {strides = array<i32>} : memref<8208xi32, #tpu.memory_space<vmem>>, vector<16xi32>,
      %sub3A = arith.constant 32768 : i32
      %sub3A_942 = vector.broadcast %sub3A : i32 to vector<16xi32>
      %sub3A_943 = arith.subi %get3A_941, %sub3A_942 : vector<16xi32>
      %bitcast_convert_type3A = tpu.bitcast %sub3A_943 : vector<16xi32> -> vector<16xi32>
      %lt3A = arith.constant 16384 : i32
      %lt3A_944 = vector.broadcast %lt3A : i32 to vector<16xi32>
      %lt3A_945 = arith.cmpi ult, %bitcast_convert_type3A, %lt3A_944 : vector<16xi32>
      %mul3A_946 = arith.constant 16 : i32
      %mul3A_947 = arith.muli %add3A_938, %mul3A_946 : i32
      %add3A_948 = vector.broadcast %mul3A_947 : i32 to vector<16xi32>
      %add3A_949 = arith.addi %add3A_948, %iota3A : vector<16xi32>
      %lt3A_950 = vector.broadcast %scan3A_21#0 : i32 to vector<16xi32>
      %lt3A_951 = arith.cmpi slt, %add3A_949, %lt3A_950 : vector<16xi32>
      %and3A = arith.andi %lt3A_945, %lt3A_951 : vector<16xi1>
      %jit3A = arith.constant 0 : i32
      %broadcast_in_dim3A_952 = vector.broadcast %jit3A : i32 to vector<16xi32>
      %select_n3A = arith.select %and3A, %sub3A_943, %broadcast_in_dim3A_952 : vector<16xi1>, vector<16xi32>
      %shift_right_logical3A_953 = arith.constant 7 : i32
      %shift_right_logical3A_954 = vector.broadcast %shift_right_logical3A_953 : i32 to vector<16xi32>
      %shift_right_logical3A_955 = arith.shrui %select_n3A, %shift_right_logical3A_954 : vector<16xi32>
      %and3A_956 = arith.constant 127 : i32
      %and3A_957 = vector.broadcast %and3A_956 : i32 to vector<16xi32>
      %and3A_958 = arith.andi %select_n3A, %and3A_957 : vector<16xi32>
      tpu.vector_store_idx %arg11[%shift_right_logical3A_955, %and3A_958], %broadcast_in_dim3A_1 masked %and3A {add = true} : memref<128x128xf32, #tpu.memory_space<vmem>>[vector<16xi32>, vector<16xi32>], vector<16xf32>, vector<16xi1>
      %mul3A_959 = arith.constant 2 : i32
      %mul3A_960 = arith.muli %while3A_933, %mul3A_959 : i32
      %add3A_961 = arith.constant 1 : i32
      %add3A_962 = arith.addi %mul3A_960, %add3A_961 : i32
      %mul3A_963 = arith.constant 16 : i32
      %mul3A_964 = arith.muli %add3A_962, %mul3A_963 : i32
      %get3A_965 = arith.index_cast %mul3A_964 : i32 to index
      %get3A_966 = tpu.vector_load %arg5[%get3A_965] {strides = array<i32>} : memref<8208xi32, #tpu.memory_space<vmem>>, vector<16xi32>,
      %sub3A_967 = arith.constant 32768 : i32
      %sub3A_968 = vector.broadcast %sub3A_967 : i32 to vector<16xi32>
      %sub3A_969 = arith.subi %get3A_966, %sub3A_968 : vector<16xi32>
      %bitcast_convert_type3A_970 = tpu.bitcast %sub3A_969 : vector<16xi32> -> vector<16xi32>
      %lt3A_971 = arith.constant 16384 : i32
      %lt3A_972 = vector.broadcast %lt3A_971 : i32 to vector<16xi32>
      %lt3A_973 = arith.cmpi ult, %bitcast_convert_type3A_970, %lt3A_972 : vector<16xi32>
      %mul3A_974 = arith.constant 16 : i32
      %mul3A_975 = arith.muli %add3A_962, %mul3A_974 : i32
      %add3A_976 = vector.broadcast %mul3A_975 : i32 to vector<16xi32>
      %add3A_977 = arith.addi %add3A_976, %iota3A : vector<16xi32>
      %lt3A_978 = vector.broadcast %scan3A_21#0 : i32 to vector<16xi32>
      %lt3A_979 = arith.cmpi slt, %add3A_977, %lt3A_978 : vector<16xi32>
      %and3A_980 = arith.andi %lt3A_973, %lt3A_979 : vector<16xi1>
      %jit3A_981 = arith.constant 0 : i32
      %broadcast_in_dim3A_982 = vector.broadcast %jit3A_981 : i32 to vector<16xi32>
      %select_n3A_983 = arith.select %and3A_980, %sub3A_969, %broadcast_in_dim3A_982 : vector<16xi1>, vector<16xi32>
      %shift_right_logical3A_984 = arith.constant 7 : i32
      %shift_right_logical3A_985 = vector.broadcast %shift_right_logical3A_984 : i32 to vector<16xi32>
      %shift_right_logical3A_986 = arith.shrui %select_n3A_983, %shift_right_logical3A_985 : vector<16xi32>
      %and3A_987 = arith.constant 127 : i32
      %and3A_988 = vector.broadcast %and3A_987 : i32 to vector<16xi32>
      %and3A_989 = arith.andi %select_n3A_983, %and3A_988 : vector<16xi32>
      tpu.vector_store_idx %arg11[%shift_right_logical3A_986, %and3A_989], %broadcast_in_dim3A_1 masked %and3A_980 {add = true} : memref<128x128xf32, #tpu.memory_space<vmem>>[vector<16xi32>, vector<16xi32>], vector<16xf32>, vector<16xi1>
      %while3A_990 = arith.constant 0 : i32
      scf.yield %while3A_990 : i32
    }
    %while3A_85 = arith.constant 1 : i32
    %while3A_86 = scf.for %while3A_933 = %while3A_82 to %while3A_78 step %while3A_85 iter_args(%while3A_934 = %while3A_84) -> (i32)  : i32 {
      %mul3A_935 = arith.constant 2 : i32
      %mul3A_936 = arith.muli %while3A_933, %mul3A_935 : i32
      %add3A_937 = arith.constant 0 : i32
      %add3A_938 = arith.addi %mul3A_936, %add3A_937 : i32
      %mul3A_939 = arith.constant 16 : i32
      %mul3A_940 = arith.muli %add3A_938, %mul3A_939 : i32
      %get3A = arith.index_cast %mul3A_940 : i32 to index
      %get3A_941 = tpu.vector_load %arg5[%get3A] {strides = array<i32>} : memref<8208xi32, #tpu.memory_space<vmem>>, vector<16xi32>,
      %sub3A = arith.constant 32768 : i32
      %sub3A_942 = vector.broadcast %sub3A : i32 to vector<16xi32>
      %sub3A_943 = arith.subi %get3A_941, %sub3A_942 : vector<16xi32>
      %bitcast_convert_type3A = tpu.bitcast %sub3A_943 : vector<16xi32> -> vector<16xi32>
      %lt3A = arith.constant 16384 : i32
      %lt3A_944 = vector.broadcast %lt3A : i32 to vector<16xi32>
      %lt3A_945 = arith.cmpi ult, %bitcast_convert_type3A, %lt3A_944 : vector<16xi32>
      %mul3A_946 = arith.constant 16 : i32
      %mul3A_947 = arith.muli %add3A_938, %mul3A_946 : i32
      %add3A_948 = vector.broadcast %mul3A_947 : i32 to vector<16xi32>
      %add3A_949 = arith.addi %add3A_948, %iota3A : vector<16xi32>
      %lt3A_950 = vector.broadcast %scan3A_21#0 : i32 to vector<16xi32>
      %lt3A_951 = arith.cmpi slt, %add3A_949, %lt3A_950 : vector<16xi32>
      %and3A = arith.andi %lt3A_945, %lt3A_951 : vector<16xi1>
      %jit3A = arith.constant 0 : i32
      %broadcast_in_dim3A_952 = vector.broadcast %jit3A : i32 to vector<16xi32>
      %select_n3A = arith.select %and3A, %sub3A_943, %broadcast_in_dim3A_952 : vector<16xi1>, vector<16xi32>
      %shift_right_logical3A_953 = arith.constant 7 : i32
      %shift_right_logical3A_954 = vector.broadcast %shift_right_logical3A_953 : i32 to vector<16xi32>
      %shift_right_logical3A_955 = arith.shrui %select_n3A, %shift_right_logical3A_954 : vector<16xi32>
      %and3A_956 = arith.constant 127 : i32
      %and3A_957 = vector.broadcast %and3A_956 : i32 to vector<16xi32>
      %and3A_958 = arith.andi %select_n3A, %and3A_957 : vector<16xi32>
      tpu.vector_store_idx %arg11[%shift_right_logical3A_955, %and3A_958], %broadcast_in_dim3A_1 masked %and3A {add = true} : memref<128x128xf32, #tpu.memory_space<vmem>>[vector<16xi32>, vector<16xi32>], vector<16xf32>, vector<16xi1>
      %mul3A_959 = arith.constant 2 : i32
      %mul3A_960 = arith.muli %while3A_933, %mul3A_959 : i32
      %add3A_961 = arith.constant 1 : i32
      %add3A_962 = arith.addi %mul3A_960, %add3A_961 : i32
      %mul3A_963 = arith.constant 16 : i32
      %mul3A_964 = arith.muli %add3A_962, %mul3A_963 : i32
      %get3A_965 = arith.index_cast %mul3A_964 : i32 to index
      %get3A_966 = tpu.vector_load %arg5[%get3A_965] {strides = array<i32>} : memref<8208xi32, #tpu.memory_space<vmem>>, vector<16xi32>,
      %sub3A_967 = arith.constant 32768 : i32
      %sub3A_968 = vector.broadcast %sub3A_967 : i32 to vector<16xi32>
      %sub3A_969 = arith.subi %get3A_966, %sub3A_968 : vector<16xi32>
      %bitcast_convert_type3A_970 = tpu.bitcast %sub3A_969 : vector<16xi32> -> vector<16xi32>
      %lt3A_971 = arith.constant 16384 : i32
      %lt3A_972 = vector.broadcast %lt3A_971 : i32 to vector<16xi32>
      %lt3A_973 = arith.cmpi ult, %bitcast_convert_type3A_970, %lt3A_972 : vector<16xi32>
      %mul3A_974 = arith.constant 16 : i32
      %mul3A_975 = arith.muli %add3A_962, %mul3A_974 : i32
      %add3A_976 = vector.broadcast %mul3A_975 : i32 to vector<16xi32>
      %add3A_977 = arith.addi %add3A_976, %iota3A : vector<16xi32>
      %lt3A_978 = vector.broadcast %scan3A_21#0 : i32 to vector<16xi32>
      %lt3A_979 = arith.cmpi slt, %add3A_977, %lt3A_978 : vector<16xi32>
      %and3A_980 = arith.andi %lt3A_973, %lt3A_979 : vector<16xi1>
      %jit3A_981 = arith.constant 0 : i32
      %broadcast_in_dim3A_982 = vector.broadcast %jit3A_981 : i32 to vector<16xi32>
      %select_n3A_983 = arith.select %and3A_980, %sub3A_969, %broadcast_in_dim3A_982 : vector<16xi1>, vector<16xi32>
      %shift_right_logical3A_984 = arith.constant 7 : i32
      %shift_right_logical3A_985 = vector.broadcast %shift_right_logical3A_984 : i32 to vector<16xi32>
      %shift_right_logical3A_986 = arith.shrui %select_n3A_983, %shift_right_logical3A_985 : vector<16xi32>
      %and3A_987 = arith.constant 127 : i32
      %and3A_988 = vector.broadcast %and3A_987 : i32 to vector<16xi32>
      %and3A_989 = arith.andi %select_n3A_983, %and3A_988 : vector<16xi32>
      tpu.vector_store_idx %arg11[%shift_right_logical3A_986, %and3A_989], %broadcast_in_dim3A_1 masked %and3A_980 {add = true} : memref<128x128xf32, #tpu.memory_space<vmem>>[vector<16xi32>, vector<16xi32>], vector<16xf32>, vector<16xi1>
      %while3A_990 = arith.constant 0 : i32
      scf.yield %while3A_990 : i32
    }
    %mul3A_87 = arith.constant 2048 : i32
    %mul3A_88 = arith.muli %add3A_9, %mul3A_87 : i32
    %add3A_89 = arith.constant 256 : i32
    %add3A_90 = arith.addi %mul3A_88, %add3A_89 : i32
    %dma_start3A_91 = arith.constant 0 : i32
    %dma_start3A_92 = tpu.memref_slice %arg3[%add3A_90, %dma_start3A_91] : memref<131072x128xf32, #tpu.memory_space<hbm>> -> memref<128x128xf32, #tpu.memory_space<hbm>>
    %dma_start3A_93 = arith.constant 0 : i32
    %dma_start3A_94 = tpu.memref_slice %arg3[%add3A_90, %dma_start3A_93] : memref<131072x128xf32, #tpu.memory_space<hbm>> -> memref<128x128xf32, #tpu.memory_space<hbm>>
    tpu.enqueue_dma source(%arg11 : memref<128x128xf32, #tpu.memory_space<vmem>>) target(%dma_start3A_94 : memref<128x128xf32, #tpu.memory_space<hbm>>) target_semaphore(%arg18 : memref<!tpu.dma_semaphore, #tpu.memory_space<semaphore_mem>>)
    %dma_wait3A_95 = arith.constant 0 : i32
    %dma_wait3A_96 = tpu.memref_slice %arg3[%add3A_63, %dma_wait3A_95] : memref<131072x128xf32, #tpu.memory_space<hbm>> -> memref<128x128xf32, #tpu.memory_space<hbm>>
    %dma_wait3A_97 = arith.constant 0 : i32
    %dma_wait3A_98 = tpu.memref_slice %arg3[%add3A_63, %dma_wait3A_97] : memref<131072x128xf32, #tpu.memory_space<hbm>> -> memref<128x128xf32, #tpu.memory_space<hbm>>
    tpu.wait_dma2 semaphore(%arg17 : memref<!tpu.dma_semaphore, #tpu.memory_space<semaphore_mem>>) src(%arg10 : memref<128x128xf32, #tpu.memory_space<vmem>>) dst(%dma_wait3A_98 : memref<128x128xf32, #tpu.memory_space<hbm>>)
    tpu.enqueue_dma source(%arg12 : memref<128x128xf32, #tpu.memory_space<vmem_shared>>) target(%arg10 : memref<128x128xf32, #tpu.memory_space<vmem>>) target_semaphore(%arg14 : memref<!tpu.dma_semaphore, #tpu.memory_space<semaphore_mem>>)
    tpu.wait_dma2 semaphore(%arg13 : memref<!tpu.dma_semaphore, #tpu.memory_space<semaphore_mem>>) src(%arg12 : memref<128x128xf32, #tpu.memory_space<vmem_shared>>) dst(%arg9 : memref<128x128xf32, #tpu.memory_space<vmem>>)
    %add3A_99 = arith.constant 31 : i32
    %add3A_100 = arith.addi %scan3A_21#0, %add3A_99 : i32
    %shift_right_logical3A_101 = arith.constant 5 : i32
    %shift_right_logical3A_102 = arith.shrui %add3A_100, %shift_right_logical3A_101 : i32
    %while3A_103 = arith.constant 0 : i32
    %while3A_104 = arith.constant 0 : i32
    %while3A_105 = arith.subi %shift_right_logical3A_102, %while3A_103 : i32
    %while3A_106 = arith.addi %while3A_103, %while3A_105 : i32
    %while3A_107 = arith.constant 1 : i32
    %while3A_108 = arith.divsi %while3A_105, %while3A_107 : i32
    %while3A_109 = arith.muli %while3A_108, %while3A_107 : i32
    %while3A_110 = arith.addi %while3A_103, %while3A_109 : i32
    %while3A_111 = arith.constant 1 : i32
    %while3A_112 = scf.for %while3A_933 = %while3A_103 to %while3A_110 step %while3A_111 iter_args(%while3A_934 = %while3A_104) -> (i32)  : i32 {
      %mul3A_935 = arith.constant 2 : i32
      %mul3A_936 = arith.muli %while3A_933, %mul3A_935 : i32
      %add3A_937 = arith.constant 0 : i32
      %add3A_938 = arith.addi %mul3A_936, %add3A_937 : i32
      %mul3A_939 = arith.constant 16 : i32
      %mul3A_940 = arith.muli %add3A_938, %mul3A_939 : i32
      %get3A = arith.index_cast %mul3A_940 : i32 to index
      %get3A_941 = tpu.vector_load %arg5[%get3A] {strides = array<i32>} : memref<8208xi32, #tpu.memory_space<vmem>>, vector<16xi32>,
      %sub3A = arith.constant 49152 : i32
      %sub3A_942 = vector.broadcast %sub3A : i32 to vector<16xi32>
      %sub3A_943 = arith.subi %get3A_941, %sub3A_942 : vector<16xi32>
      %bitcast_convert_type3A = tpu.bitcast %sub3A_943 : vector<16xi32> -> vector<16xi32>
      %lt3A = arith.constant 16384 : i32
      %lt3A_944 = vector.broadcast %lt3A : i32 to vector<16xi32>
      %lt3A_945 = arith.cmpi ult, %bitcast_convert_type3A, %lt3A_944 : vector<16xi32>
      %mul3A_946 = arith.constant 16 : i32
      %mul3A_947 = arith.muli %add3A_938, %mul3A_946 : i32
      %add3A_948 = vector.broadcast %mul3A_947 : i32 to vector<16xi32>
      %add3A_949 = arith.addi %add3A_948, %iota3A : vector<16xi32>
      %lt3A_950 = vector.broadcast %scan3A_21#0 : i32 to vector<16xi32>
      %lt3A_951 = arith.cmpi slt, %add3A_949, %lt3A_950 : vector<16xi32>
      %and3A = arith.andi %lt3A_945, %lt3A_951 : vector<16xi1>
      %jit3A = arith.constant 0 : i32
      %broadcast_in_dim3A_952 = vector.broadcast %jit3A : i32 to vector<16xi32>
      %select_n3A = arith.select %and3A, %sub3A_943, %broadcast_in_dim3A_952 : vector<16xi1>, vector<16xi32>
      %shift_right_logical3A_953 = arith.constant 7 : i32
      %shift_right_logical3A_954 = vector.broadcast %shift_right_logical3A_953 : i32 to vector<16xi32>
      %shift_right_logical3A_955 = arith.shrui %select_n3A, %shift_right_logical3A_954 : vector<16xi32>
      %and3A_956 = arith.constant 127 : i32
      %and3A_957 = vector.broadcast %and3A_956 : i32 to vector<16xi32>
      %and3A_958 = arith.andi %select_n3A, %and3A_957 : vector<16xi32>
      tpu.vector_store_idx %arg9[%shift_right_logical3A_955, %and3A_958], %broadcast_in_dim3A_1 masked %and3A {add = true} : memref<128x128xf32, #tpu.memory_space<vmem>>[vector<16xi32>, vector<16xi32>], vector<16xf32>, vector<16xi1>
      %mul3A_959 = arith.constant 2 : i32
      %mul3A_960 = arith.muli %while3A_933, %mul3A_959 : i32
      %add3A_961 = arith.constant 1 : i32
      %add3A_962 = arith.addi %mul3A_960, %add3A_961 : i32
      %mul3A_963 = arith.constant 16 : i32
      %mul3A_964 = arith.muli %add3A_962, %mul3A_963 : i32
      %get3A_965 = arith.index_cast %mul3A_964 : i32 to index
      %get3A_966 = tpu.vector_load %arg5[%get3A_965] {strides = array<i32>} : memref<8208xi32, #tpu.memory_space<vmem>>, vector<16xi32>,
      %sub3A_967 = arith.constant 49152 : i32
      %sub3A_968 = vector.broadcast %sub3A_967 : i32 to vector<16xi32>
      %sub3A_969 = arith.subi %get3A_966, %sub3A_968 : vector<16xi32>
      %bitcast_convert_type3A_970 = tpu.bitcast %sub3A_969 : vector<16xi32> -> vector<16xi32>
      %lt3A_971 = arith.constant 16384 : i32
      %lt3A_972 = vector.broadcast %lt3A_971 : i32 to vector<16xi32>
      %lt3A_973 = arith.cmpi ult, %bitcast_convert_type3A_970, %lt3A_972 : vector<16xi32>
      %mul3A_974 = arith.constant 16 : i32
      %mul3A_975 = arith.muli %add3A_962, %mul3A_974 : i32
      %add3A_976 = vector.broadcast %mul3A_975 : i32 to vector<16xi32>
      %add3A_977 = arith.addi %add3A_976, %iota3A : vector<16xi32>
      %lt3A_978 = vector.broadcast %scan3A_21#0 : i32 to vector<16xi32>
      %lt3A_979 = arith.cmpi slt, %add3A_977, %lt3A_978 : vector<16xi32>
      %and3A_980 = arith.andi %lt3A_973, %lt3A_979 : vector<16xi1>
      %jit3A_981 = arith.constant 0 : i32
      %broadcast_in_dim3A_982 = vector.broadcast %jit3A_981 : i32 to vector<16xi32>
      %select_n3A_983 = arith.select %and3A_980, %sub3A_969, %broadcast_in_dim3A_982 : vector<16xi1>, vector<16xi32>
      %shift_right_logical3A_984 = arith.constant 7 : i32
      %shift_right_logical3A_985 = vector.broadcast %shift_right_logical3A_984 : i32 to vector<16xi32>
      %shift_right_logical3A_986 = arith.shrui %select_n3A_983, %shift_right_logical3A_985 : vector<16xi32>
      %and3A_987 = arith.constant 127 : i32
      %and3A_988 = vector.broadcast %and3A_987 : i32 to vector<16xi32>
      %and3A_989 = arith.andi %select_n3A_983, %and3A_988 : vector<16xi32>
      tpu.vector_store_idx %arg9[%shift_right_logical3A_986, %and3A_989], %broadcast_in_dim3A_1 masked %and3A_980 {add = true} : memref<128x128xf32, #tpu.memory_space<vmem>>[vector<16xi32>, vector<16xi32>], vector<16xf32>, vector<16xi1>
      %while3A_990 = arith.constant 0 : i32
      scf.yield %while3A_990 : i32
    }
    %while3A_113 = arith.constant 1 : i32
    %while3A_114 = scf.for %while3A_933 = %while3A_110 to %while3A_106 step %while3A_113 iter_args(%while3A_934 = %while3A_112) -> (i32)  : i32 {
      %mul3A_935 = arith.constant 2 : i32
      %mul3A_936 = arith.muli %while3A_933, %mul3A_935 : i32
      %add3A_937 = arith.constant 0 : i32
      %add3A_938 = arith.addi %mul3A_936, %add3A_937 : i32
      %mul3A_939 = arith.constant 16 : i32
      %mul3A_940 = arith.muli %add3A_938, %mul3A_939 : i32
      %get3A = arith.index_cast %mul3A_940 : i32 to index
      %get3A_941 = tpu.vector_load %arg5[%get3A] {strides = array<i32>} : memref<8208xi32, #tpu.memory_space<vmem>>, vector<16xi32>,
      %sub3A = arith.constant 49152 : i32
      %sub3A_942 = vector.broadcast %sub3A : i32 to vector<16xi32>
      %sub3A_943 = arith.subi %get3A_941, %sub3A_942 : vector<16xi32>
      %bitcast_convert_type3A = tpu.bitcast %sub3A_943 : vector<16xi32> -> vector<16xi32>
      %lt3A = arith.constant 16384 : i32
      %lt3A_944 = vector.broadcast %lt3A : i32 to vector<16xi32>
      %lt3A_945 = arith.cmpi ult, %bitcast_convert_type3A, %lt3A_944 : vector<16xi32>
      %mul3A_946 = arith.constant 16 : i32
      %mul3A_947 = arith.muli %add3A_938, %mul3A_946 : i32
      %add3A_948 = vector.broadcast %mul3A_947 : i32 to vector<16xi32>
      %add3A_949 = arith.addi %add3A_948, %iota3A : vector<16xi32>
      %lt3A_950 = vector.broadcast %scan3A_21#0 : i32 to vector<16xi32>
      %lt3A_951 = arith.cmpi slt, %add3A_949, %lt3A_950 : vector<16xi32>
      %and3A = arith.andi %lt3A_945, %lt3A_951 : vector<16xi1>
      %jit3A = arith.constant 0 : i32
      %broadcast_in_dim3A_952 = vector.broadcast %jit3A : i32 to vector<16xi32>
      %select_n3A = arith.select %and3A, %sub3A_943, %broadcast_in_dim3A_952 : vector<16xi1>, vector<16xi32>
      %shift_right_logical3A_953 = arith.constant 7 : i32
      %shift_right_logical3A_954 = vector.broadcast %shift_right_logical3A_953 : i32 to vector<16xi32>
      %shift_right_logical3A_955 = arith.shrui %select_n3A, %shift_right_logical3A_954 : vector<16xi32>
      %and3A_956 = arith.constant 127 : i32
      %and3A_957 = vector.broadcast %and3A_956 : i32 to vector<16xi32>
      %and3A_958 = arith.andi %select_n3A, %and3A_957 : vector<16xi32>
      tpu.vector_store_idx %arg9[%shift_right_logical3A_955, %and3A_958], %broadcast_in_dim3A_1 masked %and3A {add = true} : memref<128x128xf32, #tpu.memory_space<vmem>>[vector<16xi32>, vector<16xi32>], vector<16xf32>, vector<16xi1>
      %mul3A_959 = arith.constant 2 : i32
      %mul3A_960 = arith.muli %while3A_933, %mul3A_959 : i32
      %add3A_961 = arith.constant 1 : i32
      %add3A_962 = arith.addi %mul3A_960, %add3A_961 : i32
      %mul3A_963 = arith.constant 16 : i32
      %mul3A_964 = arith.muli %add3A_962, %mul3A_963 : i32
      %get3A_965 = arith.index_cast %mul3A_964 : i32 to index
      %get3A_966 = tpu.vector_load %arg5[%get3A_965] {strides = array<i32>} : memref<8208xi32, #tpu.memory_space<vmem>>, vector<16xi32>,
      %sub3A_967 = arith.constant 49152 : i32
      %sub3A_968 = vector.broadcast %sub3A_967 : i32 to vector<16xi32>
      %sub3A_969 = arith.subi %get3A_966, %sub3A_968 : vector<16xi32>
      %bitcast_convert_type3A_970 = tpu.bitcast %sub3A_969 : vector<16xi32> -> vector<16xi32>
      %lt3A_971 = arith.constant 16384 : i32
      %lt3A_972 = vector.broadcast %lt3A_971 : i32 to vector<16xi32>
      %lt3A_973 = arith.cmpi ult, %bitcast_convert_type3A_970, %lt3A_972 : vector<16xi32>
      %mul3A_974 = arith.constant 16 : i32
      %mul3A_975 = arith.muli %add3A_962, %mul3A_974 : i32
      %add3A_976 = vector.broadcast %mul3A_975 : i32 to vector<16xi32>
      %add3A_977 = arith.addi %add3A_976, %iota3A : vector<16xi32>
      %lt3A_978 = vector.broadcast %scan3A_21#0 : i32 to vector<16xi32>
      %lt3A_979 = arith.cmpi slt, %add3A_977, %lt3A_978 : vector<16xi32>
      %and3A_980 = arith.andi %lt3A_973, %lt3A_979 : vector<16xi1>
      %jit3A_981 = arith.constant 0 : i32
      %broadcast_in_dim3A_982 = vector.broadcast %jit3A_981 : i32 to vector<16xi32>
      %select_n3A_983 = arith.select %and3A_980, %sub3A_969, %broadcast_in_dim3A_982 : vector<16xi1>, vector<16xi32>
      %shift_right_logical3A_984 = arith.constant 7 : i32
      %shift_right_logical3A_985 = vector.broadcast %shift_right_logical3A_984 : i32 to vector<16xi32>
      %shift_right_logical3A_986 = arith.shrui %select_n3A_983, %shift_right_logical3A_985 : vector<16xi32>
      %and3A_987 = arith.constant 127 : i32
      %and3A_988 = vector.broadcast %and3A_987 : i32 to vector<16xi32>
      %and3A_989 = arith.andi %select_n3A_983, %and3A_988 : vector<16xi32>
      tpu.vector_store_idx %arg9[%shift_right_logical3A_986, %and3A_989], %broadcast_in_dim3A_1 masked %and3A_980 {add = true} : memref<128x128xf32, #tpu.memory_space<vmem>>[vector<16xi32>, vector<16xi32>], vector<16xf32>, vector<16xi1>
      %while3A_990 = arith.constant 0 : i32
      scf.yield %while3A_990 : i32
    }
    %mul3A_115 = arith.constant 2048 : i32
    %mul3A_116 = arith.muli %add3A_9, %mul3A_115 : i32
    %add3A_117 = arith.constant 384 : i32
    %add3A_118 = arith.addi %mul3A_116, %add3A_117 : i32
    %dma_start3A_119 = arith.constant 0 : i32
    %dma_start3A_120 = tpu.memref_slice %arg3[%add3A_118, %dma_start3A_119] : memref<131072x128xf32, #tpu.memory_space<hbm>> -> memref<128x128xf32, #tpu.memory_space<hbm>>
    %dma_start3A_121 = arith.constant 0 : i32
    %dma_start3A_122 = tpu.memref_slice %arg3[%add3A_118, %dma_start3A_121] : memref<131072x128xf32, #tpu.memory_space<hbm>> -> memref<128x128xf32, #tpu.memory_space<hbm>>
    tpu.enqueue_dma source(%arg9 : memref<128x128xf32, #tpu.memory_space<vmem>>) target(%dma_start3A_122 : memref<128x128xf32, #tpu.memory_space<hbm>>) target_semaphore(%arg16 : memref<!tpu.dma_semaphore, #tpu.memory_space<semaphore_mem>>)
    %dma_wait3A_123 = arith.constant 0 : i32
    %dma_wait3A_124 = tpu.memref_slice %arg3[%add3A_90, %dma_wait3A_123] : memref<131072x128xf32, #tpu.memory_space<hbm>> -> memref<128x128xf32, #tpu.memory_space<hbm>>
    %dma_wait3A_125 = arith.constant 0 : i32
    %dma_wait3A_126 = tpu.memref_slice %arg3[%add3A_90, %dma_wait3A_125] : memref<131072x128xf32, #tpu.memory_space<hbm>> -> memref<128x128xf32, #tpu.memory_space<hbm>>
    tpu.wait_dma2 semaphore(%arg18 : memref<!tpu.dma_semaphore, #tpu.memory_space<semaphore_mem>>) src(%arg11 : memref<128x128xf32, #tpu.memory_space<vmem>>) dst(%dma_wait3A_126 : memref<128x128xf32, #tpu.memory_space<hbm>>)
    tpu.enqueue_dma source(%arg12 : memref<128x128xf32, #tpu.memory_space<vmem_shared>>) target(%arg11 : memref<128x128xf32, #tpu.memory_space<vmem>>) target_semaphore(%arg15 : memref<!tpu.dma_semaphore, #tpu.memory_space<semaphore_mem>>)
    tpu.wait_dma2 semaphore(%arg14 : memref<!tpu.dma_semaphore, #tpu.memory_space<semaphore_mem>>) src(%arg12 : memref<128x128xf32, #tpu.memory_space<vmem_shared>>) dst(%arg10 : memref<128x128xf32, #tpu.memory_space<vmem>>)
    %add3A_127 = arith.constant 31 : i32
    %add3A_128 = arith.addi %scan3A_21#1, %add3A_127 : i32
    %shift_right_logical3A_129 = arith.constant 5 : i32
    %shift_right_logical3A_130 = arith.shrui %add3A_128, %shift_right_logical3A_129 : i32
    %while3A_131 = arith.constant 0 : i32
    %while3A_132 = arith.constant 0 : i32
    %while3A_133 = arith.subi %shift_right_logical3A_130, %while3A_131 : i32
    %while3A_134 = arith.addi %while3A_131, %while3A_133 : i32
    %while3A_135 = arith.constant 1 : i32
    %while3A_136 = arith.divsi %while3A_133, %while3A_135 : i32
    %while3A_137 = arith.muli %while3A_136, %while3A_135 : i32
    %while3A_138 = arith.addi %while3A_131, %while3A_137 : i32
    %while3A_139 = arith.constant 1 : i32
    %while3A_140 = scf.for %while3A_933 = %while3A_131 to %while3A_138 step %while3A_139 iter_args(%while3A_934 = %while3A_132) -> (i32)  : i32 {
      %mul3A_935 = arith.constant 2 : i32
      %mul3A_936 = arith.muli %while3A_933, %mul3A_935 : i32
      %add3A_937 = arith.constant 0 : i32
      %add3A_938 = arith.addi %mul3A_936, %add3A_937 : i32
      %mul3A_939 = arith.constant 16 : i32
      %mul3A_940 = arith.muli %add3A_938, %mul3A_939 : i32
      %get3A = arith.index_cast %mul3A_940 : i32 to index
      %get3A_941 = tpu.vector_load %arg6[%get3A] {strides = array<i32>} : memref<8208xi32, #tpu.memory_space<vmem>>, vector<16xi32>,
      %sub3A = arith.constant 65536 : i32
      %sub3A_942 = vector.broadcast %sub3A : i32 to vector<16xi32>
      %sub3A_943 = arith.subi %get3A_941, %sub3A_942 : vector<16xi32>
      %bitcast_convert_type3A = tpu.bitcast %sub3A_943 : vector<16xi32> -> vector<16xi32>
      %lt3A = arith.constant 16384 : i32
      %lt3A_944 = vector.broadcast %lt3A : i32 to vector<16xi32>
      %lt3A_945 = arith.cmpi ult, %bitcast_convert_type3A, %lt3A_944 : vector<16xi32>
      %mul3A_946 = arith.constant 16 : i32
      %mul3A_947 = arith.muli %add3A_938, %mul3A_946 : i32
      %add3A_948 = vector.broadcast %mul3A_947 : i32 to vector<16xi32>
      %add3A_949 = arith.addi %add3A_948, %iota3A : vector<16xi32>
      %lt3A_950 = vector.broadcast %scan3A_21#1 : i32 to vector<16xi32>
      %lt3A_951 = arith.cmpi slt, %add3A_949, %lt3A_950 : vector<16xi32>
      %and3A = arith.andi %lt3A_945, %lt3A_951 : vector<16xi1>
      %jit3A = arith.constant 0 : i32
      %broadcast_in_dim3A_952 = vector.broadcast %jit3A : i32 to vector<16xi32>
      %select_n3A = arith.select %and3A, %sub3A_943, %broadcast_in_dim3A_952 : vector<16xi1>, vector<16xi32>
      %shift_right_logical3A_953 = arith.constant 7 : i32
      %shift_right_logical3A_954 = vector.broadcast %shift_right_logical3A_953 : i32 to vector<16xi32>
      %shift_right_logical3A_955 = arith.shrui %select_n3A, %shift_right_logical3A_954 : vector<16xi32>
      %and3A_956 = arith.constant 127 : i32
      %and3A_957 = vector.broadcast %and3A_956 : i32 to vector<16xi32>
      %and3A_958 = arith.andi %select_n3A, %and3A_957 : vector<16xi32>
      tpu.vector_store_idx %arg10[%shift_right_logical3A_955, %and3A_958], %broadcast_in_dim3A_1 masked %and3A {add = true} : memref<128x128xf32, #tpu.memory_space<vmem>>[vector<16xi32>, vector<16xi32>], vector<16xf32>, vector<16xi1>
      %mul3A_959 = arith.constant 2 : i32
      %mul3A_960 = arith.muli %while3A_933, %mul3A_959 : i32
      %add3A_961 = arith.constant 1 : i32
      %add3A_962 = arith.addi %mul3A_960, %add3A_961 : i32
      %mul3A_963 = arith.constant 16 : i32
      %mul3A_964 = arith.muli %add3A_962, %mul3A_963 : i32
      %get3A_965 = arith.index_cast %mul3A_964 : i32 to index
      %get3A_966 = tpu.vector_load %arg6[%get3A_965] {strides = array<i32>} : memref<8208xi32, #tpu.memory_space<vmem>>, vector<16xi32>,
      %sub3A_967 = arith.constant 65536 : i32
      %sub3A_968 = vector.broadcast %sub3A_967 : i32 to vector<16xi32>
      %sub3A_969 = arith.subi %get3A_966, %sub3A_968 : vector<16xi32>
      %bitcast_convert_type3A_970 = tpu.bitcast %sub3A_969 : vector<16xi32> -> vector<16xi32>
      %lt3A_971 = arith.constant 16384 : i32
      %lt3A_972 = vector.broadcast %lt3A_971 : i32 to vector<16xi32>
      %lt3A_973 = arith.cmpi ult, %bitcast_convert_type3A_970, %lt3A_972 : vector<16xi32>
      %mul3A_974 = arith.constant 16 : i32
      %mul3A_975 = arith.muli %add3A_962, %mul3A_974 : i32
      %add3A_976 = vector.broadcast %mul3A_975 : i32 to vector<16xi32>
      %add3A_977 = arith.addi %add3A_976, %iota3A : vector<16xi32>
      %lt3A_978 = vector.broadcast %scan3A_21#1 : i32 to vector<16xi32>
      %lt3A_979 = arith.cmpi slt, %add3A_977, %lt3A_978 : vector<16xi32>
      %and3A_980 = arith.andi %lt3A_973, %lt3A_979 : vector<16xi1>
      %jit3A_981 = arith.constant 0 : i32
      %broadcast_in_dim3A_982 = vector.broadcast %jit3A_981 : i32 to vector<16xi32>
      %select_n3A_983 = arith.select %and3A_980, %sub3A_969, %broadcast_in_dim3A_982 : vector<16xi1>, vector<16xi32>
      %shift_right_logical3A_984 = arith.constant 7 : i32
      %shift_right_logical3A_985 = vector.broadcast %shift_right_logical3A_984 : i32 to vector<16xi32>
      %shift_right_logical3A_986 = arith.shrui %select_n3A_983, %shift_right_logical3A_985 : vector<16xi32>
      %and3A_987 = arith.constant 127 : i32
      %and3A_988 = vector.broadcast %and3A_987 : i32 to vector<16xi32>
      %and3A_989 = arith.andi %select_n3A_983, %and3A_988 : vector<16xi32>
      tpu.vector_store_idx %arg10[%shift_right_logical3A_986, %and3A_989], %broadcast_in_dim3A_1 masked %and3A_980 {add = true} : memref<128x128xf32, #tpu.memory_space<vmem>>[vector<16xi32>, vector<16xi32>], vector<16xf32>, vector<16xi1>
      %while3A_990 = arith.constant 0 : i32
      scf.yield %while3A_990 : i32
    }
    %while3A_141 = arith.constant 1 : i32
    %while3A_142 = scf.for %while3A_933 = %while3A_138 to %while3A_134 step %while3A_141 iter_args(%while3A_934 = %while3A_140) -> (i32)  : i32 {
      %mul3A_935 = arith.constant 2 : i32
      %mul3A_936 = arith.muli %while3A_933, %mul3A_935 : i32
      %add3A_937 = arith.constant 0 : i32
      %add3A_938 = arith.addi %mul3A_936, %add3A_937 : i32
      %mul3A_939 = arith.constant 16 : i32
      %mul3A_940 = arith.muli %add3A_938, %mul3A_939 : i32
      %get3A = arith.index_cast %mul3A_940 : i32 to index
      %get3A_941 = tpu.vector_load %arg6[%get3A] {strides = array<i32>} : memref<8208xi32, #tpu.memory_space<vmem>>, vector<16xi32>,
      %sub3A = arith.constant 65536 : i32
      %sub3A_942 = vector.broadcast %sub3A : i32 to vector<16xi32>
      %sub3A_943 = arith.subi %get3A_941, %sub3A_942 : vector<16xi32>
      %bitcast_convert_type3A = tpu.bitcast %sub3A_943 : vector<16xi32> -> vector<16xi32>
      %lt3A = arith.constant 16384 : i32
      %lt3A_944 = vector.broadcast %lt3A : i32 to vector<16xi32>
      %lt3A_945 = arith.cmpi ult, %bitcast_convert_type3A, %lt3A_944 : vector<16xi32>
      %mul3A_946 = arith.constant 16 : i32
      %mul3A_947 = arith.muli %add3A_938, %mul3A_946 : i32
      %add3A_948 = vector.broadcast %mul3A_947 : i32 to vector<16xi32>
      %add3A_949 = arith.addi %add3A_948, %iota3A : vector<16xi32>
      %lt3A_950 = vector.broadcast %scan3A_21#1 : i32 to vector<16xi32>
      %lt3A_951 = arith.cmpi slt, %add3A_949, %lt3A_950 : vector<16xi32>
      %and3A = arith.andi %lt3A_945, %lt3A_951 : vector<16xi1>
      %jit3A = arith.constant 0 : i32
      %broadcast_in_dim3A_952 = vector.broadcast %jit3A : i32 to vector<16xi32>
      %select_n3A = arith.select %and3A, %sub3A_943, %broadcast_in_dim3A_952 : vector<16xi1>, vector<16xi32>
      %shift_right_logical3A_953 = arith.constant 7 : i32
      %shift_right_logical3A_954 = vector.broadcast %shift_right_logical3A_953 : i32 to vector<16xi32>
      %shift_right_logical3A_955 = arith.shrui %select_n3A, %shift_right_logical3A_954 : vector<16xi32>
      %and3A_956 = arith.constant 127 : i32
      %and3A_957 = vector.broadcast %and3A_956 : i32 to vector<16xi32>
      %and3A_958 = arith.andi %select_n3A, %and3A_957 : vector<16xi32>
      tpu.vector_store_idx %arg10[%shift_right_logical3A_955, %and3A_958], %broadcast_in_dim3A_1 masked %and3A {add = true} : memref<128x128xf32, #tpu.memory_space<vmem>>[vector<16xi32>, vector<16xi32>], vector<16xf32>, vector<16xi1>
      %mul3A_959 = arith.constant 2 : i32
      %mul3A_960 = arith.muli %while3A_933, %mul3A_959 : i32
      %add3A_961 = arith.constant 1 : i32
      %add3A_962 = arith.addi %mul3A_960, %add3A_961 : i32
      %mul3A_963 = arith.constant 16 : i32
      %mul3A_964 = arith.muli %add3A_962, %mul3A_963 : i32
      %get3A_965 = arith.index_cast %mul3A_964 : i32 to index
      %get3A_966 = tpu.vector_load %arg6[%get3A_965] {strides = array<i32>} : memref<8208xi32, #tpu.memory_space<vmem>>, vector<16xi32>,
      %sub3A_967 = arith.constant 65536 : i32
      %sub3A_968 = vector.broadcast %sub3A_967 : i32 to vector<16xi32>
      %sub3A_969 = arith.subi %get3A_966, %sub3A_968 : vector<16xi32>
      %bitcast_convert_type3A_970 = tpu.bitcast %sub3A_969 : vector<16xi32> -> vector<16xi32>
      %lt3A_971 = arith.constant 16384 : i32
      %lt3A_972 = vector.broadcast %lt3A_971 : i32 to vector<16xi32>
      %lt3A_973 = arith.cmpi ult, %bitcast_convert_type3A_970, %lt3A_972 : vector<16xi32>
      %mul3A_974 = arith.constant 16 : i32
      %mul3A_975 = arith.muli %add3A_962, %mul3A_974 : i32
      %add3A_976 = vector.broadcast %mul3A_975 : i32 to vector<16xi32>
      %add3A_977 = arith.addi %add3A_976, %iota3A : vector<16xi32>
      %lt3A_978 = vector.broadcast %scan3A_21#1 : i32 to vector<16xi32>
      %lt3A_979 = arith.cmpi slt, %add3A_977, %lt3A_978 : vector<16xi32>
      %and3A_980 = arith.andi %lt3A_973, %lt3A_979 : vector<16xi1>
      %jit3A_981 = arith.constant 0 : i32
      %broadcast_in_dim3A_982 = vector.broadcast %jit3A_981 : i32 to vector<16xi32>
      %select_n3A_983 = arith.select %and3A_980, %sub3A_969, %broadcast_in_dim3A_982 : vector<16xi1>, vector<16xi32>
      %shift_right_logical3A_984 = arith.constant 7 : i32
      %shift_right_logical3A_985 = vector.broadcast %shift_right_logical3A_984 : i32 to vector<16xi32>
      %shift_right_logical3A_986 = arith.shrui %select_n3A_983, %shift_right_logical3A_985 : vector<16xi32>
      %and3A_987 = arith.constant 127 : i32
      %and3A_988 = vector.broadcast %and3A_987 : i32 to vector<16xi32>
      %and3A_989 = arith.andi %select_n3A_983, %and3A_988 : vector<16xi32>
      tpu.vector_store_idx %arg10[%shift_right_logical3A_986, %and3A_989], %broadcast_in_dim3A_1 masked %and3A_980 {add = true} : memref<128x128xf32, #tpu.memory_space<vmem>>[vector<16xi32>, vector<16xi32>], vector<16xf32>, vector<16xi1>
      %while3A_990 = arith.constant 0 : i32
      scf.yield %while3A_990 : i32
    }
    %mul3A_143 = arith.constant 2048 : i32
    %mul3A_144 = arith.muli %add3A_9, %mul3A_143 : i32
    %add3A_145 = arith.constant 512 : i32
    %add3A_146 = arith.addi %mul3A_144, %add3A_145 : i32
    %dma_start3A_147 = arith.constant 0 : i32
    %dma_start3A_148 = tpu.memref_slice %arg3[%add3A_146, %dma_start3A_147] : memref<131072x128xf32, #tpu.memory_space<hbm>> -> memref<128x128xf32, #tpu.memory_space<hbm>>
    %dma_start3A_149 = arith.constant 0 : i32
    %dma_start3A_150 = tpu.memref_slice %arg3[%add3A_146, %dma_start3A_149] : memref<131072x128xf32, #tpu.memory_space<hbm>> -> memref<128x128xf32, #tpu.memory_space<hbm>>
    tpu.enqueue_dma source(%arg10 : memref<128x128xf32, #tpu.memory_space<vmem>>) target(%dma_start3A_150 : memref<128x128xf32, #tpu.memory_space<hbm>>) target_semaphore(%arg17 : memref<!tpu.dma_semaphore, #tpu.memory_space<semaphore_mem>>)
    %dma_wait3A_151 = arith.constant 0 : i32
    %dma_wait3A_152 = tpu.memref_slice %arg3[%add3A_118, %dma_wait3A_151] : memref<131072x128xf32, #tpu.memory_space<hbm>> -> memref<128x128xf32, #tpu.memory_space<hbm>>
    %dma_wait3A_153 = arith.constant 0 : i32
    %dma_wait3A_154 = tpu.memref_slice %arg3[%add3A_118, %dma_wait3A_153] : memref<131072x128xf32, #tpu.memory_space<hbm>> -> memref<128x128xf32, #tpu.memory_space<hbm>>
    tpu.wait_dma2 semaphore(%arg16 : memref<!tpu.dma_semaphore, #tpu.memory_space<semaphore_mem>>) src(%arg9 : memref<128x128xf32, #tpu.memory_space<vmem>>) dst(%dma_wait3A_154 : memref<128x128xf32, #tpu.memory_space<hbm>>)
    tpu.enqueue_dma source(%arg12 : memref<128x128xf32, #tpu.memory_space<vmem_shared>>) target(%arg9 : memref<128x128xf32, #tpu.memory_space<vmem>>) target_semaphore(%arg13 : memref<!tpu.dma_semaphore, #tpu.memory_space<semaphore_mem>>)
    tpu.wait_dma2 semaphore(%arg15 : memref<!tpu.dma_semaphore, #tpu.memory_space<semaphore_mem>>) src(%arg12 : memref<128x128xf32, #tpu.memory_space<vmem_shared>>) dst(%arg11 : memref<128x128xf32, #tpu.memory_space<vmem>>)
    %add3A_155 = arith.constant 31 : i32
    %add3A_156 = arith.addi %scan3A_21#1, %add3A_155 : i32
    %shift_right_logical3A_157 = arith.constant 5 : i32
    %shift_right_logical3A_158 = arith.shrui %add3A_156, %shift_right_logical3A_157 : i32
    %while3A_159 = arith.constant 0 : i32
    %while3A_160 = arith.constant 0 : i32
    %while3A_161 = arith.subi %shift_right_logical3A_158, %while3A_159 : i32
    %while3A_162 = arith.addi %while3A_159, %while3A_161 : i32
    %while3A_163 = arith.constant 1 : i32
    %while3A_164 = arith.divsi %while3A_161, %while3A_163 : i32
    %while3A_165 = arith.muli %while3A_164, %while3A_163 : i32
    %while3A_166 = arith.addi %while3A_159, %while3A_165 : i32
    %while3A_167 = arith.constant 1 : i32
    %while3A_168 = scf.for %while3A_933 = %while3A_159 to %while3A_166 step %while3A_167 iter_args(%while3A_934 = %while3A_160) -> (i32)  : i32 {
      %mul3A_935 = arith.constant 2 : i32
      %mul3A_936 = arith.muli %while3A_933, %mul3A_935 : i32
      %add3A_937 = arith.constant 0 : i32
      %add3A_938 = arith.addi %mul3A_936, %add3A_937 : i32
      %mul3A_939 = arith.constant 16 : i32
      %mul3A_940 = arith.muli %add3A_938, %mul3A_939 : i32
      %get3A = arith.index_cast %mul3A_940 : i32 to index
      %get3A_941 = tpu.vector_load %arg6[%get3A] {strides = array<i32>} : memref<8208xi32, #tpu.memory_space<vmem>>, vector<16xi32>,
      %sub3A = arith.constant 81920 : i32
      %sub3A_942 = vector.broadcast %sub3A : i32 to vector<16xi32>
      %sub3A_943 = arith.subi %get3A_941, %sub3A_942 : vector<16xi32>
      %bitcast_convert_type3A = tpu.bitcast %sub3A_943 : vector<16xi32> -> vector<16xi32>
      %lt3A = arith.constant 16384 : i32
      %lt3A_944 = vector.broadcast %lt3A : i32 to vector<16xi32>
      %lt3A_945 = arith.cmpi ult, %bitcast_convert_type3A, %lt3A_944 : vector<16xi32>
      %mul3A_946 = arith.constant 16 : i32
      %mul3A_947 = arith.muli %add3A_938, %mul3A_946 : i32
      %add3A_948 = vector.broadcast %mul3A_947 : i32 to vector<16xi32>
      %add3A_949 = arith.addi %add3A_948, %iota3A : vector<16xi32>
      %lt3A_950 = vector.broadcast %scan3A_21#1 : i32 to vector<16xi32>
      %lt3A_951 = arith.cmpi slt, %add3A_949, %lt3A_950 : vector<16xi32>
      %and3A = arith.andi %lt3A_945, %lt3A_951 : vector<16xi1>
      %jit3A = arith.constant 0 : i32
      %broadcast_in_dim3A_952 = vector.broadcast %jit3A : i32 to vector<16xi32>
      %select_n3A = arith.select %and3A, %sub3A_943, %broadcast_in_dim3A_952 : vector<16xi1>, vector<16xi32>
      %shift_right_logical3A_953 = arith.constant 7 : i32
      %shift_right_logical3A_954 = vector.broadcast %shift_right_logical3A_953 : i32 to vector<16xi32>
      %shift_right_logical3A_955 = arith.shrui %select_n3A, %shift_right_logical3A_954 : vector<16xi32>
      %and3A_956 = arith.constant 127 : i32
      %and3A_957 = vector.broadcast %and3A_956 : i32 to vector<16xi32>
      %and3A_958 = arith.andi %select_n3A, %and3A_957 : vector<16xi32>
      tpu.vector_store_idx %arg11[%shift_right_logical3A_955, %and3A_958], %broadcast_in_dim3A_1 masked %and3A {add = true} : memref<128x128xf32, #tpu.memory_space<vmem>>[vector<16xi32>, vector<16xi32>], vector<16xf32>, vector<16xi1>
      %mul3A_959 = arith.constant 2 : i32
      %mul3A_960 = arith.muli %while3A_933, %mul3A_959 : i32
      %add3A_961 = arith.constant 1 : i32
      %add3A_962 = arith.addi %mul3A_960, %add3A_961 : i32
      %mul3A_963 = arith.constant 16 : i32
      %mul3A_964 = arith.muli %add3A_962, %mul3A_963 : i32
      %get3A_965 = arith.index_cast %mul3A_964 : i32 to index
      %get3A_966 = tpu.vector_load %arg6[%get3A_965] {strides = array<i32>} : memref<8208xi32, #tpu.memory_space<vmem>>, vector<16xi32>,
      %sub3A_967 = arith.constant 81920 : i32
      %sub3A_968 = vector.broadcast %sub3A_967 : i32 to vector<16xi32>
      %sub3A_969 = arith.subi %get3A_966, %sub3A_968 : vector<16xi32>
      %bitcast_convert_type3A_970 = tpu.bitcast %sub3A_969 : vector<16xi32> -> vector<16xi32>
      %lt3A_971 = arith.constant 16384 : i32
      %lt3A_972 = vector.broadcast %lt3A_971 : i32 to vector<16xi32>
      %lt3A_973 = arith.cmpi ult, %bitcast_convert_type3A_970, %lt3A_972 : vector<16xi32>
      %mul3A_974 = arith.constant 16 : i32
      %mul3A_975 = arith.muli %add3A_962, %mul3A_974 : i32
      %add3A_976 = vector.broadcast %mul3A_975 : i32 to vector<16xi32>
      %add3A_977 = arith.addi %add3A_976, %iota3A : vector<16xi32>
      %lt3A_978 = vector.broadcast %scan3A_21#1 : i32 to vector<16xi32>
      %lt3A_979 = arith.cmpi slt, %add3A_977, %lt3A_978 : vector<16xi32>
      %and3A_980 = arith.andi %lt3A_973, %lt3A_979 : vector<16xi1>
      %jit3A_981 = arith.constant 0 : i32
      %broadcast_in_dim3A_982 = vector.broadcast %jit3A_981 : i32 to vector<16xi32>
      %select_n3A_983 = arith.select %and3A_980, %sub3A_969, %broadcast_in_dim3A_982 : vector<16xi1>, vector<16xi32>
      %shift_right_logical3A_984 = arith.constant 7 : i32
      %shift_right_logical3A_985 = vector.broadcast %shift_right_logical3A_984 : i32 to vector<16xi32>
      %shift_right_logical3A_986 = arith.shrui %select_n3A_983, %shift_right_logical3A_985 : vector<16xi32>
      %and3A_987 = arith.constant 127 : i32
      %and3A_988 = vector.broadcast %and3A_987 : i32 to vector<16xi32>
      %and3A_989 = arith.andi %select_n3A_983, %and3A_988 : vector<16xi32>
      tpu.vector_store_idx %arg11[%shift_right_logical3A_986, %and3A_989], %broadcast_in_dim3A_1 masked %and3A_980 {add = true} : memref<128x128xf32, #tpu.memory_space<vmem>>[vector<16xi32>, vector<16xi32>], vector<16xf32>, vector<16xi1>
      %while3A_990 = arith.constant 0 : i32
      scf.yield %while3A_990 : i32
    }
    %while3A_169 = arith.constant 1 : i32
    %while3A_170 = scf.for %while3A_933 = %while3A_166 to %while3A_162 step %while3A_169 iter_args(%while3A_934 = %while3A_168) -> (i32)  : i32 {
      %mul3A_935 = arith.constant 2 : i32
      %mul3A_936 = arith.muli %while3A_933, %mul3A_935 : i32
      %add3A_937 = arith.constant 0 : i32
      %add3A_938 = arith.addi %mul3A_936, %add3A_937 : i32
      %mul3A_939 = arith.constant 16 : i32
      %mul3A_940 = arith.muli %add3A_938, %mul3A_939 : i32
      %get3A = arith.index_cast %mul3A_940 : i32 to index
      %get3A_941 = tpu.vector_load %arg6[%get3A] {strides = array<i32>} : memref<8208xi32, #tpu.memory_space<vmem>>, vector<16xi32>,
      %sub3A = arith.constant 81920 : i32
      %sub3A_942 = vector.broadcast %sub3A : i32 to vector<16xi32>
      %sub3A_943 = arith.subi %get3A_941, %sub3A_942 : vector<16xi32>
      %bitcast_convert_type3A = tpu.bitcast %sub3A_943 : vector<16xi32> -> vector<16xi32>
      %lt3A = arith.constant 16384 : i32
      %lt3A_944 = vector.broadcast %lt3A : i32 to vector<16xi32>
      %lt3A_945 = arith.cmpi ult, %bitcast_convert_type3A, %lt3A_944 : vector<16xi32>
      %mul3A_946 = arith.constant 16 : i32
      %mul3A_947 = arith.muli %add3A_938, %mul3A_946 : i32
      %add3A_948 = vector.broadcast %mul3A_947 : i32 to vector<16xi32>
      %add3A_949 = arith.addi %add3A_948, %iota3A : vector<16xi32>
      %lt3A_950 = vector.broadcast %scan3A_21#1 : i32 to vector<16xi32>
      %lt3A_951 = arith.cmpi slt, %add3A_949, %lt3A_950 : vector<16xi32>
      %and3A = arith.andi %lt3A_945, %lt3A_951 : vector<16xi1>
      %jit3A = arith.constant 0 : i32
      %broadcast_in_dim3A_952 = vector.broadcast %jit3A : i32 to vector<16xi32>
      %select_n3A = arith.select %and3A, %sub3A_943, %broadcast_in_dim3A_952 : vector<16xi1>, vector<16xi32>
      %shift_right_logical3A_953 = arith.constant 7 : i32
      %shift_right_logical3A_954 = vector.broadcast %shift_right_logical3A_953 : i32 to vector<16xi32>
      %shift_right_logical3A_955 = arith.shrui %select_n3A, %shift_right_logical3A_954 : vector<16xi32>
      %and3A_956 = arith.constant 127 : i32
      %and3A_957 = vector.broadcast %and3A_956 : i32 to vector<16xi32>
      %and3A_958 = arith.andi %select_n3A, %and3A_957 : vector<16xi32>
      tpu.vector_store_idx %arg11[%shift_right_logical3A_955, %and3A_958], %broadcast_in_dim3A_1 masked %and3A {add = true} : memref<128x128xf32, #tpu.memory_space<vmem>>[vector<16xi32>, vector<16xi32>], vector<16xf32>, vector<16xi1>
      %mul3A_959 = arith.constant 2 : i32
      %mul3A_960 = arith.muli %while3A_933, %mul3A_959 : i32
      %add3A_961 = arith.constant 1 : i32
      %add3A_962 = arith.addi %mul3A_960, %add3A_961 : i32
      %mul3A_963 = arith.constant 16 : i32
      %mul3A_964 = arith.muli %add3A_962, %mul3A_963 : i32
      %get3A_965 = arith.index_cast %mul3A_964 : i32 to index
      %get3A_966 = tpu.vector_load %arg6[%get3A_965] {strides = array<i32>} : memref<8208xi32, #tpu.memory_space<vmem>>, vector<16xi32>,
      %sub3A_967 = arith.constant 81920 : i32
      %sub3A_968 = vector.broadcast %sub3A_967 : i32 to vector<16xi32>
      %sub3A_969 = arith.subi %get3A_966, %sub3A_968 : vector<16xi32>
      %bitcast_convert_type3A_970 = tpu.bitcast %sub3A_969 : vector<16xi32> -> vector<16xi32>
      %lt3A_971 = arith.constant 16384 : i32
      %lt3A_972 = vector.broadcast %lt3A_971 : i32 to vector<16xi32>
      %lt3A_973 = arith.cmpi ult, %bitcast_convert_type3A_970, %lt3A_972 : vector<16xi32>
      %mul3A_974 = arith.constant 16 : i32
      %mul3A_975 = arith.muli %add3A_962, %mul3A_974 : i32
      %add3A_976 = vector.broadcast %mul3A_975 : i32 to vector<16xi32>
      %add3A_977 = arith.addi %add3A_976, %iota3A : vector<16xi32>
      %lt3A_978 = vector.broadcast %scan3A_21#1 : i32 to vector<16xi32>
      %lt3A_979 = arith.cmpi slt, %add3A_977, %lt3A_978 : vector<16xi32>
      %and3A_980 = arith.andi %lt3A_973, %lt3A_979 : vector<16xi1>
      %jit3A_981 = arith.constant 0 : i32
      %broadcast_in_dim3A_982 = vector.broadcast %jit3A_981 : i32 to vector<16xi32>
      %select_n3A_983 = arith.select %and3A_980, %sub3A_969, %broadcast_in_dim3A_982 : vector<16xi1>, vector<16xi32>
      %shift_right_logical3A_984 = arith.constant 7 : i32
      %shift_right_logical3A_985 = vector.broadcast %shift_right_logical3A_984 : i32 to vector<16xi32>
      %shift_right_logical3A_986 = arith.shrui %select_n3A_983, %shift_right_logical3A_985 : vector<16xi32>
      %and3A_987 = arith.constant 127 : i32
      %and3A_988 = vector.broadcast %and3A_987 : i32 to vector<16xi32>
      %and3A_989 = arith.andi %select_n3A_983, %and3A_988 : vector<16xi32>
      tpu.vector_store_idx %arg11[%shift_right_logical3A_986, %and3A_989], %broadcast_in_dim3A_1 masked %and3A_980 {add = true} : memref<128x128xf32, #tpu.memory_space<vmem>>[vector<16xi32>, vector<16xi32>], vector<16xf32>, vector<16xi1>
      %while3A_990 = arith.constant 0 : i32
      scf.yield %while3A_990 : i32
    }
    %mul3A_171 = arith.constant 2048 : i32
    %mul3A_172 = arith.muli %add3A_9, %mul3A_171 : i32
    %add3A_173 = arith.constant 640 : i32
    %add3A_174 = arith.addi %mul3A_172, %add3A_173 : i32
    %dma_start3A_175 = arith.constant 0 : i32
    %dma_start3A_176 = tpu.memref_slice %arg3[%add3A_174, %dma_start3A_175] : memref<131072x128xf32, #tpu.memory_space<hbm>> -> memref<128x128xf32, #tpu.memory_space<hbm>>
    %dma_start3A_177 = arith.constant 0 : i32
    %dma_start3A_178 = tpu.memref_slice %arg3[%add3A_174, %dma_start3A_177] : memref<131072x128xf32, #tpu.memory_space<hbm>> -> memref<128x128xf32, #tpu.memory_space<hbm>>
    tpu.enqueue_dma source(%arg11 : memref<128x128xf32, #tpu.memory_space<vmem>>) target(%dma_start3A_178 : memref<128x128xf32, #tpu.memory_space<hbm>>) target_semaphore(%arg18 : memref<!tpu.dma_semaphore, #tpu.memory_space<semaphore_mem>>)
    %dma_wait3A_179 = arith.constant 0 : i32
    %dma_wait3A_180 = tpu.memref_slice %arg3[%add3A_146, %dma_wait3A_179] : memref<131072x128xf32, #tpu.memory_space<hbm>> -> memref<128x128xf32, #tpu.memory_space<hbm>>
    %dma_wait3A_181 = arith.constant 0 : i32
    %dma_wait3A_182 = tpu.memref_slice %arg3[%add3A_146, %dma_wait3A_181] : memref<131072x128xf32, #tpu.memory_space<hbm>> -> memref<128x128xf32, #tpu.memory_space<hbm>>
    tpu.wait_dma2 semaphore(%arg17 : memref<!tpu.dma_semaphore, #tpu.memory_space<semaphore_mem>>) src(%arg10 : memref<128x128xf32, #tpu.memory_space<vmem>>) dst(%dma_wait3A_182 : memref<128x128xf32, #tpu.memory_space<hbm>>)
    tpu.enqueue_dma source(%arg12 : memref<128x128xf32, #tpu.memory_space<vmem_shared>>) target(%arg10 : memref<128x128xf32, #tpu.memory_space<vmem>>) target_semaphore(%arg14 : memref<!tpu.dma_semaphore, #tpu.memory_space<semaphore_mem>>)
    tpu.wait_dma2 semaphore(%arg13 : memref<!tpu.dma_semaphore, #tpu.memory_space<semaphore_mem>>) src(%arg12 : memref<128x128xf32, #tpu.memory_space<vmem_shared>>) dst(%arg9 : memref<128x128xf32, #tpu.memory_space<vmem>>)
    %add3A_183 = arith.constant 31 : i32
    %add3A_184 = arith.addi %scan3A_21#1, %add3A_183 : i32
    %shift_right_logical3A_185 = arith.constant 5 : i32
    %shift_right_logical3A_186 = arith.shrui %add3A_184, %shift_right_logical3A_185 : i32
    %while3A_187 = arith.constant 0 : i32
    %while3A_188 = arith.constant 0 : i32
    %while3A_189 = arith.subi %shift_right_logical3A_186, %while3A_187 : i32
    %while3A_190 = arith.addi %while3A_187, %while3A_189 : i32
    %while3A_191 = arith.constant 1 : i32
    %while3A_192 = arith.divsi %while3A_189, %while3A_191 : i32
    %while3A_193 = arith.muli %while3A_192, %while3A_191 : i32
    %while3A_194 = arith.addi %while3A_187, %while3A_193 : i32
    %while3A_195 = arith.constant 1 : i32
    %while3A_196 = scf.for %while3A_933 = %while3A_187 to %while3A_194 step %while3A_195 iter_args(%while3A_934 = %while3A_188) -> (i32)  : i32 {
      %mul3A_935 = arith.constant 2 : i32
      %mul3A_936 = arith.muli %while3A_933, %mul3A_935 : i32
      %add3A_937 = arith.constant 0 : i32
      %add3A_938 = arith.addi %mul3A_936, %add3A_937 : i32
      %mul3A_939 = arith.constant 16 : i32
      %mul3A_940 = arith.muli %add3A_938, %mul3A_939 : i32
      %get3A = arith.index_cast %mul3A_940 : i32 to index
      %get3A_941 = tpu.vector_load %arg6[%get3A] {strides = array<i32>} : memref<8208xi32, #tpu.memory_space<vmem>>, vector<16xi32>,
      %sub3A = arith.constant 98304 : i32
      %sub3A_942 = vector.broadcast %sub3A : i32 to vector<16xi32>
      %sub3A_943 = arith.subi %get3A_941, %sub3A_942 : vector<16xi32>
      %bitcast_convert_type3A = tpu.bitcast %sub3A_943 : vector<16xi32> -> vector<16xi32>
      %lt3A = arith.constant 16384 : i32
      %lt3A_944 = vector.broadcast %lt3A : i32 to vector<16xi32>
      %lt3A_945 = arith.cmpi ult, %bitcast_convert_type3A, %lt3A_944 : vector<16xi32>
      %mul3A_946 = arith.constant 16 : i32
      %mul3A_947 = arith.muli %add3A_938, %mul3A_946 : i32
      %add3A_948 = vector.broadcast %mul3A_947 : i32 to vector<16xi32>
      %add3A_949 = arith.addi %add3A_948, %iota3A : vector<16xi32>
      %lt3A_950 = vector.broadcast %scan3A_21#1 : i32 to vector<16xi32>
      %lt3A_951 = arith.cmpi slt, %add3A_949, %lt3A_950 : vector<16xi32>
      %and3A = arith.andi %lt3A_945, %lt3A_951 : vector<16xi1>
      %jit3A = arith.constant 0 : i32
      %broadcast_in_dim3A_952 = vector.broadcast %jit3A : i32 to vector<16xi32>
      %select_n3A = arith.select %and3A, %sub3A_943, %broadcast_in_dim3A_952 : vector<16xi1>, vector<16xi32>
      %shift_right_logical3A_953 = arith.constant 7 : i32
      %shift_right_logical3A_954 = vector.broadcast %shift_right_logical3A_953 : i32 to vector<16xi32>
      %shift_right_logical3A_955 = arith.shrui %select_n3A, %shift_right_logical3A_954 : vector<16xi32>
      %and3A_956 = arith.constant 127 : i32
      %and3A_957 = vector.broadcast %and3A_956 : i32 to vector<16xi32>
      %and3A_958 = arith.andi %select_n3A, %and3A_957 : vector<16xi32>
      tpu.vector_store_idx %arg9[%shift_right_logical3A_955, %and3A_958], %broadcast_in_dim3A_1 masked %and3A {add = true} : memref<128x128xf32, #tpu.memory_space<vmem>>[vector<16xi32>, vector<16xi32>], vector<16xf32>, vector<16xi1>
      %mul3A_959 = arith.constant 2 : i32
      %mul3A_960 = arith.muli %while3A_933, %mul3A_959 : i32
      %add3A_961 = arith.constant 1 : i32
      %add3A_962 = arith.addi %mul3A_960, %add3A_961 : i32
      %mul3A_963 = arith.constant 16 : i32
      %mul3A_964 = arith.muli %add3A_962, %mul3A_963 : i32
      %get3A_965 = arith.index_cast %mul3A_964 : i32 to index
      %get3A_966 = tpu.vector_load %arg6[%get3A_965] {strides = array<i32>} : memref<8208xi32, #tpu.memory_space<vmem>>, vector<16xi32>,
      %sub3A_967 = arith.constant 98304 : i32
      %sub3A_968 = vector.broadcast %sub3A_967 : i32 to vector<16xi32>
      %sub3A_969 = arith.subi %get3A_966, %sub3A_968 : vector<16xi32>
      %bitcast_convert_type3A_970 = tpu.bitcast %sub3A_969 : vector<16xi32> -> vector<16xi32>
      %lt3A_971 = arith.constant 16384 : i32
      %lt3A_972 = vector.broadcast %lt3A_971 : i32 to vector<16xi32>
      %lt3A_973 = arith.cmpi ult, %bitcast_convert_type3A_970, %lt3A_972 : vector<16xi32>
      %mul3A_974 = arith.constant 16 : i32
      %mul3A_975 = arith.muli %add3A_962, %mul3A_974 : i32
      %add3A_976 = vector.broadcast %mul3A_975 : i32 to vector<16xi32>
      %add3A_977 = arith.addi %add3A_976, %iota3A : vector<16xi32>
      %lt3A_978 = vector.broadcast %scan3A_21#1 : i32 to vector<16xi32>
      %lt3A_979 = arith.cmpi slt, %add3A_977, %lt3A_978 : vector<16xi32>
      %and3A_980 = arith.andi %lt3A_973, %lt3A_979 : vector<16xi1>
      %jit3A_981 = arith.constant 0 : i32
      %broadcast_in_dim3A_982 = vector.broadcast %jit3A_981 : i32 to vector<16xi32>
      %select_n3A_983 = arith.select %and3A_980, %sub3A_969, %broadcast_in_dim3A_982 : vector<16xi1>, vector<16xi32>
      %shift_right_logical3A_984 = arith.constant 7 : i32
      %shift_right_logical3A_985 = vector.broadcast %shift_right_logical3A_984 : i32 to vector<16xi32>
      %shift_right_logical3A_986 = arith.shrui %select_n3A_983, %shift_right_logical3A_985 : vector<16xi32>
      %and3A_987 = arith.constant 127 : i32
      %and3A_988 = vector.broadcast %and3A_987 : i32 to vector<16xi32>
      %and3A_989 = arith.andi %select_n3A_983, %and3A_988 : vector<16xi32>
      tpu.vector_store_idx %arg9[%shift_right_logical3A_986, %and3A_989], %broadcast_in_dim3A_1 masked %and3A_980 {add = true} : memref<128x128xf32, #tpu.memory_space<vmem>>[vector<16xi32>, vector<16xi32>], vector<16xf32>, vector<16xi1>
      %while3A_990 = arith.constant 0 : i32
      scf.yield %while3A_990 : i32
    }
    %while3A_197 = arith.constant 1 : i32
    %while3A_198 = scf.for %while3A_933 = %while3A_194 to %while3A_190 step %while3A_197 iter_args(%while3A_934 = %while3A_196) -> (i32)  : i32 {
      %mul3A_935 = arith.constant 2 : i32
      %mul3A_936 = arith.muli %while3A_933, %mul3A_935 : i32
      %add3A_937 = arith.constant 0 : i32
      %add3A_938 = arith.addi %mul3A_936, %add3A_937 : i32
      %mul3A_939 = arith.constant 16 : i32
      %mul3A_940 = arith.muli %add3A_938, %mul3A_939 : i32
      %get3A = arith.index_cast %mul3A_940 : i32 to index
      %get3A_941 = tpu.vector_load %arg6[%get3A] {strides = array<i32>} : memref<8208xi32, #tpu.memory_space<vmem>>, vector<16xi32>,
      %sub3A = arith.constant 98304 : i32
      %sub3A_942 = vector.broadcast %sub3A : i32 to vector<16xi32>
      %sub3A_943 = arith.subi %get3A_941, %sub3A_942 : vector<16xi32>
      %bitcast_convert_type3A = tpu.bitcast %sub3A_943 : vector<16xi32> -> vector<16xi32>
      %lt3A = arith.constant 16384 : i32
      %lt3A_944 = vector.broadcast %lt3A : i32 to vector<16xi32>
      %lt3A_945 = arith.cmpi ult, %bitcast_convert_type3A, %lt3A_944 : vector<16xi32>
      %mul3A_946 = arith.constant 16 : i32
      %mul3A_947 = arith.muli %add3A_938, %mul3A_946 : i32
      %add3A_948 = vector.broadcast %mul3A_947 : i32 to vector<16xi32>
      %add3A_949 = arith.addi %add3A_948, %iota3A : vector<16xi32>
      %lt3A_950 = vector.broadcast %scan3A_21#1 : i32 to vector<16xi32>
      %lt3A_951 = arith.cmpi slt, %add3A_949, %lt3A_950 : vector<16xi32>
      %and3A = arith.andi %lt3A_945, %lt3A_951 : vector<16xi1>
      %jit3A = arith.constant 0 : i32
      %broadcast_in_dim3A_952 = vector.broadcast %jit3A : i32 to vector<16xi32>
      %select_n3A = arith.select %and3A, %sub3A_943, %broadcast_in_dim3A_952 : vector<16xi1>, vector<16xi32>
      %shift_right_logical3A_953 = arith.constant 7 : i32
      %shift_right_logical3A_954 = vector.broadcast %shift_right_logical3A_953 : i32 to vector<16xi32>
      %shift_right_logical3A_955 = arith.shrui %select_n3A, %shift_right_logical3A_954 : vector<16xi32>
      %and3A_956 = arith.constant 127 : i32
      %and3A_957 = vector.broadcast %and3A_956 : i32 to vector<16xi32>
      %and3A_958 = arith.andi %select_n3A, %and3A_957 : vector<16xi32>
      tpu.vector_store_idx %arg9[%shift_right_logical3A_955, %and3A_958], %broadcast_in_dim3A_1 masked %and3A {add = true} : memref<128x128xf32, #tpu.memory_space<vmem>>[vector<16xi32>, vector<16xi32>], vector<16xf32>, vector<16xi1>
      %mul3A_959 = arith.constant 2 : i32
      %mul3A_960 = arith.muli %while3A_933, %mul3A_959 : i32
      %add3A_961 = arith.constant 1 : i32
      %add3A_962 = arith.addi %mul3A_960, %add3A_961 : i32
      %mul3A_963 = arith.constant 16 : i32
      %mul3A_964 = arith.muli %add3A_962, %mul3A_963 : i32
      %get3A_965 = arith.index_cast %mul3A_964 : i32 to index
      %get3A_966 = tpu.vector_load %arg6[%get3A_965] {strides = array<i32>} : memref<8208xi32, #tpu.memory_space<vmem>>, vector<16xi32>,
      %sub3A_967 = arith.constant 98304 : i32
      %sub3A_968 = vector.broadcast %sub3A_967 : i32 to vector<16xi32>
      %sub3A_969 = arith.subi %get3A_966, %sub3A_968 : vector<16xi32>
      %bitcast_convert_type3A_970 = tpu.bitcast %sub3A_969 : vector<16xi32> -> vector<16xi32>
      %lt3A_971 = arith.constant 16384 : i32
      %lt3A_972 = vector.broadcast %lt3A_971 : i32 to vector<16xi32>
      %lt3A_973 = arith.cmpi ult, %bitcast_convert_type3A_970, %lt3A_972 : vector<16xi32>
      %mul3A_974 = arith.constant 16 : i32
      %mul3A_975 = arith.muli %add3A_962, %mul3A_974 : i32
      %add3A_976 = vector.broadcast %mul3A_975 : i32 to vector<16xi32>
      %add3A_977 = arith.addi %add3A_976, %iota3A : vector<16xi32>
      %lt3A_978 = vector.broadcast %scan3A_21#1 : i32 to vector<16xi32>
      %lt3A_979 = arith.cmpi slt, %add3A_977, %lt3A_978 : vector<16xi32>
      %and3A_980 = arith.andi %lt3A_973, %lt3A_979 : vector<16xi1>
      %jit3A_981 = arith.constant 0 : i32
      %broadcast_in_dim3A_982 = vector.broadcast %jit3A_981 : i32 to vector<16xi32>
      %select_n3A_983 = arith.select %and3A_980, %sub3A_969, %broadcast_in_dim3A_982 : vector<16xi1>, vector<16xi32>
      %shift_right_logical3A_984 = arith.constant 7 : i32
      %shift_right_logical3A_985 = vector.broadcast %shift_right_logical3A_984 : i32 to vector<16xi32>
      %shift_right_logical3A_986 = arith.shrui %select_n3A_983, %shift_right_logical3A_985 : vector<16xi32>
      %and3A_987 = arith.constant 127 : i32
      %and3A_988 = vector.broadcast %and3A_987 : i32 to vector<16xi32>
      %and3A_989 = arith.andi %select_n3A_983, %and3A_988 : vector<16xi32>
      tpu.vector_store_idx %arg9[%shift_right_logical3A_986, %and3A_989], %broadcast_in_dim3A_1 masked %and3A_980 {add = true} : memref<128x128xf32, #tpu.memory_space<vmem>>[vector<16xi32>, vector<16xi32>], vector<16xf32>, vector<16xi1>
      %while3A_990 = arith.constant 0 : i32
      scf.yield %while3A_990 : i32
    }
    %mul3A_199 = arith.constant 2048 : i32
    %mul3A_200 = arith.muli %add3A_9, %mul3A_199 : i32
    %add3A_201 = arith.constant 768 : i32
    %add3A_202 = arith.addi %mul3A_200, %add3A_201 : i32
    %dma_start3A_203 = arith.constant 0 : i32
    %dma_start3A_204 = tpu.memref_slice %arg3[%add3A_202, %dma_start3A_203] : memref<131072x128xf32, #tpu.memory_space<hbm>> -> memref<128x128xf32, #tpu.memory_space<hbm>>
    %dma_start3A_205 = arith.constant 0 : i32
    %dma_start3A_206 = tpu.memref_slice %arg3[%add3A_202, %dma_start3A_205] : memref<131072x128xf32, #tpu.memory_space<hbm>> -> memref<128x128xf32, #tpu.memory_space<hbm>>
    tpu.enqueue_dma source(%arg9 : memref<128x128xf32, #tpu.memory_space<vmem>>) target(%dma_start3A_206 : memref<128x128xf32, #tpu.memory_space<hbm>>) target_semaphore(%arg16 : memref<!tpu.dma_semaphore, #tpu.memory_space<semaphore_mem>>)
    %dma_wait3A_207 = arith.constant 0 : i32
    %dma_wait3A_208 = tpu.memref_slice %arg3[%add3A_174, %dma_wait3A_207] : memref<131072x128xf32, #tpu.memory_space<hbm>> -> memref<128x128xf32, #tpu.memory_space<hbm>>
    %dma_wait3A_209 = arith.constant 0 : i32
    %dma_wait3A_210 = tpu.memref_slice %arg3[%add3A_174, %dma_wait3A_209] : memref<131072x128xf32, #tpu.memory_space<hbm>> -> memref<128x128xf32, #tpu.memory_space<hbm>>
    tpu.wait_dma2 semaphore(%arg18 : memref<!tpu.dma_semaphore, #tpu.memory_space<semaphore_mem>>) src(%arg11 : memref<128x128xf32, #tpu.memory_space<vmem>>) dst(%dma_wait3A_210 : memref<128x128xf32, #tpu.memory_space<hbm>>)
    tpu.enqueue_dma source(%arg12 : memref<128x128xf32, #tpu.memory_space<vmem_shared>>) target(%arg11 : memref<128x128xf32, #tpu.memory_space<vmem>>) target_semaphore(%arg15 : memref<!tpu.dma_semaphore, #tpu.memory_space<semaphore_mem>>)
    tpu.wait_dma2 semaphore(%arg14 : memref<!tpu.dma_semaphore, #tpu.memory_space<semaphore_mem>>) src(%arg12 : memref<128x128xf32, #tpu.memory_space<vmem_shared>>) dst(%arg10 : memref<128x128xf32, #tpu.memory_space<vmem>>)
    %add3A_211 = arith.constant 31 : i32
    %add3A_212 = arith.addi %scan3A_21#1, %add3A_211 : i32
    %shift_right_logical3A_213 = arith.constant 5 : i32
    %shift_right_logical3A_214 = arith.shrui %add3A_212, %shift_right_logical3A_213 : i32
    %while3A_215 = arith.constant 0 : i32
    %while3A_216 = arith.constant 0 : i32
    %while3A_217 = arith.subi %shift_right_logical3A_214, %while3A_215 : i32
    %while3A_218 = arith.addi %while3A_215, %while3A_217 : i32
    %while3A_219 = arith.constant 1 : i32
    %while3A_220 = arith.divsi %while3A_217, %while3A_219 : i32
    %while3A_221 = arith.muli %while3A_220, %while3A_219 : i32
    %while3A_222 = arith.addi %while3A_215, %while3A_221 : i32
    %while3A_223 = arith.constant 1 : i32
    %while3A_224 = scf.for %while3A_933 = %while3A_215 to %while3A_222 step %while3A_223 iter_args(%while3A_934 = %while3A_216) -> (i32)  : i32 {
      %mul3A_935 = arith.constant 2 : i32
      %mul3A_936 = arith.muli %while3A_933, %mul3A_935 : i32
      %add3A_937 = arith.constant 0 : i32
      %add3A_938 = arith.addi %mul3A_936, %add3A_937 : i32
      %mul3A_939 = arith.constant 16 : i32
      %mul3A_940 = arith.muli %add3A_938, %mul3A_939 : i32
      %get3A = arith.index_cast %mul3A_940 : i32 to index
      %get3A_941 = tpu.vector_load %arg6[%get3A] {strides = array<i32>} : memref<8208xi32, #tpu.memory_space<vmem>>, vector<16xi32>,
      %sub3A = arith.constant 114688 : i32
      %sub3A_942 = vector.broadcast %sub3A : i32 to vector<16xi32>
      %sub3A_943 = arith.subi %get3A_941, %sub3A_942 : vector<16xi32>
      %bitcast_convert_type3A = tpu.bitcast %sub3A_943 : vector<16xi32> -> vector<16xi32>
      %lt3A = arith.constant 16384 : i32
      %lt3A_944 = vector.broadcast %lt3A : i32 to vector<16xi32>
      %lt3A_945 = arith.cmpi ult, %bitcast_convert_type3A, %lt3A_944 : vector<16xi32>
      %mul3A_946 = arith.constant 16 : i32
      %mul3A_947 = arith.muli %add3A_938, %mul3A_946 : i32
      %add3A_948 = vector.broadcast %mul3A_947 : i32 to vector<16xi32>
      %add3A_949 = arith.addi %add3A_948, %iota3A : vector<16xi32>
      %lt3A_950 = vector.broadcast %scan3A_21#1 : i32 to vector<16xi32>
      %lt3A_951 = arith.cmpi slt, %add3A_949, %lt3A_950 : vector<16xi32>
      %and3A = arith.andi %lt3A_945, %lt3A_951 : vector<16xi1>
      %jit3A = arith.constant 0 : i32
      %broadcast_in_dim3A_952 = vector.broadcast %jit3A : i32 to vector<16xi32>
      %select_n3A = arith.select %and3A, %sub3A_943, %broadcast_in_dim3A_952 : vector<16xi1>, vector<16xi32>
      %shift_right_logical3A_953 = arith.constant 7 : i32
      %shift_right_logical3A_954 = vector.broadcast %shift_right_logical3A_953 : i32 to vector<16xi32>
      %shift_right_logical3A_955 = arith.shrui %select_n3A, %shift_right_logical3A_954 : vector<16xi32>
      %and3A_956 = arith.constant 127 : i32
      %and3A_957 = vector.broadcast %and3A_956 : i32 to vector<16xi32>
      %and3A_958 = arith.andi %select_n3A, %and3A_957 : vector<16xi32>
      tpu.vector_store_idx %arg10[%shift_right_logical3A_955, %and3A_958], %broadcast_in_dim3A_1 masked %and3A {add = true} : memref<128x128xf32, #tpu.memory_space<vmem>>[vector<16xi32>, vector<16xi32>], vector<16xf32>, vector<16xi1>
      %mul3A_959 = arith.constant 2 : i32
      %mul3A_960 = arith.muli %while3A_933, %mul3A_959 : i32
      %add3A_961 = arith.constant 1 : i32
      %add3A_962 = arith.addi %mul3A_960, %add3A_961 : i32
      %mul3A_963 = arith.constant 16 : i32
      %mul3A_964 = arith.muli %add3A_962, %mul3A_963 : i32
      %get3A_965 = arith.index_cast %mul3A_964 : i32 to index
      %get3A_966 = tpu.vector_load %arg6[%get3A_965] {strides = array<i32>} : memref<8208xi32, #tpu.memory_space<vmem>>, vector<16xi32>,
      %sub3A_967 = arith.constant 114688 : i32
      %sub3A_968 = vector.broadcast %sub3A_967 : i32 to vector<16xi32>
      %sub3A_969 = arith.subi %get3A_966, %sub3A_968 : vector<16xi32>
      %bitcast_convert_type3A_970 = tpu.bitcast %sub3A_969 : vector<16xi32> -> vector<16xi32>
      %lt3A_971 = arith.constant 16384 : i32
      %lt3A_972 = vector.broadcast %lt3A_971 : i32 to vector<16xi32>
      %lt3A_973 = arith.cmpi ult, %bitcast_convert_type3A_970, %lt3A_972 : vector<16xi32>
      %mul3A_974 = arith.constant 16 : i32
      %mul3A_975 = arith.muli %add3A_962, %mul3A_974 : i32
      %add3A_976 = vector.broadcast %mul3A_975 : i32 to vector<16xi32>
      %add3A_977 = arith.addi %add3A_976, %iota3A : vector<16xi32>
      %lt3A_978 = vector.broadcast %scan3A_21#1 : i32 to vector<16xi32>
      %lt3A_979 = arith.cmpi slt, %add3A_977, %lt3A_978 : vector<16xi32>
      %and3A_980 = arith.andi %lt3A_973, %lt3A_979 : vector<16xi1>
      %jit3A_981 = arith.constant 0 : i32
      %broadcast_in_dim3A_982 = vector.broadcast %jit3A_981 : i32 to vector<16xi32>
      %select_n3A_983 = arith.select %and3A_980, %sub3A_969, %broadcast_in_dim3A_982 : vector<16xi1>, vector<16xi32>
      %shift_right_logical3A_984 = arith.constant 7 : i32
      %shift_right_logical3A_985 = vector.broadcast %shift_right_logical3A_984 : i32 to vector<16xi32>
      %shift_right_logical3A_986 = arith.shrui %select_n3A_983, %shift_right_logical3A_985 : vector<16xi32>
      %and3A_987 = arith.constant 127 : i32
      %and3A_988 = vector.broadcast %and3A_987 : i32 to vector<16xi32>
      %and3A_989 = arith.andi %select_n3A_983, %and3A_988 : vector<16xi32>
      tpu.vector_store_idx %arg10[%shift_right_logical3A_986, %and3A_989], %broadcast_in_dim3A_1 masked %and3A_980 {add = true} : memref<128x128xf32, #tpu.memory_space<vmem>>[vector<16xi32>, vector<16xi32>], vector<16xf32>, vector<16xi1>
      %while3A_990 = arith.constant 0 : i32
      scf.yield %while3A_990 : i32
    }
    %while3A_225 = arith.constant 1 : i32
    %while3A_226 = scf.for %while3A_933 = %while3A_222 to %while3A_218 step %while3A_225 iter_args(%while3A_934 = %while3A_224) -> (i32)  : i32 {
      %mul3A_935 = arith.constant 2 : i32
      %mul3A_936 = arith.muli %while3A_933, %mul3A_935 : i32
      %add3A_937 = arith.constant 0 : i32
      %add3A_938 = arith.addi %mul3A_936, %add3A_937 : i32
      %mul3A_939 = arith.constant 16 : i32
      %mul3A_940 = arith.muli %add3A_938, %mul3A_939 : i32
      %get3A = arith.index_cast %mul3A_940 : i32 to index
      %get3A_941 = tpu.vector_load %arg6[%get3A] {strides = array<i32>} : memref<8208xi32, #tpu.memory_space<vmem>>, vector<16xi32>,
      %sub3A = arith.constant 114688 : i32
      %sub3A_942 = vector.broadcast %sub3A : i32 to vector<16xi32>
      %sub3A_943 = arith.subi %get3A_941, %sub3A_942 : vector<16xi32>
      %bitcast_convert_type3A = tpu.bitcast %sub3A_943 : vector<16xi32> -> vector<16xi32>
      %lt3A = arith.constant 16384 : i32
      %lt3A_944 = vector.broadcast %lt3A : i32 to vector<16xi32>
      %lt3A_945 = arith.cmpi ult, %bitcast_convert_type3A, %lt3A_944 : vector<16xi32>
      %mul3A_946 = arith.constant 16 : i32
      %mul3A_947 = arith.muli %add3A_938, %mul3A_946 : i32
      %add3A_948 = vector.broadcast %mul3A_947 : i32 to vector<16xi32>
      %add3A_949 = arith.addi %add3A_948, %iota3A : vector<16xi32>
      %lt3A_950 = vector.broadcast %scan3A_21#1 : i32 to vector<16xi32>
      %lt3A_951 = arith.cmpi slt, %add3A_949, %lt3A_950 : vector<16xi32>
      %and3A = arith.andi %lt3A_945, %lt3A_951 : vector<16xi1>
      %jit3A = arith.constant 0 : i32
      %broadcast_in_dim3A_952 = vector.broadcast %jit3A : i32 to vector<16xi32>
      %select_n3A = arith.select %and3A, %sub3A_943, %broadcast_in_dim3A_952 : vector<16xi1>, vector<16xi32>
      %shift_right_logical3A_953 = arith.constant 7 : i32
      %shift_right_logical3A_954 = vector.broadcast %shift_right_logical3A_953 : i32 to vector<16xi32>
      %shift_right_logical3A_955 = arith.shrui %select_n3A, %shift_right_logical3A_954 : vector<16xi32>
      %and3A_956 = arith.constant 127 : i32
      %and3A_957 = vector.broadcast %and3A_956 : i32 to vector<16xi32>
      %and3A_958 = arith.andi %select_n3A, %and3A_957 : vector<16xi32>
      tpu.vector_store_idx %arg10[%shift_right_logical3A_955, %and3A_958], %broadcast_in_dim3A_1 masked %and3A {add = true} : memref<128x128xf32, #tpu.memory_space<vmem>>[vector<16xi32>, vector<16xi32>], vector<16xf32>, vector<16xi1>
      %mul3A_959 = arith.constant 2 : i32
      %mul3A_960 = arith.muli %while3A_933, %mul3A_959 : i32
      %add3A_961 = arith.constant 1 : i32
      %add3A_962 = arith.addi %mul3A_960, %add3A_961 : i32
      %mul3A_963 = arith.constant 16 : i32
      %mul3A_964 = arith.muli %add3A_962, %mul3A_963 : i32
      %get3A_965 = arith.index_cast %mul3A_964 : i32 to index
      %get3A_966 = tpu.vector_load %arg6[%get3A_965] {strides = array<i32>} : memref<8208xi32, #tpu.memory_space<vmem>>, vector<16xi32>,
      %sub3A_967 = arith.constant 114688 : i32
      %sub3A_968 = vector.broadcast %sub3A_967 : i32 to vector<16xi32>
      %sub3A_969 = arith.subi %get3A_966, %sub3A_968 : vector<16xi32>
      %bitcast_convert_type3A_970 = tpu.bitcast %sub3A_969 : vector<16xi32> -> vector<16xi32>
      %lt3A_971 = arith.constant 16384 : i32
      %lt3A_972 = vector.broadcast %lt3A_971 : i32 to vector<16xi32>
      %lt3A_973 = arith.cmpi ult, %bitcast_convert_type3A_970, %lt3A_972 : vector<16xi32>
      %mul3A_974 = arith.constant 16 : i32
      %mul3A_975 = arith.muli %add3A_962, %mul3A_974 : i32
      %add3A_976 = vector.broadcast %mul3A_975 : i32 to vector<16xi32>
      %add3A_977 = arith.addi %add3A_976, %iota3A : vector<16xi32>
      %lt3A_978 = vector.broadcast %scan3A_21#1 : i32 to vector<16xi32>
      %lt3A_979 = arith.cmpi slt, %add3A_977, %lt3A_978 : vector<16xi32>
      %and3A_980 = arith.andi %lt3A_973, %lt3A_979 : vector<16xi1>
      %jit3A_981 = arith.constant 0 : i32
      %broadcast_in_dim3A_982 = vector.broadcast %jit3A_981 : i32 to vector<16xi32>
      %select_n3A_983 = arith.select %and3A_980, %sub3A_969, %broadcast_in_dim3A_982 : vector<16xi1>, vector<16xi32>
      %shift_right_logical3A_984 = arith.constant 7 : i32
      %shift_right_logical3A_985 = vector.broadcast %shift_right_logical3A_984 : i32 to vector<16xi32>
      %shift_right_logical3A_986 = arith.shrui %select_n3A_983, %shift_right_logical3A_985 : vector<16xi32>
      %and3A_987 = arith.constant 127 : i32
      %and3A_988 = vector.broadcast %and3A_987 : i32 to vector<16xi32>
      %and3A_989 = arith.andi %select_n3A_983, %and3A_988 : vector<16xi32>
      tpu.vector_store_idx %arg10[%shift_right_logical3A_986, %and3A_989], %broadcast_in_dim3A_1 masked %and3A_980 {add = true} : memref<128x128xf32, #tpu.memory_space<vmem>>[vector<16xi32>, vector<16xi32>], vector<16xf32>, vector<16xi1>
      %while3A_990 = arith.constant 0 : i32
      scf.yield %while3A_990 : i32
    }
    %mul3A_227 = arith.constant 2048 : i32
    %mul3A_228 = arith.muli %add3A_9, %mul3A_227 : i32
    %add3A_229 = arith.constant 896 : i32
    %add3A_230 = arith.addi %mul3A_228, %add3A_229 : i32
    %dma_start3A_231 = arith.constant 0 : i32
    %dma_start3A_232 = tpu.memref_slice %arg3[%add3A_230, %dma_start3A_231] : memref<131072x128xf32, #tpu.memory_space<hbm>> -> memref<128x128xf32, #tpu.memory_space<hbm>>
    %dma_start3A_233 = arith.constant 0 : i32
    %dma_start3A_234 = tpu.memref_slice %arg3[%add3A_230, %dma_start3A_233] : memref<131072x128xf32, #tpu.memory_space<hbm>> -> memref<128x128xf32, #tpu.memory_space<hbm>>
    tpu.enqueue_dma source(%arg10 : memref<128x128xf32, #tpu.memory_space<vmem>>) target(%dma_start3A_234 : memref<128x128xf32, #tpu.memory_space<hbm>>) target_semaphore(%arg17 : memref<!tpu.dma_semaphore, #tpu.memory_space<semaphore_mem>>)
    %dma_wait3A_235 = arith.constant 0 : i32
    %dma_wait3A_236 = tpu.memref_slice %arg3[%add3A_202, %dma_wait3A_235] : memref<131072x128xf32, #tpu.memory_space<hbm>> -> memref<128x128xf32, #tpu.memory_space<hbm>>
    %dma_wait3A_237 = arith.constant 0 : i32
    %dma_wait3A_238 = tpu.memref_slice %arg3[%add3A_202, %dma_wait3A_237] : memref<131072x128xf32, #tpu.memory_space<hbm>> -> memref<128x128xf32, #tpu.memory_space<hbm>>
    tpu.wait_dma2 semaphore(%arg16 : memref<!tpu.dma_semaphore, #tpu.memory_space<semaphore_mem>>) src(%arg9 : memref<128x128xf32, #tpu.memory_space<vmem>>) dst(%dma_wait3A_238 : memref<128x128xf32, #tpu.memory_space<hbm>>)
    tpu.enqueue_dma source(%arg12 : memref<128x128xf32, #tpu.memory_space<vmem_shared>>) target(%arg9 : memref<128x128xf32, #tpu.memory_space<vmem>>) target_semaphore(%arg13 : memref<!tpu.dma_semaphore, #tpu.memory_space<semaphore_mem>>)
    tpu.wait_dma2 semaphore(%arg15 : memref<!tpu.dma_semaphore, #tpu.memory_space<semaphore_mem>>) src(%arg12 : memref<128x128xf32, #tpu.memory_space<vmem_shared>>) dst(%arg11 : memref<128x128xf32, #tpu.memory_space<vmem>>)
    %add3A_239 = arith.constant 31 : i32
    %add3A_240 = arith.addi %scan3A_21#2, %add3A_239 : i32
    %shift_right_logical3A_241 = arith.constant 5 : i32
    %shift_right_logical3A_242 = arith.shrui %add3A_240, %shift_right_logical3A_241 : i32
    %while3A_243 = arith.constant 0 : i32
    %while3A_244 = arith.constant 0 : i32
    %while3A_245 = arith.subi %shift_right_logical3A_242, %while3A_243 : i32
    %while3A_246 = arith.addi %while3A_243, %while3A_245 : i32
    %while3A_247 = arith.constant 1 : i32
    %while3A_248 = arith.divsi %while3A_245, %while3A_247 : i32
    %while3A_249 = arith.muli %while3A_248, %while3A_247 : i32
    %while3A_250 = arith.addi %while3A_243, %while3A_249 : i32
    %while3A_251 = arith.constant 1 : i32
    %while3A_252 = scf.for %while3A_933 = %while3A_243 to %while3A_250 step %while3A_251 iter_args(%while3A_934 = %while3A_244) -> (i32)  : i32 {
      %mul3A_935 = arith.constant 2 : i32
      %mul3A_936 = arith.muli %while3A_933, %mul3A_935 : i32
      %add3A_937 = arith.constant 0 : i32
      %add3A_938 = arith.addi %mul3A_936, %add3A_937 : i32
      %mul3A_939 = arith.constant 16 : i32
      %mul3A_940 = arith.muli %add3A_938, %mul3A_939 : i32
      %get3A = arith.index_cast %mul3A_940 : i32 to index
      %get3A_941 = tpu.vector_load %arg7[%get3A] {strides = array<i32>} : memref<8208xi32, #tpu.memory_space<vmem>>, vector<16xi32>,
      %sub3A = arith.constant 131072 : i32
      %sub3A_942 = vector.broadcast %sub3A : i32 to vector<16xi32>
      %sub3A_943 = arith.subi %get3A_941, %sub3A_942 : vector<16xi32>
      %bitcast_convert_type3A = tpu.bitcast %sub3A_943 : vector<16xi32> -> vector<16xi32>
      %lt3A = arith.constant 16384 : i32
      %lt3A_944 = vector.broadcast %lt3A : i32 to vector<16xi32>
      %lt3A_945 = arith.cmpi ult, %bitcast_convert_type3A, %lt3A_944 : vector<16xi32>
      %mul3A_946 = arith.constant 16 : i32
      %mul3A_947 = arith.muli %add3A_938, %mul3A_946 : i32
      %add3A_948 = vector.broadcast %mul3A_947 : i32 to vector<16xi32>
      %add3A_949 = arith.addi %add3A_948, %iota3A : vector<16xi32>
      %lt3A_950 = vector.broadcast %scan3A_21#2 : i32 to vector<16xi32>
      %lt3A_951 = arith.cmpi slt, %add3A_949, %lt3A_950 : vector<16xi32>
      %and3A = arith.andi %lt3A_945, %lt3A_951 : vector<16xi1>
      %jit3A = arith.constant 0 : i32
      %broadcast_in_dim3A_952 = vector.broadcast %jit3A : i32 to vector<16xi32>
      %select_n3A = arith.select %and3A, %sub3A_943, %broadcast_in_dim3A_952 : vector<16xi1>, vector<16xi32>
      %shift_right_logical3A_953 = arith.constant 7 : i32
      %shift_right_logical3A_954 = vector.broadcast %shift_right_logical3A_953 : i32 to vector<16xi32>
      %shift_right_logical3A_955 = arith.shrui %select_n3A, %shift_right_logical3A_954 : vector<16xi32>
      %and3A_956 = arith.constant 127 : i32
      %and3A_957 = vector.broadcast %and3A_956 : i32 to vector<16xi32>
      %and3A_958 = arith.andi %select_n3A, %and3A_957 : vector<16xi32>
      tpu.vector_store_idx %arg11[%shift_right_logical3A_955, %and3A_958], %broadcast_in_dim3A_1 masked %and3A {add = true} : memref<128x128xf32, #tpu.memory_space<vmem>>[vector<16xi32>, vector<16xi32>], vector<16xf32>, vector<16xi1>
      %mul3A_959 = arith.constant 2 : i32
      %mul3A_960 = arith.muli %while3A_933, %mul3A_959 : i32
      %add3A_961 = arith.constant 1 : i32
      %add3A_962 = arith.addi %mul3A_960, %add3A_961 : i32
      %mul3A_963 = arith.constant 16 : i32
      %mul3A_964 = arith.muli %add3A_962, %mul3A_963 : i32
      %get3A_965 = arith.index_cast %mul3A_964 : i32 to index
      %get3A_966 = tpu.vector_load %arg7[%get3A_965] {strides = array<i32>} : memref<8208xi32, #tpu.memory_space<vmem>>, vector<16xi32>,
      %sub3A_967 = arith.constant 131072 : i32
      %sub3A_968 = vector.broadcast %sub3A_967 : i32 to vector<16xi32>
      %sub3A_969 = arith.subi %get3A_966, %sub3A_968 : vector<16xi32>
      %bitcast_convert_type3A_970 = tpu.bitcast %sub3A_969 : vector<16xi32> -> vector<16xi32>
      %lt3A_971 = arith.constant 16384 : i32
      %lt3A_972 = vector.broadcast %lt3A_971 : i32 to vector<16xi32>
      %lt3A_973 = arith.cmpi ult, %bitcast_convert_type3A_970, %lt3A_972 : vector<16xi32>
      %mul3A_974 = arith.constant 16 : i32
      %mul3A_975 = arith.muli %add3A_962, %mul3A_974 : i32
      %add3A_976 = vector.broadcast %mul3A_975 : i32 to vector<16xi32>
      %add3A_977 = arith.addi %add3A_976, %iota3A : vector<16xi32>
      %lt3A_978 = vector.broadcast %scan3A_21#2 : i32 to vector<16xi32>
      %lt3A_979 = arith.cmpi slt, %add3A_977, %lt3A_978 : vector<16xi32>
      %and3A_980 = arith.andi %lt3A_973, %lt3A_979 : vector<16xi1>
      %jit3A_981 = arith.constant 0 : i32
      %broadcast_in_dim3A_982 = vector.broadcast %jit3A_981 : i32 to vector<16xi32>
      %select_n3A_983 = arith.select %and3A_980, %sub3A_969, %broadcast_in_dim3A_982 : vector<16xi1>, vector<16xi32>
      %shift_right_logical3A_984 = arith.constant 7 : i32
      %shift_right_logical3A_985 = vector.broadcast %shift_right_logical3A_984 : i32 to vector<16xi32>
      %shift_right_logical3A_986 = arith.shrui %select_n3A_983, %shift_right_logical3A_985 : vector<16xi32>
      %and3A_987 = arith.constant 127 : i32
      %and3A_988 = vector.broadcast %and3A_987 : i32 to vector<16xi32>
      %and3A_989 = arith.andi %select_n3A_983, %and3A_988 : vector<16xi32>
      tpu.vector_store_idx %arg11[%shift_right_logical3A_986, %and3A_989], %broadcast_in_dim3A_1 masked %and3A_980 {add = true} : memref<128x128xf32, #tpu.memory_space<vmem>>[vector<16xi32>, vector<16xi32>], vector<16xf32>, vector<16xi1>
      %while3A_990 = arith.constant 0 : i32
      scf.yield %while3A_990 : i32
    }
    %while3A_253 = arith.constant 1 : i32
    %while3A_254 = scf.for %while3A_933 = %while3A_250 to %while3A_246 step %while3A_253 iter_args(%while3A_934 = %while3A_252) -> (i32)  : i32 {
      %mul3A_935 = arith.constant 2 : i32
      %mul3A_936 = arith.muli %while3A_933, %mul3A_935 : i32
      %add3A_937 = arith.constant 0 : i32
      %add3A_938 = arith.addi %mul3A_936, %add3A_937 : i32
      %mul3A_939 = arith.constant 16 : i32
      %mul3A_940 = arith.muli %add3A_938, %mul3A_939 : i32
      %get3A = arith.index_cast %mul3A_940 : i32 to index
      %get3A_941 = tpu.vector_load %arg7[%get3A] {strides = array<i32>} : memref<8208xi32, #tpu.memory_space<vmem>>, vector<16xi32>,
      %sub3A = arith.constant 131072 : i32
      %sub3A_942 = vector.broadcast %sub3A : i32 to vector<16xi32>
      %sub3A_943 = arith.subi %get3A_941, %sub3A_942 : vector<16xi32>
      %bitcast_convert_type3A = tpu.bitcast %sub3A_943 : vector<16xi32> -> vector<16xi32>
      %lt3A = arith.constant 16384 : i32
      %lt3A_944 = vector.broadcast %lt3A : i32 to vector<16xi32>
      %lt3A_945 = arith.cmpi ult, %bitcast_convert_type3A, %lt3A_944 : vector<16xi32>
      %mul3A_946 = arith.constant 16 : i32
      %mul3A_947 = arith.muli %add3A_938, %mul3A_946 : i32
      %add3A_948 = vector.broadcast %mul3A_947 : i32 to vector<16xi32>
      %add3A_949 = arith.addi %add3A_948, %iota3A : vector<16xi32>
      %lt3A_950 = vector.broadcast %scan3A_21#2 : i32 to vector<16xi32>
      %lt3A_951 = arith.cmpi slt, %add3A_949, %lt3A_950 : vector<16xi32>
      %and3A = arith.andi %lt3A_945, %lt3A_951 : vector<16xi1>
      %jit3A = arith.constant 0 : i32
      %broadcast_in_dim3A_952 = vector.broadcast %jit3A : i32 to vector<16xi32>
      %select_n3A = arith.select %and3A, %sub3A_943, %broadcast_in_dim3A_952 : vector<16xi1>, vector<16xi32>
      %shift_right_logical3A_953 = arith.constant 7 : i32
      %shift_right_logical3A_954 = vector.broadcast %shift_right_logical3A_953 : i32 to vector<16xi32>
      %shift_right_logical3A_955 = arith.shrui %select_n3A, %shift_right_logical3A_954 : vector<16xi32>
      %and3A_956 = arith.constant 127 : i32
      %and3A_957 = vector.broadcast %and3A_956 : i32 to vector<16xi32>
      %and3A_958 = arith.andi %select_n3A, %and3A_957 : vector<16xi32>
      tpu.vector_store_idx %arg11[%shift_right_logical3A_955, %and3A_958], %broadcast_in_dim3A_1 masked %and3A {add = true} : memref<128x128xf32, #tpu.memory_space<vmem>>[vector<16xi32>, vector<16xi32>], vector<16xf32>, vector<16xi1>
      %mul3A_959 = arith.constant 2 : i32
      %mul3A_960 = arith.muli %while3A_933, %mul3A_959 : i32
      %add3A_961 = arith.constant 1 : i32
      %add3A_962 = arith.addi %mul3A_960, %add3A_961 : i32
      %mul3A_963 = arith.constant 16 : i32
      %mul3A_964 = arith.muli %add3A_962, %mul3A_963 : i32
      %get3A_965 = arith.index_cast %mul3A_964 : i32 to index
      %get3A_966 = tpu.vector_load %arg7[%get3A_965] {strides = array<i32>} : memref<8208xi32, #tpu.memory_space<vmem>>, vector<16xi32>,
      %sub3A_967 = arith.constant 131072 : i32
      %sub3A_968 = vector.broadcast %sub3A_967 : i32 to vector<16xi32>
      %sub3A_969 = arith.subi %get3A_966, %sub3A_968 : vector<16xi32>
      %bitcast_convert_type3A_970 = tpu.bitcast %sub3A_969 : vector<16xi32> -> vector<16xi32>
      %lt3A_971 = arith.constant 16384 : i32
      %lt3A_972 = vector.broadcast %lt3A_971 : i32 to vector<16xi32>
      %lt3A_973 = arith.cmpi ult, %bitcast_convert_type3A_970, %lt3A_972 : vector<16xi32>
      %mul3A_974 = arith.constant 16 : i32
      %mul3A_975 = arith.muli %add3A_962, %mul3A_974 : i32
      %add3A_976 = vector.broadcast %mul3A_975 : i32 to vector<16xi32>
      %add3A_977 = arith.addi %add3A_976, %iota3A : vector<16xi32>
      %lt3A_978 = vector.broadcast %scan3A_21#2 : i32 to vector<16xi32>
      %lt3A_979 = arith.cmpi slt, %add3A_977, %lt3A_978 : vector<16xi32>
      %and3A_980 = arith.andi %lt3A_973, %lt3A_979 : vector<16xi1>
      %jit3A_981 = arith.constant 0 : i32
      %broadcast_in_dim3A_982 = vector.broadcast %jit3A_981 : i32 to vector<16xi32>
      %select_n3A_983 = arith.select %and3A_980, %sub3A_969, %broadcast_in_dim3A_982 : vector<16xi1>, vector<16xi32>
      %shift_right_logical3A_984 = arith.constant 7 : i32
      %shift_right_logical3A_985 = vector.broadcast %shift_right_logical3A_984 : i32 to vector<16xi32>
      %shift_right_logical3A_986 = arith.shrui %select_n3A_983, %shift_right_logical3A_985 : vector<16xi32>
      %and3A_987 = arith.constant 127 : i32
      %and3A_988 = vector.broadcast %and3A_987 : i32 to vector<16xi32>
      %and3A_989 = arith.andi %select_n3A_983, %and3A_988 : vector<16xi32>
      tpu.vector_store_idx %arg11[%shift_right_logical3A_986, %and3A_989], %broadcast_in_dim3A_1 masked %and3A_980 {add = true} : memref<128x128xf32, #tpu.memory_space<vmem>>[vector<16xi32>, vector<16xi32>], vector<16xf32>, vector<16xi1>
      %while3A_990 = arith.constant 0 : i32
      scf.yield %while3A_990 : i32
    }
    %mul3A_255 = arith.constant 2048 : i32
    %mul3A_256 = arith.muli %add3A_9, %mul3A_255 : i32
    %add3A_257 = arith.constant 1024 : i32
    %add3A_258 = arith.addi %mul3A_256, %add3A_257 : i32
    %dma_start3A_259 = arith.constant 0 : i32
    %dma_start3A_260 = tpu.memref_slice %arg3[%add3A_258, %dma_start3A_259] : memref<131072x128xf32, #tpu.memory_space<hbm>> -> memref<128x128xf32, #tpu.memory_space<hbm>>
    %dma_start3A_261 = arith.constant 0 : i32
    %dma_start3A_262 = tpu.memref_slice %arg3[%add3A_258, %dma_start3A_261] : memref<131072x128xf32, #tpu.memory_space<hbm>> -> memref<128x128xf32, #tpu.memory_space<hbm>>
    tpu.enqueue_dma source(%arg11 : memref<128x128xf32, #tpu.memory_space<vmem>>) target(%dma_start3A_262 : memref<128x128xf32, #tpu.memory_space<hbm>>) target_semaphore(%arg18 : memref<!tpu.dma_semaphore, #tpu.memory_space<semaphore_mem>>)
    %dma_wait3A_263 = arith.constant 0 : i32
    %dma_wait3A_264 = tpu.memref_slice %arg3[%add3A_230, %dma_wait3A_263] : memref<131072x128xf32, #tpu.memory_space<hbm>> -> memref<128x128xf32, #tpu.memory_space<hbm>>
    %dma_wait3A_265 = arith.constant 0 : i32
    %dma_wait3A_266 = tpu.memref_slice %arg3[%add3A_230, %dma_wait3A_265] : memref<131072x128xf32, #tpu.memory_space<hbm>> -> memref<128x128xf32, #tpu.memory_space<hbm>>
    tpu.wait_dma2 semaphore(%arg17 : memref<!tpu.dma_semaphore, #tpu.memory_space<semaphore_mem>>) src(%arg10 : memref<128x128xf32, #tpu.memory_space<vmem>>) dst(%dma_wait3A_266 : memref<128x128xf32, #tpu.memory_space<hbm>>)
    tpu.enqueue_dma source(%arg12 : memref<128x128xf32, #tpu.memory_space<vmem_shared>>) target(%arg10 : memref<128x128xf32, #tpu.memory_space<vmem>>) target_semaphore(%arg14 : memref<!tpu.dma_semaphore, #tpu.memory_space<semaphore_mem>>)
    tpu.wait_dma2 semaphore(%arg13 : memref<!tpu.dma_semaphore, #tpu.memory_space<semaphore_mem>>) src(%arg12 : memref<128x128xf32, #tpu.memory_space<vmem_shared>>) dst(%arg9 : memref<128x128xf32, #tpu.memory_space<vmem>>)
    %add3A_267 = arith.constant 31 : i32
    %add3A_268 = arith.addi %scan3A_21#2, %add3A_267 : i32
    %shift_right_logical3A_269 = arith.constant 5 : i32
    %shift_right_logical3A_270 = arith.shrui %add3A_268, %shift_right_logical3A_269 : i32
    %while3A_271 = arith.constant 0 : i32
    %while3A_272 = arith.constant 0 : i32
    %while3A_273 = arith.subi %shift_right_logical3A_270, %while3A_271 : i32
    %while3A_274 = arith.addi %while3A_271, %while3A_273 : i32
    %while3A_275 = arith.constant 1 : i32
    %while3A_276 = arith.divsi %while3A_273, %while3A_275 : i32
    %while3A_277 = arith.muli %while3A_276, %while3A_275 : i32
    %while3A_278 = arith.addi %while3A_271, %while3A_277 : i32
    %while3A_279 = arith.constant 1 : i32
    %while3A_280 = scf.for %while3A_933 = %while3A_271 to %while3A_278 step %while3A_279 iter_args(%while3A_934 = %while3A_272) -> (i32)  : i32 {
      %mul3A_935 = arith.constant 2 : i32
      %mul3A_936 = arith.muli %while3A_933, %mul3A_935 : i32
      %add3A_937 = arith.constant 0 : i32
      %add3A_938 = arith.addi %mul3A_936, %add3A_937 : i32
      %mul3A_939 = arith.constant 16 : i32
      %mul3A_940 = arith.muli %add3A_938, %mul3A_939 : i32
      %get3A = arith.index_cast %mul3A_940 : i32 to index
      %get3A_941 = tpu.vector_load %arg7[%get3A] {strides = array<i32>} : memref<8208xi32, #tpu.memory_space<vmem>>, vector<16xi32>,
      %sub3A = arith.constant 147456 : i32
      %sub3A_942 = vector.broadcast %sub3A : i32 to vector<16xi32>
      %sub3A_943 = arith.subi %get3A_941, %sub3A_942 : vector<16xi32>
      %bitcast_convert_type3A = tpu.bitcast %sub3A_943 : vector<16xi32> -> vector<16xi32>
      %lt3A = arith.constant 16384 : i32
      %lt3A_944 = vector.broadcast %lt3A : i32 to vector<16xi32>
      %lt3A_945 = arith.cmpi ult, %bitcast_convert_type3A, %lt3A_944 : vector<16xi32>
      %mul3A_946 = arith.constant 16 : i32
      %mul3A_947 = arith.muli %add3A_938, %mul3A_946 : i32
      %add3A_948 = vector.broadcast %mul3A_947 : i32 to vector<16xi32>
      %add3A_949 = arith.addi %add3A_948, %iota3A : vector<16xi32>
      %lt3A_950 = vector.broadcast %scan3A_21#2 : i32 to vector<16xi32>
      %lt3A_951 = arith.cmpi slt, %add3A_949, %lt3A_950 : vector<16xi32>
      %and3A = arith.andi %lt3A_945, %lt3A_951 : vector<16xi1>
      %jit3A = arith.constant 0 : i32
      %broadcast_in_dim3A_952 = vector.broadcast %jit3A : i32 to vector<16xi32>
      %select_n3A = arith.select %and3A, %sub3A_943, %broadcast_in_dim3A_952 : vector<16xi1>, vector<16xi32>
      %shift_right_logical3A_953 = arith.constant 7 : i32
      %shift_right_logical3A_954 = vector.broadcast %shift_right_logical3A_953 : i32 to vector<16xi32>
      %shift_right_logical3A_955 = arith.shrui %select_n3A, %shift_right_logical3A_954 : vector<16xi32>
      %and3A_956 = arith.constant 127 : i32
      %and3A_957 = vector.broadcast %and3A_956 : i32 to vector<16xi32>
      %and3A_958 = arith.andi %select_n3A, %and3A_957 : vector<16xi32>
      tpu.vector_store_idx %arg9[%shift_right_logical3A_955, %and3A_958], %broadcast_in_dim3A_1 masked %and3A {add = true} : memref<128x128xf32, #tpu.memory_space<vmem>>[vector<16xi32>, vector<16xi32>], vector<16xf32>, vector<16xi1>
      %mul3A_959 = arith.constant 2 : i32
      %mul3A_960 = arith.muli %while3A_933, %mul3A_959 : i32
      %add3A_961 = arith.constant 1 : i32
      %add3A_962 = arith.addi %mul3A_960, %add3A_961 : i32
      %mul3A_963 = arith.constant 16 : i32
      %mul3A_964 = arith.muli %add3A_962, %mul3A_963 : i32
      %get3A_965 = arith.index_cast %mul3A_964 : i32 to index
      %get3A_966 = tpu.vector_load %arg7[%get3A_965] {strides = array<i32>} : memref<8208xi32, #tpu.memory_space<vmem>>, vector<16xi32>,
      %sub3A_967 = arith.constant 147456 : i32
      %sub3A_968 = vector.broadcast %sub3A_967 : i32 to vector<16xi32>
      %sub3A_969 = arith.subi %get3A_966, %sub3A_968 : vector<16xi32>
      %bitcast_convert_type3A_970 = tpu.bitcast %sub3A_969 : vector<16xi32> -> vector<16xi32>
      %lt3A_971 = arith.constant 16384 : i32
      %lt3A_972 = vector.broadcast %lt3A_971 : i32 to vector<16xi32>
      %lt3A_973 = arith.cmpi ult, %bitcast_convert_type3A_970, %lt3A_972 : vector<16xi32>
      %mul3A_974 = arith.constant 16 : i32
      %mul3A_975 = arith.muli %add3A_962, %mul3A_974 : i32
      %add3A_976 = vector.broadcast %mul3A_975 : i32 to vector<16xi32>
      %add3A_977 = arith.addi %add3A_976, %iota3A : vector<16xi32>
      %lt3A_978 = vector.broadcast %scan3A_21#2 : i32 to vector<16xi32>
      %lt3A_979 = arith.cmpi slt, %add3A_977, %lt3A_978 : vector<16xi32>
      %and3A_980 = arith.andi %lt3A_973, %lt3A_979 : vector<16xi1>
      %jit3A_981 = arith.constant 0 : i32
      %broadcast_in_dim3A_982 = vector.broadcast %jit3A_981 : i32 to vector<16xi32>
      %select_n3A_983 = arith.select %and3A_980, %sub3A_969, %broadcast_in_dim3A_982 : vector<16xi1>, vector<16xi32>
      %shift_right_logical3A_984 = arith.constant 7 : i32
      %shift_right_logical3A_985 = vector.broadcast %shift_right_logical3A_984 : i32 to vector<16xi32>
      %shift_right_logical3A_986 = arith.shrui %select_n3A_983, %shift_right_logical3A_985 : vector<16xi32>
      %and3A_987 = arith.constant 127 : i32
      %and3A_988 = vector.broadcast %and3A_987 : i32 to vector<16xi32>
      %and3A_989 = arith.andi %select_n3A_983, %and3A_988 : vector<16xi32>
      tpu.vector_store_idx %arg9[%shift_right_logical3A_986, %and3A_989], %broadcast_in_dim3A_1 masked %and3A_980 {add = true} : memref<128x128xf32, #tpu.memory_space<vmem>>[vector<16xi32>, vector<16xi32>], vector<16xf32>, vector<16xi1>
      %while3A_990 = arith.constant 0 : i32
      scf.yield %while3A_990 : i32
    }
    %while3A_281 = arith.constant 1 : i32
    %while3A_282 = scf.for %while3A_933 = %while3A_278 to %while3A_274 step %while3A_281 iter_args(%while3A_934 = %while3A_280) -> (i32)  : i32 {
      %mul3A_935 = arith.constant 2 : i32
      %mul3A_936 = arith.muli %while3A_933, %mul3A_935 : i32
      %add3A_937 = arith.constant 0 : i32
      %add3A_938 = arith.addi %mul3A_936, %add3A_937 : i32
      %mul3A_939 = arith.constant 16 : i32
      %mul3A_940 = arith.muli %add3A_938, %mul3A_939 : i32
      %get3A = arith.index_cast %mul3A_940 : i32 to index
      %get3A_941 = tpu.vector_load %arg7[%get3A] {strides = array<i32>} : memref<8208xi32, #tpu.memory_space<vmem>>, vector<16xi32>,
      %sub3A = arith.constant 147456 : i32
      %sub3A_942 = vector.broadcast %sub3A : i32 to vector<16xi32>
      %sub3A_943 = arith.subi %get3A_941, %sub3A_942 : vector<16xi32>
      %bitcast_convert_type3A = tpu.bitcast %sub3A_943 : vector<16xi32> -> vector<16xi32>
      %lt3A = arith.constant 16384 : i32
      %lt3A_944 = vector.broadcast %lt3A : i32 to vector<16xi32>
      %lt3A_945 = arith.cmpi ult, %bitcast_convert_type3A, %lt3A_944 : vector<16xi32>
      %mul3A_946 = arith.constant 16 : i32
      %mul3A_947 = arith.muli %add3A_938, %mul3A_946 : i32
      %add3A_948 = vector.broadcast %mul3A_947 : i32 to vector<16xi32>
      %add3A_949 = arith.addi %add3A_948, %iota3A : vector<16xi32>
      %lt3A_950 = vector.broadcast %scan3A_21#2 : i32 to vector<16xi32>
      %lt3A_951 = arith.cmpi slt, %add3A_949, %lt3A_950 : vector<16xi32>
      %and3A = arith.andi %lt3A_945, %lt3A_951 : vector<16xi1>
      %jit3A = arith.constant 0 : i32
      %broadcast_in_dim3A_952 = vector.broadcast %jit3A : i32 to vector<16xi32>
      %select_n3A = arith.select %and3A, %sub3A_943, %broadcast_in_dim3A_952 : vector<16xi1>, vector<16xi32>
      %shift_right_logical3A_953 = arith.constant 7 : i32
      %shift_right_logical3A_954 = vector.broadcast %shift_right_logical3A_953 : i32 to vector<16xi32>
      %shift_right_logical3A_955 = arith.shrui %select_n3A, %shift_right_logical3A_954 : vector<16xi32>
      %and3A_956 = arith.constant 127 : i32
      %and3A_957 = vector.broadcast %and3A_956 : i32 to vector<16xi32>
      %and3A_958 = arith.andi %select_n3A, %and3A_957 : vector<16xi32>
      tpu.vector_store_idx %arg9[%shift_right_logical3A_955, %and3A_958], %broadcast_in_dim3A_1 masked %and3A {add = true} : memref<128x128xf32, #tpu.memory_space<vmem>>[vector<16xi32>, vector<16xi32>], vector<16xf32>, vector<16xi1>
      %mul3A_959 = arith.constant 2 : i32
      %mul3A_960 = arith.muli %while3A_933, %mul3A_959 : i32
      %add3A_961 = arith.constant 1 : i32
      %add3A_962 = arith.addi %mul3A_960, %add3A_961 : i32
      %mul3A_963 = arith.constant 16 : i32
      %mul3A_964 = arith.muli %add3A_962, %mul3A_963 : i32
      %get3A_965 = arith.index_cast %mul3A_964 : i32 to index
      %get3A_966 = tpu.vector_load %arg7[%get3A_965] {strides = array<i32>} : memref<8208xi32, #tpu.memory_space<vmem>>, vector<16xi32>,
      %sub3A_967 = arith.constant 147456 : i32
      %sub3A_968 = vector.broadcast %sub3A_967 : i32 to vector<16xi32>
      %sub3A_969 = arith.subi %get3A_966, %sub3A_968 : vector<16xi32>
      %bitcast_convert_type3A_970 = tpu.bitcast %sub3A_969 : vector<16xi32> -> vector<16xi32>
      %lt3A_971 = arith.constant 16384 : i32
      %lt3A_972 = vector.broadcast %lt3A_971 : i32 to vector<16xi32>
      %lt3A_973 = arith.cmpi ult, %bitcast_convert_type3A_970, %lt3A_972 : vector<16xi32>
      %mul3A_974 = arith.constant 16 : i32
      %mul3A_975 = arith.muli %add3A_962, %mul3A_974 : i32
      %add3A_976 = vector.broadcast %mul3A_975 : i32 to vector<16xi32>
      %add3A_977 = arith.addi %add3A_976, %iota3A : vector<16xi32>
      %lt3A_978 = vector.broadcast %scan3A_21#2 : i32 to vector<16xi32>
      %lt3A_979 = arith.cmpi slt, %add3A_977, %lt3A_978 : vector<16xi32>
      %and3A_980 = arith.andi %lt3A_973, %lt3A_979 : vector<16xi1>
      %jit3A_981 = arith.constant 0 : i32
      %broadcast_in_dim3A_982 = vector.broadcast %jit3A_981 : i32 to vector<16xi32>
      %select_n3A_983 = arith.select %and3A_980, %sub3A_969, %broadcast_in_dim3A_982 : vector<16xi1>, vector<16xi32>
      %shift_right_logical3A_984 = arith.constant 7 : i32
      %shift_right_logical3A_985 = vector.broadcast %shift_right_logical3A_984 : i32 to vector<16xi32>
      %shift_right_logical3A_986 = arith.shrui %select_n3A_983, %shift_right_logical3A_985 : vector<16xi32>
      %and3A_987 = arith.constant 127 : i32
      %and3A_988 = vector.broadcast %and3A_987 : i32 to vector<16xi32>
      %and3A_989 = arith.andi %select_n3A_983, %and3A_988 : vector<16xi32>
      tpu.vector_store_idx %arg9[%shift_right_logical3A_986, %and3A_989], %broadcast_in_dim3A_1 masked %and3A_980 {add = true} : memref<128x128xf32, #tpu.memory_space<vmem>>[vector<16xi32>, vector<16xi32>], vector<16xf32>, vector<16xi1>
      %while3A_990 = arith.constant 0 : i32
      scf.yield %while3A_990 : i32
    }
    %mul3A_283 = arith.constant 2048 : i32
    %mul3A_284 = arith.muli %add3A_9, %mul3A_283 : i32
    %add3A_285 = arith.constant 1152 : i32
    %add3A_286 = arith.addi %mul3A_284, %add3A_285 : i32
    %dma_start3A_287 = arith.constant 0 : i32
    %dma_start3A_288 = tpu.memref_slice %arg3[%add3A_286, %dma_start3A_287] : memref<131072x128xf32, #tpu.memory_space<hbm>> -> memref<128x128xf32, #tpu.memory_space<hbm>>
    %dma_start3A_289 = arith.constant 0 : i32
    %dma_start3A_290 = tpu.memref_slice %arg3[%add3A_286, %dma_start3A_289] : memref<131072x128xf32, #tpu.memory_space<hbm>> -> memref<128x128xf32, #tpu.memory_space<hbm>>
    tpu.enqueue_dma source(%arg9 : memref<128x128xf32, #tpu.memory_space<vmem>>) target(%dma_start3A_290 : memref<128x128xf32, #tpu.memory_space<hbm>>) target_semaphore(%arg16 : memref<!tpu.dma_semaphore, #tpu.memory_space<semaphore_mem>>)
    %dma_wait3A_291 = arith.constant 0 : i32
    %dma_wait3A_292 = tpu.memref_slice %arg3[%add3A_258, %dma_wait3A_291] : memref<131072x128xf32, #tpu.memory_space<hbm>> -> memref<128x128xf32, #tpu.memory_space<hbm>>
    %dma_wait3A_293 = arith.constant 0 : i32
    %dma_wait3A_294 = tpu.memref_slice %arg3[%add3A_258, %dma_wait3A_293] : memref<131072x128xf32, #tpu.memory_space<hbm>> -> memref<128x128xf32, #tpu.memory_space<hbm>>
    tpu.wait_dma2 semaphore(%arg18 : memref<!tpu.dma_semaphore, #tpu.memory_space<semaphore_mem>>) src(%arg11 : memref<128x128xf32, #tpu.memory_space<vmem>>) dst(%dma_wait3A_294 : memref<128x128xf32, #tpu.memory_space<hbm>>)
    tpu.enqueue_dma source(%arg12 : memref<128x128xf32, #tpu.memory_space<vmem_shared>>) target(%arg11 : memref<128x128xf32, #tpu.memory_space<vmem>>) target_semaphore(%arg15 : memref<!tpu.dma_semaphore, #tpu.memory_space<semaphore_mem>>)
    tpu.wait_dma2 semaphore(%arg14 : memref<!tpu.dma_semaphore, #tpu.memory_space<semaphore_mem>>) src(%arg12 : memref<128x128xf32, #tpu.memory_space<vmem_shared>>) dst(%arg10 : memref<128x128xf32, #tpu.memory_space<vmem>>)
    %add3A_295 = arith.constant 31 : i32
    %add3A_296 = arith.addi %scan3A_21#2, %add3A_295 : i32
    %shift_right_logical3A_297 = arith.constant 5 : i32
    %shift_right_logical3A_298 = arith.shrui %add3A_296, %shift_right_logical3A_297 : i32
    %while3A_299 = arith.constant 0 : i32
    %while3A_300 = arith.constant 0 : i32
    %while3A_301 = arith.subi %shift_right_logical3A_298, %while3A_299 : i32
    %while3A_302 = arith.addi %while3A_299, %while3A_301 : i32
    %while3A_303 = arith.constant 1 : i32
    %while3A_304 = arith.divsi %while3A_301, %while3A_303 : i32
    %while3A_305 = arith.muli %while3A_304, %while3A_303 : i32
    %while3A_306 = arith.addi %while3A_299, %while3A_305 : i32
    %while3A_307 = arith.constant 1 : i32
    %while3A_308 = scf.for %while3A_933 = %while3A_299 to %while3A_306 step %while3A_307 iter_args(%while3A_934 = %while3A_300) -> (i32)  : i32 {
      %mul3A_935 = arith.constant 2 : i32
      %mul3A_936 = arith.muli %while3A_933, %mul3A_935 : i32
      %add3A_937 = arith.constant 0 : i32
      %add3A_938 = arith.addi %mul3A_936, %add3A_937 : i32
      %mul3A_939 = arith.constant 16 : i32
      %mul3A_940 = arith.muli %add3A_938, %mul3A_939 : i32
      %get3A = arith.index_cast %mul3A_940 : i32 to index
      %get3A_941 = tpu.vector_load %arg7[%get3A] {strides = array<i32>} : memref<8208xi32, #tpu.memory_space<vmem>>, vector<16xi32>,
      %sub3A = arith.constant 163840 : i32
      %sub3A_942 = vector.broadcast %sub3A : i32 to vector<16xi32>
      %sub3A_943 = arith.subi %get3A_941, %sub3A_942 : vector<16xi32>
      %bitcast_convert_type3A = tpu.bitcast %sub3A_943 : vector<16xi32> -> vector<16xi32>
      %lt3A = arith.constant 16384 : i32
      %lt3A_944 = vector.broadcast %lt3A : i32 to vector<16xi32>
      %lt3A_945 = arith.cmpi ult, %bitcast_convert_type3A, %lt3A_944 : vector<16xi32>
      %mul3A_946 = arith.constant 16 : i32
      %mul3A_947 = arith.muli %add3A_938, %mul3A_946 : i32
      %add3A_948 = vector.broadcast %mul3A_947 : i32 to vector<16xi32>
      %add3A_949 = arith.addi %add3A_948, %iota3A : vector<16xi32>
      %lt3A_950 = vector.broadcast %scan3A_21#2 : i32 to vector<16xi32>
      %lt3A_951 = arith.cmpi slt, %add3A_949, %lt3A_950 : vector<16xi32>
      %and3A = arith.andi %lt3A_945, %lt3A_951 : vector<16xi1>
      %jit3A = arith.constant 0 : i32
      %broadcast_in_dim3A_952 = vector.broadcast %jit3A : i32 to vector<16xi32>
      %select_n3A = arith.select %and3A, %sub3A_943, %broadcast_in_dim3A_952 : vector<16xi1>, vector<16xi32>
      %shift_right_logical3A_953 = arith.constant 7 : i32
      %shift_right_logical3A_954 = vector.broadcast %shift_right_logical3A_953 : i32 to vector<16xi32>
      %shift_right_logical3A_955 = arith.shrui %select_n3A, %shift_right_logical3A_954 : vector<16xi32>
      %and3A_956 = arith.constant 127 : i32
      %and3A_957 = vector.broadcast %and3A_956 : i32 to vector<16xi32>
      %and3A_958 = arith.andi %select_n3A, %and3A_957 : vector<16xi32>
      tpu.vector_store_idx %arg10[%shift_right_logical3A_955, %and3A_958], %broadcast_in_dim3A_1 masked %and3A {add = true} : memref<128x128xf32, #tpu.memory_space<vmem>>[vector<16xi32>, vector<16xi32>], vector<16xf32>, vector<16xi1>
      %mul3A_959 = arith.constant 2 : i32
      %mul3A_960 = arith.muli %while3A_933, %mul3A_959 : i32
      %add3A_961 = arith.constant 1 : i32
      %add3A_962 = arith.addi %mul3A_960, %add3A_961 : i32
      %mul3A_963 = arith.constant 16 : i32
      %mul3A_964 = arith.muli %add3A_962, %mul3A_963 : i32
      %get3A_965 = arith.index_cast %mul3A_964 : i32 to index
      %get3A_966 = tpu.vector_load %arg7[%get3A_965] {strides = array<i32>} : memref<8208xi32, #tpu.memory_space<vmem>>, vector<16xi32>,
      %sub3A_967 = arith.constant 163840 : i32
      %sub3A_968 = vector.broadcast %sub3A_967 : i32 to vector<16xi32>
      %sub3A_969 = arith.subi %get3A_966, %sub3A_968 : vector<16xi32>
      %bitcast_convert_type3A_970 = tpu.bitcast %sub3A_969 : vector<16xi32> -> vector<16xi32>
      %lt3A_971 = arith.constant 16384 : i32
      %lt3A_972 = vector.broadcast %lt3A_971 : i32 to vector<16xi32>
      %lt3A_973 = arith.cmpi ult, %bitcast_convert_type3A_970, %lt3A_972 : vector<16xi32>
      %mul3A_974 = arith.constant 16 : i32
      %mul3A_975 = arith.muli %add3A_962, %mul3A_974 : i32
      %add3A_976 = vector.broadcast %mul3A_975 : i32 to vector<16xi32>
      %add3A_977 = arith.addi %add3A_976, %iota3A : vector<16xi32>
      %lt3A_978 = vector.broadcast %scan3A_21#2 : i32 to vector<16xi32>
      %lt3A_979 = arith.cmpi slt, %add3A_977, %lt3A_978 : vector<16xi32>
      %and3A_980 = arith.andi %lt3A_973, %lt3A_979 : vector<16xi1>
      %jit3A_981 = arith.constant 0 : i32
      %broadcast_in_dim3A_982 = vector.broadcast %jit3A_981 : i32 to vector<16xi32>
      %select_n3A_983 = arith.select %and3A_980, %sub3A_969, %broadcast_in_dim3A_982 : vector<16xi1>, vector<16xi32>
      %shift_right_logical3A_984 = arith.constant 7 : i32
      %shift_right_logical3A_985 = vector.broadcast %shift_right_logical3A_984 : i32 to vector<16xi32>
      %shift_right_logical3A_986 = arith.shrui %select_n3A_983, %shift_right_logical3A_985 : vector<16xi32>
      %and3A_987 = arith.constant 127 : i32
      %and3A_988 = vector.broadcast %and3A_987 : i32 to vector<16xi32>
      %and3A_989 = arith.andi %select_n3A_983, %and3A_988 : vector<16xi32>
      tpu.vector_store_idx %arg10[%shift_right_logical3A_986, %and3A_989], %broadcast_in_dim3A_1 masked %and3A_980 {add = true} : memref<128x128xf32, #tpu.memory_space<vmem>>[vector<16xi32>, vector<16xi32>], vector<16xf32>, vector<16xi1>
      %while3A_990 = arith.constant 0 : i32
      scf.yield %while3A_990 : i32
    }
    %while3A_309 = arith.constant 1 : i32
    %while3A_310 = scf.for %while3A_933 = %while3A_306 to %while3A_302 step %while3A_309 iter_args(%while3A_934 = %while3A_308) -> (i32)  : i32 {
      %mul3A_935 = arith.constant 2 : i32
      %mul3A_936 = arith.muli %while3A_933, %mul3A_935 : i32
      %add3A_937 = arith.constant 0 : i32
      %add3A_938 = arith.addi %mul3A_936, %add3A_937 : i32
      %mul3A_939 = arith.constant 16 : i32
      %mul3A_940 = arith.muli %add3A_938, %mul3A_939 : i32
      %get3A = arith.index_cast %mul3A_940 : i32 to index
      %get3A_941 = tpu.vector_load %arg7[%get3A] {strides = array<i32>} : memref<8208xi32, #tpu.memory_space<vmem>>, vector<16xi32>,
      %sub3A = arith.constant 163840 : i32
      %sub3A_942 = vector.broadcast %sub3A : i32 to vector<16xi32>
      %sub3A_943 = arith.subi %get3A_941, %sub3A_942 : vector<16xi32>
      %bitcast_convert_type3A = tpu.bitcast %sub3A_943 : vector<16xi32> -> vector<16xi32>
      %lt3A = arith.constant 16384 : i32
      %lt3A_944 = vector.broadcast %lt3A : i32 to vector<16xi32>
      %lt3A_945 = arith.cmpi ult, %bitcast_convert_type3A, %lt3A_944 : vector<16xi32>
      %mul3A_946 = arith.constant 16 : i32
      %mul3A_947 = arith.muli %add3A_938, %mul3A_946 : i32
      %add3A_948 = vector.broadcast %mul3A_947 : i32 to vector<16xi32>
      %add3A_949 = arith.addi %add3A_948, %iota3A : vector<16xi32>
      %lt3A_950 = vector.broadcast %scan3A_21#2 : i32 to vector<16xi32>
      %lt3A_951 = arith.cmpi slt, %add3A_949, %lt3A_950 : vector<16xi32>
      %and3A = arith.andi %lt3A_945, %lt3A_951 : vector<16xi1>
      %jit3A = arith.constant 0 : i32
      %broadcast_in_dim3A_952 = vector.broadcast %jit3A : i32 to vector<16xi32>
      %select_n3A = arith.select %and3A, %sub3A_943, %broadcast_in_dim3A_952 : vector<16xi1>, vector<16xi32>
      %shift_right_logical3A_953 = arith.constant 7 : i32
      %shift_right_logical3A_954 = vector.broadcast %shift_right_logical3A_953 : i32 to vector<16xi32>
      %shift_right_logical3A_955 = arith.shrui %select_n3A, %shift_right_logical3A_954 : vector<16xi32>
      %and3A_956 = arith.constant 127 : i32
      %and3A_957 = vector.broadcast %and3A_956 : i32 to vector<16xi32>
      %and3A_958 = arith.andi %select_n3A, %and3A_957 : vector<16xi32>
      tpu.vector_store_idx %arg10[%shift_right_logical3A_955, %and3A_958], %broadcast_in_dim3A_1 masked %and3A {add = true} : memref<128x128xf32, #tpu.memory_space<vmem>>[vector<16xi32>, vector<16xi32>], vector<16xf32>, vector<16xi1>
      %mul3A_959 = arith.constant 2 : i32
      %mul3A_960 = arith.muli %while3A_933, %mul3A_959 : i32
      %add3A_961 = arith.constant 1 : i32
      %add3A_962 = arith.addi %mul3A_960, %add3A_961 : i32
      %mul3A_963 = arith.constant 16 : i32
      %mul3A_964 = arith.muli %add3A_962, %mul3A_963 : i32
      %get3A_965 = arith.index_cast %mul3A_964 : i32 to index
      %get3A_966 = tpu.vector_load %arg7[%get3A_965] {strides = array<i32>} : memref<8208xi32, #tpu.memory_space<vmem>>, vector<16xi32>,
      %sub3A_967 = arith.constant 163840 : i32
      %sub3A_968 = vector.broadcast %sub3A_967 : i32 to vector<16xi32>
      %sub3A_969 = arith.subi %get3A_966, %sub3A_968 : vector<16xi32>
      %bitcast_convert_type3A_970 = tpu.bitcast %sub3A_969 : vector<16xi32> -> vector<16xi32>
      %lt3A_971 = arith.constant 16384 : i32
      %lt3A_972 = vector.broadcast %lt3A_971 : i32 to vector<16xi32>
      %lt3A_973 = arith.cmpi ult, %bitcast_convert_type3A_970, %lt3A_972 : vector<16xi32>
      %mul3A_974 = arith.constant 16 : i32
      %mul3A_975 = arith.muli %add3A_962, %mul3A_974 : i32
      %add3A_976 = vector.broadcast %mul3A_975 : i32 to vector<16xi32>
      %add3A_977 = arith.addi %add3A_976, %iota3A : vector<16xi32>
      %lt3A_978 = vector.broadcast %scan3A_21#2 : i32 to vector<16xi32>
      %lt3A_979 = arith.cmpi slt, %add3A_977, %lt3A_978 : vector<16xi32>
      %and3A_980 = arith.andi %lt3A_973, %lt3A_979 : vector<16xi1>
      %jit3A_981 = arith.constant 0 : i32
      %broadcast_in_dim3A_982 = vector.broadcast %jit3A_981 : i32 to vector<16xi32>
      %select_n3A_983 = arith.select %and3A_980, %sub3A_969, %broadcast_in_dim3A_982 : vector<16xi1>, vector<16xi32>
      %shift_right_logical3A_984 = arith.constant 7 : i32
      %shift_right_logical3A_985 = vector.broadcast %shift_right_logical3A_984 : i32 to vector<16xi32>
      %shift_right_logical3A_986 = arith.shrui %select_n3A_983, %shift_right_logical3A_985 : vector<16xi32>
      %and3A_987 = arith.constant 127 : i32
      %and3A_988 = vector.broadcast %and3A_987 : i32 to vector<16xi32>
      %and3A_989 = arith.andi %select_n3A_983, %and3A_988 : vector<16xi32>
      tpu.vector_store_idx %arg10[%shift_right_logical3A_986, %and3A_989], %broadcast_in_dim3A_1 masked %and3A_980 {add = true} : memref<128x128xf32, #tpu.memory_space<vmem>>[vector<16xi32>, vector<16xi32>], vector<16xf32>, vector<16xi1>
      %while3A_990 = arith.constant 0 : i32
      scf.yield %while3A_990 : i32
    }
    %mul3A_311 = arith.constant 2048 : i32
    %mul3A_312 = arith.muli %add3A_9, %mul3A_311 : i32
    %add3A_313 = arith.constant 1280 : i32
    %add3A_314 = arith.addi %mul3A_312, %add3A_313 : i32
    %dma_start3A_315 = arith.constant 0 : i32
    %dma_start3A_316 = tpu.memref_slice %arg3[%add3A_314, %dma_start3A_315] : memref<131072x128xf32, #tpu.memory_space<hbm>> -> memref<128x128xf32, #tpu.memory_space<hbm>>
    %dma_start3A_317 = arith.constant 0 : i32
    %dma_start3A_318 = tpu.memref_slice %arg3[%add3A_314, %dma_start3A_317] : memref<131072x128xf32, #tpu.memory_space<hbm>> -> memref<128x128xf32, #tpu.memory_space<hbm>>
    tpu.enqueue_dma source(%arg10 : memref<128x128xf32, #tpu.memory_space<vmem>>) target(%dma_start3A_318 : memref<128x128xf32, #tpu.memory_space<hbm>>) target_semaphore(%arg17 : memref<!tpu.dma_semaphore, #tpu.memory_space<semaphore_mem>>)
    %dma_wait3A_319 = arith.constant 0 : i32
    %dma_wait3A_320 = tpu.memref_slice %arg3[%add3A_286, %dma_wait3A_319] : memref<131072x128xf32, #tpu.memory_space<hbm>> -> memref<128x128xf32, #tpu.memory_space<hbm>>
    %dma_wait3A_321 = arith.constant 0 : i32
    %dma_wait3A_322 = tpu.memref_slice %arg3[%add3A_286, %dma_wait3A_321] : memref<131072x128xf32, #tpu.memory_space<hbm>> -> memref<128x128xf32, #tpu.memory_space<hbm>>
    tpu.wait_dma2 semaphore(%arg16 : memref<!tpu.dma_semaphore, #tpu.memory_space<semaphore_mem>>) src(%arg9 : memref<128x128xf32, #tpu.memory_space<vmem>>) dst(%dma_wait3A_322 : memref<128x128xf32, #tpu.memory_space<hbm>>)
    tpu.enqueue_dma source(%arg12 : memref<128x128xf32, #tpu.memory_space<vmem_shared>>) target(%arg9 : memref<128x128xf32, #tpu.memory_space<vmem>>) target_semaphore(%arg13 : memref<!tpu.dma_semaphore, #tpu.memory_space<semaphore_mem>>)
    tpu.wait_dma2 semaphore(%arg15 : memref<!tpu.dma_semaphore, #tpu.memory_space<semaphore_mem>>) src(%arg12 : memref<128x128xf32, #tpu.memory_space<vmem_shared>>) dst(%arg11 : memref<128x128xf32, #tpu.memory_space<vmem>>)
    %add3A_323 = arith.constant 31 : i32
    %add3A_324 = arith.addi %scan3A_21#2, %add3A_323 : i32
    %shift_right_logical3A_325 = arith.constant 5 : i32
    %shift_right_logical3A_326 = arith.shrui %add3A_324, %shift_right_logical3A_325 : i32
    %while3A_327 = arith.constant 0 : i32
    %while3A_328 = arith.constant 0 : i32
    %while3A_329 = arith.subi %shift_right_logical3A_326, %while3A_327 : i32
    %while3A_330 = arith.addi %while3A_327, %while3A_329 : i32
    %while3A_331 = arith.constant 1 : i32
    %while3A_332 = arith.divsi %while3A_329, %while3A_331 : i32
    %while3A_333 = arith.muli %while3A_332, %while3A_331 : i32
    %while3A_334 = arith.addi %while3A_327, %while3A_333 : i32
    %while3A_335 = arith.constant 1 : i32
    %while3A_336 = scf.for %while3A_933 = %while3A_327 to %while3A_334 step %while3A_335 iter_args(%while3A_934 = %while3A_328) -> (i32)  : i32 {
      %mul3A_935 = arith.constant 2 : i32
      %mul3A_936 = arith.muli %while3A_933, %mul3A_935 : i32
      %add3A_937 = arith.constant 0 : i32
      %add3A_938 = arith.addi %mul3A_936, %add3A_937 : i32
      %mul3A_939 = arith.constant 16 : i32
      %mul3A_940 = arith.muli %add3A_938, %mul3A_939 : i32
      %get3A = arith.index_cast %mul3A_940 : i32 to index
      %get3A_941 = tpu.vector_load %arg7[%get3A] {strides = array<i32>} : memref<8208xi32, #tpu.memory_space<vmem>>, vector<16xi32>,
      %sub3A = arith.constant 180224 : i32
      %sub3A_942 = vector.broadcast %sub3A : i32 to vector<16xi32>
      %sub3A_943 = arith.subi %get3A_941, %sub3A_942 : vector<16xi32>
      %bitcast_convert_type3A = tpu.bitcast %sub3A_943 : vector<16xi32> -> vector<16xi32>
      %lt3A = arith.constant 16384 : i32
      %lt3A_944 = vector.broadcast %lt3A : i32 to vector<16xi32>
      %lt3A_945 = arith.cmpi ult, %bitcast_convert_type3A, %lt3A_944 : vector<16xi32>
      %mul3A_946 = arith.constant 16 : i32
      %mul3A_947 = arith.muli %add3A_938, %mul3A_946 : i32
      %add3A_948 = vector.broadcast %mul3A_947 : i32 to vector<16xi32>
      %add3A_949 = arith.addi %add3A_948, %iota3A : vector<16xi32>
      %lt3A_950 = vector.broadcast %scan3A_21#2 : i32 to vector<16xi32>
      %lt3A_951 = arith.cmpi slt, %add3A_949, %lt3A_950 : vector<16xi32>
      %and3A = arith.andi %lt3A_945, %lt3A_951 : vector<16xi1>
      %jit3A = arith.constant 0 : i32
      %broadcast_in_dim3A_952 = vector.broadcast %jit3A : i32 to vector<16xi32>
      %select_n3A = arith.select %and3A, %sub3A_943, %broadcast_in_dim3A_952 : vector<16xi1>, vector<16xi32>
      %shift_right_logical3A_953 = arith.constant 7 : i32
      %shift_right_logical3A_954 = vector.broadcast %shift_right_logical3A_953 : i32 to vector<16xi32>
      %shift_right_logical3A_955 = arith.shrui %select_n3A, %shift_right_logical3A_954 : vector<16xi32>
      %and3A_956 = arith.constant 127 : i32
      %and3A_957 = vector.broadcast %and3A_956 : i32 to vector<16xi32>
      %and3A_958 = arith.andi %select_n3A, %and3A_957 : vector<16xi32>
      tpu.vector_store_idx %arg11[%shift_right_logical3A_955, %and3A_958], %broadcast_in_dim3A_1 masked %and3A {add = true} : memref<128x128xf32, #tpu.memory_space<vmem>>[vector<16xi32>, vector<16xi32>], vector<16xf32>, vector<16xi1>
      %mul3A_959 = arith.constant 2 : i32
      %mul3A_960 = arith.muli %while3A_933, %mul3A_959 : i32
      %add3A_961 = arith.constant 1 : i32
      %add3A_962 = arith.addi %mul3A_960, %add3A_961 : i32
      %mul3A_963 = arith.constant 16 : i32
      %mul3A_964 = arith.muli %add3A_962, %mul3A_963 : i32
      %get3A_965 = arith.index_cast %mul3A_964 : i32 to index
      %get3A_966 = tpu.vector_load %arg7[%get3A_965] {strides = array<i32>} : memref<8208xi32, #tpu.memory_space<vmem>>, vector<16xi32>,
      %sub3A_967 = arith.constant 180224 : i32
      %sub3A_968 = vector.broadcast %sub3A_967 : i32 to vector<16xi32>
      %sub3A_969 = arith.subi %get3A_966, %sub3A_968 : vector<16xi32>
      %bitcast_convert_type3A_970 = tpu.bitcast %sub3A_969 : vector<16xi32> -> vector<16xi32>
      %lt3A_971 = arith.constant 16384 : i32
      %lt3A_972 = vector.broadcast %lt3A_971 : i32 to vector<16xi32>
      %lt3A_973 = arith.cmpi ult, %bitcast_convert_type3A_970, %lt3A_972 : vector<16xi32>
      %mul3A_974 = arith.constant 16 : i32
      %mul3A_975 = arith.muli %add3A_962, %mul3A_974 : i32
      %add3A_976 = vector.broadcast %mul3A_975 : i32 to vector<16xi32>
      %add3A_977 = arith.addi %add3A_976, %iota3A : vector<16xi32>
      %lt3A_978 = vector.broadcast %scan3A_21#2 : i32 to vector<16xi32>
      %lt3A_979 = arith.cmpi slt, %add3A_977, %lt3A_978 : vector<16xi32>
      %and3A_980 = arith.andi %lt3A_973, %lt3A_979 : vector<16xi1>
      %jit3A_981 = arith.constant 0 : i32
      %broadcast_in_dim3A_982 = vector.broadcast %jit3A_981 : i32 to vector<16xi32>
      %select_n3A_983 = arith.select %and3A_980, %sub3A_969, %broadcast_in_dim3A_982 : vector<16xi1>, vector<16xi32>
      %shift_right_logical3A_984 = arith.constant 7 : i32
      %shift_right_logical3A_985 = vector.broadcast %shift_right_logical3A_984 : i32 to vector<16xi32>
      %shift_right_logical3A_986 = arith.shrui %select_n3A_983, %shift_right_logical3A_985 : vector<16xi32>
      %and3A_987 = arith.constant 127 : i32
      %and3A_988 = vector.broadcast %and3A_987 : i32 to vector<16xi32>
      %and3A_989 = arith.andi %select_n3A_983, %and3A_988 : vector<16xi32>
      tpu.vector_store_idx %arg11[%shift_right_logical3A_986, %and3A_989], %broadcast_in_dim3A_1 masked %and3A_980 {add = true} : memref<128x128xf32, #tpu.memory_space<vmem>>[vector<16xi32>, vector<16xi32>], vector<16xf32>, vector<16xi1>
      %while3A_990 = arith.constant 0 : i32
      scf.yield %while3A_990 : i32
    }
    %while3A_337 = arith.constant 1 : i32
    %while3A_338 = scf.for %while3A_933 = %while3A_334 to %while3A_330 step %while3A_337 iter_args(%while3A_934 = %while3A_336) -> (i32)  : i32 {
      %mul3A_935 = arith.constant 2 : i32
      %mul3A_936 = arith.muli %while3A_933, %mul3A_935 : i32
      %add3A_937 = arith.constant 0 : i32
      %add3A_938 = arith.addi %mul3A_936, %add3A_937 : i32
      %mul3A_939 = arith.constant 16 : i32
      %mul3A_940 = arith.muli %add3A_938, %mul3A_939 : i32
      %get3A = arith.index_cast %mul3A_940 : i32 to index
      %get3A_941 = tpu.vector_load %arg7[%get3A] {strides = array<i32>} : memref<8208xi32, #tpu.memory_space<vmem>>, vector<16xi32>,
      %sub3A = arith.constant 180224 : i32
      %sub3A_942 = vector.broadcast %sub3A : i32 to vector<16xi32>
      %sub3A_943 = arith.subi %get3A_941, %sub3A_942 : vector<16xi32>
      %bitcast_convert_type3A = tpu.bitcast %sub3A_943 : vector<16xi32> -> vector<16xi32>
      %lt3A = arith.constant 16384 : i32
      %lt3A_944 = vector.broadcast %lt3A : i32 to vector<16xi32>
      %lt3A_945 = arith.cmpi ult, %bitcast_convert_type3A, %lt3A_944 : vector<16xi32>
      %mul3A_946 = arith.constant 16 : i32
      %mul3A_947 = arith.muli %add3A_938, %mul3A_946 : i32
      %add3A_948 = vector.broadcast %mul3A_947 : i32 to vector<16xi32>
      %add3A_949 = arith.addi %add3A_948, %iota3A : vector<16xi32>
      %lt3A_950 = vector.broadcast %scan3A_21#2 : i32 to vector<16xi32>
      %lt3A_951 = arith.cmpi slt, %add3A_949, %lt3A_950 : vector<16xi32>
      %and3A = arith.andi %lt3A_945, %lt3A_951 : vector<16xi1>
      %jit3A = arith.constant 0 : i32
      %broadcast_in_dim3A_952 = vector.broadcast %jit3A : i32 to vector<16xi32>
      %select_n3A = arith.select %and3A, %sub3A_943, %broadcast_in_dim3A_952 : vector<16xi1>, vector<16xi32>
      %shift_right_logical3A_953 = arith.constant 7 : i32
      %shift_right_logical3A_954 = vector.broadcast %shift_right_logical3A_953 : i32 to vector<16xi32>
      %shift_right_logical3A_955 = arith.shrui %select_n3A, %shift_right_logical3A_954 : vector<16xi32>
      %and3A_956 = arith.constant 127 : i32
      %and3A_957 = vector.broadcast %and3A_956 : i32 to vector<16xi32>
      %and3A_958 = arith.andi %select_n3A, %and3A_957 : vector<16xi32>
      tpu.vector_store_idx %arg11[%shift_right_logical3A_955, %and3A_958], %broadcast_in_dim3A_1 masked %and3A {add = true} : memref<128x128xf32, #tpu.memory_space<vmem>>[vector<16xi32>, vector<16xi32>], vector<16xf32>, vector<16xi1>
      %mul3A_959 = arith.constant 2 : i32
      %mul3A_960 = arith.muli %while3A_933, %mul3A_959 : i32
      %add3A_961 = arith.constant 1 : i32
      %add3A_962 = arith.addi %mul3A_960, %add3A_961 : i32
      %mul3A_963 = arith.constant 16 : i32
      %mul3A_964 = arith.muli %add3A_962, %mul3A_963 : i32
      %get3A_965 = arith.index_cast %mul3A_964 : i32 to index
      %get3A_966 = tpu.vector_load %arg7[%get3A_965] {strides = array<i32>} : memref<8208xi32, #tpu.memory_space<vmem>>, vector<16xi32>,
      %sub3A_967 = arith.constant 180224 : i32
      %sub3A_968 = vector.broadcast %sub3A_967 : i32 to vector<16xi32>
      %sub3A_969 = arith.subi %get3A_966, %sub3A_968 : vector<16xi32>
      %bitcast_convert_type3A_970 = tpu.bitcast %sub3A_969 : vector<16xi32> -> vector<16xi32>
      %lt3A_971 = arith.constant 16384 : i32
      %lt3A_972 = vector.broadcast %lt3A_971 : i32 to vector<16xi32>
      %lt3A_973 = arith.cmpi ult, %bitcast_convert_type3A_970, %lt3A_972 : vector<16xi32>
      %mul3A_974 = arith.constant 16 : i32
      %mul3A_975 = arith.muli %add3A_962, %mul3A_974 : i32
      %add3A_976 = vector.broadcast %mul3A_975 : i32 to vector<16xi32>
      %add3A_977 = arith.addi %add3A_976, %iota3A : vector<16xi32>
      %lt3A_978 = vector.broadcast %scan3A_21#2 : i32 to vector<16xi32>
      %lt3A_979 = arith.cmpi slt, %add3A_977, %lt3A_978 : vector<16xi32>
      %and3A_980 = arith.andi %lt3A_973, %lt3A_979 : vector<16xi1>
      %jit3A_981 = arith.constant 0 : i32
      %broadcast_in_dim3A_982 = vector.broadcast %jit3A_981 : i32 to vector<16xi32>
      %select_n3A_983 = arith.select %and3A_980, %sub3A_969, %broadcast_in_dim3A_982 : vector<16xi1>, vector<16xi32>
      %shift_right_logical3A_984 = arith.constant 7 : i32
      %shift_right_logical3A_985 = vector.broadcast %shift_right_logical3A_984 : i32 to vector<16xi32>
      %shift_right_logical3A_986 = arith.shrui %select_n3A_983, %shift_right_logical3A_985 : vector<16xi32>
      %and3A_987 = arith.constant 127 : i32
      %and3A_988 = vector.broadcast %and3A_987 : i32 to vector<16xi32>
      %and3A_989 = arith.andi %select_n3A_983, %and3A_988 : vector<16xi32>
      tpu.vector_store_idx %arg11[%shift_right_logical3A_986, %and3A_989], %broadcast_in_dim3A_1 masked %and3A_980 {add = true} : memref<128x128xf32, #tpu.memory_space<vmem>>[vector<16xi32>, vector<16xi32>], vector<16xf32>, vector<16xi1>
      %while3A_990 = arith.constant 0 : i32
      scf.yield %while3A_990 : i32
    }
    %mul3A_339 = arith.constant 2048 : i32
    %mul3A_340 = arith.muli %add3A_9, %mul3A_339 : i32
    %add3A_341 = arith.constant 1408 : i32
    %add3A_342 = arith.addi %mul3A_340, %add3A_341 : i32
    %dma_start3A_343 = arith.constant 0 : i32
    %dma_start3A_344 = tpu.memref_slice %arg3[%add3A_342, %dma_start3A_343] : memref<131072x128xf32, #tpu.memory_space<hbm>> -> memref<128x128xf32, #tpu.memory_space<hbm>>
    %dma_start3A_345 = arith.constant 0 : i32
    %dma_start3A_346 = tpu.memref_slice %arg3[%add3A_342, %dma_start3A_345] : memref<131072x128xf32, #tpu.memory_space<hbm>> -> memref<128x128xf32, #tpu.memory_space<hbm>>
    tpu.enqueue_dma source(%arg11 : memref<128x128xf32, #tpu.memory_space<vmem>>) target(%dma_start3A_346 : memref<128x128xf32, #tpu.memory_space<hbm>>) target_semaphore(%arg18 : memref<!tpu.dma_semaphore, #tpu.memory_space<semaphore_mem>>)
    %dma_wait3A_347 = arith.constant 0 : i32
    %dma_wait3A_348 = tpu.memref_slice %arg3[%add3A_314, %dma_wait3A_347] : memref<131072x128xf32, #tpu.memory_space<hbm>> -> memref<128x128xf32, #tpu.memory_space<hbm>>
    %dma_wait3A_349 = arith.constant 0 : i32
    %dma_wait3A_350 = tpu.memref_slice %arg3[%add3A_314, %dma_wait3A_349] : memref<131072x128xf32, #tpu.memory_space<hbm>> -> memref<128x128xf32, #tpu.memory_space<hbm>>
    tpu.wait_dma2 semaphore(%arg17 : memref<!tpu.dma_semaphore, #tpu.memory_space<semaphore_mem>>) src(%arg10 : memref<128x128xf32, #tpu.memory_space<vmem>>) dst(%dma_wait3A_350 : memref<128x128xf32, #tpu.memory_space<hbm>>)
    tpu.enqueue_dma source(%arg12 : memref<128x128xf32, #tpu.memory_space<vmem_shared>>) target(%arg10 : memref<128x128xf32, #tpu.memory_space<vmem>>) target_semaphore(%arg14 : memref<!tpu.dma_semaphore, #tpu.memory_space<semaphore_mem>>)
    tpu.wait_dma2 semaphore(%arg13 : memref<!tpu.dma_semaphore, #tpu.memory_space<semaphore_mem>>) src(%arg12 : memref<128x128xf32, #tpu.memory_space<vmem_shared>>) dst(%arg9 : memref<128x128xf32, #tpu.memory_space<vmem>>)
    %add3A_351 = arith.constant 31 : i32
    %add3A_352 = arith.addi %scan3A_21#3, %add3A_351 : i32
    %shift_right_logical3A_353 = arith.constant 5 : i32
    %shift_right_logical3A_354 = arith.shrui %add3A_352, %shift_right_logical3A_353 : i32
    %while3A_355 = arith.constant 0 : i32
    %while3A_356 = arith.constant 0 : i32
    %while3A_357 = arith.subi %shift_right_logical3A_354, %while3A_355 : i32
    %while3A_358 = arith.addi %while3A_355, %while3A_357 : i32
    %while3A_359 = arith.constant 1 : i32
    %while3A_360 = arith.divsi %while3A_357, %while3A_359 : i32
    %while3A_361 = arith.muli %while3A_360, %while3A_359 : i32
    %while3A_362 = arith.addi %while3A_355, %while3A_361 : i32
    %while3A_363 = arith.constant 1 : i32
    %while3A_364 = scf.for %while3A_933 = %while3A_355 to %while3A_362 step %while3A_363 iter_args(%while3A_934 = %while3A_356) -> (i32)  : i32 {
      %mul3A_935 = arith.constant 2 : i32
      %mul3A_936 = arith.muli %while3A_933, %mul3A_935 : i32
      %add3A_937 = arith.constant 0 : i32
      %add3A_938 = arith.addi %mul3A_936, %add3A_937 : i32
      %mul3A_939 = arith.constant 16 : i32
      %mul3A_940 = arith.muli %add3A_938, %mul3A_939 : i32
      %get3A = arith.index_cast %mul3A_940 : i32 to index
      %get3A_941 = tpu.vector_load %arg8[%get3A] {strides = array<i32>} : memref<8208xi32, #tpu.memory_space<vmem>>, vector<16xi32>,
      %sub3A = arith.constant 196608 : i32
      %sub3A_942 = vector.broadcast %sub3A : i32 to vector<16xi32>
      %sub3A_943 = arith.subi %get3A_941, %sub3A_942 : vector<16xi32>
      %bitcast_convert_type3A = tpu.bitcast %sub3A_943 : vector<16xi32> -> vector<16xi32>
      %lt3A = arith.constant 16384 : i32
      %lt3A_944 = vector.broadcast %lt3A : i32 to vector<16xi32>
      %lt3A_945 = arith.cmpi ult, %bitcast_convert_type3A, %lt3A_944 : vector<16xi32>
      %mul3A_946 = arith.constant 16 : i32
      %mul3A_947 = arith.muli %add3A_938, %mul3A_946 : i32
      %add3A_948 = vector.broadcast %mul3A_947 : i32 to vector<16xi32>
      %add3A_949 = arith.addi %add3A_948, %iota3A : vector<16xi32>
      %lt3A_950 = vector.broadcast %scan3A_21#3 : i32 to vector<16xi32>
      %lt3A_951 = arith.cmpi slt, %add3A_949, %lt3A_950 : vector<16xi32>
      %and3A = arith.andi %lt3A_945, %lt3A_951 : vector<16xi1>
      %jit3A = arith.constant 0 : i32
      %broadcast_in_dim3A_952 = vector.broadcast %jit3A : i32 to vector<16xi32>
      %select_n3A = arith.select %and3A, %sub3A_943, %broadcast_in_dim3A_952 : vector<16xi1>, vector<16xi32>
      %shift_right_logical3A_953 = arith.constant 7 : i32
      %shift_right_logical3A_954 = vector.broadcast %shift_right_logical3A_953 : i32 to vector<16xi32>
      %shift_right_logical3A_955 = arith.shrui %select_n3A, %shift_right_logical3A_954 : vector<16xi32>
      %and3A_956 = arith.constant 127 : i32
      %and3A_957 = vector.broadcast %and3A_956 : i32 to vector<16xi32>
      %and3A_958 = arith.andi %select_n3A, %and3A_957 : vector<16xi32>
      tpu.vector_store_idx %arg9[%shift_right_logical3A_955, %and3A_958], %broadcast_in_dim3A_1 masked %and3A {add = true} : memref<128x128xf32, #tpu.memory_space<vmem>>[vector<16xi32>, vector<16xi32>], vector<16xf32>, vector<16xi1>
      %mul3A_959 = arith.constant 2 : i32
      %mul3A_960 = arith.muli %while3A_933, %mul3A_959 : i32
      %add3A_961 = arith.constant 1 : i32
      %add3A_962 = arith.addi %mul3A_960, %add3A_961 : i32
      %mul3A_963 = arith.constant 16 : i32
      %mul3A_964 = arith.muli %add3A_962, %mul3A_963 : i32
      %get3A_965 = arith.index_cast %mul3A_964 : i32 to index
      %get3A_966 = tpu.vector_load %arg8[%get3A_965] {strides = array<i32>} : memref<8208xi32, #tpu.memory_space<vmem>>, vector<16xi32>,
      %sub3A_967 = arith.constant 196608 : i32
      %sub3A_968 = vector.broadcast %sub3A_967 : i32 to vector<16xi32>
      %sub3A_969 = arith.subi %get3A_966, %sub3A_968 : vector<16xi32>
      %bitcast_convert_type3A_970 = tpu.bitcast %sub3A_969 : vector<16xi32> -> vector<16xi32>
      %lt3A_971 = arith.constant 16384 : i32
      %lt3A_972 = vector.broadcast %lt3A_971 : i32 to vector<16xi32>
      %lt3A_973 = arith.cmpi ult, %bitcast_convert_type3A_970, %lt3A_972 : vector<16xi32>
      %mul3A_974 = arith.constant 16 : i32
      %mul3A_975 = arith.muli %add3A_962, %mul3A_974 : i32
      %add3A_976 = vector.broadcast %mul3A_975 : i32 to vector<16xi32>
      %add3A_977 = arith.addi %add3A_976, %iota3A : vector<16xi32>
      %lt3A_978 = vector.broadcast %scan3A_21#3 : i32 to vector<16xi32>
      %lt3A_979 = arith.cmpi slt, %add3A_977, %lt3A_978 : vector<16xi32>
      %and3A_980 = arith.andi %lt3A_973, %lt3A_979 : vector<16xi1>
      %jit3A_981 = arith.constant 0 : i32
      %broadcast_in_dim3A_982 = vector.broadcast %jit3A_981 : i32 to vector<16xi32>
      %select_n3A_983 = arith.select %and3A_980, %sub3A_969, %broadcast_in_dim3A_982 : vector<16xi1>, vector<16xi32>
      %shift_right_logical3A_984 = arith.constant 7 : i32
      %shift_right_logical3A_985 = vector.broadcast %shift_right_logical3A_984 : i32 to vector<16xi32>
      %shift_right_logical3A_986 = arith.shrui %select_n3A_983, %shift_right_logical3A_985 : vector<16xi32>
      %and3A_987 = arith.constant 127 : i32
      %and3A_988 = vector.broadcast %and3A_987 : i32 to vector<16xi32>
      %and3A_989 = arith.andi %select_n3A_983, %and3A_988 : vector<16xi32>
      tpu.vector_store_idx %arg9[%shift_right_logical3A_986, %and3A_989], %broadcast_in_dim3A_1 masked %and3A_980 {add = true} : memref<128x128xf32, #tpu.memory_space<vmem>>[vector<16xi32>, vector<16xi32>], vector<16xf32>, vector<16xi1>
      %while3A_990 = arith.constant 0 : i32
      scf.yield %while3A_990 : i32
    }
    %while3A_365 = arith.constant 1 : i32
    %while3A_366 = scf.for %while3A_933 = %while3A_362 to %while3A_358 step %while3A_365 iter_args(%while3A_934 = %while3A_364) -> (i32)  : i32 {
      %mul3A_935 = arith.constant 2 : i32
      %mul3A_936 = arith.muli %while3A_933, %mul3A_935 : i32
      %add3A_937 = arith.constant 0 : i32
      %add3A_938 = arith.addi %mul3A_936, %add3A_937 : i32
      %mul3A_939 = arith.constant 16 : i32
      %mul3A_940 = arith.muli %add3A_938, %mul3A_939 : i32
      %get3A = arith.index_cast %mul3A_940 : i32 to index
      %get3A_941 = tpu.vector_load %arg8[%get3A] {strides = array<i32>} : memref<8208xi32, #tpu.memory_space<vmem>>, vector<16xi32>,
      %sub3A = arith.constant 196608 : i32
      %sub3A_942 = vector.broadcast %sub3A : i32 to vector<16xi32>
      %sub3A_943 = arith.subi %get3A_941, %sub3A_942 : vector<16xi32>
      %bitcast_convert_type3A = tpu.bitcast %sub3A_943 : vector<16xi32> -> vector<16xi32>
      %lt3A = arith.constant 16384 : i32
      %lt3A_944 = vector.broadcast %lt3A : i32 to vector<16xi32>
      %lt3A_945 = arith.cmpi ult, %bitcast_convert_type3A, %lt3A_944 : vector<16xi32>
      %mul3A_946 = arith.constant 16 : i32
      %mul3A_947 = arith.muli %add3A_938, %mul3A_946 : i32
      %add3A_948 = vector.broadcast %mul3A_947 : i32 to vector<16xi32>
      %add3A_949 = arith.addi %add3A_948, %iota3A : vector<16xi32>
      %lt3A_950 = vector.broadcast %scan3A_21#3 : i32 to vector<16xi32>
      %lt3A_951 = arith.cmpi slt, %add3A_949, %lt3A_950 : vector<16xi32>
      %and3A = arith.andi %lt3A_945, %lt3A_951 : vector<16xi1>
      %jit3A = arith.constant 0 : i32
      %broadcast_in_dim3A_952 = vector.broadcast %jit3A : i32 to vector<16xi32>
      %select_n3A = arith.select %and3A, %sub3A_943, %broadcast_in_dim3A_952 : vector<16xi1>, vector<16xi32>
      %shift_right_logical3A_953 = arith.constant 7 : i32
      %shift_right_logical3A_954 = vector.broadcast %shift_right_logical3A_953 : i32 to vector<16xi32>
      %shift_right_logical3A_955 = arith.shrui %select_n3A, %shift_right_logical3A_954 : vector<16xi32>
      %and3A_956 = arith.constant 127 : i32
      %and3A_957 = vector.broadcast %and3A_956 : i32 to vector<16xi32>
      %and3A_958 = arith.andi %select_n3A, %and3A_957 : vector<16xi32>
      tpu.vector_store_idx %arg9[%shift_right_logical3A_955, %and3A_958], %broadcast_in_dim3A_1 masked %and3A {add = true} : memref<128x128xf32, #tpu.memory_space<vmem>>[vector<16xi32>, vector<16xi32>], vector<16xf32>, vector<16xi1>
      %mul3A_959 = arith.constant 2 : i32
      %mul3A_960 = arith.muli %while3A_933, %mul3A_959 : i32
      %add3A_961 = arith.constant 1 : i32
      %add3A_962 = arith.addi %mul3A_960, %add3A_961 : i32
      %mul3A_963 = arith.constant 16 : i32
      %mul3A_964 = arith.muli %add3A_962, %mul3A_963 : i32
      %get3A_965 = arith.index_cast %mul3A_964 : i32 to index
      %get3A_966 = tpu.vector_load %arg8[%get3A_965] {strides = array<i32>} : memref<8208xi32, #tpu.memory_space<vmem>>, vector<16xi32>,
      %sub3A_967 = arith.constant 196608 : i32
      %sub3A_968 = vector.broadcast %sub3A_967 : i32 to vector<16xi32>
      %sub3A_969 = arith.subi %get3A_966, %sub3A_968 : vector<16xi32>
      %bitcast_convert_type3A_970 = tpu.bitcast %sub3A_969 : vector<16xi32> -> vector<16xi32>
      %lt3A_971 = arith.constant 16384 : i32
      %lt3A_972 = vector.broadcast %lt3A_971 : i32 to vector<16xi32>
      %lt3A_973 = arith.cmpi ult, %bitcast_convert_type3A_970, %lt3A_972 : vector<16xi32>
      %mul3A_974 = arith.constant 16 : i32
      %mul3A_975 = arith.muli %add3A_962, %mul3A_974 : i32
      %add3A_976 = vector.broadcast %mul3A_975 : i32 to vector<16xi32>
      %add3A_977 = arith.addi %add3A_976, %iota3A : vector<16xi32>
      %lt3A_978 = vector.broadcast %scan3A_21#3 : i32 to vector<16xi32>
      %lt3A_979 = arith.cmpi slt, %add3A_977, %lt3A_978 : vector<16xi32>
      %and3A_980 = arith.andi %lt3A_973, %lt3A_979 : vector<16xi1>
      %jit3A_981 = arith.constant 0 : i32
      %broadcast_in_dim3A_982 = vector.broadcast %jit3A_981 : i32 to vector<16xi32>
      %select_n3A_983 = arith.select %and3A_980, %sub3A_969, %broadcast_in_dim3A_982 : vector<16xi1>, vector<16xi32>
      %shift_right_logical3A_984 = arith.constant 7 : i32
      %shift_right_logical3A_985 = vector.broadcast %shift_right_logical3A_984 : i32 to vector<16xi32>
      %shift_right_logical3A_986 = arith.shrui %select_n3A_983, %shift_right_logical3A_985 : vector<16xi32>
      %and3A_987 = arith.constant 127 : i32
      %and3A_988 = vector.broadcast %and3A_987 : i32 to vector<16xi32>
      %and3A_989 = arith.andi %select_n3A_983, %and3A_988 : vector<16xi32>
      tpu.vector_store_idx %arg9[%shift_right_logical3A_986, %and3A_989], %broadcast_in_dim3A_1 masked %and3A_980 {add = true} : memref<128x128xf32, #tpu.memory_space<vmem>>[vector<16xi32>, vector<16xi32>], vector<16xf32>, vector<16xi1>
      %while3A_990 = arith.constant 0 : i32
      scf.yield %while3A_990 : i32
    }
    %mul3A_367 = arith.constant 2048 : i32
    %mul3A_368 = arith.muli %add3A_9, %mul3A_367 : i32
    %add3A_369 = arith.constant 1536 : i32
    %add3A_370 = arith.addi %mul3A_368, %add3A_369 : i32
    %dma_start3A_371 = arith.constant 0 : i32
    %dma_start3A_372 = tpu.memref_slice %arg3[%add3A_370, %dma_start3A_371] : memref<131072x128xf32, #tpu.memory_space<hbm>> -> memref<128x128xf32, #tpu.memory_space<hbm>>
    %dma_start3A_373 = arith.constant 0 : i32
    %dma_start3A_374 = tpu.memref_slice %arg3[%add3A_370, %dma_start3A_373] : memref<131072x128xf32, #tpu.memory_space<hbm>> -> memref<128x128xf32, #tpu.memory_space<hbm>>
    tpu.enqueue_dma source(%arg9 : memref<128x128xf32, #tpu.memory_space<vmem>>) target(%dma_start3A_374 : memref<128x128xf32, #tpu.memory_space<hbm>>) target_semaphore(%arg16 : memref<!tpu.dma_semaphore, #tpu.memory_space<semaphore_mem>>)
    %dma_wait3A_375 = arith.constant 0 : i32
    %dma_wait3A_376 = tpu.memref_slice %arg3[%add3A_342, %dma_wait3A_375] : memref<131072x128xf32, #tpu.memory_space<hbm>> -> memref<128x128xf32, #tpu.memory_space<hbm>>
    %dma_wait3A_377 = arith.constant 0 : i32
    %dma_wait3A_378 = tpu.memref_slice %arg3[%add3A_342, %dma_wait3A_377] : memref<131072x128xf32, #tpu.memory_space<hbm>> -> memref<128x128xf32, #tpu.memory_space<hbm>>
    tpu.wait_dma2 semaphore(%arg18 : memref<!tpu.dma_semaphore, #tpu.memory_space<semaphore_mem>>) src(%arg11 : memref<128x128xf32, #tpu.memory_space<vmem>>) dst(%dma_wait3A_378 : memref<128x128xf32, #tpu.memory_space<hbm>>)
    tpu.enqueue_dma source(%arg12 : memref<128x128xf32, #tpu.memory_space<vmem_shared>>) target(%arg11 : memref<128x128xf32, #tpu.memory_space<vmem>>) target_semaphore(%arg15 : memref<!tpu.dma_semaphore, #tpu.memory_space<semaphore_mem>>)
    tpu.wait_dma2 semaphore(%arg14 : memref<!tpu.dma_semaphore, #tpu.memory_space<semaphore_mem>>) src(%arg12 : memref<128x128xf32, #tpu.memory_space<vmem_shared>>) dst(%arg10 : memref<128x128xf32, #tpu.memory_space<vmem>>)
    %add3A_379 = arith.constant 31 : i32
    %add3A_380 = arith.addi %scan3A_21#3, %add3A_379 : i32
    %shift_right_logical3A_381 = arith.constant 5 : i32
    %shift_right_logical3A_382 = arith.shrui %add3A_380, %shift_right_logical3A_381 : i32
    %while3A_383 = arith.constant 0 : i32
    %while3A_384 = arith.constant 0 : i32
    %while3A_385 = arith.subi %shift_right_logical3A_382, %while3A_383 : i32
    %while3A_386 = arith.addi %while3A_383, %while3A_385 : i32
    %while3A_387 = arith.constant 1 : i32
    %while3A_388 = arith.divsi %while3A_385, %while3A_387 : i32
    %while3A_389 = arith.muli %while3A_388, %while3A_387 : i32
    %while3A_390 = arith.addi %while3A_383, %while3A_389 : i32
    %while3A_391 = arith.constant 1 : i32
    %while3A_392 = scf.for %while3A_933 = %while3A_383 to %while3A_390 step %while3A_391 iter_args(%while3A_934 = %while3A_384) -> (i32)  : i32 {
      %mul3A_935 = arith.constant 2 : i32
      %mul3A_936 = arith.muli %while3A_933, %mul3A_935 : i32
      %add3A_937 = arith.constant 0 : i32
      %add3A_938 = arith.addi %mul3A_936, %add3A_937 : i32
      %mul3A_939 = arith.constant 16 : i32
      %mul3A_940 = arith.muli %add3A_938, %mul3A_939 : i32
      %get3A = arith.index_cast %mul3A_940 : i32 to index
      %get3A_941 = tpu.vector_load %arg8[%get3A] {strides = array<i32>} : memref<8208xi32, #tpu.memory_space<vmem>>, vector<16xi32>,
      %sub3A = arith.constant 212992 : i32
      %sub3A_942 = vector.broadcast %sub3A : i32 to vector<16xi32>
      %sub3A_943 = arith.subi %get3A_941, %sub3A_942 : vector<16xi32>
      %bitcast_convert_type3A = tpu.bitcast %sub3A_943 : vector<16xi32> -> vector<16xi32>
      %lt3A = arith.constant 16384 : i32
      %lt3A_944 = vector.broadcast %lt3A : i32 to vector<16xi32>
      %lt3A_945 = arith.cmpi ult, %bitcast_convert_type3A, %lt3A_944 : vector<16xi32>
      %mul3A_946 = arith.constant 16 : i32
      %mul3A_947 = arith.muli %add3A_938, %mul3A_946 : i32
      %add3A_948 = vector.broadcast %mul3A_947 : i32 to vector<16xi32>
      %add3A_949 = arith.addi %add3A_948, %iota3A : vector<16xi32>
      %lt3A_950 = vector.broadcast %scan3A_21#3 : i32 to vector<16xi32>
      %lt3A_951 = arith.cmpi slt, %add3A_949, %lt3A_950 : vector<16xi32>
      %and3A = arith.andi %lt3A_945, %lt3A_951 : vector<16xi1>
      %jit3A = arith.constant 0 : i32
      %broadcast_in_dim3A_952 = vector.broadcast %jit3A : i32 to vector<16xi32>
      %select_n3A = arith.select %and3A, %sub3A_943, %broadcast_in_dim3A_952 : vector<16xi1>, vector<16xi32>
      %shift_right_logical3A_953 = arith.constant 7 : i32
      %shift_right_logical3A_954 = vector.broadcast %shift_right_logical3A_953 : i32 to vector<16xi32>
      %shift_right_logical3A_955 = arith.shrui %select_n3A, %shift_right_logical3A_954 : vector<16xi32>
      %and3A_956 = arith.constant 127 : i32
      %and3A_957 = vector.broadcast %and3A_956 : i32 to vector<16xi32>
      %and3A_958 = arith.andi %select_n3A, %and3A_957 : vector<16xi32>
      tpu.vector_store_idx %arg10[%shift_right_logical3A_955, %and3A_958], %broadcast_in_dim3A_1 masked %and3A {add = true} : memref<128x128xf32, #tpu.memory_space<vmem>>[vector<16xi32>, vector<16xi32>], vector<16xf32>, vector<16xi1>
      %mul3A_959 = arith.constant 2 : i32
      %mul3A_960 = arith.muli %while3A_933, %mul3A_959 : i32
      %add3A_961 = arith.constant 1 : i32
      %add3A_962 = arith.addi %mul3A_960, %add3A_961 : i32
      %mul3A_963 = arith.constant 16 : i32
      %mul3A_964 = arith.muli %add3A_962, %mul3A_963 : i32
      %get3A_965 = arith.index_cast %mul3A_964 : i32 to index
      %get3A_966 = tpu.vector_load %arg8[%get3A_965] {strides = array<i32>} : memref<8208xi32, #tpu.memory_space<vmem>>, vector<16xi32>,
      %sub3A_967 = arith.constant 212992 : i32
      %sub3A_968 = vector.broadcast %sub3A_967 : i32 to vector<16xi32>
      %sub3A_969 = arith.subi %get3A_966, %sub3A_968 : vector<16xi32>
      %bitcast_convert_type3A_970 = tpu.bitcast %sub3A_969 : vector<16xi32> -> vector<16xi32>
      %lt3A_971 = arith.constant 16384 : i32
      %lt3A_972 = vector.broadcast %lt3A_971 : i32 to vector<16xi32>
      %lt3A_973 = arith.cmpi ult, %bitcast_convert_type3A_970, %lt3A_972 : vector<16xi32>
      %mul3A_974 = arith.constant 16 : i32
      %mul3A_975 = arith.muli %add3A_962, %mul3A_974 : i32
      %add3A_976 = vector.broadcast %mul3A_975 : i32 to vector<16xi32>
      %add3A_977 = arith.addi %add3A_976, %iota3A : vector<16xi32>
      %lt3A_978 = vector.broadcast %scan3A_21#3 : i32 to vector<16xi32>
      %lt3A_979 = arith.cmpi slt, %add3A_977, %lt3A_978 : vector<16xi32>
      %and3A_980 = arith.andi %lt3A_973, %lt3A_979 : vector<16xi1>
      %jit3A_981 = arith.constant 0 : i32
      %broadcast_in_dim3A_982 = vector.broadcast %jit3A_981 : i32 to vector<16xi32>
      %select_n3A_983 = arith.select %and3A_980, %sub3A_969, %broadcast_in_dim3A_982 : vector<16xi1>, vector<16xi32>
      %shift_right_logical3A_984 = arith.constant 7 : i32
      %shift_right_logical3A_985 = vector.broadcast %shift_right_logical3A_984 : i32 to vector<16xi32>
      %shift_right_logical3A_986 = arith.shrui %select_n3A_983, %shift_right_logical3A_985 : vector<16xi32>
      %and3A_987 = arith.constant 127 : i32
      %and3A_988 = vector.broadcast %and3A_987 : i32 to vector<16xi32>
      %and3A_989 = arith.andi %select_n3A_983, %and3A_988 : vector<16xi32>
      tpu.vector_store_idx %arg10[%shift_right_logical3A_986, %and3A_989], %broadcast_in_dim3A_1 masked %and3A_980 {add = true} : memref<128x128xf32, #tpu.memory_space<vmem>>[vector<16xi32>, vector<16xi32>], vector<16xf32>, vector<16xi1>
      %while3A_990 = arith.constant 0 : i32
      scf.yield %while3A_990 : i32
    }
    %while3A_393 = arith.constant 1 : i32
    %while3A_394 = scf.for %while3A_933 = %while3A_390 to %while3A_386 step %while3A_393 iter_args(%while3A_934 = %while3A_392) -> (i32)  : i32 {
      %mul3A_935 = arith.constant 2 : i32
      %mul3A_936 = arith.muli %while3A_933, %mul3A_935 : i32
      %add3A_937 = arith.constant 0 : i32
      %add3A_938 = arith.addi %mul3A_936, %add3A_937 : i32
      %mul3A_939 = arith.constant 16 : i32
      %mul3A_940 = arith.muli %add3A_938, %mul3A_939 : i32
      %get3A = arith.index_cast %mul3A_940 : i32 to index
      %get3A_941 = tpu.vector_load %arg8[%get3A] {strides = array<i32>} : memref<8208xi32, #tpu.memory_space<vmem>>, vector<16xi32>,
      %sub3A = arith.constant 212992 : i32
      %sub3A_942 = vector.broadcast %sub3A : i32 to vector<16xi32>
      %sub3A_943 = arith.subi %get3A_941, %sub3A_942 : vector<16xi32>
      %bitcast_convert_type3A = tpu.bitcast %sub3A_943 : vector<16xi32> -> vector<16xi32>
      %lt3A = arith.constant 16384 : i32
      %lt3A_944 = vector.broadcast %lt3A : i32 to vector<16xi32>
      %lt3A_945 = arith.cmpi ult, %bitcast_convert_type3A, %lt3A_944 : vector<16xi32>
      %mul3A_946 = arith.constant 16 : i32
      %mul3A_947 = arith.muli %add3A_938, %mul3A_946 : i32
      %add3A_948 = vector.broadcast %mul3A_947 : i32 to vector<16xi32>
      %add3A_949 = arith.addi %add3A_948, %iota3A : vector<16xi32>
      %lt3A_950 = vector.broadcast %scan3A_21#3 : i32 to vector<16xi32>
      %lt3A_951 = arith.cmpi slt, %add3A_949, %lt3A_950 : vector<16xi32>
      %and3A = arith.andi %lt3A_945, %lt3A_951 : vector<16xi1>
      %jit3A = arith.constant 0 : i32
      %broadcast_in_dim3A_952 = vector.broadcast %jit3A : i32 to vector<16xi32>
      %select_n3A = arith.select %and3A, %sub3A_943, %broadcast_in_dim3A_952 : vector<16xi1>, vector<16xi32>
      %shift_right_logical3A_953 = arith.constant 7 : i32
      %shift_right_logical3A_954 = vector.broadcast %shift_right_logical3A_953 : i32 to vector<16xi32>
      %shift_right_logical3A_955 = arith.shrui %select_n3A, %shift_right_logical3A_954 : vector<16xi32>
      %and3A_956 = arith.constant 127 : i32
      %and3A_957 = vector.broadcast %and3A_956 : i32 to vector<16xi32>
      %and3A_958 = arith.andi %select_n3A, %and3A_957 : vector<16xi32>
      tpu.vector_store_idx %arg10[%shift_right_logical3A_955, %and3A_958], %broadcast_in_dim3A_1 masked %and3A {add = true} : memref<128x128xf32, #tpu.memory_space<vmem>>[vector<16xi32>, vector<16xi32>], vector<16xf32>, vector<16xi1>
      %mul3A_959 = arith.constant 2 : i32
      %mul3A_960 = arith.muli %while3A_933, %mul3A_959 : i32
      %add3A_961 = arith.constant 1 : i32
      %add3A_962 = arith.addi %mul3A_960, %add3A_961 : i32
      %mul3A_963 = arith.constant 16 : i32
      %mul3A_964 = arith.muli %add3A_962, %mul3A_963 : i32
      %get3A_965 = arith.index_cast %mul3A_964 : i32 to index
      %get3A_966 = tpu.vector_load %arg8[%get3A_965] {strides = array<i32>} : memref<8208xi32, #tpu.memory_space<vmem>>, vector<16xi32>,
      %sub3A_967 = arith.constant 212992 : i32
      %sub3A_968 = vector.broadcast %sub3A_967 : i32 to vector<16xi32>
      %sub3A_969 = arith.subi %get3A_966, %sub3A_968 : vector<16xi32>
      %bitcast_convert_type3A_970 = tpu.bitcast %sub3A_969 : vector<16xi32> -> vector<16xi32>
      %lt3A_971 = arith.constant 16384 : i32
      %lt3A_972 = vector.broadcast %lt3A_971 : i32 to vector<16xi32>
      %lt3A_973 = arith.cmpi ult, %bitcast_convert_type3A_970, %lt3A_972 : vector<16xi32>
      %mul3A_974 = arith.constant 16 : i32
      %mul3A_975 = arith.muli %add3A_962, %mul3A_974 : i32
      %add3A_976 = vector.broadcast %mul3A_975 : i32 to vector<16xi32>
      %add3A_977 = arith.addi %add3A_976, %iota3A : vector<16xi32>
      %lt3A_978 = vector.broadcast %scan3A_21#3 : i32 to vector<16xi32>
      %lt3A_979 = arith.cmpi slt, %add3A_977, %lt3A_978 : vector<16xi32>
      %and3A_980 = arith.andi %lt3A_973, %lt3A_979 : vector<16xi1>
      %jit3A_981 = arith.constant 0 : i32
      %broadcast_in_dim3A_982 = vector.broadcast %jit3A_981 : i32 to vector<16xi32>
      %select_n3A_983 = arith.select %and3A_980, %sub3A_969, %broadcast_in_dim3A_982 : vector<16xi1>, vector<16xi32>
      %shift_right_logical3A_984 = arith.constant 7 : i32
      %shift_right_logical3A_985 = vector.broadcast %shift_right_logical3A_984 : i32 to vector<16xi32>
      %shift_right_logical3A_986 = arith.shrui %select_n3A_983, %shift_right_logical3A_985 : vector<16xi32>
      %and3A_987 = arith.constant 127 : i32
      %and3A_988 = vector.broadcast %and3A_987 : i32 to vector<16xi32>
      %and3A_989 = arith.andi %select_n3A_983, %and3A_988 : vector<16xi32>
      tpu.vector_store_idx %arg10[%shift_right_logical3A_986, %and3A_989], %broadcast_in_dim3A_1 masked %and3A_980 {add = true} : memref<128x128xf32, #tpu.memory_space<vmem>>[vector<16xi32>, vector<16xi32>], vector<16xf32>, vector<16xi1>
      %while3A_990 = arith.constant 0 : i32
      scf.yield %while3A_990 : i32
    }
    %mul3A_395 = arith.constant 2048 : i32
    %mul3A_396 = arith.muli %add3A_9, %mul3A_395 : i32
    %add3A_397 = arith.constant 1664 : i32
    %add3A_398 = arith.addi %mul3A_396, %add3A_397 : i32
    %dma_start3A_399 = arith.constant 0 : i32
    %dma_start3A_400 = tpu.memref_slice %arg3[%add3A_398, %dma_start3A_399] : memref<131072x128xf32, #tpu.memory_space<hbm>> -> memref<128x128xf32, #tpu.memory_space<hbm>>
    %dma_start3A_401 = arith.constant 0 : i32
    %dma_start3A_402 = tpu.memref_slice %arg3[%add3A_398, %dma_start3A_401] : memref<131072x128xf32, #tpu.memory_space<hbm>> -> memref<128x128xf32, #tpu.memory_space<hbm>>
    tpu.enqueue_dma source(%arg10 : memref<128x128xf32, #tpu.memory_space<vmem>>) target(%dma_start3A_402 : memref<128x128xf32, #tpu.memory_space<hbm>>) target_semaphore(%arg17 : memref<!tpu.dma_semaphore, #tpu.memory_space<semaphore_mem>>)
    %dma_wait3A_403 = arith.constant 0 : i32
    %dma_wait3A_404 = tpu.memref_slice %arg3[%add3A_370, %dma_wait3A_403] : memref<131072x128xf32, #tpu.memory_space<hbm>> -> memref<128x128xf32, #tpu.memory_space<hbm>>
    %dma_wait3A_405 = arith.constant 0 : i32
    %dma_wait3A_406 = tpu.memref_slice %arg3[%add3A_370, %dma_wait3A_405] : memref<131072x128xf32, #tpu.memory_space<hbm>> -> memref<128x128xf32, #tpu.memory_space<hbm>>
    tpu.wait_dma2 semaphore(%arg16 : memref<!tpu.dma_semaphore, #tpu.memory_space<semaphore_mem>>) src(%arg9 : memref<128x128xf32, #tpu.memory_space<vmem>>) dst(%dma_wait3A_406 : memref<128x128xf32, #tpu.memory_space<hbm>>)
    tpu.enqueue_dma source(%arg12 : memref<128x128xf32, #tpu.memory_space<vmem_shared>>) target(%arg9 : memref<128x128xf32, #tpu.memory_space<vmem>>) target_semaphore(%arg13 : memref<!tpu.dma_semaphore, #tpu.memory_space<semaphore_mem>>)
    tpu.wait_dma2 semaphore(%arg15 : memref<!tpu.dma_semaphore, #tpu.memory_space<semaphore_mem>>) src(%arg12 : memref<128x128xf32, #tpu.memory_space<vmem_shared>>) dst(%arg11 : memref<128x128xf32, #tpu.memory_space<vmem>>)
    %add3A_407 = arith.constant 31 : i32
    %add3A_408 = arith.addi %scan3A_21#3, %add3A_407 : i32
    %shift_right_logical3A_409 = arith.constant 5 : i32
    %shift_right_logical3A_410 = arith.shrui %add3A_408, %shift_right_logical3A_409 : i32
    %while3A_411 = arith.constant 0 : i32
    %while3A_412 = arith.constant 0 : i32
    %while3A_413 = arith.subi %shift_right_logical3A_410, %while3A_411 : i32
    %while3A_414 = arith.addi %while3A_411, %while3A_413 : i32
    %while3A_415 = arith.constant 1 : i32
    %while3A_416 = arith.divsi %while3A_413, %while3A_415 : i32
    %while3A_417 = arith.muli %while3A_416, %while3A_415 : i32
    %while3A_418 = arith.addi %while3A_411, %while3A_417 : i32
    %while3A_419 = arith.constant 1 : i32
    %while3A_420 = scf.for %while3A_933 = %while3A_411 to %while3A_418 step %while3A_419 iter_args(%while3A_934 = %while3A_412) -> (i32)  : i32 {
      %mul3A_935 = arith.constant 2 : i32
      %mul3A_936 = arith.muli %while3A_933, %mul3A_935 : i32
      %add3A_937 = arith.constant 0 : i32
      %add3A_938 = arith.addi %mul3A_936, %add3A_937 : i32
      %mul3A_939 = arith.constant 16 : i32
      %mul3A_940 = arith.muli %add3A_938, %mul3A_939 : i32
      %get3A = arith.index_cast %mul3A_940 : i32 to index
      %get3A_941 = tpu.vector_load %arg8[%get3A] {strides = array<i32>} : memref<8208xi32, #tpu.memory_space<vmem>>, vector<16xi32>,
      %sub3A = arith.constant 229376 : i32
      %sub3A_942 = vector.broadcast %sub3A : i32 to vector<16xi32>
      %sub3A_943 = arith.subi %get3A_941, %sub3A_942 : vector<16xi32>
      %bitcast_convert_type3A = tpu.bitcast %sub3A_943 : vector<16xi32> -> vector<16xi32>
      %lt3A = arith.constant 16384 : i32
      %lt3A_944 = vector.broadcast %lt3A : i32 to vector<16xi32>
      %lt3A_945 = arith.cmpi ult, %bitcast_convert_type3A, %lt3A_944 : vector<16xi32>
      %mul3A_946 = arith.constant 16 : i32
      %mul3A_947 = arith.muli %add3A_938, %mul3A_946 : i32
      %add3A_948 = vector.broadcast %mul3A_947 : i32 to vector<16xi32>
      %add3A_949 = arith.addi %add3A_948, %iota3A : vector<16xi32>
      %lt3A_950 = vector.broadcast %scan3A_21#3 : i32 to vector<16xi32>
      %lt3A_951 = arith.cmpi slt, %add3A_949, %lt3A_950 : vector<16xi32>
      %and3A = arith.andi %lt3A_945, %lt3A_951 : vector<16xi1>
      %jit3A = arith.constant 0 : i32
      %broadcast_in_dim3A_952 = vector.broadcast %jit3A : i32 to vector<16xi32>
      %select_n3A = arith.select %and3A, %sub3A_943, %broadcast_in_dim3A_952 : vector<16xi1>, vector<16xi32>
      %shift_right_logical3A_953 = arith.constant 7 : i32
      %shift_right_logical3A_954 = vector.broadcast %shift_right_logical3A_953 : i32 to vector<16xi32>
      %shift_right_logical3A_955 = arith.shrui %select_n3A, %shift_right_logical3A_954 : vector<16xi32>
      %and3A_956 = arith.constant 127 : i32
      %and3A_957 = vector.broadcast %and3A_956 : i32 to vector<16xi32>
      %and3A_958 = arith.andi %select_n3A, %and3A_957 : vector<16xi32>
      tpu.vector_store_idx %arg11[%shift_right_logical3A_955, %and3A_958], %broadcast_in_dim3A_1 masked %and3A {add = true} : memref<128x128xf32, #tpu.memory_space<vmem>>[vector<16xi32>, vector<16xi32>], vector<16xf32>, vector<16xi1>
      %mul3A_959 = arith.constant 2 : i32
      %mul3A_960 = arith.muli %while3A_933, %mul3A_959 : i32
      %add3A_961 = arith.constant 1 : i32
      %add3A_962 = arith.addi %mul3A_960, %add3A_961 : i32
      %mul3A_963 = arith.constant 16 : i32
      %mul3A_964 = arith.muli %add3A_962, %mul3A_963 : i32
      %get3A_965 = arith.index_cast %mul3A_964 : i32 to index
      %get3A_966 = tpu.vector_load %arg8[%get3A_965] {strides = array<i32>} : memref<8208xi32, #tpu.memory_space<vmem>>, vector<16xi32>,
      %sub3A_967 = arith.constant 229376 : i32
      %sub3A_968 = vector.broadcast %sub3A_967 : i32 to vector<16xi32>
      %sub3A_969 = arith.subi %get3A_966, %sub3A_968 : vector<16xi32>
      %bitcast_convert_type3A_970 = tpu.bitcast %sub3A_969 : vector<16xi32> -> vector<16xi32>
      %lt3A_971 = arith.constant 16384 : i32
      %lt3A_972 = vector.broadcast %lt3A_971 : i32 to vector<16xi32>
      %lt3A_973 = arith.cmpi ult, %bitcast_convert_type3A_970, %lt3A_972 : vector<16xi32>
      %mul3A_974 = arith.constant 16 : i32
      %mul3A_975 = arith.muli %add3A_962, %mul3A_974 : i32
      %add3A_976 = vector.broadcast %mul3A_975 : i32 to vector<16xi32>
      %add3A_977 = arith.addi %add3A_976, %iota3A : vector<16xi32>
      %lt3A_978 = vector.broadcast %scan3A_21#3 : i32 to vector<16xi32>
      %lt3A_979 = arith.cmpi slt, %add3A_977, %lt3A_978 : vector<16xi32>
      %and3A_980 = arith.andi %lt3A_973, %lt3A_979 : vector<16xi1>
      %jit3A_981 = arith.constant 0 : i32
      %broadcast_in_dim3A_982 = vector.broadcast %jit3A_981 : i32 to vector<16xi32>
      %select_n3A_983 = arith.select %and3A_980, %sub3A_969, %broadcast_in_dim3A_982 : vector<16xi1>, vector<16xi32>
      %shift_right_logical3A_984 = arith.constant 7 : i32
      %shift_right_logical3A_985 = vector.broadcast %shift_right_logical3A_984 : i32 to vector<16xi32>
      %shift_right_logical3A_986 = arith.shrui %select_n3A_983, %shift_right_logical3A_985 : vector<16xi32>
      %and3A_987 = arith.constant 127 : i32
      %and3A_988 = vector.broadcast %and3A_987 : i32 to vector<16xi32>
      %and3A_989 = arith.andi %select_n3A_983, %and3A_988 : vector<16xi32>
      tpu.vector_store_idx %arg11[%shift_right_logical3A_986, %and3A_989], %broadcast_in_dim3A_1 masked %and3A_980 {add = true} : memref<128x128xf32, #tpu.memory_space<vmem>>[vector<16xi32>, vector<16xi32>], vector<16xf32>, vector<16xi1>
      %while3A_990 = arith.constant 0 : i32
      scf.yield %while3A_990 : i32
    }
    %while3A_421 = arith.constant 1 : i32
    %while3A_422 = scf.for %while3A_933 = %while3A_418 to %while3A_414 step %while3A_421 iter_args(%while3A_934 = %while3A_420) -> (i32)  : i32 {
      %mul3A_935 = arith.constant 2 : i32
      %mul3A_936 = arith.muli %while3A_933, %mul3A_935 : i32
      %add3A_937 = arith.constant 0 : i32
      %add3A_938 = arith.addi %mul3A_936, %add3A_937 : i32
      %mul3A_939 = arith.constant 16 : i32
      %mul3A_940 = arith.muli %add3A_938, %mul3A_939 : i32
      %get3A = arith.index_cast %mul3A_940 : i32 to index
      %get3A_941 = tpu.vector_load %arg8[%get3A] {strides = array<i32>} : memref<8208xi32, #tpu.memory_space<vmem>>, vector<16xi32>,
      %sub3A = arith.constant 229376 : i32
      %sub3A_942 = vector.broadcast %sub3A : i32 to vector<16xi32>
      %sub3A_943 = arith.subi %get3A_941, %sub3A_942 : vector<16xi32>
      %bitcast_convert_type3A = tpu.bitcast %sub3A_943 : vector<16xi32> -> vector<16xi32>
      %lt3A = arith.constant 16384 : i32
      %lt3A_944 = vector.broadcast %lt3A : i32 to vector<16xi32>
      %lt3A_945 = arith.cmpi ult, %bitcast_convert_type3A, %lt3A_944 : vector<16xi32>
      %mul3A_946 = arith.constant 16 : i32
      %mul3A_947 = arith.muli %add3A_938, %mul3A_946 : i32
      %add3A_948 = vector.broadcast %mul3A_947 : i32 to vector<16xi32>
      %add3A_949 = arith.addi %add3A_948, %iota3A : vector<16xi32>
      %lt3A_950 = vector.broadcast %scan3A_21#3 : i32 to vector<16xi32>
      %lt3A_951 = arith.cmpi slt, %add3A_949, %lt3A_950 : vector<16xi32>
      %and3A = arith.andi %lt3A_945, %lt3A_951 : vector<16xi1>
      %jit3A = arith.constant 0 : i32
      %broadcast_in_dim3A_952 = vector.broadcast %jit3A : i32 to vector<16xi32>
      %select_n3A = arith.select %and3A, %sub3A_943, %broadcast_in_dim3A_952 : vector<16xi1>, vector<16xi32>
      %shift_right_logical3A_953 = arith.constant 7 : i32
      %shift_right_logical3A_954 = vector.broadcast %shift_right_logical3A_953 : i32 to vector<16xi32>
      %shift_right_logical3A_955 = arith.shrui %select_n3A, %shift_right_logical3A_954 : vector<16xi32>
      %and3A_956 = arith.constant 127 : i32
      %and3A_957 = vector.broadcast %and3A_956 : i32 to vector<16xi32>
      %and3A_958 = arith.andi %select_n3A, %and3A_957 : vector<16xi32>
      tpu.vector_store_idx %arg11[%shift_right_logical3A_955, %and3A_958], %broadcast_in_dim3A_1 masked %and3A {add = true} : memref<128x128xf32, #tpu.memory_space<vmem>>[vector<16xi32>, vector<16xi32>], vector<16xf32>, vector<16xi1>
      %mul3A_959 = arith.constant 2 : i32
      %mul3A_960 = arith.muli %while3A_933, %mul3A_959 : i32
      %add3A_961 = arith.constant 1 : i32
      %add3A_962 = arith.addi %mul3A_960, %add3A_961 : i32
      %mul3A_963 = arith.constant 16 : i32
      %mul3A_964 = arith.muli %add3A_962, %mul3A_963 : i32
      %get3A_965 = arith.index_cast %mul3A_964 : i32 to index
      %get3A_966 = tpu.vector_load %arg8[%get3A_965] {strides = array<i32>} : memref<8208xi32, #tpu.memory_space<vmem>>, vector<16xi32>,
      %sub3A_967 = arith.constant 229376 : i32
      %sub3A_968 = vector.broadcast %sub3A_967 : i32 to vector<16xi32>
      %sub3A_969 = arith.subi %get3A_966, %sub3A_968 : vector<16xi32>
      %bitcast_convert_type3A_970 = tpu.bitcast %sub3A_969 : vector<16xi32> -> vector<16xi32>
      %lt3A_971 = arith.constant 16384 : i32
      %lt3A_972 = vector.broadcast %lt3A_971 : i32 to vector<16xi32>
      %lt3A_973 = arith.cmpi ult, %bitcast_convert_type3A_970, %lt3A_972 : vector<16xi32>
      %mul3A_974 = arith.constant 16 : i32
      %mul3A_975 = arith.muli %add3A_962, %mul3A_974 : i32
      %add3A_976 = vector.broadcast %mul3A_975 : i32 to vector<16xi32>
      %add3A_977 = arith.addi %add3A_976, %iota3A : vector<16xi32>
      %lt3A_978 = vector.broadcast %scan3A_21#3 : i32 to vector<16xi32>
      %lt3A_979 = arith.cmpi slt, %add3A_977, %lt3A_978 : vector<16xi32>
      %and3A_980 = arith.andi %lt3A_973, %lt3A_979 : vector<16xi1>
      %jit3A_981 = arith.constant 0 : i32
      %broadcast_in_dim3A_982 = vector.broadcast %jit3A_981 : i32 to vector<16xi32>
      %select_n3A_983 = arith.select %and3A_980, %sub3A_969, %broadcast_in_dim3A_982 : vector<16xi1>, vector<16xi32>
      %shift_right_logical3A_984 = arith.constant 7 : i32
      %shift_right_logical3A_985 = vector.broadcast %shift_right_logical3A_984 : i32 to vector<16xi32>
      %shift_right_logical3A_986 = arith.shrui %select_n3A_983, %shift_right_logical3A_985 : vector<16xi32>
      %and3A_987 = arith.constant 127 : i32
      %and3A_988 = vector.broadcast %and3A_987 : i32 to vector<16xi32>
      %and3A_989 = arith.andi %select_n3A_983, %and3A_988 : vector<16xi32>
      tpu.vector_store_idx %arg11[%shift_right_logical3A_986, %and3A_989], %broadcast_in_dim3A_1 masked %and3A_980 {add = true} : memref<128x128xf32, #tpu.memory_space<vmem>>[vector<16xi32>, vector<16xi32>], vector<16xf32>, vector<16xi1>
      %while3A_990 = arith.constant 0 : i32
      scf.yield %while3A_990 : i32
    }
    %mul3A_423 = arith.constant 2048 : i32
    %mul3A_424 = arith.muli %add3A_9, %mul3A_423 : i32
    %add3A_425 = arith.constant 1792 : i32
    %add3A_426 = arith.addi %mul3A_424, %add3A_425 : i32
    %dma_start3A_427 = arith.constant 0 : i32
    %dma_start3A_428 = tpu.memref_slice %arg3[%add3A_426, %dma_start3A_427] : memref<131072x128xf32, #tpu.memory_space<hbm>> -> memref<128x128xf32, #tpu.memory_space<hbm>>
    %dma_start3A_429 = arith.constant 0 : i32
    %dma_start3A_430 = tpu.memref_slice %arg3[%add3A_426, %dma_start3A_429] : memref<131072x128xf32, #tpu.memory_space<hbm>> -> memref<128x128xf32, #tpu.memory_space<hbm>>
    tpu.enqueue_dma source(%arg11 : memref<128x128xf32, #tpu.memory_space<vmem>>) target(%dma_start3A_430 : memref<128x128xf32, #tpu.memory_space<hbm>>) target_semaphore(%arg18 : memref<!tpu.dma_semaphore, #tpu.memory_space<semaphore_mem>>)
    %dma_wait3A_431 = arith.constant 0 : i32
    %dma_wait3A_432 = tpu.memref_slice %arg3[%add3A_398, %dma_wait3A_431] : memref<131072x128xf32, #tpu.memory_space<hbm>> -> memref<128x128xf32, #tpu.memory_space<hbm>>
    %dma_wait3A_433 = arith.constant 0 : i32
    %dma_wait3A_434 = tpu.memref_slice %arg3[%add3A_398, %dma_wait3A_433] : memref<131072x128xf32, #tpu.memory_space<hbm>> -> memref<128x128xf32, #tpu.memory_space<hbm>>
    tpu.wait_dma2 semaphore(%arg17 : memref<!tpu.dma_semaphore, #tpu.memory_space<semaphore_mem>>) src(%arg10 : memref<128x128xf32, #tpu.memory_space<vmem>>) dst(%dma_wait3A_434 : memref<128x128xf32, #tpu.memory_space<hbm>>)
    tpu.enqueue_dma source(%arg12 : memref<128x128xf32, #tpu.memory_space<vmem_shared>>) target(%arg10 : memref<128x128xf32, #tpu.memory_space<vmem>>) target_semaphore(%arg14 : memref<!tpu.dma_semaphore, #tpu.memory_space<semaphore_mem>>)
    tpu.wait_dma2 semaphore(%arg13 : memref<!tpu.dma_semaphore, #tpu.memory_space<semaphore_mem>>) src(%arg12 : memref<128x128xf32, #tpu.memory_space<vmem_shared>>) dst(%arg9 : memref<128x128xf32, #tpu.memory_space<vmem>>)
    %add3A_435 = arith.constant 31 : i32
    %add3A_436 = arith.addi %scan3A_21#3, %add3A_435 : i32
    %shift_right_logical3A_437 = arith.constant 5 : i32
    %shift_right_logical3A_438 = arith.shrui %add3A_436, %shift_right_logical3A_437 : i32
    %while3A_439 = arith.constant 0 : i32
    %while3A_440 = arith.constant 0 : i32
    %while3A_441 = arith.subi %shift_right_logical3A_438, %while3A_439 : i32
    %while3A_442 = arith.addi %while3A_439, %while3A_441 : i32
    %while3A_443 = arith.constant 1 : i32
    %while3A_444 = arith.divsi %while3A_441, %while3A_443 : i32
    %while3A_445 = arith.muli %while3A_444, %while3A_443 : i32
    %while3A_446 = arith.addi %while3A_439, %while3A_445 : i32
    %while3A_447 = arith.constant 1 : i32
    %while3A_448 = scf.for %while3A_933 = %while3A_439 to %while3A_446 step %while3A_447 iter_args(%while3A_934 = %while3A_440) -> (i32)  : i32 {
      %mul3A_935 = arith.constant 2 : i32
      %mul3A_936 = arith.muli %while3A_933, %mul3A_935 : i32
      %add3A_937 = arith.constant 0 : i32
      %add3A_938 = arith.addi %mul3A_936, %add3A_937 : i32
      %mul3A_939 = arith.constant 16 : i32
      %mul3A_940 = arith.muli %add3A_938, %mul3A_939 : i32
      %get3A = arith.index_cast %mul3A_940 : i32 to index
      %get3A_941 = tpu.vector_load %arg8[%get3A] {strides = array<i32>} : memref<8208xi32, #tpu.memory_space<vmem>>, vector<16xi32>,
      %sub3A = arith.constant 245760 : i32
      %sub3A_942 = vector.broadcast %sub3A : i32 to vector<16xi32>
      %sub3A_943 = arith.subi %get3A_941, %sub3A_942 : vector<16xi32>
      %bitcast_convert_type3A = tpu.bitcast %sub3A_943 : vector<16xi32> -> vector<16xi32>
      %lt3A = arith.constant 16384 : i32
      %lt3A_944 = vector.broadcast %lt3A : i32 to vector<16xi32>
      %lt3A_945 = arith.cmpi ult, %bitcast_convert_type3A, %lt3A_944 : vector<16xi32>
      %mul3A_946 = arith.constant 16 : i32
      %mul3A_947 = arith.muli %add3A_938, %mul3A_946 : i32
      %add3A_948 = vector.broadcast %mul3A_947 : i32 to vector<16xi32>
      %add3A_949 = arith.addi %add3A_948, %iota3A : vector<16xi32>
      %lt3A_950 = vector.broadcast %scan3A_21#3 : i32 to vector<16xi32>
      %lt3A_951 = arith.cmpi slt, %add3A_949, %lt3A_950 : vector<16xi32>
      %and3A = arith.andi %lt3A_945, %lt3A_951 : vector<16xi1>
      %jit3A = arith.constant 0 : i32
      %broadcast_in_dim3A_952 = vector.broadcast %jit3A : i32 to vector<16xi32>
      %select_n3A = arith.select %and3A, %sub3A_943, %broadcast_in_dim3A_952 : vector<16xi1>, vector<16xi32>
      %shift_right_logical3A_953 = arith.constant 7 : i32
      %shift_right_logical3A_954 = vector.broadcast %shift_right_logical3A_953 : i32 to vector<16xi32>
      %shift_right_logical3A_955 = arith.shrui %select_n3A, %shift_right_logical3A_954 : vector<16xi32>
      %and3A_956 = arith.constant 127 : i32
      %and3A_957 = vector.broadcast %and3A_956 : i32 to vector<16xi32>
      %and3A_958 = arith.andi %select_n3A, %and3A_957 : vector<16xi32>
      tpu.vector_store_idx %arg9[%shift_right_logical3A_955, %and3A_958], %broadcast_in_dim3A_1 masked %and3A {add = true} : memref<128x128xf32, #tpu.memory_space<vmem>>[vector<16xi32>, vector<16xi32>], vector<16xf32>, vector<16xi1>
      %mul3A_959 = arith.constant 2 : i32
      %mul3A_960 = arith.muli %while3A_933, %mul3A_959 : i32
      %add3A_961 = arith.constant 1 : i32
      %add3A_962 = arith.addi %mul3A_960, %add3A_961 : i32
      %mul3A_963 = arith.constant 16 : i32
      %mul3A_964 = arith.muli %add3A_962, %mul3A_963 : i32
      %get3A_965 = arith.index_cast %mul3A_964 : i32 to index
      %get3A_966 = tpu.vector_load %arg8[%get3A_965] {strides = array<i32>} : memref<8208xi32, #tpu.memory_space<vmem>>, vector<16xi32>,
      %sub3A_967 = arith.constant 245760 : i32
      %sub3A_968 = vector.broadcast %sub3A_967 : i32 to vector<16xi32>
      %sub3A_969 = arith.subi %get3A_966, %sub3A_968 : vector<16xi32>
      %bitcast_convert_type3A_970 = tpu.bitcast %sub3A_969 : vector<16xi32> -> vector<16xi32>
      %lt3A_971 = arith.constant 16384 : i32
      %lt3A_972 = vector.broadcast %lt3A_971 : i32 to vector<16xi32>
      %lt3A_973 = arith.cmpi ult, %bitcast_convert_type3A_970, %lt3A_972 : vector<16xi32>
      %mul3A_974 = arith.constant 16 : i32
      %mul3A_975 = arith.muli %add3A_962, %mul3A_974 : i32
      %add3A_976 = vector.broadcast %mul3A_975 : i32 to vector<16xi32>
      %add3A_977 = arith.addi %add3A_976, %iota3A : vector<16xi32>
      %lt3A_978 = vector.broadcast %scan3A_21#3 : i32 to vector<16xi32>
      %lt3A_979 = arith.cmpi slt, %add3A_977, %lt3A_978 : vector<16xi32>
      %and3A_980 = arith.andi %lt3A_973, %lt3A_979 : vector<16xi1>
      %jit3A_981 = arith.constant 0 : i32
      %broadcast_in_dim3A_982 = vector.broadcast %jit3A_981 : i32 to vector<16xi32>
      %select_n3A_983 = arith.select %and3A_980, %sub3A_969, %broadcast_in_dim3A_982 : vector<16xi1>, vector<16xi32>
      %shift_right_logical3A_984 = arith.constant 7 : i32
      %shift_right_logical3A_985 = vector.broadcast %shift_right_logical3A_984 : i32 to vector<16xi32>
      %shift_right_logical3A_986 = arith.shrui %select_n3A_983, %shift_right_logical3A_985 : vector<16xi32>
      %and3A_987 = arith.constant 127 : i32
      %and3A_988 = vector.broadcast %and3A_987 : i32 to vector<16xi32>
      %and3A_989 = arith.andi %select_n3A_983, %and3A_988 : vector<16xi32>
      tpu.vector_store_idx %arg9[%shift_right_logical3A_986, %and3A_989], %broadcast_in_dim3A_1 masked %and3A_980 {add = true} : memref<128x128xf32, #tpu.memory_space<vmem>>[vector<16xi32>, vector<16xi32>], vector<16xf32>, vector<16xi1>
      %while3A_990 = arith.constant 0 : i32
      scf.yield %while3A_990 : i32
    }
    %while3A_449 = arith.constant 1 : i32
    %while3A_450 = scf.for %while3A_933 = %while3A_446 to %while3A_442 step %while3A_449 iter_args(%while3A_934 = %while3A_448) -> (i32)  : i32 {
      %mul3A_935 = arith.constant 2 : i32
      %mul3A_936 = arith.muli %while3A_933, %mul3A_935 : i32
      %add3A_937 = arith.constant 0 : i32
      %add3A_938 = arith.addi %mul3A_936, %add3A_937 : i32
      %mul3A_939 = arith.constant 16 : i32
      %mul3A_940 = arith.muli %add3A_938, %mul3A_939 : i32
      %get3A = arith.index_cast %mul3A_940 : i32 to index
      %get3A_941 = tpu.vector_load %arg8[%get3A] {strides = array<i32>} : memref<8208xi32, #tpu.memory_space<vmem>>, vector<16xi32>,
      %sub3A = arith.constant 245760 : i32
      %sub3A_942 = vector.broadcast %sub3A : i32 to vector<16xi32>
      %sub3A_943 = arith.subi %get3A_941, %sub3A_942 : vector<16xi32>
      %bitcast_convert_type3A = tpu.bitcast %sub3A_943 : vector<16xi32> -> vector<16xi32>
      %lt3A = arith.constant 16384 : i32
      %lt3A_944 = vector.broadcast %lt3A : i32 to vector<16xi32>
      %lt3A_945 = arith.cmpi ult, %bitcast_convert_type3A, %lt3A_944 : vector<16xi32>
      %mul3A_946 = arith.constant 16 : i32
      %mul3A_947 = arith.muli %add3A_938, %mul3A_946 : i32
      %add3A_948 = vector.broadcast %mul3A_947 : i32 to vector<16xi32>
      %add3A_949 = arith.addi %add3A_948, %iota3A : vector<16xi32>
      %lt3A_950 = vector.broadcast %scan3A_21#3 : i32 to vector<16xi32>
      %lt3A_951 = arith.cmpi slt, %add3A_949, %lt3A_950 : vector<16xi32>
      %and3A = arith.andi %lt3A_945, %lt3A_951 : vector<16xi1>
      %jit3A = arith.constant 0 : i32
      %broadcast_in_dim3A_952 = vector.broadcast %jit3A : i32 to vector<16xi32>
      %select_n3A = arith.select %and3A, %sub3A_943, %broadcast_in_dim3A_952 : vector<16xi1>, vector<16xi32>
      %shift_right_logical3A_953 = arith.constant 7 : i32
      %shift_right_logical3A_954 = vector.broadcast %shift_right_logical3A_953 : i32 to vector<16xi32>
      %shift_right_logical3A_955 = arith.shrui %select_n3A, %shift_right_logical3A_954 : vector<16xi32>
      %and3A_956 = arith.constant 127 : i32
      %and3A_957 = vector.broadcast %and3A_956 : i32 to vector<16xi32>
      %and3A_958 = arith.andi %select_n3A, %and3A_957 : vector<16xi32>
      tpu.vector_store_idx %arg9[%shift_right_logical3A_955, %and3A_958], %broadcast_in_dim3A_1 masked %and3A {add = true} : memref<128x128xf32, #tpu.memory_space<vmem>>[vector<16xi32>, vector<16xi32>], vector<16xf32>, vector<16xi1>
      %mul3A_959 = arith.constant 2 : i32
      %mul3A_960 = arith.muli %while3A_933, %mul3A_959 : i32
      %add3A_961 = arith.constant 1 : i32
      %add3A_962 = arith.addi %mul3A_960, %add3A_961 : i32
      %mul3A_963 = arith.constant 16 : i32
      %mul3A_964 = arith.muli %add3A_962, %mul3A_963 : i32
      %get3A_965 = arith.index_cast %mul3A_964 : i32 to index
      %get3A_966 = tpu.vector_load %arg8[%get3A_965] {strides = array<i32>} : memref<8208xi32, #tpu.memory_space<vmem>>, vector<16xi32>,
      %sub3A_967 = arith.constant 245760 : i32
      %sub3A_968 = vector.broadcast %sub3A_967 : i32 to vector<16xi32>
      %sub3A_969 = arith.subi %get3A_966, %sub3A_968 : vector<16xi32>
      %bitcast_convert_type3A_970 = tpu.bitcast %sub3A_969 : vector<16xi32> -> vector<16xi32>
      %lt3A_971 = arith.constant 16384 : i32
      %lt3A_972 = vector.broadcast %lt3A_971 : i32 to vector<16xi32>
      %lt3A_973 = arith.cmpi ult, %bitcast_convert_type3A_970, %lt3A_972 : vector<16xi32>
      %mul3A_974 = arith.constant 16 : i32
      %mul3A_975 = arith.muli %add3A_962, %mul3A_974 : i32
      %add3A_976 = vector.broadcast %mul3A_975 : i32 to vector<16xi32>
      %add3A_977 = arith.addi %add3A_976, %iota3A : vector<16xi32>
      %lt3A_978 = vector.broadcast %scan3A_21#3 : i32 to vector<16xi32>
      %lt3A_979 = arith.cmpi slt, %add3A_977, %lt3A_978 : vector<16xi32>
      %and3A_980 = arith.andi %lt3A_973, %lt3A_979 : vector<16xi1>
      %jit3A_981 = arith.constant 0 : i32
      %broadcast_in_dim3A_982 = vector.broadcast %jit3A_981 : i32 to vector<16xi32>
      %select_n3A_983 = arith.select %and3A_980, %sub3A_969, %broadcast_in_dim3A_982 : vector<16xi1>, vector<16xi32>
      %shift_right_logical3A_984 = arith.constant 7 : i32
      %shift_right_logical3A_985 = vector.broadcast %shift_right_logical3A_984 : i32 to vector<16xi32>
      %shift_right_logical3A_986 = arith.shrui %select_n3A_983, %shift_right_logical3A_985 : vector<16xi32>
      %and3A_987 = arith.constant 127 : i32
      %and3A_988 = vector.broadcast %and3A_987 : i32 to vector<16xi32>
      %and3A_989 = arith.andi %select_n3A_983, %and3A_988 : vector<16xi32>
      tpu.vector_store_idx %arg9[%shift_right_logical3A_986, %and3A_989], %broadcast_in_dim3A_1 masked %and3A_980 {add = true} : memref<128x128xf32, #tpu.memory_space<vmem>>[vector<16xi32>, vector<16xi32>], vector<16xf32>, vector<16xi1>
      %while3A_990 = arith.constant 0 : i32
      scf.yield %while3A_990 : i32
    }
    %mul3A_451 = arith.constant 2048 : i32
    %mul3A_452 = arith.muli %add3A_9, %mul3A_451 : i32
    %add3A_453 = arith.constant 1920 : i32
    %add3A_454 = arith.addi %mul3A_452, %add3A_453 : i32
    %dma_start3A_455 = arith.constant 0 : i32
    %dma_start3A_456 = tpu.memref_slice %arg3[%add3A_454, %dma_start3A_455] : memref<131072x128xf32, #tpu.memory_space<hbm>> -> memref<128x128xf32, #tpu.memory_space<hbm>>
    %dma_start3A_457 = arith.constant 0 : i32
    %dma_start3A_458 = tpu.memref_slice %arg3[%add3A_454, %dma_start3A_457] : memref<131072x128xf32, #tpu.memory_space<hbm>> -> memref<128x128xf32, #tpu.memory_space<hbm>>
    tpu.enqueue_dma source(%arg9 : memref<128x128xf32, #tpu.memory_space<vmem>>) target(%dma_start3A_458 : memref<128x128xf32, #tpu.memory_space<hbm>>) target_semaphore(%arg16 : memref<!tpu.dma_semaphore, #tpu.memory_space<semaphore_mem>>)
    %dma_wait3A_459 = arith.constant 0 : i32
    %dma_wait3A_460 = tpu.memref_slice %arg3[%add3A_426, %dma_wait3A_459] : memref<131072x128xf32, #tpu.memory_space<hbm>> -> memref<128x128xf32, #tpu.memory_space<hbm>>
    %dma_wait3A_461 = arith.constant 0 : i32
    %dma_wait3A_462 = tpu.memref_slice %arg3[%add3A_426, %dma_wait3A_461] : memref<131072x128xf32, #tpu.memory_space<hbm>> -> memref<128x128xf32, #tpu.memory_space<hbm>>
    tpu.wait_dma2 semaphore(%arg18 : memref<!tpu.dma_semaphore, #tpu.memory_space<semaphore_mem>>) src(%arg11 : memref<128x128xf32, #tpu.memory_space<vmem>>) dst(%dma_wait3A_462 : memref<128x128xf32, #tpu.memory_space<hbm>>)
    tpu.enqueue_dma source(%arg12 : memref<128x128xf32, #tpu.memory_space<vmem_shared>>) target(%arg11 : memref<128x128xf32, #tpu.memory_space<vmem>>) target_semaphore(%arg15 : memref<!tpu.dma_semaphore, #tpu.memory_space<semaphore_mem>>)
    %mul3A_463 = arith.constant 2 : i32
    %mul3A_464 = arith.muli %add3A, %mul3A_463 : i32
    %add3A_465 = arith.constant 1 : i32
    %add3A_466 = arith.addi %mul3A_464, %add3A_465 : i32
    %mul3A_467 = arith.constant 2 : i32
    %mul3A_468 = arith.muli %add3A_466, %mul3A_467 : i32
    %mul3A_469 = arith.constant 64 : i32
    %mul3A_470 = arith.muli %mul3A_468, %mul3A_469 : i32
    "tpu.region"() ({
      %run_scoped3A = tpu.sem_alloc : memref<!tpu.dma_semaphore, #tpu.memory_space<semaphore_mem>>
      %dma_start3A_933 = arith.constant 0 : i32
      %dma_start3A_934 = tpu.memref_slice %arg2[%mul3A_470, %dma_start3A_933] : memref<8192x128xi32, #tpu.memory_space<hbm>> -> memref<128x128xi32, #tpu.memory_space<hbm>>
      %dma_start3A_935 = arith.constant 0 : i32
      %dma_start3A_936 = tpu.memref_slice %arg2[%mul3A_470, %dma_start3A_935] : memref<8192x128xi32, #tpu.memory_space<hbm>> -> memref<128x128xi32, #tpu.memory_space<hbm>>
      tpu.enqueue_dma source(%dma_start3A_936 : memref<128x128xi32, #tpu.memory_space<hbm>>) target(%arg4 : memref<128x128xi32, #tpu.memory_space<vmem>>) target_semaphore(%run_scoped3A : memref<!tpu.dma_semaphore, #tpu.memory_space<semaphore_mem>>)
      %dma_wait3A_937 = arith.constant 0 : i32
      %dma_wait3A_938 = tpu.memref_slice %arg2[%mul3A_470, %dma_wait3A_937] : memref<8192x128xi32, #tpu.memory_space<hbm>> -> memref<128x128xi32, #tpu.memory_space<hbm>>
      %dma_wait3A_939 = arith.constant 0 : i32
      %dma_wait3A_940 = tpu.memref_slice %arg2[%mul3A_470, %dma_wait3A_939] : memref<8192x128xi32, #tpu.memory_space<hbm>> -> memref<128x128xi32, #tpu.memory_space<hbm>>
      tpu.wait_dma2 semaphore(%run_scoped3A : memref<!tpu.dma_semaphore, #tpu.memory_space<semaphore_mem>>) src(%dma_wait3A_940 : memref<128x128xi32, #tpu.memory_space<hbm>>) dst(%arg4 : memref<128x128xi32, #tpu.memory_space<vmem>>)
      tpu.yield
    }) : () -> ()
    %scan3A_471 = arith.constant 0 : i32
    %scan3A_472 = arith.constant 0 : i32
    %scan3A_473 = arith.constant 0 : i32
    %scan3A_474 = arith.constant 0 : i32
    %scan3A_475 = arith.constant 0 : i32
    %scan3A_476 = arith.constant 512 : i32
    %scan3A_477 = arith.addi %scan3A_475, %scan3A_476 : i32
    %scan3A_478 = arith.constant 1 : i32
    %scan3A_479:4 = scf.for %scan3A_933 = %scan3A_475 to %scan3A_477 step %scan3A_478 iter_args(%scan3A_934 = %scan3A_471, %scan3A_935 = %scan3A_472, %scan3A_936 = %scan3A_473, %scan3A_937 = %scan3A_474) -> (i32, i32, i32, i32)  : i32 {
      %shift_right_logical3A_938 = arith.constant 3 : i32
      %shift_right_logical3A_939 = arith.shrui %scan3A_933, %shift_right_logical3A_938 : i32
      %mul3A_940 = arith.constant 2 : i32
      %mul3A_941 = arith.muli %shift_right_logical3A_939, %mul3A_940 : i32
      %and3A = arith.constant 7 : i32
      %and3A_942 = arith.andi %scan3A_933, %and3A : i32
      %mul3A_943 = arith.constant 16 : i32
      %mul3A_944 = arith.muli %and3A_942, %mul3A_943 : i32
      %get3A = arith.index_cast %mul3A_941 : i32 to index
      %get3A_945 = arith.index_cast %mul3A_944 : i32 to index
      %get3A_946 = tpu.vector_load %arg4[%get3A, %get3A_945] {strides = array<i32>} : memref<128x128xi32, #tpu.memory_space<vmem>>, vector<16xi32>,
      %add3A_947 = arith.constant 1 : i32
      %add3A_948 = arith.addi %mul3A_941, %add3A_947 : i32
      %get3A_949 = arith.index_cast %add3A_948 : i32 to index
      %get3A_950 = arith.index_cast %mul3A_944 : i32 to index
      %get3A_951 = tpu.vector_load %arg4[%get3A_949, %get3A_950] {strides = array<i32>} : memref<128x128xi32, #tpu.memory_space<vmem>>, vector<16xi32>,
      %mul3A_952 = arith.constant 512 : i32
      %mul3A_953 = vector.broadcast %mul3A_952 : i32 to vector<16xi32>
      %mul3A_954 = arith.muli %get3A_946, %mul3A_953 : vector<16xi32>
      %add3A_955 = arith.addi %mul3A_954, %get3A_951 : vector<16xi32>
      %shift_right_logical3A_956 = arith.constant 16 : i32
      %shift_right_logical3A_957 = vector.broadcast %shift_right_logical3A_956 : i32 to vector<16xi32>
      %shift_right_logical3A_958 = arith.shrui %add3A_955, %shift_right_logical3A_957 : vector<16xi32>
      %eq3A_959 = arith.constant 0 : i32
      %eq3A_960 = vector.broadcast %eq3A_959 : i32 to vector<16xi32>
      %eq3A_961 = arith.cmpi eq, %shift_right_logical3A_958, %eq3A_960 : vector<16xi32>
      %eq3A_962 = arith.constant 1 : i32
      %eq3A_963 = vector.broadcast %eq3A_962 : i32 to vector<16xi32>
      %eq3A_964 = arith.cmpi eq, %shift_right_logical3A_958, %eq3A_963 : vector<16xi32>
      %eq3A_965 = arith.constant 2 : i32
      %eq3A_966 = vector.broadcast %eq3A_965 : i32 to vector<16xi32>
      %eq3A_967 = arith.cmpi eq, %shift_right_logical3A_958, %eq3A_966 : vector<16xi32>
      %eq3A_968 = arith.constant 3 : i32
      %eq3A_969 = vector.broadcast %eq3A_968 : i32 to vector<16xi32>
      %eq3A_970 = arith.cmpi eq, %shift_right_logical3A_958, %eq3A_969 : vector<16xi32>
      %swap3A = arith.index_cast %scan3A_934 : i32 to index
      %swap3A_971 = tpu.vector_load %arg5[%swap3A] masked %eq3A_961 {strides = array<i32>} : memref<8208xi32, #tpu.memory_space<vmem>>, vector<16xi32>, vector<16xi1>
      tpu.vector_store %arg5[%swap3A], %add3A_955 masked %eq3A_961 {strides = array<i32>} : memref<8208xi32, #tpu.memory_space<vmem>>, vector<16xi32>, vector<16xi1>
      %swap3A_972 = arith.index_cast %scan3A_935 : i32 to index
      %swap3A_973 = tpu.vector_load %arg6[%swap3A_972] masked %eq3A_964 {strides = array<i32>} : memref<8208xi32, #tpu.memory_space<vmem>>, vector<16xi32>, vector<16xi1>
      tpu.vector_store %arg6[%swap3A_972], %add3A_955 masked %eq3A_964 {strides = array<i32>} : memref<8208xi32, #tpu.memory_space<vmem>>, vector<16xi32>, vector<16xi1>
      %swap3A_974 = arith.index_cast %scan3A_936 : i32 to index
      %swap3A_975 = tpu.vector_load %arg7[%swap3A_974] masked %eq3A_967 {strides = array<i32>} : memref<8208xi32, #tpu.memory_space<vmem>>, vector<16xi32>, vector<16xi1>
      tpu.vector_store %arg7[%swap3A_974], %add3A_955 masked %eq3A_967 {strides = array<i32>} : memref<8208xi32, #tpu.memory_space<vmem>>, vector<16xi32>, vector<16xi1>
      %swap3A_976 = arith.index_cast %scan3A_937 : i32 to index
      %swap3A_977 = tpu.vector_load %arg8[%swap3A_976] masked %eq3A_970 {strides = array<i32>} : memref<8208xi32, #tpu.memory_space<vmem>>, vector<16xi32>, vector<16xi1>
      tpu.vector_store %arg8[%swap3A_976], %add3A_955 masked %eq3A_970 {strides = array<i32>} : memref<8208xi32, #tpu.memory_space<vmem>>, vector<16xi32>, vector<16xi1>
      %all_reduce_population_count3A = tpu.all_reduce %eq3A_961 {dim = 0 : i64, kind = #tpu.reduction_kind<sum>} : vector<16xi1> -> vector<16xi32>
      %slice3A = vector.extract_strided_slice %all_reduce_population_count3A {offsets = [0], sizes = [1], strides = [1]} : vector<16xi32> to vector<1xi32>
      %squeeze3A = vector.extract %slice3A[0] : i32 from vector<1xi32>
      %all_reduce_population_count3A_978 = tpu.all_reduce %eq3A_964 {dim = 0 : i64, kind = #tpu.reduction_kind<sum>} : vector<16xi1> -> vector<16xi32>
      %slice3A_979 = vector.extract_strided_slice %all_reduce_population_count3A_978 {offsets = [0], sizes = [1], strides = [1]} : vector<16xi32> to vector<1xi32>
      %squeeze3A_980 = vector.extract %slice3A_979[0] : i32 from vector<1xi32>
      %all_reduce_population_count3A_981 = tpu.all_reduce %eq3A_967 {dim = 0 : i64, kind = #tpu.reduction_kind<sum>} : vector<16xi1> -> vector<16xi32>
      %slice3A_982 = vector.extract_strided_slice %all_reduce_population_count3A_981 {offsets = [0], sizes = [1], strides = [1]} : vector<16xi32> to vector<1xi32>
      %squeeze3A_983 = vector.extract %slice3A_982[0] : i32 from vector<1xi32>
      %add3A_984 = arith.addi %scan3A_934, %squeeze3A : i32
      %add3A_985 = arith.addi %scan3A_935, %squeeze3A_980 : i32
      %add3A_986 = arith.addi %scan3A_936, %squeeze3A_983 : i32
      %add3A_987 = arith.constant 1 : i32
      %add3A_988 = arith.addi %scan3A_933, %add3A_987 : i32
      %mul3A_989 = arith.constant 16 : i32
      %mul3A_990 = arith.muli %add3A_988, %mul3A_989 : i32
      %sub3A = arith.subi %mul3A_990, %add3A_984 : i32
      %sub3A_991 = arith.subi %sub3A, %add3A_985 : i32
      %sub3A_992 = arith.subi %sub3A_991, %add3A_986 : i32
      scf.yield %add3A_984, %add3A_985, %add3A_986, %sub3A_992 : i32, i32, i32, i32
    }
    %scan3A_480 = arith.constant 512 : i32
    tpu.wait_dma2 semaphore(%arg14 : memref<!tpu.dma_semaphore, #tpu.memory_space<semaphore_mem>>) src(%arg12 : memref<128x128xf32, #tpu.memory_space<vmem_shared>>) dst(%arg10 : memref<128x128xf32, #tpu.memory_space<vmem>>)
    %add3A_481 = arith.constant 31 : i32
    %add3A_482 = arith.addi %scan3A_479#0, %add3A_481 : i32
    %shift_right_logical3A_483 = arith.constant 5 : i32
    %shift_right_logical3A_484 = arith.shrui %add3A_482, %shift_right_logical3A_483 : i32
    %while3A_485 = arith.constant 0 : i32
    %while3A_486 = arith.constant 0 : i32
    %while3A_487 = arith.subi %shift_right_logical3A_484, %while3A_485 : i32
    %while3A_488 = arith.addi %while3A_485, %while3A_487 : i32
    %while3A_489 = arith.constant 1 : i32
    %while3A_490 = arith.divsi %while3A_487, %while3A_489 : i32
    %while3A_491 = arith.muli %while3A_490, %while3A_489 : i32
    %while3A_492 = arith.addi %while3A_485, %while3A_491 : i32
    %while3A_493 = arith.constant 1 : i32
    %while3A_494 = scf.for %while3A_933 = %while3A_485 to %while3A_492 step %while3A_493 iter_args(%while3A_934 = %while3A_486) -> (i32)  : i32 {
      %mul3A_935 = arith.constant 2 : i32
      %mul3A_936 = arith.muli %while3A_933, %mul3A_935 : i32
      %add3A_937 = arith.constant 0 : i32
      %add3A_938 = arith.addi %mul3A_936, %add3A_937 : i32
      %mul3A_939 = arith.constant 16 : i32
      %mul3A_940 = arith.muli %add3A_938, %mul3A_939 : i32
      %get3A = arith.index_cast %mul3A_940 : i32 to index
      %get3A_941 = tpu.vector_load %arg5[%get3A] {strides = array<i32>} : memref<8208xi32, #tpu.memory_space<vmem>>, vector<16xi32>,
      %sub3A = arith.constant 0 : i32
      %sub3A_942 = vector.broadcast %sub3A : i32 to vector<16xi32>
      %sub3A_943 = arith.subi %get3A_941, %sub3A_942 : vector<16xi32>
      %bitcast_convert_type3A = tpu.bitcast %sub3A_943 : vector<16xi32> -> vector<16xi32>
      %lt3A = arith.constant 16384 : i32
      %lt3A_944 = vector.broadcast %lt3A : i32 to vector<16xi32>
      %lt3A_945 = arith.cmpi ult, %bitcast_convert_type3A, %lt3A_944 : vector<16xi32>
      %mul3A_946 = arith.constant 16 : i32
      %mul3A_947 = arith.muli %add3A_938, %mul3A_946 : i32
      %add3A_948 = vector.broadcast %mul3A_947 : i32 to vector<16xi32>
      %add3A_949 = arith.addi %add3A_948, %iota3A : vector<16xi32>
      %lt3A_950 = vector.broadcast %scan3A_479#0 : i32 to vector<16xi32>
      %lt3A_951 = arith.cmpi slt, %add3A_949, %lt3A_950 : vector<16xi32>
      %and3A = arith.andi %lt3A_945, %lt3A_951 : vector<16xi1>
      %jit3A = arith.constant 0 : i32
      %broadcast_in_dim3A_952 = vector.broadcast %jit3A : i32 to vector<16xi32>
      %select_n3A = arith.select %and3A, %sub3A_943, %broadcast_in_dim3A_952 : vector<16xi1>, vector<16xi32>
      %shift_right_logical3A_953 = arith.constant 7 : i32
      %shift_right_logical3A_954 = vector.broadcast %shift_right_logical3A_953 : i32 to vector<16xi32>
      %shift_right_logical3A_955 = arith.shrui %select_n3A, %shift_right_logical3A_954 : vector<16xi32>
      %and3A_956 = arith.constant 127 : i32
      %and3A_957 = vector.broadcast %and3A_956 : i32 to vector<16xi32>
      %and3A_958 = arith.andi %select_n3A, %and3A_957 : vector<16xi32>
      tpu.vector_store_idx %arg10[%shift_right_logical3A_955, %and3A_958], %broadcast_in_dim3A_1 masked %and3A {add = true} : memref<128x128xf32, #tpu.memory_space<vmem>>[vector<16xi32>, vector<16xi32>], vector<16xf32>, vector<16xi1>
      %mul3A_959 = arith.constant 2 : i32
      %mul3A_960 = arith.muli %while3A_933, %mul3A_959 : i32
      %add3A_961 = arith.constant 1 : i32
      %add3A_962 = arith.addi %mul3A_960, %add3A_961 : i32
      %mul3A_963 = arith.constant 16 : i32
      %mul3A_964 = arith.muli %add3A_962, %mul3A_963 : i32
      %get3A_965 = arith.index_cast %mul3A_964 : i32 to index
      %get3A_966 = tpu.vector_load %arg5[%get3A_965] {strides = array<i32>} : memref<8208xi32, #tpu.memory_space<vmem>>, vector<16xi32>,
      %sub3A_967 = arith.constant 0 : i32
      %sub3A_968 = vector.broadcast %sub3A_967 : i32 to vector<16xi32>
      %sub3A_969 = arith.subi %get3A_966, %sub3A_968 : vector<16xi32>
      %bitcast_convert_type3A_970 = tpu.bitcast %sub3A_969 : vector<16xi32> -> vector<16xi32>
      %lt3A_971 = arith.constant 16384 : i32
      %lt3A_972 = vector.broadcast %lt3A_971 : i32 to vector<16xi32>
      %lt3A_973 = arith.cmpi ult, %bitcast_convert_type3A_970, %lt3A_972 : vector<16xi32>
      %mul3A_974 = arith.constant 16 : i32
      %mul3A_975 = arith.muli %add3A_962, %mul3A_974 : i32
      %add3A_976 = vector.broadcast %mul3A_975 : i32 to vector<16xi32>
      %add3A_977 = arith.addi %add3A_976, %iota3A : vector<16xi32>
      %lt3A_978 = vector.broadcast %scan3A_479#0 : i32 to vector<16xi32>
      %lt3A_979 = arith.cmpi slt, %add3A_977, %lt3A_978 : vector<16xi32>
      %and3A_980 = arith.andi %lt3A_973, %lt3A_979 : vector<16xi1>
      %jit3A_981 = arith.constant 0 : i32
      %broadcast_in_dim3A_982 = vector.broadcast %jit3A_981 : i32 to vector<16xi32>
      %select_n3A_983 = arith.select %and3A_980, %sub3A_969, %broadcast_in_dim3A_982 : vector<16xi1>, vector<16xi32>
      %shift_right_logical3A_984 = arith.constant 7 : i32
      %shift_right_logical3A_985 = vector.broadcast %shift_right_logical3A_984 : i32 to vector<16xi32>
      %shift_right_logical3A_986 = arith.shrui %select_n3A_983, %shift_right_logical3A_985 : vector<16xi32>
      %and3A_987 = arith.constant 127 : i32
      %and3A_988 = vector.broadcast %and3A_987 : i32 to vector<16xi32>
      %and3A_989 = arith.andi %select_n3A_983, %and3A_988 : vector<16xi32>
      tpu.vector_store_idx %arg10[%shift_right_logical3A_986, %and3A_989], %broadcast_in_dim3A_1 masked %and3A_980 {add = true} : memref<128x128xf32, #tpu.memory_space<vmem>>[vector<16xi32>, vector<16xi32>], vector<16xf32>, vector<16xi1>
      %while3A_990 = arith.constant 0 : i32
      scf.yield %while3A_990 : i32
    }
    %while3A_495 = arith.constant 1 : i32
    %while3A_496 = scf.for %while3A_933 = %while3A_492 to %while3A_488 step %while3A_495 iter_args(%while3A_934 = %while3A_494) -> (i32)  : i32 {
      %mul3A_935 = arith.constant 2 : i32
      %mul3A_936 = arith.muli %while3A_933, %mul3A_935 : i32
      %add3A_937 = arith.constant 0 : i32
      %add3A_938 = arith.addi %mul3A_936, %add3A_937 : i32
      %mul3A_939 = arith.constant 16 : i32
      %mul3A_940 = arith.muli %add3A_938, %mul3A_939 : i32
      %get3A = arith.index_cast %mul3A_940 : i32 to index
      %get3A_941 = tpu.vector_load %arg5[%get3A] {strides = array<i32>} : memref<8208xi32, #tpu.memory_space<vmem>>, vector<16xi32>,
      %sub3A = arith.constant 0 : i32
      %sub3A_942 = vector.broadcast %sub3A : i32 to vector<16xi32>
      %sub3A_943 = arith.subi %get3A_941, %sub3A_942 : vector<16xi32>
      %bitcast_convert_type3A = tpu.bitcast %sub3A_943 : vector<16xi32> -> vector<16xi32>
      %lt3A = arith.constant 16384 : i32
      %lt3A_944 = vector.broadcast %lt3A : i32 to vector<16xi32>
      %lt3A_945 = arith.cmpi ult, %bitcast_convert_type3A, %lt3A_944 : vector<16xi32>
      %mul3A_946 = arith.constant 16 : i32
      %mul3A_947 = arith.muli %add3A_938, %mul3A_946 : i32
      %add3A_948 = vector.broadcast %mul3A_947 : i32 to vector<16xi32>
      %add3A_949 = arith.addi %add3A_948, %iota3A : vector<16xi32>
      %lt3A_950 = vector.broadcast %scan3A_479#0 : i32 to vector<16xi32>
      %lt3A_951 = arith.cmpi slt, %add3A_949, %lt3A_950 : vector<16xi32>
      %and3A = arith.andi %lt3A_945, %lt3A_951 : vector<16xi1>
      %jit3A = arith.constant 0 : i32
      %broadcast_in_dim3A_952 = vector.broadcast %jit3A : i32 to vector<16xi32>
      %select_n3A = arith.select %and3A, %sub3A_943, %broadcast_in_dim3A_952 : vector<16xi1>, vector<16xi32>
      %shift_right_logical3A_953 = arith.constant 7 : i32
      %shift_right_logical3A_954 = vector.broadcast %shift_right_logical3A_953 : i32 to vector<16xi32>
      %shift_right_logical3A_955 = arith.shrui %select_n3A, %shift_right_logical3A_954 : vector<16xi32>
      %and3A_956 = arith.constant 127 : i32
      %and3A_957 = vector.broadcast %and3A_956 : i32 to vector<16xi32>
      %and3A_958 = arith.andi %select_n3A, %and3A_957 : vector<16xi32>
      tpu.vector_store_idx %arg10[%shift_right_logical3A_955, %and3A_958], %broadcast_in_dim3A_1 masked %and3A {add = true} : memref<128x128xf32, #tpu.memory_space<vmem>>[vector<16xi32>, vector<16xi32>], vector<16xf32>, vector<16xi1>
      %mul3A_959 = arith.constant 2 : i32
      %mul3A_960 = arith.muli %while3A_933, %mul3A_959 : i32
      %add3A_961 = arith.constant 1 : i32
      %add3A_962 = arith.addi %mul3A_960, %add3A_961 : i32
      %mul3A_963 = arith.constant 16 : i32
      %mul3A_964 = arith.muli %add3A_962, %mul3A_963 : i32
      %get3A_965 = arith.index_cast %mul3A_964 : i32 to index
      %get3A_966 = tpu.vector_load %arg5[%get3A_965] {strides = array<i32>} : memref<8208xi32, #tpu.memory_space<vmem>>, vector<16xi32>,
      %sub3A_967 = arith.constant 0 : i32
      %sub3A_968 = vector.broadcast %sub3A_967 : i32 to vector<16xi32>
      %sub3A_969 = arith.subi %get3A_966, %sub3A_968 : vector<16xi32>
      %bitcast_convert_type3A_970 = tpu.bitcast %sub3A_969 : vector<16xi32> -> vector<16xi32>
      %lt3A_971 = arith.constant 16384 : i32
      %lt3A_972 = vector.broadcast %lt3A_971 : i32 to vector<16xi32>
      %lt3A_973 = arith.cmpi ult, %bitcast_convert_type3A_970, %lt3A_972 : vector<16xi32>
      %mul3A_974 = arith.constant 16 : i32
      %mul3A_975 = arith.muli %add3A_962, %mul3A_974 : i32
      %add3A_976 = vector.broadcast %mul3A_975 : i32 to vector<16xi32>
      %add3A_977 = arith.addi %add3A_976, %iota3A : vector<16xi32>
      %lt3A_978 = vector.broadcast %scan3A_479#0 : i32 to vector<16xi32>
      %lt3A_979 = arith.cmpi slt, %add3A_977, %lt3A_978 : vector<16xi32>
      %and3A_980 = arith.andi %lt3A_973, %lt3A_979 : vector<16xi1>
      %jit3A_981 = arith.constant 0 : i32
      %broadcast_in_dim3A_982 = vector.broadcast %jit3A_981 : i32 to vector<16xi32>
      %select_n3A_983 = arith.select %and3A_980, %sub3A_969, %broadcast_in_dim3A_982 : vector<16xi1>, vector<16xi32>
      %shift_right_logical3A_984 = arith.constant 7 : i32
      %shift_right_logical3A_985 = vector.broadcast %shift_right_logical3A_984 : i32 to vector<16xi32>
      %shift_right_logical3A_986 = arith.shrui %select_n3A_983, %shift_right_logical3A_985 : vector<16xi32>
      %and3A_987 = arith.constant 127 : i32
      %and3A_988 = vector.broadcast %and3A_987 : i32 to vector<16xi32>
      %and3A_989 = arith.andi %select_n3A_983, %and3A_988 : vector<16xi32>
      tpu.vector_store_idx %arg10[%shift_right_logical3A_986, %and3A_989], %broadcast_in_dim3A_1 masked %and3A_980 {add = true} : memref<128x128xf32, #tpu.memory_space<vmem>>[vector<16xi32>, vector<16xi32>], vector<16xf32>, vector<16xi1>
      %while3A_990 = arith.constant 0 : i32
      scf.yield %while3A_990 : i32
    }
    %mul3A_497 = arith.constant 2048 : i32
    %mul3A_498 = arith.muli %add3A_466, %mul3A_497 : i32
    %add3A_499 = arith.constant 0 : i32
    %add3A_500 = arith.addi %mul3A_498, %add3A_499 : i32
    %dma_start3A_501 = arith.constant 0 : i32
    %dma_start3A_502 = tpu.memref_slice %arg3[%add3A_500, %dma_start3A_501] : memref<131072x128xf32, #tpu.memory_space<hbm>> -> memref<128x128xf32, #tpu.memory_space<hbm>>
    %dma_start3A_503 = arith.constant 0 : i32
    %dma_start3A_504 = tpu.memref_slice %arg3[%add3A_500, %dma_start3A_503] : memref<131072x128xf32, #tpu.memory_space<hbm>> -> memref<128x128xf32, #tpu.memory_space<hbm>>
    tpu.enqueue_dma source(%arg10 : memref<128x128xf32, #tpu.memory_space<vmem>>) target(%dma_start3A_504 : memref<128x128xf32, #tpu.memory_space<hbm>>) target_semaphore(%arg17 : memref<!tpu.dma_semaphore, #tpu.memory_space<semaphore_mem>>)
    %dma_wait3A_505 = arith.constant 0 : i32
    %dma_wait3A_506 = tpu.memref_slice %arg3[%add3A_454, %dma_wait3A_505] : memref<131072x128xf32, #tpu.memory_space<hbm>> -> memref<128x128xf32, #tpu.memory_space<hbm>>
    %dma_wait3A_507 = arith.constant 0 : i32
    %dma_wait3A_508 = tpu.memref_slice %arg3[%add3A_454, %dma_wait3A_507] : memref<131072x128xf32, #tpu.memory_space<hbm>> -> memref<128x128xf32, #tpu.memory_space<hbm>>
    tpu.wait_dma2 semaphore(%arg16 : memref<!tpu.dma_semaphore, #tpu.memory_space<semaphore_mem>>) src(%arg9 : memref<128x128xf32, #tpu.memory_space<vmem>>) dst(%dma_wait3A_508 : memref<128x128xf32, #tpu.memory_space<hbm>>)
    tpu.enqueue_dma source(%arg12 : memref<128x128xf32, #tpu.memory_space<vmem_shared>>) target(%arg9 : memref<128x128xf32, #tpu.memory_space<vmem>>) target_semaphore(%arg13 : memref<!tpu.dma_semaphore, #tpu.memory_space<semaphore_mem>>)
    tpu.wait_dma2 semaphore(%arg15 : memref<!tpu.dma_semaphore, #tpu.memory_space<semaphore_mem>>) src(%arg12 : memref<128x128xf32, #tpu.memory_space<vmem_shared>>) dst(%arg11 : memref<128x128xf32, #tpu.memory_space<vmem>>)
    %add3A_509 = arith.constant 31 : i32
    %add3A_510 = arith.addi %scan3A_479#0, %add3A_509 : i32
    %shift_right_logical3A_511 = arith.constant 5 : i32
    %shift_right_logical3A_512 = arith.shrui %add3A_510, %shift_right_logical3A_511 : i32
    %while3A_513 = arith.constant 0 : i32
    %while3A_514 = arith.constant 0 : i32
    %while3A_515 = arith.subi %shift_right_logical3A_512, %while3A_513 : i32
    %while3A_516 = arith.addi %while3A_513, %while3A_515 : i32
    %while3A_517 = arith.constant 1 : i32
    %while3A_518 = arith.divsi %while3A_515, %while3A_517 : i32
    %while3A_519 = arith.muli %while3A_518, %while3A_517 : i32
    %while3A_520 = arith.addi %while3A_513, %while3A_519 : i32
    %while3A_521 = arith.constant 1 : i32
    %while3A_522 = scf.for %while3A_933 = %while3A_513 to %while3A_520 step %while3A_521 iter_args(%while3A_934 = %while3A_514) -> (i32)  : i32 {
      %mul3A_935 = arith.constant 2 : i32
      %mul3A_936 = arith.muli %while3A_933, %mul3A_935 : i32
      %add3A_937 = arith.constant 0 : i32
      %add3A_938 = arith.addi %mul3A_936, %add3A_937 : i32
      %mul3A_939 = arith.constant 16 : i32
      %mul3A_940 = arith.muli %add3A_938, %mul3A_939 : i32
      %get3A = arith.index_cast %mul3A_940 : i32 to index
      %get3A_941 = tpu.vector_load %arg5[%get3A] {strides = array<i32>} : memref<8208xi32, #tpu.memory_space<vmem>>, vector<16xi32>,
      %sub3A = arith.constant 16384 : i32
      %sub3A_942 = vector.broadcast %sub3A : i32 to vector<16xi32>
      %sub3A_943 = arith.subi %get3A_941, %sub3A_942 : vector<16xi32>
      %bitcast_convert_type3A = tpu.bitcast %sub3A_943 : vector<16xi32> -> vector<16xi32>
      %lt3A = arith.constant 16384 : i32
      %lt3A_944 = vector.broadcast %lt3A : i32 to vector<16xi32>
      %lt3A_945 = arith.cmpi ult, %bitcast_convert_type3A, %lt3A_944 : vector<16xi32>
      %mul3A_946 = arith.constant 16 : i32
      %mul3A_947 = arith.muli %add3A_938, %mul3A_946 : i32
      %add3A_948 = vector.broadcast %mul3A_947 : i32 to vector<16xi32>
      %add3A_949 = arith.addi %add3A_948, %iota3A : vector<16xi32>
      %lt3A_950 = vector.broadcast %scan3A_479#0 : i32 to vector<16xi32>
      %lt3A_951 = arith.cmpi slt, %add3A_949, %lt3A_950 : vector<16xi32>
      %and3A = arith.andi %lt3A_945, %lt3A_951 : vector<16xi1>
      %jit3A = arith.constant 0 : i32
      %broadcast_in_dim3A_952 = vector.broadcast %jit3A : i32 to vector<16xi32>
      %select_n3A = arith.select %and3A, %sub3A_943, %broadcast_in_dim3A_952 : vector<16xi1>, vector<16xi32>
      %shift_right_logical3A_953 = arith.constant 7 : i32
      %shift_right_logical3A_954 = vector.broadcast %shift_right_logical3A_953 : i32 to vector<16xi32>
      %shift_right_logical3A_955 = arith.shrui %select_n3A, %shift_right_logical3A_954 : vector<16xi32>
      %and3A_956 = arith.constant 127 : i32
      %and3A_957 = vector.broadcast %and3A_956 : i32 to vector<16xi32>
      %and3A_958 = arith.andi %select_n3A, %and3A_957 : vector<16xi32>
      tpu.vector_store_idx %arg11[%shift_right_logical3A_955, %and3A_958], %broadcast_in_dim3A_1 masked %and3A {add = true} : memref<128x128xf32, #tpu.memory_space<vmem>>[vector<16xi32>, vector<16xi32>], vector<16xf32>, vector<16xi1>
      %mul3A_959 = arith.constant 2 : i32
      %mul3A_960 = arith.muli %while3A_933, %mul3A_959 : i32
      %add3A_961 = arith.constant 1 : i32
      %add3A_962 = arith.addi %mul3A_960, %add3A_961 : i32
      %mul3A_963 = arith.constant 16 : i32
      %mul3A_964 = arith.muli %add3A_962, %mul3A_963 : i32
      %get3A_965 = arith.index_cast %mul3A_964 : i32 to index
      %get3A_966 = tpu.vector_load %arg5[%get3A_965] {strides = array<i32>} : memref<8208xi32, #tpu.memory_space<vmem>>, vector<16xi32>,
      %sub3A_967 = arith.constant 16384 : i32
      %sub3A_968 = vector.broadcast %sub3A_967 : i32 to vector<16xi32>
      %sub3A_969 = arith.subi %get3A_966, %sub3A_968 : vector<16xi32>
      %bitcast_convert_type3A_970 = tpu.bitcast %sub3A_969 : vector<16xi32> -> vector<16xi32>
      %lt3A_971 = arith.constant 16384 : i32
      %lt3A_972 = vector.broadcast %lt3A_971 : i32 to vector<16xi32>
      %lt3A_973 = arith.cmpi ult, %bitcast_convert_type3A_970, %lt3A_972 : vector<16xi32>
      %mul3A_974 = arith.constant 16 : i32
      %mul3A_975 = arith.muli %add3A_962, %mul3A_974 : i32
      %add3A_976 = vector.broadcast %mul3A_975 : i32 to vector<16xi32>
      %add3A_977 = arith.addi %add3A_976, %iota3A : vector<16xi32>
      %lt3A_978 = vector.broadcast %scan3A_479#0 : i32 to vector<16xi32>
      %lt3A_979 = arith.cmpi slt, %add3A_977, %lt3A_978 : vector<16xi32>
      %and3A_980 = arith.andi %lt3A_973, %lt3A_979 : vector<16xi1>
      %jit3A_981 = arith.constant 0 : i32
      %broadcast_in_dim3A_982 = vector.broadcast %jit3A_981 : i32 to vector<16xi32>
      %select_n3A_983 = arith.select %and3A_980, %sub3A_969, %broadcast_in_dim3A_982 : vector<16xi1>, vector<16xi32>
      %shift_right_logical3A_984 = arith.constant 7 : i32
      %shift_right_logical3A_985 = vector.broadcast %shift_right_logical3A_984 : i32 to vector<16xi32>
      %shift_right_logical3A_986 = arith.shrui %select_n3A_983, %shift_right_logical3A_985 : vector<16xi32>
      %and3A_987 = arith.constant 127 : i32
      %and3A_988 = vector.broadcast %and3A_987 : i32 to vector<16xi32>
      %and3A_989 = arith.andi %select_n3A_983, %and3A_988 : vector<16xi32>
      tpu.vector_store_idx %arg11[%shift_right_logical3A_986, %and3A_989], %broadcast_in_dim3A_1 masked %and3A_980 {add = true} : memref<128x128xf32, #tpu.memory_space<vmem>>[vector<16xi32>, vector<16xi32>], vector<16xf32>, vector<16xi1>
      %while3A_990 = arith.constant 0 : i32
      scf.yield %while3A_990 : i32
    }
    %while3A_523 = arith.constant 1 : i32
    %while3A_524 = scf.for %while3A_933 = %while3A_520 to %while3A_516 step %while3A_523 iter_args(%while3A_934 = %while3A_522) -> (i32)  : i32 {
      %mul3A_935 = arith.constant 2 : i32
      %mul3A_936 = arith.muli %while3A_933, %mul3A_935 : i32
      %add3A_937 = arith.constant 0 : i32
      %add3A_938 = arith.addi %mul3A_936, %add3A_937 : i32
      %mul3A_939 = arith.constant 16 : i32
      %mul3A_940 = arith.muli %add3A_938, %mul3A_939 : i32
      %get3A = arith.index_cast %mul3A_940 : i32 to index
      %get3A_941 = tpu.vector_load %arg5[%get3A] {strides = array<i32>} : memref<8208xi32, #tpu.memory_space<vmem>>, vector<16xi32>,
      %sub3A = arith.constant 16384 : i32
      %sub3A_942 = vector.broadcast %sub3A : i32 to vector<16xi32>
      %sub3A_943 = arith.subi %get3A_941, %sub3A_942 : vector<16xi32>
      %bitcast_convert_type3A = tpu.bitcast %sub3A_943 : vector<16xi32> -> vector<16xi32>
      %lt3A = arith.constant 16384 : i32
      %lt3A_944 = vector.broadcast %lt3A : i32 to vector<16xi32>
      %lt3A_945 = arith.cmpi ult, %bitcast_convert_type3A, %lt3A_944 : vector<16xi32>
      %mul3A_946 = arith.constant 16 : i32
      %mul3A_947 = arith.muli %add3A_938, %mul3A_946 : i32
      %add3A_948 = vector.broadcast %mul3A_947 : i32 to vector<16xi32>
      %add3A_949 = arith.addi %add3A_948, %iota3A : vector<16xi32>
      %lt3A_950 = vector.broadcast %scan3A_479#0 : i32 to vector<16xi32>
      %lt3A_951 = arith.cmpi slt, %add3A_949, %lt3A_950 : vector<16xi32>
      %and3A = arith.andi %lt3A_945, %lt3A_951 : vector<16xi1>
      %jit3A = arith.constant 0 : i32
      %broadcast_in_dim3A_952 = vector.broadcast %jit3A : i32 to vector<16xi32>
      %select_n3A = arith.select %and3A, %sub3A_943, %broadcast_in_dim3A_952 : vector<16xi1>, vector<16xi32>
      %shift_right_logical3A_953 = arith.constant 7 : i32
      %shift_right_logical3A_954 = vector.broadcast %shift_right_logical3A_953 : i32 to vector<16xi32>
      %shift_right_logical3A_955 = arith.shrui %select_n3A, %shift_right_logical3A_954 : vector<16xi32>
      %and3A_956 = arith.constant 127 : i32
      %and3A_957 = vector.broadcast %and3A_956 : i32 to vector<16xi32>
      %and3A_958 = arith.andi %select_n3A, %and3A_957 : vector<16xi32>
      tpu.vector_store_idx %arg11[%shift_right_logical3A_955, %and3A_958], %broadcast_in_dim3A_1 masked %and3A {add = true} : memref<128x128xf32, #tpu.memory_space<vmem>>[vector<16xi32>, vector<16xi32>], vector<16xf32>, vector<16xi1>
      %mul3A_959 = arith.constant 2 : i32
      %mul3A_960 = arith.muli %while3A_933, %mul3A_959 : i32
      %add3A_961 = arith.constant 1 : i32
      %add3A_962 = arith.addi %mul3A_960, %add3A_961 : i32
      %mul3A_963 = arith.constant 16 : i32
      %mul3A_964 = arith.muli %add3A_962, %mul3A_963 : i32
      %get3A_965 = arith.index_cast %mul3A_964 : i32 to index
      %get3A_966 = tpu.vector_load %arg5[%get3A_965] {strides = array<i32>} : memref<8208xi32, #tpu.memory_space<vmem>>, vector<16xi32>,
      %sub3A_967 = arith.constant 16384 : i32
      %sub3A_968 = vector.broadcast %sub3A_967 : i32 to vector<16xi32>
      %sub3A_969 = arith.subi %get3A_966, %sub3A_968 : vector<16xi32>
      %bitcast_convert_type3A_970 = tpu.bitcast %sub3A_969 : vector<16xi32> -> vector<16xi32>
      %lt3A_971 = arith.constant 16384 : i32
      %lt3A_972 = vector.broadcast %lt3A_971 : i32 to vector<16xi32>
      %lt3A_973 = arith.cmpi ult, %bitcast_convert_type3A_970, %lt3A_972 : vector<16xi32>
      %mul3A_974 = arith.constant 16 : i32
      %mul3A_975 = arith.muli %add3A_962, %mul3A_974 : i32
      %add3A_976 = vector.broadcast %mul3A_975 : i32 to vector<16xi32>
      %add3A_977 = arith.addi %add3A_976, %iota3A : vector<16xi32>
      %lt3A_978 = vector.broadcast %scan3A_479#0 : i32 to vector<16xi32>
      %lt3A_979 = arith.cmpi slt, %add3A_977, %lt3A_978 : vector<16xi32>
      %and3A_980 = arith.andi %lt3A_973, %lt3A_979 : vector<16xi1>
      %jit3A_981 = arith.constant 0 : i32
      %broadcast_in_dim3A_982 = vector.broadcast %jit3A_981 : i32 to vector<16xi32>
      %select_n3A_983 = arith.select %and3A_980, %sub3A_969, %broadcast_in_dim3A_982 : vector<16xi1>, vector<16xi32>
      %shift_right_logical3A_984 = arith.constant 7 : i32
      %shift_right_logical3A_985 = vector.broadcast %shift_right_logical3A_984 : i32 to vector<16xi32>
      %shift_right_logical3A_986 = arith.shrui %select_n3A_983, %shift_right_logical3A_985 : vector<16xi32>
      %and3A_987 = arith.constant 127 : i32
      %and3A_988 = vector.broadcast %and3A_987 : i32 to vector<16xi32>
      %and3A_989 = arith.andi %select_n3A_983, %and3A_988 : vector<16xi32>
      tpu.vector_store_idx %arg11[%shift_right_logical3A_986, %and3A_989], %broadcast_in_dim3A_1 masked %and3A_980 {add = true} : memref<128x128xf32, #tpu.memory_space<vmem>>[vector<16xi32>, vector<16xi32>], vector<16xf32>, vector<16xi1>
      %while3A_990 = arith.constant 0 : i32
      scf.yield %while3A_990 : i32
    }
    %mul3A_525 = arith.constant 2048 : i32
    %mul3A_526 = arith.muli %add3A_466, %mul3A_525 : i32
    %add3A_527 = arith.constant 128 : i32
    %add3A_528 = arith.addi %mul3A_526, %add3A_527 : i32
    %dma_start3A_529 = arith.constant 0 : i32
    %dma_start3A_530 = tpu.memref_slice %arg3[%add3A_528, %dma_start3A_529] : memref<131072x128xf32, #tpu.memory_space<hbm>> -> memref<128x128xf32, #tpu.memory_space<hbm>>
    %dma_start3A_531 = arith.constant 0 : i32
    %dma_start3A_532 = tpu.memref_slice %arg3[%add3A_528, %dma_start3A_531] : memref<131072x128xf32, #tpu.memory_space<hbm>> -> memref<128x128xf32, #tpu.memory_space<hbm>>
    tpu.enqueue_dma source(%arg11 : memref<128x128xf32, #tpu.memory_space<vmem>>) target(%dma_start3A_532 : memref<128x128xf32, #tpu.memory_space<hbm>>) target_semaphore(%arg18 : memref<!tpu.dma_semaphore, #tpu.memory_space<semaphore_mem>>)
    %dma_wait3A_533 = arith.constant 0 : i32
    %dma_wait3A_534 = tpu.memref_slice %arg3[%add3A_500, %dma_wait3A_533] : memref<131072x128xf32, #tpu.memory_space<hbm>> -> memref<128x128xf32, #tpu.memory_space<hbm>>
    %dma_wait3A_535 = arith.constant 0 : i32
    %dma_wait3A_536 = tpu.memref_slice %arg3[%add3A_500, %dma_wait3A_535] : memref<131072x128xf32, #tpu.memory_space<hbm>> -> memref<128x128xf32, #tpu.memory_space<hbm>>
    tpu.wait_dma2 semaphore(%arg17 : memref<!tpu.dma_semaphore, #tpu.memory_space<semaphore_mem>>) src(%arg10 : memref<128x128xf32, #tpu.memory_space<vmem>>) dst(%dma_wait3A_536 : memref<128x128xf32, #tpu.memory_space<hbm>>)
    tpu.enqueue_dma source(%arg12 : memref<128x128xf32, #tpu.memory_space<vmem_shared>>) target(%arg10 : memref<128x128xf32, #tpu.memory_space<vmem>>) target_semaphore(%arg14 : memref<!tpu.dma_semaphore, #tpu.memory_space<semaphore_mem>>)
    tpu.wait_dma2 semaphore(%arg13 : memref<!tpu.dma_semaphore, #tpu.memory_space<semaphore_mem>>) src(%arg12 : memref<128x128xf32, #tpu.memory_space<vmem_shared>>) dst(%arg9 : memref<128x128xf32, #tpu.memory_space<vmem>>)
    %add3A_537 = arith.constant 31 : i32
    %add3A_538 = arith.addi %scan3A_479#0, %add3A_537 : i32
    %shift_right_logical3A_539 = arith.constant 5 : i32
    %shift_right_logical3A_540 = arith.shrui %add3A_538, %shift_right_logical3A_539 : i32
    %while3A_541 = arith.constant 0 : i32
    %while3A_542 = arith.constant 0 : i32
    %while3A_543 = arith.subi %shift_right_logical3A_540, %while3A_541 : i32
    %while3A_544 = arith.addi %while3A_541, %while3A_543 : i32
    %while3A_545 = arith.constant 1 : i32
    %while3A_546 = arith.divsi %while3A_543, %while3A_545 : i32
    %while3A_547 = arith.muli %while3A_546, %while3A_545 : i32
    %while3A_548 = arith.addi %while3A_541, %while3A_547 : i32
    %while3A_549 = arith.constant 1 : i32
    %while3A_550 = scf.for %while3A_933 = %while3A_541 to %while3A_548 step %while3A_549 iter_args(%while3A_934 = %while3A_542) -> (i32)  : i32 {
      %mul3A_935 = arith.constant 2 : i32
      %mul3A_936 = arith.muli %while3A_933, %mul3A_935 : i32
      %add3A_937 = arith.constant 0 : i32
      %add3A_938 = arith.addi %mul3A_936, %add3A_937 : i32
      %mul3A_939 = arith.constant 16 : i32
      %mul3A_940 = arith.muli %add3A_938, %mul3A_939 : i32
      %get3A = arith.index_cast %mul3A_940 : i32 to index
      %get3A_941 = tpu.vector_load %arg5[%get3A] {strides = array<i32>} : memref<8208xi32, #tpu.memory_space<vmem>>, vector<16xi32>,
      %sub3A = arith.constant 32768 : i32
      %sub3A_942 = vector.broadcast %sub3A : i32 to vector<16xi32>
      %sub3A_943 = arith.subi %get3A_941, %sub3A_942 : vector<16xi32>
      %bitcast_convert_type3A = tpu.bitcast %sub3A_943 : vector<16xi32> -> vector<16xi32>
      %lt3A = arith.constant 16384 : i32
      %lt3A_944 = vector.broadcast %lt3A : i32 to vector<16xi32>
      %lt3A_945 = arith.cmpi ult, %bitcast_convert_type3A, %lt3A_944 : vector<16xi32>
      %mul3A_946 = arith.constant 16 : i32
      %mul3A_947 = arith.muli %add3A_938, %mul3A_946 : i32
      %add3A_948 = vector.broadcast %mul3A_947 : i32 to vector<16xi32>
      %add3A_949 = arith.addi %add3A_948, %iota3A : vector<16xi32>
      %lt3A_950 = vector.broadcast %scan3A_479#0 : i32 to vector<16xi32>
      %lt3A_951 = arith.cmpi slt, %add3A_949, %lt3A_950 : vector<16xi32>
      %and3A = arith.andi %lt3A_945, %lt3A_951 : vector<16xi1>
      %jit3A = arith.constant 0 : i32
      %broadcast_in_dim3A_952 = vector.broadcast %jit3A : i32 to vector<16xi32>
      %select_n3A = arith.select %and3A, %sub3A_943, %broadcast_in_dim3A_952 : vector<16xi1>, vector<16xi32>
      %shift_right_logical3A_953 = arith.constant 7 : i32
      %shift_right_logical3A_954 = vector.broadcast %shift_right_logical3A_953 : i32 to vector<16xi32>
      %shift_right_logical3A_955 = arith.shrui %select_n3A, %shift_right_logical3A_954 : vector<16xi32>
      %and3A_956 = arith.constant 127 : i32
      %and3A_957 = vector.broadcast %and3A_956 : i32 to vector<16xi32>
      %and3A_958 = arith.andi %select_n3A, %and3A_957 : vector<16xi32>
      tpu.vector_store_idx %arg9[%shift_right_logical3A_955, %and3A_958], %broadcast_in_dim3A_1 masked %and3A {add = true} : memref<128x128xf32, #tpu.memory_space<vmem>>[vector<16xi32>, vector<16xi32>], vector<16xf32>, vector<16xi1>
      %mul3A_959 = arith.constant 2 : i32
      %mul3A_960 = arith.muli %while3A_933, %mul3A_959 : i32
      %add3A_961 = arith.constant 1 : i32
      %add3A_962 = arith.addi %mul3A_960, %add3A_961 : i32
      %mul3A_963 = arith.constant 16 : i32
      %mul3A_964 = arith.muli %add3A_962, %mul3A_963 : i32
      %get3A_965 = arith.index_cast %mul3A_964 : i32 to index
      %get3A_966 = tpu.vector_load %arg5[%get3A_965] {strides = array<i32>} : memref<8208xi32, #tpu.memory_space<vmem>>, vector<16xi32>,
      %sub3A_967 = arith.constant 32768 : i32
      %sub3A_968 = vector.broadcast %sub3A_967 : i32 to vector<16xi32>
      %sub3A_969 = arith.subi %get3A_966, %sub3A_968 : vector<16xi32>
      %bitcast_convert_type3A_970 = tpu.bitcast %sub3A_969 : vector<16xi32> -> vector<16xi32>
      %lt3A_971 = arith.constant 16384 : i32
      %lt3A_972 = vector.broadcast %lt3A_971 : i32 to vector<16xi32>
      %lt3A_973 = arith.cmpi ult, %bitcast_convert_type3A_970, %lt3A_972 : vector<16xi32>
      %mul3A_974 = arith.constant 16 : i32
      %mul3A_975 = arith.muli %add3A_962, %mul3A_974 : i32
      %add3A_976 = vector.broadcast %mul3A_975 : i32 to vector<16xi32>
      %add3A_977 = arith.addi %add3A_976, %iota3A : vector<16xi32>
      %lt3A_978 = vector.broadcast %scan3A_479#0 : i32 to vector<16xi32>
      %lt3A_979 = arith.cmpi slt, %add3A_977, %lt3A_978 : vector<16xi32>
      %and3A_980 = arith.andi %lt3A_973, %lt3A_979 : vector<16xi1>
      %jit3A_981 = arith.constant 0 : i32
      %broadcast_in_dim3A_982 = vector.broadcast %jit3A_981 : i32 to vector<16xi32>
      %select_n3A_983 = arith.select %and3A_980, %sub3A_969, %broadcast_in_dim3A_982 : vector<16xi1>, vector<16xi32>
      %shift_right_logical3A_984 = arith.constant 7 : i32
      %shift_right_logical3A_985 = vector.broadcast %shift_right_logical3A_984 : i32 to vector<16xi32>
      %shift_right_logical3A_986 = arith.shrui %select_n3A_983, %shift_right_logical3A_985 : vector<16xi32>
      %and3A_987 = arith.constant 127 : i32
      %and3A_988 = vector.broadcast %and3A_987 : i32 to vector<16xi32>
      %and3A_989 = arith.andi %select_n3A_983, %and3A_988 : vector<16xi32>
      tpu.vector_store_idx %arg9[%shift_right_logical3A_986, %and3A_989], %broadcast_in_dim3A_1 masked %and3A_980 {add = true} : memref<128x128xf32, #tpu.memory_space<vmem>>[vector<16xi32>, vector<16xi32>], vector<16xf32>, vector<16xi1>
      %while3A_990 = arith.constant 0 : i32
      scf.yield %while3A_990 : i32
    }
    %while3A_551 = arith.constant 1 : i32
    %while3A_552 = scf.for %while3A_933 = %while3A_548 to %while3A_544 step %while3A_551 iter_args(%while3A_934 = %while3A_550) -> (i32)  : i32 {
      %mul3A_935 = arith.constant 2 : i32
      %mul3A_936 = arith.muli %while3A_933, %mul3A_935 : i32
      %add3A_937 = arith.constant 0 : i32
      %add3A_938 = arith.addi %mul3A_936, %add3A_937 : i32
      %mul3A_939 = arith.constant 16 : i32
      %mul3A_940 = arith.muli %add3A_938, %mul3A_939 : i32
      %get3A = arith.index_cast %mul3A_940 : i32 to index
      %get3A_941 = tpu.vector_load %arg5[%get3A] {strides = array<i32>} : memref<8208xi32, #tpu.memory_space<vmem>>, vector<16xi32>,
      %sub3A = arith.constant 32768 : i32
      %sub3A_942 = vector.broadcast %sub3A : i32 to vector<16xi32>
      %sub3A_943 = arith.subi %get3A_941, %sub3A_942 : vector<16xi32>
      %bitcast_convert_type3A = tpu.bitcast %sub3A_943 : vector<16xi32> -> vector<16xi32>
      %lt3A = arith.constant 16384 : i32
      %lt3A_944 = vector.broadcast %lt3A : i32 to vector<16xi32>
      %lt3A_945 = arith.cmpi ult, %bitcast_convert_type3A, %lt3A_944 : vector<16xi32>
      %mul3A_946 = arith.constant 16 : i32
      %mul3A_947 = arith.muli %add3A_938, %mul3A_946 : i32
      %add3A_948 = vector.broadcast %mul3A_947 : i32 to vector<16xi32>
      %add3A_949 = arith.addi %add3A_948, %iota3A : vector<16xi32>
      %lt3A_950 = vector.broadcast %scan3A_479#0 : i32 to vector<16xi32>
      %lt3A_951 = arith.cmpi slt, %add3A_949, %lt3A_950 : vector<16xi32>
      %and3A = arith.andi %lt3A_945, %lt3A_951 : vector<16xi1>
      %jit3A = arith.constant 0 : i32
      %broadcast_in_dim3A_952 = vector.broadcast %jit3A : i32 to vector<16xi32>
      %select_n3A = arith.select %and3A, %sub3A_943, %broadcast_in_dim3A_952 : vector<16xi1>, vector<16xi32>
      %shift_right_logical3A_953 = arith.constant 7 : i32
      %shift_right_logical3A_954 = vector.broadcast %shift_right_logical3A_953 : i32 to vector<16xi32>
      %shift_right_logical3A_955 = arith.shrui %select_n3A, %shift_right_logical3A_954 : vector<16xi32>
      %and3A_956 = arith.constant 127 : i32
      %and3A_957 = vector.broadcast %and3A_956 : i32 to vector<16xi32>
      %and3A_958 = arith.andi %select_n3A, %and3A_957 : vector<16xi32>
      tpu.vector_store_idx %arg9[%shift_right_logical3A_955, %and3A_958], %broadcast_in_dim3A_1 masked %and3A {add = true} : memref<128x128xf32, #tpu.memory_space<vmem>>[vector<16xi32>, vector<16xi32>], vector<16xf32>, vector<16xi1>
      %mul3A_959 = arith.constant 2 : i32
      %mul3A_960 = arith.muli %while3A_933, %mul3A_959 : i32
      %add3A_961 = arith.constant 1 : i32
      %add3A_962 = arith.addi %mul3A_960, %add3A_961 : i32
      %mul3A_963 = arith.constant 16 : i32
      %mul3A_964 = arith.muli %add3A_962, %mul3A_963 : i32
      %get3A_965 = arith.index_cast %mul3A_964 : i32 to index
      %get3A_966 = tpu.vector_load %arg5[%get3A_965] {strides = array<i32>} : memref<8208xi32, #tpu.memory_space<vmem>>, vector<16xi32>,
      %sub3A_967 = arith.constant 32768 : i32
      %sub3A_968 = vector.broadcast %sub3A_967 : i32 to vector<16xi32>
      %sub3A_969 = arith.subi %get3A_966, %sub3A_968 : vector<16xi32>
      %bitcast_convert_type3A_970 = tpu.bitcast %sub3A_969 : vector<16xi32> -> vector<16xi32>
      %lt3A_971 = arith.constant 16384 : i32
      %lt3A_972 = vector.broadcast %lt3A_971 : i32 to vector<16xi32>
      %lt3A_973 = arith.cmpi ult, %bitcast_convert_type3A_970, %lt3A_972 : vector<16xi32>
      %mul3A_974 = arith.constant 16 : i32
      %mul3A_975 = arith.muli %add3A_962, %mul3A_974 : i32
      %add3A_976 = vector.broadcast %mul3A_975 : i32 to vector<16xi32>
      %add3A_977 = arith.addi %add3A_976, %iota3A : vector<16xi32>
      %lt3A_978 = vector.broadcast %scan3A_479#0 : i32 to vector<16xi32>
      %lt3A_979 = arith.cmpi slt, %add3A_977, %lt3A_978 : vector<16xi32>
      %and3A_980 = arith.andi %lt3A_973, %lt3A_979 : vector<16xi1>
      %jit3A_981 = arith.constant 0 : i32
      %broadcast_in_dim3A_982 = vector.broadcast %jit3A_981 : i32 to vector<16xi32>
      %select_n3A_983 = arith.select %and3A_980, %sub3A_969, %broadcast_in_dim3A_982 : vector<16xi1>, vector<16xi32>
      %shift_right_logical3A_984 = arith.constant 7 : i32
      %shift_right_logical3A_985 = vector.broadcast %shift_right_logical3A_984 : i32 to vector<16xi32>
      %shift_right_logical3A_986 = arith.shrui %select_n3A_983, %shift_right_logical3A_985 : vector<16xi32>
      %and3A_987 = arith.constant 127 : i32
      %and3A_988 = vector.broadcast %and3A_987 : i32 to vector<16xi32>
      %and3A_989 = arith.andi %select_n3A_983, %and3A_988 : vector<16xi32>
      tpu.vector_store_idx %arg9[%shift_right_logical3A_986, %and3A_989], %broadcast_in_dim3A_1 masked %and3A_980 {add = true} : memref<128x128xf32, #tpu.memory_space<vmem>>[vector<16xi32>, vector<16xi32>], vector<16xf32>, vector<16xi1>
      %while3A_990 = arith.constant 0 : i32
      scf.yield %while3A_990 : i32
    }
    %mul3A_553 = arith.constant 2048 : i32
    %mul3A_554 = arith.muli %add3A_466, %mul3A_553 : i32
    %add3A_555 = arith.constant 256 : i32
    %add3A_556 = arith.addi %mul3A_554, %add3A_555 : i32
    %dma_start3A_557 = arith.constant 0 : i32
    %dma_start3A_558 = tpu.memref_slice %arg3[%add3A_556, %dma_start3A_557] : memref<131072x128xf32, #tpu.memory_space<hbm>> -> memref<128x128xf32, #tpu.memory_space<hbm>>
    %dma_start3A_559 = arith.constant 0 : i32
    %dma_start3A_560 = tpu.memref_slice %arg3[%add3A_556, %dma_start3A_559] : memref<131072x128xf32, #tpu.memory_space<hbm>> -> memref<128x128xf32, #tpu.memory_space<hbm>>
    tpu.enqueue_dma source(%arg9 : memref<128x128xf32, #tpu.memory_space<vmem>>) target(%dma_start3A_560 : memref<128x128xf32, #tpu.memory_space<hbm>>) target_semaphore(%arg16 : memref<!tpu.dma_semaphore, #tpu.memory_space<semaphore_mem>>)
    %dma_wait3A_561 = arith.constant 0 : i32
    %dma_wait3A_562 = tpu.memref_slice %arg3[%add3A_528, %dma_wait3A_561] : memref<131072x128xf32, #tpu.memory_space<hbm>> -> memref<128x128xf32, #tpu.memory_space<hbm>>
    %dma_wait3A_563 = arith.constant 0 : i32
    %dma_wait3A_564 = tpu.memref_slice %arg3[%add3A_528, %dma_wait3A_563] : memref<131072x128xf32, #tpu.memory_space<hbm>> -> memref<128x128xf32, #tpu.memory_space<hbm>>
    tpu.wait_dma2 semaphore(%arg18 : memref<!tpu.dma_semaphore, #tpu.memory_space<semaphore_mem>>) src(%arg11 : memref<128x128xf32, #tpu.memory_space<vmem>>) dst(%dma_wait3A_564 : memref<128x128xf32, #tpu.memory_space<hbm>>)
    tpu.enqueue_dma source(%arg12 : memref<128x128xf32, #tpu.memory_space<vmem_shared>>) target(%arg11 : memref<128x128xf32, #tpu.memory_space<vmem>>) target_semaphore(%arg15 : memref<!tpu.dma_semaphore, #tpu.memory_space<semaphore_mem>>)
    tpu.wait_dma2 semaphore(%arg14 : memref<!tpu.dma_semaphore, #tpu.memory_space<semaphore_mem>>) src(%arg12 : memref<128x128xf32, #tpu.memory_space<vmem_shared>>) dst(%arg10 : memref<128x128xf32, #tpu.memory_space<vmem>>)
    %add3A_565 = arith.constant 31 : i32
    %add3A_566 = arith.addi %scan3A_479#0, %add3A_565 : i32
    %shift_right_logical3A_567 = arith.constant 5 : i32
    %shift_right_logical3A_568 = arith.shrui %add3A_566, %shift_right_logical3A_567 : i32
    %while3A_569 = arith.constant 0 : i32
    %while3A_570 = arith.constant 0 : i32
    %while3A_571 = arith.subi %shift_right_logical3A_568, %while3A_569 : i32
    %while3A_572 = arith.addi %while3A_569, %while3A_571 : i32
    %while3A_573 = arith.constant 1 : i32
    %while3A_574 = arith.divsi %while3A_571, %while3A_573 : i32
    %while3A_575 = arith.muli %while3A_574, %while3A_573 : i32
    %while3A_576 = arith.addi %while3A_569, %while3A_575 : i32
    %while3A_577 = arith.constant 1 : i32
    %while3A_578 = scf.for %while3A_933 = %while3A_569 to %while3A_576 step %while3A_577 iter_args(%while3A_934 = %while3A_570) -> (i32)  : i32 {
      %mul3A_935 = arith.constant 2 : i32
      %mul3A_936 = arith.muli %while3A_933, %mul3A_935 : i32
      %add3A_937 = arith.constant 0 : i32
      %add3A_938 = arith.addi %mul3A_936, %add3A_937 : i32
      %mul3A_939 = arith.constant 16 : i32
      %mul3A_940 = arith.muli %add3A_938, %mul3A_939 : i32
      %get3A = arith.index_cast %mul3A_940 : i32 to index
      %get3A_941 = tpu.vector_load %arg5[%get3A] {strides = array<i32>} : memref<8208xi32, #tpu.memory_space<vmem>>, vector<16xi32>,
      %sub3A = arith.constant 49152 : i32
      %sub3A_942 = vector.broadcast %sub3A : i32 to vector<16xi32>
      %sub3A_943 = arith.subi %get3A_941, %sub3A_942 : vector<16xi32>
      %bitcast_convert_type3A = tpu.bitcast %sub3A_943 : vector<16xi32> -> vector<16xi32>
      %lt3A = arith.constant 16384 : i32
      %lt3A_944 = vector.broadcast %lt3A : i32 to vector<16xi32>
      %lt3A_945 = arith.cmpi ult, %bitcast_convert_type3A, %lt3A_944 : vector<16xi32>
      %mul3A_946 = arith.constant 16 : i32
      %mul3A_947 = arith.muli %add3A_938, %mul3A_946 : i32
      %add3A_948 = vector.broadcast %mul3A_947 : i32 to vector<16xi32>
      %add3A_949 = arith.addi %add3A_948, %iota3A : vector<16xi32>
      %lt3A_950 = vector.broadcast %scan3A_479#0 : i32 to vector<16xi32>
      %lt3A_951 = arith.cmpi slt, %add3A_949, %lt3A_950 : vector<16xi32>
      %and3A = arith.andi %lt3A_945, %lt3A_951 : vector<16xi1>
      %jit3A = arith.constant 0 : i32
      %broadcast_in_dim3A_952 = vector.broadcast %jit3A : i32 to vector<16xi32>
      %select_n3A = arith.select %and3A, %sub3A_943, %broadcast_in_dim3A_952 : vector<16xi1>, vector<16xi32>
      %shift_right_logical3A_953 = arith.constant 7 : i32
      %shift_right_logical3A_954 = vector.broadcast %shift_right_logical3A_953 : i32 to vector<16xi32>
      %shift_right_logical3A_955 = arith.shrui %select_n3A, %shift_right_logical3A_954 : vector<16xi32>
      %and3A_956 = arith.constant 127 : i32
      %and3A_957 = vector.broadcast %and3A_956 : i32 to vector<16xi32>
      %and3A_958 = arith.andi %select_n3A, %and3A_957 : vector<16xi32>
      tpu.vector_store_idx %arg10[%shift_right_logical3A_955, %and3A_958], %broadcast_in_dim3A_1 masked %and3A {add = true} : memref<128x128xf32, #tpu.memory_space<vmem>>[vector<16xi32>, vector<16xi32>], vector<16xf32>, vector<16xi1>
      %mul3A_959 = arith.constant 2 : i32
      %mul3A_960 = arith.muli %while3A_933, %mul3A_959 : i32
      %add3A_961 = arith.constant 1 : i32
      %add3A_962 = arith.addi %mul3A_960, %add3A_961 : i32
      %mul3A_963 = arith.constant 16 : i32
      %mul3A_964 = arith.muli %add3A_962, %mul3A_963 : i32
      %get3A_965 = arith.index_cast %mul3A_964 : i32 to index
      %get3A_966 = tpu.vector_load %arg5[%get3A_965] {strides = array<i32>} : memref<8208xi32, #tpu.memory_space<vmem>>, vector<16xi32>,
      %sub3A_967 = arith.constant 49152 : i32
      %sub3A_968 = vector.broadcast %sub3A_967 : i32 to vector<16xi32>
      %sub3A_969 = arith.subi %get3A_966, %sub3A_968 : vector<16xi32>
      %bitcast_convert_type3A_970 = tpu.bitcast %sub3A_969 : vector<16xi32> -> vector<16xi32>
      %lt3A_971 = arith.constant 16384 : i32
      %lt3A_972 = vector.broadcast %lt3A_971 : i32 to vector<16xi32>
      %lt3A_973 = arith.cmpi ult, %bitcast_convert_type3A_970, %lt3A_972 : vector<16xi32>
      %mul3A_974 = arith.constant 16 : i32
      %mul3A_975 = arith.muli %add3A_962, %mul3A_974 : i32
      %add3A_976 = vector.broadcast %mul3A_975 : i32 to vector<16xi32>
      %add3A_977 = arith.addi %add3A_976, %iota3A : vector<16xi32>
      %lt3A_978 = vector.broadcast %scan3A_479#0 : i32 to vector<16xi32>
      %lt3A_979 = arith.cmpi slt, %add3A_977, %lt3A_978 : vector<16xi32>
      %and3A_980 = arith.andi %lt3A_973, %lt3A_979 : vector<16xi1>
      %jit3A_981 = arith.constant 0 : i32
      %broadcast_in_dim3A_982 = vector.broadcast %jit3A_981 : i32 to vector<16xi32>
      %select_n3A_983 = arith.select %and3A_980, %sub3A_969, %broadcast_in_dim3A_982 : vector<16xi1>, vector<16xi32>
      %shift_right_logical3A_984 = arith.constant 7 : i32
      %shift_right_logical3A_985 = vector.broadcast %shift_right_logical3A_984 : i32 to vector<16xi32>
      %shift_right_logical3A_986 = arith.shrui %select_n3A_983, %shift_right_logical3A_985 : vector<16xi32>
      %and3A_987 = arith.constant 127 : i32
      %and3A_988 = vector.broadcast %and3A_987 : i32 to vector<16xi32>
      %and3A_989 = arith.andi %select_n3A_983, %and3A_988 : vector<16xi32>
      tpu.vector_store_idx %arg10[%shift_right_logical3A_986, %and3A_989], %broadcast_in_dim3A_1 masked %and3A_980 {add = true} : memref<128x128xf32, #tpu.memory_space<vmem>>[vector<16xi32>, vector<16xi32>], vector<16xf32>, vector<16xi1>
      %while3A_990 = arith.constant 0 : i32
      scf.yield %while3A_990 : i32
    }
    %while3A_579 = arith.constant 1 : i32
    %while3A_580 = scf.for %while3A_933 = %while3A_576 to %while3A_572 step %while3A_579 iter_args(%while3A_934 = %while3A_578) -> (i32)  : i32 {
      %mul3A_935 = arith.constant 2 : i32
      %mul3A_936 = arith.muli %while3A_933, %mul3A_935 : i32
      %add3A_937 = arith.constant 0 : i32
      %add3A_938 = arith.addi %mul3A_936, %add3A_937 : i32
      %mul3A_939 = arith.constant 16 : i32
      %mul3A_940 = arith.muli %add3A_938, %mul3A_939 : i32
      %get3A = arith.index_cast %mul3A_940 : i32 to index
      %get3A_941 = tpu.vector_load %arg5[%get3A] {strides = array<i32>} : memref<8208xi32, #tpu.memory_space<vmem>>, vector<16xi32>,
      %sub3A = arith.constant 49152 : i32
      %sub3A_942 = vector.broadcast %sub3A : i32 to vector<16xi32>
      %sub3A_943 = arith.subi %get3A_941, %sub3A_942 : vector<16xi32>
      %bitcast_convert_type3A = tpu.bitcast %sub3A_943 : vector<16xi32> -> vector<16xi32>
      %lt3A = arith.constant 16384 : i32
      %lt3A_944 = vector.broadcast %lt3A : i32 to vector<16xi32>
      %lt3A_945 = arith.cmpi ult, %bitcast_convert_type3A, %lt3A_944 : vector<16xi32>
      %mul3A_946 = arith.constant 16 : i32
      %mul3A_947 = arith.muli %add3A_938, %mul3A_946 : i32
      %add3A_948 = vector.broadcast %mul3A_947 : i32 to vector<16xi32>
      %add3A_949 = arith.addi %add3A_948, %iota3A : vector<16xi32>
      %lt3A_950 = vector.broadcast %scan3A_479#0 : i32 to vector<16xi32>
      %lt3A_951 = arith.cmpi slt, %add3A_949, %lt3A_950 : vector<16xi32>
      %and3A = arith.andi %lt3A_945, %lt3A_951 : vector<16xi1>
      %jit3A = arith.constant 0 : i32
      %broadcast_in_dim3A_952 = vector.broadcast %jit3A : i32 to vector<16xi32>
      %select_n3A = arith.select %and3A, %sub3A_943, %broadcast_in_dim3A_952 : vector<16xi1>, vector<16xi32>
      %shift_right_logical3A_953 = arith.constant 7 : i32
      %shift_right_logical3A_954 = vector.broadcast %shift_right_logical3A_953 : i32 to vector<16xi32>
      %shift_right_logical3A_955 = arith.shrui %select_n3A, %shift_right_logical3A_954 : vector<16xi32>
      %and3A_956 = arith.constant 127 : i32
      %and3A_957 = vector.broadcast %and3A_956 : i32 to vector<16xi32>
      %and3A_958 = arith.andi %select_n3A, %and3A_957 : vector<16xi32>
      tpu.vector_store_idx %arg10[%shift_right_logical3A_955, %and3A_958], %broadcast_in_dim3A_1 masked %and3A {add = true} : memref<128x128xf32, #tpu.memory_space<vmem>>[vector<16xi32>, vector<16xi32>], vector<16xf32>, vector<16xi1>
      %mul3A_959 = arith.constant 2 : i32
      %mul3A_960 = arith.muli %while3A_933, %mul3A_959 : i32
      %add3A_961 = arith.constant 1 : i32
      %add3A_962 = arith.addi %mul3A_960, %add3A_961 : i32
      %mul3A_963 = arith.constant 16 : i32
      %mul3A_964 = arith.muli %add3A_962, %mul3A_963 : i32
      %get3A_965 = arith.index_cast %mul3A_964 : i32 to index
      %get3A_966 = tpu.vector_load %arg5[%get3A_965] {strides = array<i32>} : memref<8208xi32, #tpu.memory_space<vmem>>, vector<16xi32>,
      %sub3A_967 = arith.constant 49152 : i32
      %sub3A_968 = vector.broadcast %sub3A_967 : i32 to vector<16xi32>
      %sub3A_969 = arith.subi %get3A_966, %sub3A_968 : vector<16xi32>
      %bitcast_convert_type3A_970 = tpu.bitcast %sub3A_969 : vector<16xi32> -> vector<16xi32>
      %lt3A_971 = arith.constant 16384 : i32
      %lt3A_972 = vector.broadcast %lt3A_971 : i32 to vector<16xi32>
      %lt3A_973 = arith.cmpi ult, %bitcast_convert_type3A_970, %lt3A_972 : vector<16xi32>
      %mul3A_974 = arith.constant 16 : i32
      %mul3A_975 = arith.muli %add3A_962, %mul3A_974 : i32
      %add3A_976 = vector.broadcast %mul3A_975 : i32 to vector<16xi32>
      %add3A_977 = arith.addi %add3A_976, %iota3A : vector<16xi32>
      %lt3A_978 = vector.broadcast %scan3A_479#0 : i32 to vector<16xi32>
      %lt3A_979 = arith.cmpi slt, %add3A_977, %lt3A_978 : vector<16xi32>
      %and3A_980 = arith.andi %lt3A_973, %lt3A_979 : vector<16xi1>
      %jit3A_981 = arith.constant 0 : i32
      %broadcast_in_dim3A_982 = vector.broadcast %jit3A_981 : i32 to vector<16xi32>
      %select_n3A_983 = arith.select %and3A_980, %sub3A_969, %broadcast_in_dim3A_982 : vector<16xi1>, vector<16xi32>
      %shift_right_logical3A_984 = arith.constant 7 : i32
      %shift_right_logical3A_985 = vector.broadcast %shift_right_logical3A_984 : i32 to vector<16xi32>
      %shift_right_logical3A_986 = arith.shrui %select_n3A_983, %shift_right_logical3A_985 : vector<16xi32>
      %and3A_987 = arith.constant 127 : i32
      %and3A_988 = vector.broadcast %and3A_987 : i32 to vector<16xi32>
      %and3A_989 = arith.andi %select_n3A_983, %and3A_988 : vector<16xi32>
      tpu.vector_store_idx %arg10[%shift_right_logical3A_986, %and3A_989], %broadcast_in_dim3A_1 masked %and3A_980 {add = true} : memref<128x128xf32, #tpu.memory_space<vmem>>[vector<16xi32>, vector<16xi32>], vector<16xf32>, vector<16xi1>
      %while3A_990 = arith.constant 0 : i32
      scf.yield %while3A_990 : i32
    }
    %mul3A_581 = arith.constant 2048 : i32
    %mul3A_582 = arith.muli %add3A_466, %mul3A_581 : i32
    %add3A_583 = arith.constant 384 : i32
    %add3A_584 = arith.addi %mul3A_582, %add3A_583 : i32
    %dma_start3A_585 = arith.constant 0 : i32
    %dma_start3A_586 = tpu.memref_slice %arg3[%add3A_584, %dma_start3A_585] : memref<131072x128xf32, #tpu.memory_space<hbm>> -> memref<128x128xf32, #tpu.memory_space<hbm>>
    %dma_start3A_587 = arith.constant 0 : i32
    %dma_start3A_588 = tpu.memref_slice %arg3[%add3A_584, %dma_start3A_587] : memref<131072x128xf32, #tpu.memory_space<hbm>> -> memref<128x128xf32, #tpu.memory_space<hbm>>
    tpu.enqueue_dma source(%arg10 : memref<128x128xf32, #tpu.memory_space<vmem>>) target(%dma_start3A_588 : memref<128x128xf32, #tpu.memory_space<hbm>>) target_semaphore(%arg17 : memref<!tpu.dma_semaphore, #tpu.memory_space<semaphore_mem>>)
    %dma_wait3A_589 = arith.constant 0 : i32
    %dma_wait3A_590 = tpu.memref_slice %arg3[%add3A_556, %dma_wait3A_589] : memref<131072x128xf32, #tpu.memory_space<hbm>> -> memref<128x128xf32, #tpu.memory_space<hbm>>
    %dma_wait3A_591 = arith.constant 0 : i32
    %dma_wait3A_592 = tpu.memref_slice %arg3[%add3A_556, %dma_wait3A_591] : memref<131072x128xf32, #tpu.memory_space<hbm>> -> memref<128x128xf32, #tpu.memory_space<hbm>>
    tpu.wait_dma2 semaphore(%arg16 : memref<!tpu.dma_semaphore, #tpu.memory_space<semaphore_mem>>) src(%arg9 : memref<128x128xf32, #tpu.memory_space<vmem>>) dst(%dma_wait3A_592 : memref<128x128xf32, #tpu.memory_space<hbm>>)
    tpu.enqueue_dma source(%arg12 : memref<128x128xf32, #tpu.memory_space<vmem_shared>>) target(%arg9 : memref<128x128xf32, #tpu.memory_space<vmem>>) target_semaphore(%arg13 : memref<!tpu.dma_semaphore, #tpu.memory_space<semaphore_mem>>)
    tpu.wait_dma2 semaphore(%arg15 : memref<!tpu.dma_semaphore, #tpu.memory_space<semaphore_mem>>) src(%arg12 : memref<128x128xf32, #tpu.memory_space<vmem_shared>>) dst(%arg11 : memref<128x128xf32, #tpu.memory_space<vmem>>)
    %add3A_593 = arith.constant 31 : i32
    %add3A_594 = arith.addi %scan3A_479#1, %add3A_593 : i32
    %shift_right_logical3A_595 = arith.constant 5 : i32
    %shift_right_logical3A_596 = arith.shrui %add3A_594, %shift_right_logical3A_595 : i32
    %while3A_597 = arith.constant 0 : i32
    %while3A_598 = arith.constant 0 : i32
    %while3A_599 = arith.subi %shift_right_logical3A_596, %while3A_597 : i32
    %while3A_600 = arith.addi %while3A_597, %while3A_599 : i32
    %while3A_601 = arith.constant 1 : i32
    %while3A_602 = arith.divsi %while3A_599, %while3A_601 : i32
    %while3A_603 = arith.muli %while3A_602, %while3A_601 : i32
    %while3A_604 = arith.addi %while3A_597, %while3A_603 : i32
    %while3A_605 = arith.constant 1 : i32
    %while3A_606 = scf.for %while3A_933 = %while3A_597 to %while3A_604 step %while3A_605 iter_args(%while3A_934 = %while3A_598) -> (i32)  : i32 {
      %mul3A_935 = arith.constant 2 : i32
      %mul3A_936 = arith.muli %while3A_933, %mul3A_935 : i32
      %add3A_937 = arith.constant 0 : i32
      %add3A_938 = arith.addi %mul3A_936, %add3A_937 : i32
      %mul3A_939 = arith.constant 16 : i32
      %mul3A_940 = arith.muli %add3A_938, %mul3A_939 : i32
      %get3A = arith.index_cast %mul3A_940 : i32 to index
      %get3A_941 = tpu.vector_load %arg6[%get3A] {strides = array<i32>} : memref<8208xi32, #tpu.memory_space<vmem>>, vector<16xi32>,
      %sub3A = arith.constant 65536 : i32
      %sub3A_942 = vector.broadcast %sub3A : i32 to vector<16xi32>
      %sub3A_943 = arith.subi %get3A_941, %sub3A_942 : vector<16xi32>
      %bitcast_convert_type3A = tpu.bitcast %sub3A_943 : vector<16xi32> -> vector<16xi32>
      %lt3A = arith.constant 16384 : i32
      %lt3A_944 = vector.broadcast %lt3A : i32 to vector<16xi32>
      %lt3A_945 = arith.cmpi ult, %bitcast_convert_type3A, %lt3A_944 : vector<16xi32>
      %mul3A_946 = arith.constant 16 : i32
      %mul3A_947 = arith.muli %add3A_938, %mul3A_946 : i32
      %add3A_948 = vector.broadcast %mul3A_947 : i32 to vector<16xi32>
      %add3A_949 = arith.addi %add3A_948, %iota3A : vector<16xi32>
      %lt3A_950 = vector.broadcast %scan3A_479#1 : i32 to vector<16xi32>
      %lt3A_951 = arith.cmpi slt, %add3A_949, %lt3A_950 : vector<16xi32>
      %and3A = arith.andi %lt3A_945, %lt3A_951 : vector<16xi1>
      %jit3A = arith.constant 0 : i32
      %broadcast_in_dim3A_952 = vector.broadcast %jit3A : i32 to vector<16xi32>
      %select_n3A = arith.select %and3A, %sub3A_943, %broadcast_in_dim3A_952 : vector<16xi1>, vector<16xi32>
      %shift_right_logical3A_953 = arith.constant 7 : i32
      %shift_right_logical3A_954 = vector.broadcast %shift_right_logical3A_953 : i32 to vector<16xi32>
      %shift_right_logical3A_955 = arith.shrui %select_n3A, %shift_right_logical3A_954 : vector<16xi32>
      %and3A_956 = arith.constant 127 : i32
      %and3A_957 = vector.broadcast %and3A_956 : i32 to vector<16xi32>
      %and3A_958 = arith.andi %select_n3A, %and3A_957 : vector<16xi32>
      tpu.vector_store_idx %arg11[%shift_right_logical3A_955, %and3A_958], %broadcast_in_dim3A_1 masked %and3A {add = true} : memref<128x128xf32, #tpu.memory_space<vmem>>[vector<16xi32>, vector<16xi32>], vector<16xf32>, vector<16xi1>
      %mul3A_959 = arith.constant 2 : i32
      %mul3A_960 = arith.muli %while3A_933, %mul3A_959 : i32
      %add3A_961 = arith.constant 1 : i32
      %add3A_962 = arith.addi %mul3A_960, %add3A_961 : i32
      %mul3A_963 = arith.constant 16 : i32
      %mul3A_964 = arith.muli %add3A_962, %mul3A_963 : i32
      %get3A_965 = arith.index_cast %mul3A_964 : i32 to index
      %get3A_966 = tpu.vector_load %arg6[%get3A_965] {strides = array<i32>} : memref<8208xi32, #tpu.memory_space<vmem>>, vector<16xi32>,
      %sub3A_967 = arith.constant 65536 : i32
      %sub3A_968 = vector.broadcast %sub3A_967 : i32 to vector<16xi32>
      %sub3A_969 = arith.subi %get3A_966, %sub3A_968 : vector<16xi32>
      %bitcast_convert_type3A_970 = tpu.bitcast %sub3A_969 : vector<16xi32> -> vector<16xi32>
      %lt3A_971 = arith.constant 16384 : i32
      %lt3A_972 = vector.broadcast %lt3A_971 : i32 to vector<16xi32>
      %lt3A_973 = arith.cmpi ult, %bitcast_convert_type3A_970, %lt3A_972 : vector<16xi32>
      %mul3A_974 = arith.constant 16 : i32
      %mul3A_975 = arith.muli %add3A_962, %mul3A_974 : i32
      %add3A_976 = vector.broadcast %mul3A_975 : i32 to vector<16xi32>
      %add3A_977 = arith.addi %add3A_976, %iota3A : vector<16xi32>
      %lt3A_978 = vector.broadcast %scan3A_479#1 : i32 to vector<16xi32>
      %lt3A_979 = arith.cmpi slt, %add3A_977, %lt3A_978 : vector<16xi32>
      %and3A_980 = arith.andi %lt3A_973, %lt3A_979 : vector<16xi1>
      %jit3A_981 = arith.constant 0 : i32
      %broadcast_in_dim3A_982 = vector.broadcast %jit3A_981 : i32 to vector<16xi32>
      %select_n3A_983 = arith.select %and3A_980, %sub3A_969, %broadcast_in_dim3A_982 : vector<16xi1>, vector<16xi32>
      %shift_right_logical3A_984 = arith.constant 7 : i32
      %shift_right_logical3A_985 = vector.broadcast %shift_right_logical3A_984 : i32 to vector<16xi32>
      %shift_right_logical3A_986 = arith.shrui %select_n3A_983, %shift_right_logical3A_985 : vector<16xi32>
      %and3A_987 = arith.constant 127 : i32
      %and3A_988 = vector.broadcast %and3A_987 : i32 to vector<16xi32>
      %and3A_989 = arith.andi %select_n3A_983, %and3A_988 : vector<16xi32>
      tpu.vector_store_idx %arg11[%shift_right_logical3A_986, %and3A_989], %broadcast_in_dim3A_1 masked %and3A_980 {add = true} : memref<128x128xf32, #tpu.memory_space<vmem>>[vector<16xi32>, vector<16xi32>], vector<16xf32>, vector<16xi1>
      %while3A_990 = arith.constant 0 : i32
      scf.yield %while3A_990 : i32
    }
    %while3A_607 = arith.constant 1 : i32
    %while3A_608 = scf.for %while3A_933 = %while3A_604 to %while3A_600 step %while3A_607 iter_args(%while3A_934 = %while3A_606) -> (i32)  : i32 {
      %mul3A_935 = arith.constant 2 : i32
      %mul3A_936 = arith.muli %while3A_933, %mul3A_935 : i32
      %add3A_937 = arith.constant 0 : i32
      %add3A_938 = arith.addi %mul3A_936, %add3A_937 : i32
      %mul3A_939 = arith.constant 16 : i32
      %mul3A_940 = arith.muli %add3A_938, %mul3A_939 : i32
      %get3A = arith.index_cast %mul3A_940 : i32 to index
      %get3A_941 = tpu.vector_load %arg6[%get3A] {strides = array<i32>} : memref<8208xi32, #tpu.memory_space<vmem>>, vector<16xi32>,
      %sub3A = arith.constant 65536 : i32
      %sub3A_942 = vector.broadcast %sub3A : i32 to vector<16xi32>
      %sub3A_943 = arith.subi %get3A_941, %sub3A_942 : vector<16xi32>
      %bitcast_convert_type3A = tpu.bitcast %sub3A_943 : vector<16xi32> -> vector<16xi32>
      %lt3A = arith.constant 16384 : i32
      %lt3A_944 = vector.broadcast %lt3A : i32 to vector<16xi32>
      %lt3A_945 = arith.cmpi ult, %bitcast_convert_type3A, %lt3A_944 : vector<16xi32>
      %mul3A_946 = arith.constant 16 : i32
      %mul3A_947 = arith.muli %add3A_938, %mul3A_946 : i32
      %add3A_948 = vector.broadcast %mul3A_947 : i32 to vector<16xi32>
      %add3A_949 = arith.addi %add3A_948, %iota3A : vector<16xi32>
      %lt3A_950 = vector.broadcast %scan3A_479#1 : i32 to vector<16xi32>
      %lt3A_951 = arith.cmpi slt, %add3A_949, %lt3A_950 : vector<16xi32>
      %and3A = arith.andi %lt3A_945, %lt3A_951 : vector<16xi1>
      %jit3A = arith.constant 0 : i32
      %broadcast_in_dim3A_952 = vector.broadcast %jit3A : i32 to vector<16xi32>
      %select_n3A = arith.select %and3A, %sub3A_943, %broadcast_in_dim3A_952 : vector<16xi1>, vector<16xi32>
      %shift_right_logical3A_953 = arith.constant 7 : i32
      %shift_right_logical3A_954 = vector.broadcast %shift_right_logical3A_953 : i32 to vector<16xi32>
      %shift_right_logical3A_955 = arith.shrui %select_n3A, %shift_right_logical3A_954 : vector<16xi32>
      %and3A_956 = arith.constant 127 : i32
      %and3A_957 = vector.broadcast %and3A_956 : i32 to vector<16xi32>
      %and3A_958 = arith.andi %select_n3A, %and3A_957 : vector<16xi32>
      tpu.vector_store_idx %arg11[%shift_right_logical3A_955, %and3A_958], %broadcast_in_dim3A_1 masked %and3A {add = true} : memref<128x128xf32, #tpu.memory_space<vmem>>[vector<16xi32>, vector<16xi32>], vector<16xf32>, vector<16xi1>
      %mul3A_959 = arith.constant 2 : i32
      %mul3A_960 = arith.muli %while3A_933, %mul3A_959 : i32
      %add3A_961 = arith.constant 1 : i32
      %add3A_962 = arith.addi %mul3A_960, %add3A_961 : i32
      %mul3A_963 = arith.constant 16 : i32
      %mul3A_964 = arith.muli %add3A_962, %mul3A_963 : i32
      %get3A_965 = arith.index_cast %mul3A_964 : i32 to index
      %get3A_966 = tpu.vector_load %arg6[%get3A_965] {strides = array<i32>} : memref<8208xi32, #tpu.memory_space<vmem>>, vector<16xi32>,
      %sub3A_967 = arith.constant 65536 : i32
      %sub3A_968 = vector.broadcast %sub3A_967 : i32 to vector<16xi32>
      %sub3A_969 = arith.subi %get3A_966, %sub3A_968 : vector<16xi32>
      %bitcast_convert_type3A_970 = tpu.bitcast %sub3A_969 : vector<16xi32> -> vector<16xi32>
      %lt3A_971 = arith.constant 16384 : i32
      %lt3A_972 = vector.broadcast %lt3A_971 : i32 to vector<16xi32>
      %lt3A_973 = arith.cmpi ult, %bitcast_convert_type3A_970, %lt3A_972 : vector<16xi32>
      %mul3A_974 = arith.constant 16 : i32
      %mul3A_975 = arith.muli %add3A_962, %mul3A_974 : i32
      %add3A_976 = vector.broadcast %mul3A_975 : i32 to vector<16xi32>
      %add3A_977 = arith.addi %add3A_976, %iota3A : vector<16xi32>
      %lt3A_978 = vector.broadcast %scan3A_479#1 : i32 to vector<16xi32>
      %lt3A_979 = arith.cmpi slt, %add3A_977, %lt3A_978 : vector<16xi32>
      %and3A_980 = arith.andi %lt3A_973, %lt3A_979 : vector<16xi1>
      %jit3A_981 = arith.constant 0 : i32
      %broadcast_in_dim3A_982 = vector.broadcast %jit3A_981 : i32 to vector<16xi32>
      %select_n3A_983 = arith.select %and3A_980, %sub3A_969, %broadcast_in_dim3A_982 : vector<16xi1>, vector<16xi32>
      %shift_right_logical3A_984 = arith.constant 7 : i32
      %shift_right_logical3A_985 = vector.broadcast %shift_right_logical3A_984 : i32 to vector<16xi32>
      %shift_right_logical3A_986 = arith.shrui %select_n3A_983, %shift_right_logical3A_985 : vector<16xi32>
      %and3A_987 = arith.constant 127 : i32
      %and3A_988 = vector.broadcast %and3A_987 : i32 to vector<16xi32>
      %and3A_989 = arith.andi %select_n3A_983, %and3A_988 : vector<16xi32>
      tpu.vector_store_idx %arg11[%shift_right_logical3A_986, %and3A_989], %broadcast_in_dim3A_1 masked %and3A_980 {add = true} : memref<128x128xf32, #tpu.memory_space<vmem>>[vector<16xi32>, vector<16xi32>], vector<16xf32>, vector<16xi1>
      %while3A_990 = arith.constant 0 : i32
      scf.yield %while3A_990 : i32
    }
    %mul3A_609 = arith.constant 2048 : i32
    %mul3A_610 = arith.muli %add3A_466, %mul3A_609 : i32
    %add3A_611 = arith.constant 512 : i32
    %add3A_612 = arith.addi %mul3A_610, %add3A_611 : i32
    %dma_start3A_613 = arith.constant 0 : i32
    %dma_start3A_614 = tpu.memref_slice %arg3[%add3A_612, %dma_start3A_613] : memref<131072x128xf32, #tpu.memory_space<hbm>> -> memref<128x128xf32, #tpu.memory_space<hbm>>
    %dma_start3A_615 = arith.constant 0 : i32
    %dma_start3A_616 = tpu.memref_slice %arg3[%add3A_612, %dma_start3A_615] : memref<131072x128xf32, #tpu.memory_space<hbm>> -> memref<128x128xf32, #tpu.memory_space<hbm>>
    tpu.enqueue_dma source(%arg11 : memref<128x128xf32, #tpu.memory_space<vmem>>) target(%dma_start3A_616 : memref<128x128xf32, #tpu.memory_space<hbm>>) target_semaphore(%arg18 : memref<!tpu.dma_semaphore, #tpu.memory_space<semaphore_mem>>)
    %dma_wait3A_617 = arith.constant 0 : i32
    %dma_wait3A_618 = tpu.memref_slice %arg3[%add3A_584, %dma_wait3A_617] : memref<131072x128xf32, #tpu.memory_space<hbm>> -> memref<128x128xf32, #tpu.memory_space<hbm>>
    %dma_wait3A_619 = arith.constant 0 : i32
    %dma_wait3A_620 = tpu.memref_slice %arg3[%add3A_584, %dma_wait3A_619] : memref<131072x128xf32, #tpu.memory_space<hbm>> -> memref<128x128xf32, #tpu.memory_space<hbm>>
    tpu.wait_dma2 semaphore(%arg17 : memref<!tpu.dma_semaphore, #tpu.memory_space<semaphore_mem>>) src(%arg10 : memref<128x128xf32, #tpu.memory_space<vmem>>) dst(%dma_wait3A_620 : memref<128x128xf32, #tpu.memory_space<hbm>>)
    tpu.enqueue_dma source(%arg12 : memref<128x128xf32, #tpu.memory_space<vmem_shared>>) target(%arg10 : memref<128x128xf32, #tpu.memory_space<vmem>>) target_semaphore(%arg14 : memref<!tpu.dma_semaphore, #tpu.memory_space<semaphore_mem>>)
    tpu.wait_dma2 semaphore(%arg13 : memref<!tpu.dma_semaphore, #tpu.memory_space<semaphore_mem>>) src(%arg12 : memref<128x128xf32, #tpu.memory_space<vmem_shared>>) dst(%arg9 : memref<128x128xf32, #tpu.memory_space<vmem>>)
    %add3A_621 = arith.constant 31 : i32
    %add3A_622 = arith.addi %scan3A_479#1, %add3A_621 : i32
    %shift_right_logical3A_623 = arith.constant 5 : i32
    %shift_right_logical3A_624 = arith.shrui %add3A_622, %shift_right_logical3A_623 : i32
    %while3A_625 = arith.constant 0 : i32
    %while3A_626 = arith.constant 0 : i32
    %while3A_627 = arith.subi %shift_right_logical3A_624, %while3A_625 : i32
    %while3A_628 = arith.addi %while3A_625, %while3A_627 : i32
    %while3A_629 = arith.constant 1 : i32
    %while3A_630 = arith.divsi %while3A_627, %while3A_629 : i32
    %while3A_631 = arith.muli %while3A_630, %while3A_629 : i32
    %while3A_632 = arith.addi %while3A_625, %while3A_631 : i32
    %while3A_633 = arith.constant 1 : i32
    %while3A_634 = scf.for %while3A_933 = %while3A_625 to %while3A_632 step %while3A_633 iter_args(%while3A_934 = %while3A_626) -> (i32)  : i32 {
      %mul3A_935 = arith.constant 2 : i32
      %mul3A_936 = arith.muli %while3A_933, %mul3A_935 : i32
      %add3A_937 = arith.constant 0 : i32
      %add3A_938 = arith.addi %mul3A_936, %add3A_937 : i32
      %mul3A_939 = arith.constant 16 : i32
      %mul3A_940 = arith.muli %add3A_938, %mul3A_939 : i32
      %get3A = arith.index_cast %mul3A_940 : i32 to index
      %get3A_941 = tpu.vector_load %arg6[%get3A] {strides = array<i32>} : memref<8208xi32, #tpu.memory_space<vmem>>, vector<16xi32>,
      %sub3A = arith.constant 81920 : i32
      %sub3A_942 = vector.broadcast %sub3A : i32 to vector<16xi32>
      %sub3A_943 = arith.subi %get3A_941, %sub3A_942 : vector<16xi32>
      %bitcast_convert_type3A = tpu.bitcast %sub3A_943 : vector<16xi32> -> vector<16xi32>
      %lt3A = arith.constant 16384 : i32
      %lt3A_944 = vector.broadcast %lt3A : i32 to vector<16xi32>
      %lt3A_945 = arith.cmpi ult, %bitcast_convert_type3A, %lt3A_944 : vector<16xi32>
      %mul3A_946 = arith.constant 16 : i32
      %mul3A_947 = arith.muli %add3A_938, %mul3A_946 : i32
      %add3A_948 = vector.broadcast %mul3A_947 : i32 to vector<16xi32>
      %add3A_949 = arith.addi %add3A_948, %iota3A : vector<16xi32>
      %lt3A_950 = vector.broadcast %scan3A_479#1 : i32 to vector<16xi32>
      %lt3A_951 = arith.cmpi slt, %add3A_949, %lt3A_950 : vector<16xi32>
      %and3A = arith.andi %lt3A_945, %lt3A_951 : vector<16xi1>
      %jit3A = arith.constant 0 : i32
      %broadcast_in_dim3A_952 = vector.broadcast %jit3A : i32 to vector<16xi32>
      %select_n3A = arith.select %and3A, %sub3A_943, %broadcast_in_dim3A_952 : vector<16xi1>, vector<16xi32>
      %shift_right_logical3A_953 = arith.constant 7 : i32
      %shift_right_logical3A_954 = vector.broadcast %shift_right_logical3A_953 : i32 to vector<16xi32>
      %shift_right_logical3A_955 = arith.shrui %select_n3A, %shift_right_logical3A_954 : vector<16xi32>
      %and3A_956 = arith.constant 127 : i32
      %and3A_957 = vector.broadcast %and3A_956 : i32 to vector<16xi32>
      %and3A_958 = arith.andi %select_n3A, %and3A_957 : vector<16xi32>
      tpu.vector_store_idx %arg9[%shift_right_logical3A_955, %and3A_958], %broadcast_in_dim3A_1 masked %and3A {add = true} : memref<128x128xf32, #tpu.memory_space<vmem>>[vector<16xi32>, vector<16xi32>], vector<16xf32>, vector<16xi1>
      %mul3A_959 = arith.constant 2 : i32
      %mul3A_960 = arith.muli %while3A_933, %mul3A_959 : i32
      %add3A_961 = arith.constant 1 : i32
      %add3A_962 = arith.addi %mul3A_960, %add3A_961 : i32
      %mul3A_963 = arith.constant 16 : i32
      %mul3A_964 = arith.muli %add3A_962, %mul3A_963 : i32
      %get3A_965 = arith.index_cast %mul3A_964 : i32 to index
      %get3A_966 = tpu.vector_load %arg6[%get3A_965] {strides = array<i32>} : memref<8208xi32, #tpu.memory_space<vmem>>, vector<16xi32>,
      %sub3A_967 = arith.constant 81920 : i32
      %sub3A_968 = vector.broadcast %sub3A_967 : i32 to vector<16xi32>
      %sub3A_969 = arith.subi %get3A_966, %sub3A_968 : vector<16xi32>
      %bitcast_convert_type3A_970 = tpu.bitcast %sub3A_969 : vector<16xi32> -> vector<16xi32>
      %lt3A_971 = arith.constant 16384 : i32
      %lt3A_972 = vector.broadcast %lt3A_971 : i32 to vector<16xi32>
      %lt3A_973 = arith.cmpi ult, %bitcast_convert_type3A_970, %lt3A_972 : vector<16xi32>
      %mul3A_974 = arith.constant 16 : i32
      %mul3A_975 = arith.muli %add3A_962, %mul3A_974 : i32
      %add3A_976 = vector.broadcast %mul3A_975 : i32 to vector<16xi32>
      %add3A_977 = arith.addi %add3A_976, %iota3A : vector<16xi32>
      %lt3A_978 = vector.broadcast %scan3A_479#1 : i32 to vector<16xi32>
      %lt3A_979 = arith.cmpi slt, %add3A_977, %lt3A_978 : vector<16xi32>
      %and3A_980 = arith.andi %lt3A_973, %lt3A_979 : vector<16xi1>
      %jit3A_981 = arith.constant 0 : i32
      %broadcast_in_dim3A_982 = vector.broadcast %jit3A_981 : i32 to vector<16xi32>
      %select_n3A_983 = arith.select %and3A_980, %sub3A_969, %broadcast_in_dim3A_982 : vector<16xi1>, vector<16xi32>
      %shift_right_logical3A_984 = arith.constant 7 : i32
      %shift_right_logical3A_985 = vector.broadcast %shift_right_logical3A_984 : i32 to vector<16xi32>
      %shift_right_logical3A_986 = arith.shrui %select_n3A_983, %shift_right_logical3A_985 : vector<16xi32>
      %and3A_987 = arith.constant 127 : i32
      %and3A_988 = vector.broadcast %and3A_987 : i32 to vector<16xi32>
      %and3A_989 = arith.andi %select_n3A_983, %and3A_988 : vector<16xi32>
      tpu.vector_store_idx %arg9[%shift_right_logical3A_986, %and3A_989], %broadcast_in_dim3A_1 masked %and3A_980 {add = true} : memref<128x128xf32, #tpu.memory_space<vmem>>[vector<16xi32>, vector<16xi32>], vector<16xf32>, vector<16xi1>
      %while3A_990 = arith.constant 0 : i32
      scf.yield %while3A_990 : i32
    }
    %while3A_635 = arith.constant 1 : i32
    %while3A_636 = scf.for %while3A_933 = %while3A_632 to %while3A_628 step %while3A_635 iter_args(%while3A_934 = %while3A_634) -> (i32)  : i32 {
      %mul3A_935 = arith.constant 2 : i32
      %mul3A_936 = arith.muli %while3A_933, %mul3A_935 : i32
      %add3A_937 = arith.constant 0 : i32
      %add3A_938 = arith.addi %mul3A_936, %add3A_937 : i32
      %mul3A_939 = arith.constant 16 : i32
      %mul3A_940 = arith.muli %add3A_938, %mul3A_939 : i32
      %get3A = arith.index_cast %mul3A_940 : i32 to index
      %get3A_941 = tpu.vector_load %arg6[%get3A] {strides = array<i32>} : memref<8208xi32, #tpu.memory_space<vmem>>, vector<16xi32>,
      %sub3A = arith.constant 81920 : i32
      %sub3A_942 = vector.broadcast %sub3A : i32 to vector<16xi32>
      %sub3A_943 = arith.subi %get3A_941, %sub3A_942 : vector<16xi32>
      %bitcast_convert_type3A = tpu.bitcast %sub3A_943 : vector<16xi32> -> vector<16xi32>
      %lt3A = arith.constant 16384 : i32
      %lt3A_944 = vector.broadcast %lt3A : i32 to vector<16xi32>
      %lt3A_945 = arith.cmpi ult, %bitcast_convert_type3A, %lt3A_944 : vector<16xi32>
      %mul3A_946 = arith.constant 16 : i32
      %mul3A_947 = arith.muli %add3A_938, %mul3A_946 : i32
      %add3A_948 = vector.broadcast %mul3A_947 : i32 to vector<16xi32>
      %add3A_949 = arith.addi %add3A_948, %iota3A : vector<16xi32>
      %lt3A_950 = vector.broadcast %scan3A_479#1 : i32 to vector<16xi32>
      %lt3A_951 = arith.cmpi slt, %add3A_949, %lt3A_950 : vector<16xi32>
      %and3A = arith.andi %lt3A_945, %lt3A_951 : vector<16xi1>
      %jit3A = arith.constant 0 : i32
      %broadcast_in_dim3A_952 = vector.broadcast %jit3A : i32 to vector<16xi32>
      %select_n3A = arith.select %and3A, %sub3A_943, %broadcast_in_dim3A_952 : vector<16xi1>, vector<16xi32>
      %shift_right_logical3A_953 = arith.constant 7 : i32
      %shift_right_logical3A_954 = vector.broadcast %shift_right_logical3A_953 : i32 to vector<16xi32>
      %shift_right_logical3A_955 = arith.shrui %select_n3A, %shift_right_logical3A_954 : vector<16xi32>
      %and3A_956 = arith.constant 127 : i32
      %and3A_957 = vector.broadcast %and3A_956 : i32 to vector<16xi32>
      %and3A_958 = arith.andi %select_n3A, %and3A_957 : vector<16xi32>
      tpu.vector_store_idx %arg9[%shift_right_logical3A_955, %and3A_958], %broadcast_in_dim3A_1 masked %and3A {add = true} : memref<128x128xf32, #tpu.memory_space<vmem>>[vector<16xi32>, vector<16xi32>], vector<16xf32>, vector<16xi1>
      %mul3A_959 = arith.constant 2 : i32
      %mul3A_960 = arith.muli %while3A_933, %mul3A_959 : i32
      %add3A_961 = arith.constant 1 : i32
      %add3A_962 = arith.addi %mul3A_960, %add3A_961 : i32
      %mul3A_963 = arith.constant 16 : i32
      %mul3A_964 = arith.muli %add3A_962, %mul3A_963 : i32
      %get3A_965 = arith.index_cast %mul3A_964 : i32 to index
      %get3A_966 = tpu.vector_load %arg6[%get3A_965] {strides = array<i32>} : memref<8208xi32, #tpu.memory_space<vmem>>, vector<16xi32>,
      %sub3A_967 = arith.constant 81920 : i32
      %sub3A_968 = vector.broadcast %sub3A_967 : i32 to vector<16xi32>
      %sub3A_969 = arith.subi %get3A_966, %sub3A_968 : vector<16xi32>
      %bitcast_convert_type3A_970 = tpu.bitcast %sub3A_969 : vector<16xi32> -> vector<16xi32>
      %lt3A_971 = arith.constant 16384 : i32
      %lt3A_972 = vector.broadcast %lt3A_971 : i32 to vector<16xi32>
      %lt3A_973 = arith.cmpi ult, %bitcast_convert_type3A_970, %lt3A_972 : vector<16xi32>
      %mul3A_974 = arith.constant 16 : i32
      %mul3A_975 = arith.muli %add3A_962, %mul3A_974 : i32
      %add3A_976 = vector.broadcast %mul3A_975 : i32 to vector<16xi32>
      %add3A_977 = arith.addi %add3A_976, %iota3A : vector<16xi32>
      %lt3A_978 = vector.broadcast %scan3A_479#1 : i32 to vector<16xi32>
      %lt3A_979 = arith.cmpi slt, %add3A_977, %lt3A_978 : vector<16xi32>
      %and3A_980 = arith.andi %lt3A_973, %lt3A_979 : vector<16xi1>
      %jit3A_981 = arith.constant 0 : i32
      %broadcast_in_dim3A_982 = vector.broadcast %jit3A_981 : i32 to vector<16xi32>
      %select_n3A_983 = arith.select %and3A_980, %sub3A_969, %broadcast_in_dim3A_982 : vector<16xi1>, vector<16xi32>
      %shift_right_logical3A_984 = arith.constant 7 : i32
      %shift_right_logical3A_985 = vector.broadcast %shift_right_logical3A_984 : i32 to vector<16xi32>
      %shift_right_logical3A_986 = arith.shrui %select_n3A_983, %shift_right_logical3A_985 : vector<16xi32>
      %and3A_987 = arith.constant 127 : i32
      %and3A_988 = vector.broadcast %and3A_987 : i32 to vector<16xi32>
      %and3A_989 = arith.andi %select_n3A_983, %and3A_988 : vector<16xi32>
      tpu.vector_store_idx %arg9[%shift_right_logical3A_986, %and3A_989], %broadcast_in_dim3A_1 masked %and3A_980 {add = true} : memref<128x128xf32, #tpu.memory_space<vmem>>[vector<16xi32>, vector<16xi32>], vector<16xf32>, vector<16xi1>
      %while3A_990 = arith.constant 0 : i32
      scf.yield %while3A_990 : i32
    }
    %mul3A_637 = arith.constant 2048 : i32
    %mul3A_638 = arith.muli %add3A_466, %mul3A_637 : i32
    %add3A_639 = arith.constant 640 : i32
    %add3A_640 = arith.addi %mul3A_638, %add3A_639 : i32
    %dma_start3A_641 = arith.constant 0 : i32
    %dma_start3A_642 = tpu.memref_slice %arg3[%add3A_640, %dma_start3A_641] : memref<131072x128xf32, #tpu.memory_space<hbm>> -> memref<128x128xf32, #tpu.memory_space<hbm>>
    %dma_start3A_643 = arith.constant 0 : i32
    %dma_start3A_644 = tpu.memref_slice %arg3[%add3A_640, %dma_start3A_643] : memref<131072x128xf32, #tpu.memory_space<hbm>> -> memref<128x128xf32, #tpu.memory_space<hbm>>
    tpu.enqueue_dma source(%arg9 : memref<128x128xf32, #tpu.memory_space<vmem>>) target(%dma_start3A_644 : memref<128x128xf32, #tpu.memory_space<hbm>>) target_semaphore(%arg16 : memref<!tpu.dma_semaphore, #tpu.memory_space<semaphore_mem>>)
    %dma_wait3A_645 = arith.constant 0 : i32
    %dma_wait3A_646 = tpu.memref_slice %arg3[%add3A_612, %dma_wait3A_645] : memref<131072x128xf32, #tpu.memory_space<hbm>> -> memref<128x128xf32, #tpu.memory_space<hbm>>
    %dma_wait3A_647 = arith.constant 0 : i32
    %dma_wait3A_648 = tpu.memref_slice %arg3[%add3A_612, %dma_wait3A_647] : memref<131072x128xf32, #tpu.memory_space<hbm>> -> memref<128x128xf32, #tpu.memory_space<hbm>>
    tpu.wait_dma2 semaphore(%arg18 : memref<!tpu.dma_semaphore, #tpu.memory_space<semaphore_mem>>) src(%arg11 : memref<128x128xf32, #tpu.memory_space<vmem>>) dst(%dma_wait3A_648 : memref<128x128xf32, #tpu.memory_space<hbm>>)
    tpu.enqueue_dma source(%arg12 : memref<128x128xf32, #tpu.memory_space<vmem_shared>>) target(%arg11 : memref<128x128xf32, #tpu.memory_space<vmem>>) target_semaphore(%arg15 : memref<!tpu.dma_semaphore, #tpu.memory_space<semaphore_mem>>)
    tpu.wait_dma2 semaphore(%arg14 : memref<!tpu.dma_semaphore, #tpu.memory_space<semaphore_mem>>) src(%arg12 : memref<128x128xf32, #tpu.memory_space<vmem_shared>>) dst(%arg10 : memref<128x128xf32, #tpu.memory_space<vmem>>)
    %add3A_649 = arith.constant 31 : i32
    %add3A_650 = arith.addi %scan3A_479#1, %add3A_649 : i32
    %shift_right_logical3A_651 = arith.constant 5 : i32
    %shift_right_logical3A_652 = arith.shrui %add3A_650, %shift_right_logical3A_651 : i32
    %while3A_653 = arith.constant 0 : i32
    %while3A_654 = arith.constant 0 : i32
    %while3A_655 = arith.subi %shift_right_logical3A_652, %while3A_653 : i32
    %while3A_656 = arith.addi %while3A_653, %while3A_655 : i32
    %while3A_657 = arith.constant 1 : i32
    %while3A_658 = arith.divsi %while3A_655, %while3A_657 : i32
    %while3A_659 = arith.muli %while3A_658, %while3A_657 : i32
    %while3A_660 = arith.addi %while3A_653, %while3A_659 : i32
    %while3A_661 = arith.constant 1 : i32
    %while3A_662 = scf.for %while3A_933 = %while3A_653 to %while3A_660 step %while3A_661 iter_args(%while3A_934 = %while3A_654) -> (i32)  : i32 {
      %mul3A_935 = arith.constant 2 : i32
      %mul3A_936 = arith.muli %while3A_933, %mul3A_935 : i32
      %add3A_937 = arith.constant 0 : i32
      %add3A_938 = arith.addi %mul3A_936, %add3A_937 : i32
      %mul3A_939 = arith.constant 16 : i32
      %mul3A_940 = arith.muli %add3A_938, %mul3A_939 : i32
      %get3A = arith.index_cast %mul3A_940 : i32 to index
      %get3A_941 = tpu.vector_load %arg6[%get3A] {strides = array<i32>} : memref<8208xi32, #tpu.memory_space<vmem>>, vector<16xi32>,
      %sub3A = arith.constant 98304 : i32
      %sub3A_942 = vector.broadcast %sub3A : i32 to vector<16xi32>
      %sub3A_943 = arith.subi %get3A_941, %sub3A_942 : vector<16xi32>
      %bitcast_convert_type3A = tpu.bitcast %sub3A_943 : vector<16xi32> -> vector<16xi32>
      %lt3A = arith.constant 16384 : i32
      %lt3A_944 = vector.broadcast %lt3A : i32 to vector<16xi32>
      %lt3A_945 = arith.cmpi ult, %bitcast_convert_type3A, %lt3A_944 : vector<16xi32>
      %mul3A_946 = arith.constant 16 : i32
      %mul3A_947 = arith.muli %add3A_938, %mul3A_946 : i32
      %add3A_948 = vector.broadcast %mul3A_947 : i32 to vector<16xi32>
      %add3A_949 = arith.addi %add3A_948, %iota3A : vector<16xi32>
      %lt3A_950 = vector.broadcast %scan3A_479#1 : i32 to vector<16xi32>
      %lt3A_951 = arith.cmpi slt, %add3A_949, %lt3A_950 : vector<16xi32>
      %and3A = arith.andi %lt3A_945, %lt3A_951 : vector<16xi1>
      %jit3A = arith.constant 0 : i32
      %broadcast_in_dim3A_952 = vector.broadcast %jit3A : i32 to vector<16xi32>
      %select_n3A = arith.select %and3A, %sub3A_943, %broadcast_in_dim3A_952 : vector<16xi1>, vector<16xi32>
      %shift_right_logical3A_953 = arith.constant 7 : i32
      %shift_right_logical3A_954 = vector.broadcast %shift_right_logical3A_953 : i32 to vector<16xi32>
      %shift_right_logical3A_955 = arith.shrui %select_n3A, %shift_right_logical3A_954 : vector<16xi32>
      %and3A_956 = arith.constant 127 : i32
      %and3A_957 = vector.broadcast %and3A_956 : i32 to vector<16xi32>
      %and3A_958 = arith.andi %select_n3A, %and3A_957 : vector<16xi32>
      tpu.vector_store_idx %arg10[%shift_right_logical3A_955, %and3A_958], %broadcast_in_dim3A_1 masked %and3A {add = true} : memref<128x128xf32, #tpu.memory_space<vmem>>[vector<16xi32>, vector<16xi32>], vector<16xf32>, vector<16xi1>
      %mul3A_959 = arith.constant 2 : i32
      %mul3A_960 = arith.muli %while3A_933, %mul3A_959 : i32
      %add3A_961 = arith.constant 1 : i32
      %add3A_962 = arith.addi %mul3A_960, %add3A_961 : i32
      %mul3A_963 = arith.constant 16 : i32
      %mul3A_964 = arith.muli %add3A_962, %mul3A_963 : i32
      %get3A_965 = arith.index_cast %mul3A_964 : i32 to index
      %get3A_966 = tpu.vector_load %arg6[%get3A_965] {strides = array<i32>} : memref<8208xi32, #tpu.memory_space<vmem>>, vector<16xi32>,
      %sub3A_967 = arith.constant 98304 : i32
      %sub3A_968 = vector.broadcast %sub3A_967 : i32 to vector<16xi32>
      %sub3A_969 = arith.subi %get3A_966, %sub3A_968 : vector<16xi32>
      %bitcast_convert_type3A_970 = tpu.bitcast %sub3A_969 : vector<16xi32> -> vector<16xi32>
      %lt3A_971 = arith.constant 16384 : i32
      %lt3A_972 = vector.broadcast %lt3A_971 : i32 to vector<16xi32>
      %lt3A_973 = arith.cmpi ult, %bitcast_convert_type3A_970, %lt3A_972 : vector<16xi32>
      %mul3A_974 = arith.constant 16 : i32
      %mul3A_975 = arith.muli %add3A_962, %mul3A_974 : i32
      %add3A_976 = vector.broadcast %mul3A_975 : i32 to vector<16xi32>
      %add3A_977 = arith.addi %add3A_976, %iota3A : vector<16xi32>
      %lt3A_978 = vector.broadcast %scan3A_479#1 : i32 to vector<16xi32>
      %lt3A_979 = arith.cmpi slt, %add3A_977, %lt3A_978 : vector<16xi32>
      %and3A_980 = arith.andi %lt3A_973, %lt3A_979 : vector<16xi1>
      %jit3A_981 = arith.constant 0 : i32
      %broadcast_in_dim3A_982 = vector.broadcast %jit3A_981 : i32 to vector<16xi32>
      %select_n3A_983 = arith.select %and3A_980, %sub3A_969, %broadcast_in_dim3A_982 : vector<16xi1>, vector<16xi32>
      %shift_right_logical3A_984 = arith.constant 7 : i32
      %shift_right_logical3A_985 = vector.broadcast %shift_right_logical3A_984 : i32 to vector<16xi32>
      %shift_right_logical3A_986 = arith.shrui %select_n3A_983, %shift_right_logical3A_985 : vector<16xi32>
      %and3A_987 = arith.constant 127 : i32
      %and3A_988 = vector.broadcast %and3A_987 : i32 to vector<16xi32>
      %and3A_989 = arith.andi %select_n3A_983, %and3A_988 : vector<16xi32>
      tpu.vector_store_idx %arg10[%shift_right_logical3A_986, %and3A_989], %broadcast_in_dim3A_1 masked %and3A_980 {add = true} : memref<128x128xf32, #tpu.memory_space<vmem>>[vector<16xi32>, vector<16xi32>], vector<16xf32>, vector<16xi1>
      %while3A_990 = arith.constant 0 : i32
      scf.yield %while3A_990 : i32
    }
    %while3A_663 = arith.constant 1 : i32
    %while3A_664 = scf.for %while3A_933 = %while3A_660 to %while3A_656 step %while3A_663 iter_args(%while3A_934 = %while3A_662) -> (i32)  : i32 {
      %mul3A_935 = arith.constant 2 : i32
      %mul3A_936 = arith.muli %while3A_933, %mul3A_935 : i32
      %add3A_937 = arith.constant 0 : i32
      %add3A_938 = arith.addi %mul3A_936, %add3A_937 : i32
      %mul3A_939 = arith.constant 16 : i32
      %mul3A_940 = arith.muli %add3A_938, %mul3A_939 : i32
      %get3A = arith.index_cast %mul3A_940 : i32 to index
      %get3A_941 = tpu.vector_load %arg6[%get3A] {strides = array<i32>} : memref<8208xi32, #tpu.memory_space<vmem>>, vector<16xi32>,
      %sub3A = arith.constant 98304 : i32
      %sub3A_942 = vector.broadcast %sub3A : i32 to vector<16xi32>
      %sub3A_943 = arith.subi %get3A_941, %sub3A_942 : vector<16xi32>
      %bitcast_convert_type3A = tpu.bitcast %sub3A_943 : vector<16xi32> -> vector<16xi32>
      %lt3A = arith.constant 16384 : i32
      %lt3A_944 = vector.broadcast %lt3A : i32 to vector<16xi32>
      %lt3A_945 = arith.cmpi ult, %bitcast_convert_type3A, %lt3A_944 : vector<16xi32>
      %mul3A_946 = arith.constant 16 : i32
      %mul3A_947 = arith.muli %add3A_938, %mul3A_946 : i32
      %add3A_948 = vector.broadcast %mul3A_947 : i32 to vector<16xi32>
      %add3A_949 = arith.addi %add3A_948, %iota3A : vector<16xi32>
      %lt3A_950 = vector.broadcast %scan3A_479#1 : i32 to vector<16xi32>
      %lt3A_951 = arith.cmpi slt, %add3A_949, %lt3A_950 : vector<16xi32>
      %and3A = arith.andi %lt3A_945, %lt3A_951 : vector<16xi1>
      %jit3A = arith.constant 0 : i32
      %broadcast_in_dim3A_952 = vector.broadcast %jit3A : i32 to vector<16xi32>
      %select_n3A = arith.select %and3A, %sub3A_943, %broadcast_in_dim3A_952 : vector<16xi1>, vector<16xi32>
      %shift_right_logical3A_953 = arith.constant 7 : i32
      %shift_right_logical3A_954 = vector.broadcast %shift_right_logical3A_953 : i32 to vector<16xi32>
      %shift_right_logical3A_955 = arith.shrui %select_n3A, %shift_right_logical3A_954 : vector<16xi32>
      %and3A_956 = arith.constant 127 : i32
      %and3A_957 = vector.broadcast %and3A_956 : i32 to vector<16xi32>
      %and3A_958 = arith.andi %select_n3A, %and3A_957 : vector<16xi32>
      tpu.vector_store_idx %arg10[%shift_right_logical3A_955, %and3A_958], %broadcast_in_dim3A_1 masked %and3A {add = true} : memref<128x128xf32, #tpu.memory_space<vmem>>[vector<16xi32>, vector<16xi32>], vector<16xf32>, vector<16xi1>
      %mul3A_959 = arith.constant 2 : i32
      %mul3A_960 = arith.muli %while3A_933, %mul3A_959 : i32
      %add3A_961 = arith.constant 1 : i32
      %add3A_962 = arith.addi %mul3A_960, %add3A_961 : i32
      %mul3A_963 = arith.constant 16 : i32
      %mul3A_964 = arith.muli %add3A_962, %mul3A_963 : i32
      %get3A_965 = arith.index_cast %mul3A_964 : i32 to index
      %get3A_966 = tpu.vector_load %arg6[%get3A_965] {strides = array<i32>} : memref<8208xi32, #tpu.memory_space<vmem>>, vector<16xi32>,
      %sub3A_967 = arith.constant 98304 : i32
      %sub3A_968 = vector.broadcast %sub3A_967 : i32 to vector<16xi32>
      %sub3A_969 = arith.subi %get3A_966, %sub3A_968 : vector<16xi32>
      %bitcast_convert_type3A_970 = tpu.bitcast %sub3A_969 : vector<16xi32> -> vector<16xi32>
      %lt3A_971 = arith.constant 16384 : i32
      %lt3A_972 = vector.broadcast %lt3A_971 : i32 to vector<16xi32>
      %lt3A_973 = arith.cmpi ult, %bitcast_convert_type3A_970, %lt3A_972 : vector<16xi32>
      %mul3A_974 = arith.constant 16 : i32
      %mul3A_975 = arith.muli %add3A_962, %mul3A_974 : i32
      %add3A_976 = vector.broadcast %mul3A_975 : i32 to vector<16xi32>
      %add3A_977 = arith.addi %add3A_976, %iota3A : vector<16xi32>
      %lt3A_978 = vector.broadcast %scan3A_479#1 : i32 to vector<16xi32>
      %lt3A_979 = arith.cmpi slt, %add3A_977, %lt3A_978 : vector<16xi32>
      %and3A_980 = arith.andi %lt3A_973, %lt3A_979 : vector<16xi1>
      %jit3A_981 = arith.constant 0 : i32
      %broadcast_in_dim3A_982 = vector.broadcast %jit3A_981 : i32 to vector<16xi32>
      %select_n3A_983 = arith.select %and3A_980, %sub3A_969, %broadcast_in_dim3A_982 : vector<16xi1>, vector<16xi32>
      %shift_right_logical3A_984 = arith.constant 7 : i32
      %shift_right_logical3A_985 = vector.broadcast %shift_right_logical3A_984 : i32 to vector<16xi32>
      %shift_right_logical3A_986 = arith.shrui %select_n3A_983, %shift_right_logical3A_985 : vector<16xi32>
      %and3A_987 = arith.constant 127 : i32
      %and3A_988 = vector.broadcast %and3A_987 : i32 to vector<16xi32>
      %and3A_989 = arith.andi %select_n3A_983, %and3A_988 : vector<16xi32>
      tpu.vector_store_idx %arg10[%shift_right_logical3A_986, %and3A_989], %broadcast_in_dim3A_1 masked %and3A_980 {add = true} : memref<128x128xf32, #tpu.memory_space<vmem>>[vector<16xi32>, vector<16xi32>], vector<16xf32>, vector<16xi1>
      %while3A_990 = arith.constant 0 : i32
      scf.yield %while3A_990 : i32
    }
    %mul3A_665 = arith.constant 2048 : i32
    %mul3A_666 = arith.muli %add3A_466, %mul3A_665 : i32
    %add3A_667 = arith.constant 768 : i32
    %add3A_668 = arith.addi %mul3A_666, %add3A_667 : i32
    %dma_start3A_669 = arith.constant 0 : i32
    %dma_start3A_670 = tpu.memref_slice %arg3[%add3A_668, %dma_start3A_669] : memref<131072x128xf32, #tpu.memory_space<hbm>> -> memref<128x128xf32, #tpu.memory_space<hbm>>
    %dma_start3A_671 = arith.constant 0 : i32
    %dma_start3A_672 = tpu.memref_slice %arg3[%add3A_668, %dma_start3A_671] : memref<131072x128xf32, #tpu.memory_space<hbm>> -> memref<128x128xf32, #tpu.memory_space<hbm>>
    tpu.enqueue_dma source(%arg10 : memref<128x128xf32, #tpu.memory_space<vmem>>) target(%dma_start3A_672 : memref<128x128xf32, #tpu.memory_space<hbm>>) target_semaphore(%arg17 : memref<!tpu.dma_semaphore, #tpu.memory_space<semaphore_mem>>)
    %dma_wait3A_673 = arith.constant 0 : i32
    %dma_wait3A_674 = tpu.memref_slice %arg3[%add3A_640, %dma_wait3A_673] : memref<131072x128xf32, #tpu.memory_space<hbm>> -> memref<128x128xf32, #tpu.memory_space<hbm>>
    %dma_wait3A_675 = arith.constant 0 : i32
    %dma_wait3A_676 = tpu.memref_slice %arg3[%add3A_640, %dma_wait3A_675] : memref<131072x128xf32, #tpu.memory_space<hbm>> -> memref<128x128xf32, #tpu.memory_space<hbm>>
    tpu.wait_dma2 semaphore(%arg16 : memref<!tpu.dma_semaphore, #tpu.memory_space<semaphore_mem>>) src(%arg9 : memref<128x128xf32, #tpu.memory_space<vmem>>) dst(%dma_wait3A_676 : memref<128x128xf32, #tpu.memory_space<hbm>>)
    tpu.enqueue_dma source(%arg12 : memref<128x128xf32, #tpu.memory_space<vmem_shared>>) target(%arg9 : memref<128x128xf32, #tpu.memory_space<vmem>>) target_semaphore(%arg13 : memref<!tpu.dma_semaphore, #tpu.memory_space<semaphore_mem>>)
    tpu.wait_dma2 semaphore(%arg15 : memref<!tpu.dma_semaphore, #tpu.memory_space<semaphore_mem>>) src(%arg12 : memref<128x128xf32, #tpu.memory_space<vmem_shared>>) dst(%arg11 : memref<128x128xf32, #tpu.memory_space<vmem>>)
    %add3A_677 = arith.constant 31 : i32
    %add3A_678 = arith.addi %scan3A_479#1, %add3A_677 : i32
    %shift_right_logical3A_679 = arith.constant 5 : i32
    %shift_right_logical3A_680 = arith.shrui %add3A_678, %shift_right_logical3A_679 : i32
    %while3A_681 = arith.constant 0 : i32
    %while3A_682 = arith.constant 0 : i32
    %while3A_683 = arith.subi %shift_right_logical3A_680, %while3A_681 : i32
    %while3A_684 = arith.addi %while3A_681, %while3A_683 : i32
    %while3A_685 = arith.constant 1 : i32
    %while3A_686 = arith.divsi %while3A_683, %while3A_685 : i32
    %while3A_687 = arith.muli %while3A_686, %while3A_685 : i32
    %while3A_688 = arith.addi %while3A_681, %while3A_687 : i32
    %while3A_689 = arith.constant 1 : i32
    %while3A_690 = scf.for %while3A_933 = %while3A_681 to %while3A_688 step %while3A_689 iter_args(%while3A_934 = %while3A_682) -> (i32)  : i32 {
      %mul3A_935 = arith.constant 2 : i32
      %mul3A_936 = arith.muli %while3A_933, %mul3A_935 : i32
      %add3A_937 = arith.constant 0 : i32
      %add3A_938 = arith.addi %mul3A_936, %add3A_937 : i32
      %mul3A_939 = arith.constant 16 : i32
      %mul3A_940 = arith.muli %add3A_938, %mul3A_939 : i32
      %get3A = arith.index_cast %mul3A_940 : i32 to index
      %get3A_941 = tpu.vector_load %arg6[%get3A] {strides = array<i32>} : memref<8208xi32, #tpu.memory_space<vmem>>, vector<16xi32>,
      %sub3A = arith.constant 114688 : i32
      %sub3A_942 = vector.broadcast %sub3A : i32 to vector<16xi32>
      %sub3A_943 = arith.subi %get3A_941, %sub3A_942 : vector<16xi32>
      %bitcast_convert_type3A = tpu.bitcast %sub3A_943 : vector<16xi32> -> vector<16xi32>
      %lt3A = arith.constant 16384 : i32
      %lt3A_944 = vector.broadcast %lt3A : i32 to vector<16xi32>
      %lt3A_945 = arith.cmpi ult, %bitcast_convert_type3A, %lt3A_944 : vector<16xi32>
      %mul3A_946 = arith.constant 16 : i32
      %mul3A_947 = arith.muli %add3A_938, %mul3A_946 : i32
      %add3A_948 = vector.broadcast %mul3A_947 : i32 to vector<16xi32>
      %add3A_949 = arith.addi %add3A_948, %iota3A : vector<16xi32>
      %lt3A_950 = vector.broadcast %scan3A_479#1 : i32 to vector<16xi32>
      %lt3A_951 = arith.cmpi slt, %add3A_949, %lt3A_950 : vector<16xi32>
      %and3A = arith.andi %lt3A_945, %lt3A_951 : vector<16xi1>
      %jit3A = arith.constant 0 : i32
      %broadcast_in_dim3A_952 = vector.broadcast %jit3A : i32 to vector<16xi32>
      %select_n3A = arith.select %and3A, %sub3A_943, %broadcast_in_dim3A_952 : vector<16xi1>, vector<16xi32>
      %shift_right_logical3A_953 = arith.constant 7 : i32
      %shift_right_logical3A_954 = vector.broadcast %shift_right_logical3A_953 : i32 to vector<16xi32>
      %shift_right_logical3A_955 = arith.shrui %select_n3A, %shift_right_logical3A_954 : vector<16xi32>
      %and3A_956 = arith.constant 127 : i32
      %and3A_957 = vector.broadcast %and3A_956 : i32 to vector<16xi32>
      %and3A_958 = arith.andi %select_n3A, %and3A_957 : vector<16xi32>
      tpu.vector_store_idx %arg11[%shift_right_logical3A_955, %and3A_958], %broadcast_in_dim3A_1 masked %and3A {add = true} : memref<128x128xf32, #tpu.memory_space<vmem>>[vector<16xi32>, vector<16xi32>], vector<16xf32>, vector<16xi1>
      %mul3A_959 = arith.constant 2 : i32
      %mul3A_960 = arith.muli %while3A_933, %mul3A_959 : i32
      %add3A_961 = arith.constant 1 : i32
      %add3A_962 = arith.addi %mul3A_960, %add3A_961 : i32
      %mul3A_963 = arith.constant 16 : i32
      %mul3A_964 = arith.muli %add3A_962, %mul3A_963 : i32
      %get3A_965 = arith.index_cast %mul3A_964 : i32 to index
      %get3A_966 = tpu.vector_load %arg6[%get3A_965] {strides = array<i32>} : memref<8208xi32, #tpu.memory_space<vmem>>, vector<16xi32>,
      %sub3A_967 = arith.constant 114688 : i32
      %sub3A_968 = vector.broadcast %sub3A_967 : i32 to vector<16xi32>
      %sub3A_969 = arith.subi %get3A_966, %sub3A_968 : vector<16xi32>
      %bitcast_convert_type3A_970 = tpu.bitcast %sub3A_969 : vector<16xi32> -> vector<16xi32>
      %lt3A_971 = arith.constant 16384 : i32
      %lt3A_972 = vector.broadcast %lt3A_971 : i32 to vector<16xi32>
      %lt3A_973 = arith.cmpi ult, %bitcast_convert_type3A_970, %lt3A_972 : vector<16xi32>
      %mul3A_974 = arith.constant 16 : i32
      %mul3A_975 = arith.muli %add3A_962, %mul3A_974 : i32
      %add3A_976 = vector.broadcast %mul3A_975 : i32 to vector<16xi32>
      %add3A_977 = arith.addi %add3A_976, %iota3A : vector<16xi32>
      %lt3A_978 = vector.broadcast %scan3A_479#1 : i32 to vector<16xi32>
      %lt3A_979 = arith.cmpi slt, %add3A_977, %lt3A_978 : vector<16xi32>
      %and3A_980 = arith.andi %lt3A_973, %lt3A_979 : vector<16xi1>
      %jit3A_981 = arith.constant 0 : i32
      %broadcast_in_dim3A_982 = vector.broadcast %jit3A_981 : i32 to vector<16xi32>
      %select_n3A_983 = arith.select %and3A_980, %sub3A_969, %broadcast_in_dim3A_982 : vector<16xi1>, vector<16xi32>
      %shift_right_logical3A_984 = arith.constant 7 : i32
      %shift_right_logical3A_985 = vector.broadcast %shift_right_logical3A_984 : i32 to vector<16xi32>
      %shift_right_logical3A_986 = arith.shrui %select_n3A_983, %shift_right_logical3A_985 : vector<16xi32>
      %and3A_987 = arith.constant 127 : i32
      %and3A_988 = vector.broadcast %and3A_987 : i32 to vector<16xi32>
      %and3A_989 = arith.andi %select_n3A_983, %and3A_988 : vector<16xi32>
      tpu.vector_store_idx %arg11[%shift_right_logical3A_986, %and3A_989], %broadcast_in_dim3A_1 masked %and3A_980 {add = true} : memref<128x128xf32, #tpu.memory_space<vmem>>[vector<16xi32>, vector<16xi32>], vector<16xf32>, vector<16xi1>
      %while3A_990 = arith.constant 0 : i32
      scf.yield %while3A_990 : i32
    }
    %while3A_691 = arith.constant 1 : i32
    %while3A_692 = scf.for %while3A_933 = %while3A_688 to %while3A_684 step %while3A_691 iter_args(%while3A_934 = %while3A_690) -> (i32)  : i32 {
      %mul3A_935 = arith.constant 2 : i32
      %mul3A_936 = arith.muli %while3A_933, %mul3A_935 : i32
      %add3A_937 = arith.constant 0 : i32
      %add3A_938 = arith.addi %mul3A_936, %add3A_937 : i32
      %mul3A_939 = arith.constant 16 : i32
      %mul3A_940 = arith.muli %add3A_938, %mul3A_939 : i32
      %get3A = arith.index_cast %mul3A_940 : i32 to index
      %get3A_941 = tpu.vector_load %arg6[%get3A] {strides = array<i32>} : memref<8208xi32, #tpu.memory_space<vmem>>, vector<16xi32>,
      %sub3A = arith.constant 114688 : i32
      %sub3A_942 = vector.broadcast %sub3A : i32 to vector<16xi32>
      %sub3A_943 = arith.subi %get3A_941, %sub3A_942 : vector<16xi32>
      %bitcast_convert_type3A = tpu.bitcast %sub3A_943 : vector<16xi32> -> vector<16xi32>
      %lt3A = arith.constant 16384 : i32
      %lt3A_944 = vector.broadcast %lt3A : i32 to vector<16xi32>
      %lt3A_945 = arith.cmpi ult, %bitcast_convert_type3A, %lt3A_944 : vector<16xi32>
      %mul3A_946 = arith.constant 16 : i32
      %mul3A_947 = arith.muli %add3A_938, %mul3A_946 : i32
      %add3A_948 = vector.broadcast %mul3A_947 : i32 to vector<16xi32>
      %add3A_949 = arith.addi %add3A_948, %iota3A : vector<16xi32>
      %lt3A_950 = vector.broadcast %scan3A_479#1 : i32 to vector<16xi32>
      %lt3A_951 = arith.cmpi slt, %add3A_949, %lt3A_950 : vector<16xi32>
      %and3A = arith.andi %lt3A_945, %lt3A_951 : vector<16xi1>
      %jit3A = arith.constant 0 : i32
      %broadcast_in_dim3A_952 = vector.broadcast %jit3A : i32 to vector<16xi32>
      %select_n3A = arith.select %and3A, %sub3A_943, %broadcast_in_dim3A_952 : vector<16xi1>, vector<16xi32>
      %shift_right_logical3A_953 = arith.constant 7 : i32
      %shift_right_logical3A_954 = vector.broadcast %shift_right_logical3A_953 : i32 to vector<16xi32>
      %shift_right_logical3A_955 = arith.shrui %select_n3A, %shift_right_logical3A_954 : vector<16xi32>
      %and3A_956 = arith.constant 127 : i32
      %and3A_957 = vector.broadcast %and3A_956 : i32 to vector<16xi32>
      %and3A_958 = arith.andi %select_n3A, %and3A_957 : vector<16xi32>
      tpu.vector_store_idx %arg11[%shift_right_logical3A_955, %and3A_958], %broadcast_in_dim3A_1 masked %and3A {add = true} : memref<128x128xf32, #tpu.memory_space<vmem>>[vector<16xi32>, vector<16xi32>], vector<16xf32>, vector<16xi1>
      %mul3A_959 = arith.constant 2 : i32
      %mul3A_960 = arith.muli %while3A_933, %mul3A_959 : i32
      %add3A_961 = arith.constant 1 : i32
      %add3A_962 = arith.addi %mul3A_960, %add3A_961 : i32
      %mul3A_963 = arith.constant 16 : i32
      %mul3A_964 = arith.muli %add3A_962, %mul3A_963 : i32
      %get3A_965 = arith.index_cast %mul3A_964 : i32 to index
      %get3A_966 = tpu.vector_load %arg6[%get3A_965] {strides = array<i32>} : memref<8208xi32, #tpu.memory_space<vmem>>, vector<16xi32>,
      %sub3A_967 = arith.constant 114688 : i32
      %sub3A_968 = vector.broadcast %sub3A_967 : i32 to vector<16xi32>
      %sub3A_969 = arith.subi %get3A_966, %sub3A_968 : vector<16xi32>
      %bitcast_convert_type3A_970 = tpu.bitcast %sub3A_969 : vector<16xi32> -> vector<16xi32>
      %lt3A_971 = arith.constant 16384 : i32
      %lt3A_972 = vector.broadcast %lt3A_971 : i32 to vector<16xi32>
      %lt3A_973 = arith.cmpi ult, %bitcast_convert_type3A_970, %lt3A_972 : vector<16xi32>
      %mul3A_974 = arith.constant 16 : i32
      %mul3A_975 = arith.muli %add3A_962, %mul3A_974 : i32
      %add3A_976 = vector.broadcast %mul3A_975 : i32 to vector<16xi32>
      %add3A_977 = arith.addi %add3A_976, %iota3A : vector<16xi32>
      %lt3A_978 = vector.broadcast %scan3A_479#1 : i32 to vector<16xi32>
      %lt3A_979 = arith.cmpi slt, %add3A_977, %lt3A_978 : vector<16xi32>
      %and3A_980 = arith.andi %lt3A_973, %lt3A_979 : vector<16xi1>
      %jit3A_981 = arith.constant 0 : i32
      %broadcast_in_dim3A_982 = vector.broadcast %jit3A_981 : i32 to vector<16xi32>
      %select_n3A_983 = arith.select %and3A_980, %sub3A_969, %broadcast_in_dim3A_982 : vector<16xi1>, vector<16xi32>
      %shift_right_logical3A_984 = arith.constant 7 : i32
      %shift_right_logical3A_985 = vector.broadcast %shift_right_logical3A_984 : i32 to vector<16xi32>
      %shift_right_logical3A_986 = arith.shrui %select_n3A_983, %shift_right_logical3A_985 : vector<16xi32>
      %and3A_987 = arith.constant 127 : i32
      %and3A_988 = vector.broadcast %and3A_987 : i32 to vector<16xi32>
      %and3A_989 = arith.andi %select_n3A_983, %and3A_988 : vector<16xi32>
      tpu.vector_store_idx %arg11[%shift_right_logical3A_986, %and3A_989], %broadcast_in_dim3A_1 masked %and3A_980 {add = true} : memref<128x128xf32, #tpu.memory_space<vmem>>[vector<16xi32>, vector<16xi32>], vector<16xf32>, vector<16xi1>
      %while3A_990 = arith.constant 0 : i32
      scf.yield %while3A_990 : i32
    }
    %mul3A_693 = arith.constant 2048 : i32
    %mul3A_694 = arith.muli %add3A_466, %mul3A_693 : i32
    %add3A_695 = arith.constant 896 : i32
    %add3A_696 = arith.addi %mul3A_694, %add3A_695 : i32
    %dma_start3A_697 = arith.constant 0 : i32
    %dma_start3A_698 = tpu.memref_slice %arg3[%add3A_696, %dma_start3A_697] : memref<131072x128xf32, #tpu.memory_space<hbm>> -> memref<128x128xf32, #tpu.memory_space<hbm>>
    %dma_start3A_699 = arith.constant 0 : i32
    %dma_start3A_700 = tpu.memref_slice %arg3[%add3A_696, %dma_start3A_699] : memref<131072x128xf32, #tpu.memory_space<hbm>> -> memref<128x128xf32, #tpu.memory_space<hbm>>
    tpu.enqueue_dma source(%arg11 : memref<128x128xf32, #tpu.memory_space<vmem>>) target(%dma_start3A_700 : memref<128x128xf32, #tpu.memory_space<hbm>>) target_semaphore(%arg18 : memref<!tpu.dma_semaphore, #tpu.memory_space<semaphore_mem>>)
    %dma_wait3A_701 = arith.constant 0 : i32
    %dma_wait3A_702 = tpu.memref_slice %arg3[%add3A_668, %dma_wait3A_701] : memref<131072x128xf32, #tpu.memory_space<hbm>> -> memref<128x128xf32, #tpu.memory_space<hbm>>
    %dma_wait3A_703 = arith.constant 0 : i32
    %dma_wait3A_704 = tpu.memref_slice %arg3[%add3A_668, %dma_wait3A_703] : memref<131072x128xf32, #tpu.memory_space<hbm>> -> memref<128x128xf32, #tpu.memory_space<hbm>>
    tpu.wait_dma2 semaphore(%arg17 : memref<!tpu.dma_semaphore, #tpu.memory_space<semaphore_mem>>) src(%arg10 : memref<128x128xf32, #tpu.memory_space<vmem>>) dst(%dma_wait3A_704 : memref<128x128xf32, #tpu.memory_space<hbm>>)
    tpu.enqueue_dma source(%arg12 : memref<128x128xf32, #tpu.memory_space<vmem_shared>>) target(%arg10 : memref<128x128xf32, #tpu.memory_space<vmem>>) target_semaphore(%arg14 : memref<!tpu.dma_semaphore, #tpu.memory_space<semaphore_mem>>)
    tpu.wait_dma2 semaphore(%arg13 : memref<!tpu.dma_semaphore, #tpu.memory_space<semaphore_mem>>) src(%arg12 : memref<128x128xf32, #tpu.memory_space<vmem_shared>>) dst(%arg9 : memref<128x128xf32, #tpu.memory_space<vmem>>)
    %add3A_705 = arith.constant 31 : i32
    %add3A_706 = arith.addi %scan3A_479#2, %add3A_705 : i32
    %shift_right_logical3A_707 = arith.constant 5 : i32
    %shift_right_logical3A_708 = arith.shrui %add3A_706, %shift_right_logical3A_707 : i32
    %while3A_709 = arith.constant 0 : i32
    %while3A_710 = arith.constant 0 : i32
    %while3A_711 = arith.subi %shift_right_logical3A_708, %while3A_709 : i32
    %while3A_712 = arith.addi %while3A_709, %while3A_711 : i32
    %while3A_713 = arith.constant 1 : i32
    %while3A_714 = arith.divsi %while3A_711, %while3A_713 : i32
    %while3A_715 = arith.muli %while3A_714, %while3A_713 : i32
    %while3A_716 = arith.addi %while3A_709, %while3A_715 : i32
    %while3A_717 = arith.constant 1 : i32
    %while3A_718 = scf.for %while3A_933 = %while3A_709 to %while3A_716 step %while3A_717 iter_args(%while3A_934 = %while3A_710) -> (i32)  : i32 {
      %mul3A_935 = arith.constant 2 : i32
      %mul3A_936 = arith.muli %while3A_933, %mul3A_935 : i32
      %add3A_937 = arith.constant 0 : i32
      %add3A_938 = arith.addi %mul3A_936, %add3A_937 : i32
      %mul3A_939 = arith.constant 16 : i32
      %mul3A_940 = arith.muli %add3A_938, %mul3A_939 : i32
      %get3A = arith.index_cast %mul3A_940 : i32 to index
      %get3A_941 = tpu.vector_load %arg7[%get3A] {strides = array<i32>} : memref<8208xi32, #tpu.memory_space<vmem>>, vector<16xi32>,
      %sub3A = arith.constant 131072 : i32
      %sub3A_942 = vector.broadcast %sub3A : i32 to vector<16xi32>
      %sub3A_943 = arith.subi %get3A_941, %sub3A_942 : vector<16xi32>
      %bitcast_convert_type3A = tpu.bitcast %sub3A_943 : vector<16xi32> -> vector<16xi32>
      %lt3A = arith.constant 16384 : i32
      %lt3A_944 = vector.broadcast %lt3A : i32 to vector<16xi32>
      %lt3A_945 = arith.cmpi ult, %bitcast_convert_type3A, %lt3A_944 : vector<16xi32>
      %mul3A_946 = arith.constant 16 : i32
      %mul3A_947 = arith.muli %add3A_938, %mul3A_946 : i32
      %add3A_948 = vector.broadcast %mul3A_947 : i32 to vector<16xi32>
      %add3A_949 = arith.addi %add3A_948, %iota3A : vector<16xi32>
      %lt3A_950 = vector.broadcast %scan3A_479#2 : i32 to vector<16xi32>
      %lt3A_951 = arith.cmpi slt, %add3A_949, %lt3A_950 : vector<16xi32>
      %and3A = arith.andi %lt3A_945, %lt3A_951 : vector<16xi1>
      %jit3A = arith.constant 0 : i32
      %broadcast_in_dim3A_952 = vector.broadcast %jit3A : i32 to vector<16xi32>
      %select_n3A = arith.select %and3A, %sub3A_943, %broadcast_in_dim3A_952 : vector<16xi1>, vector<16xi32>
      %shift_right_logical3A_953 = arith.constant 7 : i32
      %shift_right_logical3A_954 = vector.broadcast %shift_right_logical3A_953 : i32 to vector<16xi32>
      %shift_right_logical3A_955 = arith.shrui %select_n3A, %shift_right_logical3A_954 : vector<16xi32>
      %and3A_956 = arith.constant 127 : i32
      %and3A_957 = vector.broadcast %and3A_956 : i32 to vector<16xi32>
      %and3A_958 = arith.andi %select_n3A, %and3A_957 : vector<16xi32>
      tpu.vector_store_idx %arg9[%shift_right_logical3A_955, %and3A_958], %broadcast_in_dim3A_1 masked %and3A {add = true} : memref<128x128xf32, #tpu.memory_space<vmem>>[vector<16xi32>, vector<16xi32>], vector<16xf32>, vector<16xi1>
      %mul3A_959 = arith.constant 2 : i32
      %mul3A_960 = arith.muli %while3A_933, %mul3A_959 : i32
      %add3A_961 = arith.constant 1 : i32
      %add3A_962 = arith.addi %mul3A_960, %add3A_961 : i32
      %mul3A_963 = arith.constant 16 : i32
      %mul3A_964 = arith.muli %add3A_962, %mul3A_963 : i32
      %get3A_965 = arith.index_cast %mul3A_964 : i32 to index
      %get3A_966 = tpu.vector_load %arg7[%get3A_965] {strides = array<i32>} : memref<8208xi32, #tpu.memory_space<vmem>>, vector<16xi32>,
      %sub3A_967 = arith.constant 131072 : i32
      %sub3A_968 = vector.broadcast %sub3A_967 : i32 to vector<16xi32>
      %sub3A_969 = arith.subi %get3A_966, %sub3A_968 : vector<16xi32>
      %bitcast_convert_type3A_970 = tpu.bitcast %sub3A_969 : vector<16xi32> -> vector<16xi32>
      %lt3A_971 = arith.constant 16384 : i32
      %lt3A_972 = vector.broadcast %lt3A_971 : i32 to vector<16xi32>
      %lt3A_973 = arith.cmpi ult, %bitcast_convert_type3A_970, %lt3A_972 : vector<16xi32>
      %mul3A_974 = arith.constant 16 : i32
      %mul3A_975 = arith.muli %add3A_962, %mul3A_974 : i32
      %add3A_976 = vector.broadcast %mul3A_975 : i32 to vector<16xi32>
      %add3A_977 = arith.addi %add3A_976, %iota3A : vector<16xi32>
      %lt3A_978 = vector.broadcast %scan3A_479#2 : i32 to vector<16xi32>
      %lt3A_979 = arith.cmpi slt, %add3A_977, %lt3A_978 : vector<16xi32>
      %and3A_980 = arith.andi %lt3A_973, %lt3A_979 : vector<16xi1>
      %jit3A_981 = arith.constant 0 : i32
      %broadcast_in_dim3A_982 = vector.broadcast %jit3A_981 : i32 to vector<16xi32>
      %select_n3A_983 = arith.select %and3A_980, %sub3A_969, %broadcast_in_dim3A_982 : vector<16xi1>, vector<16xi32>
      %shift_right_logical3A_984 = arith.constant 7 : i32
      %shift_right_logical3A_985 = vector.broadcast %shift_right_logical3A_984 : i32 to vector<16xi32>
      %shift_right_logical3A_986 = arith.shrui %select_n3A_983, %shift_right_logical3A_985 : vector<16xi32>
      %and3A_987 = arith.constant 127 : i32
      %and3A_988 = vector.broadcast %and3A_987 : i32 to vector<16xi32>
      %and3A_989 = arith.andi %select_n3A_983, %and3A_988 : vector<16xi32>
      tpu.vector_store_idx %arg9[%shift_right_logical3A_986, %and3A_989], %broadcast_in_dim3A_1 masked %and3A_980 {add = true} : memref<128x128xf32, #tpu.memory_space<vmem>>[vector<16xi32>, vector<16xi32>], vector<16xf32>, vector<16xi1>
      %while3A_990 = arith.constant 0 : i32
      scf.yield %while3A_990 : i32
    }
    %while3A_719 = arith.constant 1 : i32
    %while3A_720 = scf.for %while3A_933 = %while3A_716 to %while3A_712 step %while3A_719 iter_args(%while3A_934 = %while3A_718) -> (i32)  : i32 {
      %mul3A_935 = arith.constant 2 : i32
      %mul3A_936 = arith.muli %while3A_933, %mul3A_935 : i32
      %add3A_937 = arith.constant 0 : i32
      %add3A_938 = arith.addi %mul3A_936, %add3A_937 : i32
      %mul3A_939 = arith.constant 16 : i32
      %mul3A_940 = arith.muli %add3A_938, %mul3A_939 : i32
      %get3A = arith.index_cast %mul3A_940 : i32 to index
      %get3A_941 = tpu.vector_load %arg7[%get3A] {strides = array<i32>} : memref<8208xi32, #tpu.memory_space<vmem>>, vector<16xi32>,
      %sub3A = arith.constant 131072 : i32
      %sub3A_942 = vector.broadcast %sub3A : i32 to vector<16xi32>
      %sub3A_943 = arith.subi %get3A_941, %sub3A_942 : vector<16xi32>
      %bitcast_convert_type3A = tpu.bitcast %sub3A_943 : vector<16xi32> -> vector<16xi32>
      %lt3A = arith.constant 16384 : i32
      %lt3A_944 = vector.broadcast %lt3A : i32 to vector<16xi32>
      %lt3A_945 = arith.cmpi ult, %bitcast_convert_type3A, %lt3A_944 : vector<16xi32>
      %mul3A_946 = arith.constant 16 : i32
      %mul3A_947 = arith.muli %add3A_938, %mul3A_946 : i32
      %add3A_948 = vector.broadcast %mul3A_947 : i32 to vector<16xi32>
      %add3A_949 = arith.addi %add3A_948, %iota3A : vector<16xi32>
      %lt3A_950 = vector.broadcast %scan3A_479#2 : i32 to vector<16xi32>
      %lt3A_951 = arith.cmpi slt, %add3A_949, %lt3A_950 : vector<16xi32>
      %and3A = arith.andi %lt3A_945, %lt3A_951 : vector<16xi1>
      %jit3A = arith.constant 0 : i32
      %broadcast_in_dim3A_952 = vector.broadcast %jit3A : i32 to vector<16xi32>
      %select_n3A = arith.select %and3A, %sub3A_943, %broadcast_in_dim3A_952 : vector<16xi1>, vector<16xi32>
      %shift_right_logical3A_953 = arith.constant 7 : i32
      %shift_right_logical3A_954 = vector.broadcast %shift_right_logical3A_953 : i32 to vector<16xi32>
      %shift_right_logical3A_955 = arith.shrui %select_n3A, %shift_right_logical3A_954 : vector<16xi32>
      %and3A_956 = arith.constant 127 : i32
      %and3A_957 = vector.broadcast %and3A_956 : i32 to vector<16xi32>
      %and3A_958 = arith.andi %select_n3A, %and3A_957 : vector<16xi32>
      tpu.vector_store_idx %arg9[%shift_right_logical3A_955, %and3A_958], %broadcast_in_dim3A_1 masked %and3A {add = true} : memref<128x128xf32, #tpu.memory_space<vmem>>[vector<16xi32>, vector<16xi32>], vector<16xf32>, vector<16xi1>
      %mul3A_959 = arith.constant 2 : i32
      %mul3A_960 = arith.muli %while3A_933, %mul3A_959 : i32
      %add3A_961 = arith.constant 1 : i32
      %add3A_962 = arith.addi %mul3A_960, %add3A_961 : i32
      %mul3A_963 = arith.constant 16 : i32
      %mul3A_964 = arith.muli %add3A_962, %mul3A_963 : i32
      %get3A_965 = arith.index_cast %mul3A_964 : i32 to index
      %get3A_966 = tpu.vector_load %arg7[%get3A_965] {strides = array<i32>} : memref<8208xi32, #tpu.memory_space<vmem>>, vector<16xi32>,
      %sub3A_967 = arith.constant 131072 : i32
      %sub3A_968 = vector.broadcast %sub3A_967 : i32 to vector<16xi32>
      %sub3A_969 = arith.subi %get3A_966, %sub3A_968 : vector<16xi32>
      %bitcast_convert_type3A_970 = tpu.bitcast %sub3A_969 : vector<16xi32> -> vector<16xi32>
      %lt3A_971 = arith.constant 16384 : i32
      %lt3A_972 = vector.broadcast %lt3A_971 : i32 to vector<16xi32>
      %lt3A_973 = arith.cmpi ult, %bitcast_convert_type3A_970, %lt3A_972 : vector<16xi32>
      %mul3A_974 = arith.constant 16 : i32
      %mul3A_975 = arith.muli %add3A_962, %mul3A_974 : i32
      %add3A_976 = vector.broadcast %mul3A_975 : i32 to vector<16xi32>
      %add3A_977 = arith.addi %add3A_976, %iota3A : vector<16xi32>
      %lt3A_978 = vector.broadcast %scan3A_479#2 : i32 to vector<16xi32>
      %lt3A_979 = arith.cmpi slt, %add3A_977, %lt3A_978 : vector<16xi32>
      %and3A_980 = arith.andi %lt3A_973, %lt3A_979 : vector<16xi1>
      %jit3A_981 = arith.constant 0 : i32
      %broadcast_in_dim3A_982 = vector.broadcast %jit3A_981 : i32 to vector<16xi32>
      %select_n3A_983 = arith.select %and3A_980, %sub3A_969, %broadcast_in_dim3A_982 : vector<16xi1>, vector<16xi32>
      %shift_right_logical3A_984 = arith.constant 7 : i32
      %shift_right_logical3A_985 = vector.broadcast %shift_right_logical3A_984 : i32 to vector<16xi32>
      %shift_right_logical3A_986 = arith.shrui %select_n3A_983, %shift_right_logical3A_985 : vector<16xi32>
      %and3A_987 = arith.constant 127 : i32
      %and3A_988 = vector.broadcast %and3A_987 : i32 to vector<16xi32>
      %and3A_989 = arith.andi %select_n3A_983, %and3A_988 : vector<16xi32>
      tpu.vector_store_idx %arg9[%shift_right_logical3A_986, %and3A_989], %broadcast_in_dim3A_1 masked %and3A_980 {add = true} : memref<128x128xf32, #tpu.memory_space<vmem>>[vector<16xi32>, vector<16xi32>], vector<16xf32>, vector<16xi1>
      %while3A_990 = arith.constant 0 : i32
      scf.yield %while3A_990 : i32
    }
    %mul3A_721 = arith.constant 2048 : i32
    %mul3A_722 = arith.muli %add3A_466, %mul3A_721 : i32
    %add3A_723 = arith.constant 1024 : i32
    %add3A_724 = arith.addi %mul3A_722, %add3A_723 : i32
    %dma_start3A_725 = arith.constant 0 : i32
    %dma_start3A_726 = tpu.memref_slice %arg3[%add3A_724, %dma_start3A_725] : memref<131072x128xf32, #tpu.memory_space<hbm>> -> memref<128x128xf32, #tpu.memory_space<hbm>>
    %dma_start3A_727 = arith.constant 0 : i32
    %dma_start3A_728 = tpu.memref_slice %arg3[%add3A_724, %dma_start3A_727] : memref<131072x128xf32, #tpu.memory_space<hbm>> -> memref<128x128xf32, #tpu.memory_space<hbm>>
    tpu.enqueue_dma source(%arg9 : memref<128x128xf32, #tpu.memory_space<vmem>>) target(%dma_start3A_728 : memref<128x128xf32, #tpu.memory_space<hbm>>) target_semaphore(%arg16 : memref<!tpu.dma_semaphore, #tpu.memory_space<semaphore_mem>>)
    %dma_wait3A_729 = arith.constant 0 : i32
    %dma_wait3A_730 = tpu.memref_slice %arg3[%add3A_696, %dma_wait3A_729] : memref<131072x128xf32, #tpu.memory_space<hbm>> -> memref<128x128xf32, #tpu.memory_space<hbm>>
    %dma_wait3A_731 = arith.constant 0 : i32
    %dma_wait3A_732 = tpu.memref_slice %arg3[%add3A_696, %dma_wait3A_731] : memref<131072x128xf32, #tpu.memory_space<hbm>> -> memref<128x128xf32, #tpu.memory_space<hbm>>
    tpu.wait_dma2 semaphore(%arg18 : memref<!tpu.dma_semaphore, #tpu.memory_space<semaphore_mem>>) src(%arg11 : memref<128x128xf32, #tpu.memory_space<vmem>>) dst(%dma_wait3A_732 : memref<128x128xf32, #tpu.memory_space<hbm>>)
    tpu.enqueue_dma source(%arg12 : memref<128x128xf32, #tpu.memory_space<vmem_shared>>) target(%arg11 : memref<128x128xf32, #tpu.memory_space<vmem>>) target_semaphore(%arg15 : memref<!tpu.dma_semaphore, #tpu.memory_space<semaphore_mem>>)
    tpu.wait_dma2 semaphore(%arg14 : memref<!tpu.dma_semaphore, #tpu.memory_space<semaphore_mem>>) src(%arg12 : memref<128x128xf32, #tpu.memory_space<vmem_shared>>) dst(%arg10 : memref<128x128xf32, #tpu.memory_space<vmem>>)
    %add3A_733 = arith.constant 31 : i32
    %add3A_734 = arith.addi %scan3A_479#2, %add3A_733 : i32
    %shift_right_logical3A_735 = arith.constant 5 : i32
    %shift_right_logical3A_736 = arith.shrui %add3A_734, %shift_right_logical3A_735 : i32
    %while3A_737 = arith.constant 0 : i32
    %while3A_738 = arith.constant 0 : i32
    %while3A_739 = arith.subi %shift_right_logical3A_736, %while3A_737 : i32
    %while3A_740 = arith.addi %while3A_737, %while3A_739 : i32
    %while3A_741 = arith.constant 1 : i32
    %while3A_742 = arith.divsi %while3A_739, %while3A_741 : i32
    %while3A_743 = arith.muli %while3A_742, %while3A_741 : i32
    %while3A_744 = arith.addi %while3A_737, %while3A_743 : i32
    %while3A_745 = arith.constant 1 : i32
    %while3A_746 = scf.for %while3A_933 = %while3A_737 to %while3A_744 step %while3A_745 iter_args(%while3A_934 = %while3A_738) -> (i32)  : i32 {
      %mul3A_935 = arith.constant 2 : i32
      %mul3A_936 = arith.muli %while3A_933, %mul3A_935 : i32
      %add3A_937 = arith.constant 0 : i32
      %add3A_938 = arith.addi %mul3A_936, %add3A_937 : i32
      %mul3A_939 = arith.constant 16 : i32
      %mul3A_940 = arith.muli %add3A_938, %mul3A_939 : i32
      %get3A = arith.index_cast %mul3A_940 : i32 to index
      %get3A_941 = tpu.vector_load %arg7[%get3A] {strides = array<i32>} : memref<8208xi32, #tpu.memory_space<vmem>>, vector<16xi32>,
      %sub3A = arith.constant 147456 : i32
      %sub3A_942 = vector.broadcast %sub3A : i32 to vector<16xi32>
      %sub3A_943 = arith.subi %get3A_941, %sub3A_942 : vector<16xi32>
      %bitcast_convert_type3A = tpu.bitcast %sub3A_943 : vector<16xi32> -> vector<16xi32>
      %lt3A = arith.constant 16384 : i32
      %lt3A_944 = vector.broadcast %lt3A : i32 to vector<16xi32>
      %lt3A_945 = arith.cmpi ult, %bitcast_convert_type3A, %lt3A_944 : vector<16xi32>
      %mul3A_946 = arith.constant 16 : i32
      %mul3A_947 = arith.muli %add3A_938, %mul3A_946 : i32
      %add3A_948 = vector.broadcast %mul3A_947 : i32 to vector<16xi32>
      %add3A_949 = arith.addi %add3A_948, %iota3A : vector<16xi32>
      %lt3A_950 = vector.broadcast %scan3A_479#2 : i32 to vector<16xi32>
      %lt3A_951 = arith.cmpi slt, %add3A_949, %lt3A_950 : vector<16xi32>
      %and3A = arith.andi %lt3A_945, %lt3A_951 : vector<16xi1>
      %jit3A = arith.constant 0 : i32
      %broadcast_in_dim3A_952 = vector.broadcast %jit3A : i32 to vector<16xi32>
      %select_n3A = arith.select %and3A, %sub3A_943, %broadcast_in_dim3A_952 : vector<16xi1>, vector<16xi32>
      %shift_right_logical3A_953 = arith.constant 7 : i32
      %shift_right_logical3A_954 = vector.broadcast %shift_right_logical3A_953 : i32 to vector<16xi32>
      %shift_right_logical3A_955 = arith.shrui %select_n3A, %shift_right_logical3A_954 : vector<16xi32>
      %and3A_956 = arith.constant 127 : i32
      %and3A_957 = vector.broadcast %and3A_956 : i32 to vector<16xi32>
      %and3A_958 = arith.andi %select_n3A, %and3A_957 : vector<16xi32>
      tpu.vector_store_idx %arg10[%shift_right_logical3A_955, %and3A_958], %broadcast_in_dim3A_1 masked %and3A {add = true} : memref<128x128xf32, #tpu.memory_space<vmem>>[vector<16xi32>, vector<16xi32>], vector<16xf32>, vector<16xi1>
      %mul3A_959 = arith.constant 2 : i32
      %mul3A_960 = arith.muli %while3A_933, %mul3A_959 : i32
      %add3A_961 = arith.constant 1 : i32
      %add3A_962 = arith.addi %mul3A_960, %add3A_961 : i32
      %mul3A_963 = arith.constant 16 : i32
      %mul3A_964 = arith.muli %add3A_962, %mul3A_963 : i32
      %get3A_965 = arith.index_cast %mul3A_964 : i32 to index
      %get3A_966 = tpu.vector_load %arg7[%get3A_965] {strides = array<i32>} : memref<8208xi32, #tpu.memory_space<vmem>>, vector<16xi32>,
      %sub3A_967 = arith.constant 147456 : i32
      %sub3A_968 = vector.broadcast %sub3A_967 : i32 to vector<16xi32>
      %sub3A_969 = arith.subi %get3A_966, %sub3A_968 : vector<16xi32>
      %bitcast_convert_type3A_970 = tpu.bitcast %sub3A_969 : vector<16xi32> -> vector<16xi32>
      %lt3A_971 = arith.constant 16384 : i32
      %lt3A_972 = vector.broadcast %lt3A_971 : i32 to vector<16xi32>
      %lt3A_973 = arith.cmpi ult, %bitcast_convert_type3A_970, %lt3A_972 : vector<16xi32>
      %mul3A_974 = arith.constant 16 : i32
      %mul3A_975 = arith.muli %add3A_962, %mul3A_974 : i32
      %add3A_976 = vector.broadcast %mul3A_975 : i32 to vector<16xi32>
      %add3A_977 = arith.addi %add3A_976, %iota3A : vector<16xi32>
      %lt3A_978 = vector.broadcast %scan3A_479#2 : i32 to vector<16xi32>
      %lt3A_979 = arith.cmpi slt, %add3A_977, %lt3A_978 : vector<16xi32>
      %and3A_980 = arith.andi %lt3A_973, %lt3A_979 : vector<16xi1>
      %jit3A_981 = arith.constant 0 : i32
      %broadcast_in_dim3A_982 = vector.broadcast %jit3A_981 : i32 to vector<16xi32>
      %select_n3A_983 = arith.select %and3A_980, %sub3A_969, %broadcast_in_dim3A_982 : vector<16xi1>, vector<16xi32>
      %shift_right_logical3A_984 = arith.constant 7 : i32
      %shift_right_logical3A_985 = vector.broadcast %shift_right_logical3A_984 : i32 to vector<16xi32>
      %shift_right_logical3A_986 = arith.shrui %select_n3A_983, %shift_right_logical3A_985 : vector<16xi32>
      %and3A_987 = arith.constant 127 : i32
      %and3A_988 = vector.broadcast %and3A_987 : i32 to vector<16xi32>
      %and3A_989 = arith.andi %select_n3A_983, %and3A_988 : vector<16xi32>
      tpu.vector_store_idx %arg10[%shift_right_logical3A_986, %and3A_989], %broadcast_in_dim3A_1 masked %and3A_980 {add = true} : memref<128x128xf32, #tpu.memory_space<vmem>>[vector<16xi32>, vector<16xi32>], vector<16xf32>, vector<16xi1>
      %while3A_990 = arith.constant 0 : i32
      scf.yield %while3A_990 : i32
    }
    %while3A_747 = arith.constant 1 : i32
    %while3A_748 = scf.for %while3A_933 = %while3A_744 to %while3A_740 step %while3A_747 iter_args(%while3A_934 = %while3A_746) -> (i32)  : i32 {
      %mul3A_935 = arith.constant 2 : i32
      %mul3A_936 = arith.muli %while3A_933, %mul3A_935 : i32
      %add3A_937 = arith.constant 0 : i32
      %add3A_938 = arith.addi %mul3A_936, %add3A_937 : i32
      %mul3A_939 = arith.constant 16 : i32
      %mul3A_940 = arith.muli %add3A_938, %mul3A_939 : i32
      %get3A = arith.index_cast %mul3A_940 : i32 to index
      %get3A_941 = tpu.vector_load %arg7[%get3A] {strides = array<i32>} : memref<8208xi32, #tpu.memory_space<vmem>>, vector<16xi32>,
      %sub3A = arith.constant 147456 : i32
      %sub3A_942 = vector.broadcast %sub3A : i32 to vector<16xi32>
      %sub3A_943 = arith.subi %get3A_941, %sub3A_942 : vector<16xi32>
      %bitcast_convert_type3A = tpu.bitcast %sub3A_943 : vector<16xi32> -> vector<16xi32>
      %lt3A = arith.constant 16384 : i32
      %lt3A_944 = vector.broadcast %lt3A : i32 to vector<16xi32>
      %lt3A_945 = arith.cmpi ult, %bitcast_convert_type3A, %lt3A_944 : vector<16xi32>
      %mul3A_946 = arith.constant 16 : i32
      %mul3A_947 = arith.muli %add3A_938, %mul3A_946 : i32
      %add3A_948 = vector.broadcast %mul3A_947 : i32 to vector<16xi32>
      %add3A_949 = arith.addi %add3A_948, %iota3A : vector<16xi32>
      %lt3A_950 = vector.broadcast %scan3A_479#2 : i32 to vector<16xi32>
      %lt3A_951 = arith.cmpi slt, %add3A_949, %lt3A_950 : vector<16xi32>
      %and3A = arith.andi %lt3A_945, %lt3A_951 : vector<16xi1>
      %jit3A = arith.constant 0 : i32
      %broadcast_in_dim3A_952 = vector.broadcast %jit3A : i32 to vector<16xi32>
      %select_n3A = arith.select %and3A, %sub3A_943, %broadcast_in_dim3A_952 : vector<16xi1>, vector<16xi32>
      %shift_right_logical3A_953 = arith.constant 7 : i32
      %shift_right_logical3A_954 = vector.broadcast %shift_right_logical3A_953 : i32 to vector<16xi32>
      %shift_right_logical3A_955 = arith.shrui %select_n3A, %shift_right_logical3A_954 : vector<16xi32>
      %and3A_956 = arith.constant 127 : i32
      %and3A_957 = vector.broadcast %and3A_956 : i32 to vector<16xi32>
      %and3A_958 = arith.andi %select_n3A, %and3A_957 : vector<16xi32>
      tpu.vector_store_idx %arg10[%shift_right_logical3A_955, %and3A_958], %broadcast_in_dim3A_1 masked %and3A {add = true} : memref<128x128xf32, #tpu.memory_space<vmem>>[vector<16xi32>, vector<16xi32>], vector<16xf32>, vector<16xi1>
      %mul3A_959 = arith.constant 2 : i32
      %mul3A_960 = arith.muli %while3A_933, %mul3A_959 : i32
      %add3A_961 = arith.constant 1 : i32
      %add3A_962 = arith.addi %mul3A_960, %add3A_961 : i32
      %mul3A_963 = arith.constant 16 : i32
      %mul3A_964 = arith.muli %add3A_962, %mul3A_963 : i32
      %get3A_965 = arith.index_cast %mul3A_964 : i32 to index
      %get3A_966 = tpu.vector_load %arg7[%get3A_965] {strides = array<i32>} : memref<8208xi32, #tpu.memory_space<vmem>>, vector<16xi32>,
      %sub3A_967 = arith.constant 147456 : i32
      %sub3A_968 = vector.broadcast %sub3A_967 : i32 to vector<16xi32>
      %sub3A_969 = arith.subi %get3A_966, %sub3A_968 : vector<16xi32>
      %bitcast_convert_type3A_970 = tpu.bitcast %sub3A_969 : vector<16xi32> -> vector<16xi32>
      %lt3A_971 = arith.constant 16384 : i32
      %lt3A_972 = vector.broadcast %lt3A_971 : i32 to vector<16xi32>
      %lt3A_973 = arith.cmpi ult, %bitcast_convert_type3A_970, %lt3A_972 : vector<16xi32>
      %mul3A_974 = arith.constant 16 : i32
      %mul3A_975 = arith.muli %add3A_962, %mul3A_974 : i32
      %add3A_976 = vector.broadcast %mul3A_975 : i32 to vector<16xi32>
      %add3A_977 = arith.addi %add3A_976, %iota3A : vector<16xi32>
      %lt3A_978 = vector.broadcast %scan3A_479#2 : i32 to vector<16xi32>
      %lt3A_979 = arith.cmpi slt, %add3A_977, %lt3A_978 : vector<16xi32>
      %and3A_980 = arith.andi %lt3A_973, %lt3A_979 : vector<16xi1>
      %jit3A_981 = arith.constant 0 : i32
      %broadcast_in_dim3A_982 = vector.broadcast %jit3A_981 : i32 to vector<16xi32>
      %select_n3A_983 = arith.select %and3A_980, %sub3A_969, %broadcast_in_dim3A_982 : vector<16xi1>, vector<16xi32>
      %shift_right_logical3A_984 = arith.constant 7 : i32
      %shift_right_logical3A_985 = vector.broadcast %shift_right_logical3A_984 : i32 to vector<16xi32>
      %shift_right_logical3A_986 = arith.shrui %select_n3A_983, %shift_right_logical3A_985 : vector<16xi32>
      %and3A_987 = arith.constant 127 : i32
      %and3A_988 = vector.broadcast %and3A_987 : i32 to vector<16xi32>
      %and3A_989 = arith.andi %select_n3A_983, %and3A_988 : vector<16xi32>
      tpu.vector_store_idx %arg10[%shift_right_logical3A_986, %and3A_989], %broadcast_in_dim3A_1 masked %and3A_980 {add = true} : memref<128x128xf32, #tpu.memory_space<vmem>>[vector<16xi32>, vector<16xi32>], vector<16xf32>, vector<16xi1>
      %while3A_990 = arith.constant 0 : i32
      scf.yield %while3A_990 : i32
    }
    %mul3A_749 = arith.constant 2048 : i32
    %mul3A_750 = arith.muli %add3A_466, %mul3A_749 : i32
    %add3A_751 = arith.constant 1152 : i32
    %add3A_752 = arith.addi %mul3A_750, %add3A_751 : i32
    %dma_start3A_753 = arith.constant 0 : i32
    %dma_start3A_754 = tpu.memref_slice %arg3[%add3A_752, %dma_start3A_753] : memref<131072x128xf32, #tpu.memory_space<hbm>> -> memref<128x128xf32, #tpu.memory_space<hbm>>
    %dma_start3A_755 = arith.constant 0 : i32
    %dma_start3A_756 = tpu.memref_slice %arg3[%add3A_752, %dma_start3A_755] : memref<131072x128xf32, #tpu.memory_space<hbm>> -> memref<128x128xf32, #tpu.memory_space<hbm>>
    tpu.enqueue_dma source(%arg10 : memref<128x128xf32, #tpu.memory_space<vmem>>) target(%dma_start3A_756 : memref<128x128xf32, #tpu.memory_space<hbm>>) target_semaphore(%arg17 : memref<!tpu.dma_semaphore, #tpu.memory_space<semaphore_mem>>)
    %dma_wait3A_757 = arith.constant 0 : i32
    %dma_wait3A_758 = tpu.memref_slice %arg3[%add3A_724, %dma_wait3A_757] : memref<131072x128xf32, #tpu.memory_space<hbm>> -> memref<128x128xf32, #tpu.memory_space<hbm>>
    %dma_wait3A_759 = arith.constant 0 : i32
    %dma_wait3A_760 = tpu.memref_slice %arg3[%add3A_724, %dma_wait3A_759] : memref<131072x128xf32, #tpu.memory_space<hbm>> -> memref<128x128xf32, #tpu.memory_space<hbm>>
    tpu.wait_dma2 semaphore(%arg16 : memref<!tpu.dma_semaphore, #tpu.memory_space<semaphore_mem>>) src(%arg9 : memref<128x128xf32, #tpu.memory_space<vmem>>) dst(%dma_wait3A_760 : memref<128x128xf32, #tpu.memory_space<hbm>>)
    tpu.enqueue_dma source(%arg12 : memref<128x128xf32, #tpu.memory_space<vmem_shared>>) target(%arg9 : memref<128x128xf32, #tpu.memory_space<vmem>>) target_semaphore(%arg13 : memref<!tpu.dma_semaphore, #tpu.memory_space<semaphore_mem>>)
    tpu.wait_dma2 semaphore(%arg15 : memref<!tpu.dma_semaphore, #tpu.memory_space<semaphore_mem>>) src(%arg12 : memref<128x128xf32, #tpu.memory_space<vmem_shared>>) dst(%arg11 : memref<128x128xf32, #tpu.memory_space<vmem>>)
    %add3A_761 = arith.constant 31 : i32
    %add3A_762 = arith.addi %scan3A_479#2, %add3A_761 : i32
    %shift_right_logical3A_763 = arith.constant 5 : i32
    %shift_right_logical3A_764 = arith.shrui %add3A_762, %shift_right_logical3A_763 : i32
    %while3A_765 = arith.constant 0 : i32
    %while3A_766 = arith.constant 0 : i32
    %while3A_767 = arith.subi %shift_right_logical3A_764, %while3A_765 : i32
    %while3A_768 = arith.addi %while3A_765, %while3A_767 : i32
    %while3A_769 = arith.constant 1 : i32
    %while3A_770 = arith.divsi %while3A_767, %while3A_769 : i32
    %while3A_771 = arith.muli %while3A_770, %while3A_769 : i32
    %while3A_772 = arith.addi %while3A_765, %while3A_771 : i32
    %while3A_773 = arith.constant 1 : i32
    %while3A_774 = scf.for %while3A_933 = %while3A_765 to %while3A_772 step %while3A_773 iter_args(%while3A_934 = %while3A_766) -> (i32)  : i32 {
      %mul3A_935 = arith.constant 2 : i32
      %mul3A_936 = arith.muli %while3A_933, %mul3A_935 : i32
      %add3A_937 = arith.constant 0 : i32
      %add3A_938 = arith.addi %mul3A_936, %add3A_937 : i32
      %mul3A_939 = arith.constant 16 : i32
      %mul3A_940 = arith.muli %add3A_938, %mul3A_939 : i32
      %get3A = arith.index_cast %mul3A_940 : i32 to index
      %get3A_941 = tpu.vector_load %arg7[%get3A] {strides = array<i32>} : memref<8208xi32, #tpu.memory_space<vmem>>, vector<16xi32>,
      %sub3A = arith.constant 163840 : i32
      %sub3A_942 = vector.broadcast %sub3A : i32 to vector<16xi32>
      %sub3A_943 = arith.subi %get3A_941, %sub3A_942 : vector<16xi32>
      %bitcast_convert_type3A = tpu.bitcast %sub3A_943 : vector<16xi32> -> vector<16xi32>
      %lt3A = arith.constant 16384 : i32
      %lt3A_944 = vector.broadcast %lt3A : i32 to vector<16xi32>
      %lt3A_945 = arith.cmpi ult, %bitcast_convert_type3A, %lt3A_944 : vector<16xi32>
      %mul3A_946 = arith.constant 16 : i32
      %mul3A_947 = arith.muli %add3A_938, %mul3A_946 : i32
      %add3A_948 = vector.broadcast %mul3A_947 : i32 to vector<16xi32>
      %add3A_949 = arith.addi %add3A_948, %iota3A : vector<16xi32>
      %lt3A_950 = vector.broadcast %scan3A_479#2 : i32 to vector<16xi32>
      %lt3A_951 = arith.cmpi slt, %add3A_949, %lt3A_950 : vector<16xi32>
      %and3A = arith.andi %lt3A_945, %lt3A_951 : vector<16xi1>
      %jit3A = arith.constant 0 : i32
      %broadcast_in_dim3A_952 = vector.broadcast %jit3A : i32 to vector<16xi32>
      %select_n3A = arith.select %and3A, %sub3A_943, %broadcast_in_dim3A_952 : vector<16xi1>, vector<16xi32>
      %shift_right_logical3A_953 = arith.constant 7 : i32
      %shift_right_logical3A_954 = vector.broadcast %shift_right_logical3A_953 : i32 to vector<16xi32>
      %shift_right_logical3A_955 = arith.shrui %select_n3A, %shift_right_logical3A_954 : vector<16xi32>
      %and3A_956 = arith.constant 127 : i32
      %and3A_957 = vector.broadcast %and3A_956 : i32 to vector<16xi32>
      %and3A_958 = arith.andi %select_n3A, %and3A_957 : vector<16xi32>
      tpu.vector_store_idx %arg11[%shift_right_logical3A_955, %and3A_958], %broadcast_in_dim3A_1 masked %and3A {add = true} : memref<128x128xf32, #tpu.memory_space<vmem>>[vector<16xi32>, vector<16xi32>], vector<16xf32>, vector<16xi1>
      %mul3A_959 = arith.constant 2 : i32
      %mul3A_960 = arith.muli %while3A_933, %mul3A_959 : i32
      %add3A_961 = arith.constant 1 : i32
      %add3A_962 = arith.addi %mul3A_960, %add3A_961 : i32
      %mul3A_963 = arith.constant 16 : i32
      %mul3A_964 = arith.muli %add3A_962, %mul3A_963 : i32
      %get3A_965 = arith.index_cast %mul3A_964 : i32 to index
      %get3A_966 = tpu.vector_load %arg7[%get3A_965] {strides = array<i32>} : memref<8208xi32, #tpu.memory_space<vmem>>, vector<16xi32>,
      %sub3A_967 = arith.constant 163840 : i32
      %sub3A_968 = vector.broadcast %sub3A_967 : i32 to vector<16xi32>
      %sub3A_969 = arith.subi %get3A_966, %sub3A_968 : vector<16xi32>
      %bitcast_convert_type3A_970 = tpu.bitcast %sub3A_969 : vector<16xi32> -> vector<16xi32>
      %lt3A_971 = arith.constant 16384 : i32
      %lt3A_972 = vector.broadcast %lt3A_971 : i32 to vector<16xi32>
      %lt3A_973 = arith.cmpi ult, %bitcast_convert_type3A_970, %lt3A_972 : vector<16xi32>
      %mul3A_974 = arith.constant 16 : i32
      %mul3A_975 = arith.muli %add3A_962, %mul3A_974 : i32
      %add3A_976 = vector.broadcast %mul3A_975 : i32 to vector<16xi32>
      %add3A_977 = arith.addi %add3A_976, %iota3A : vector<16xi32>
      %lt3A_978 = vector.broadcast %scan3A_479#2 : i32 to vector<16xi32>
      %lt3A_979 = arith.cmpi slt, %add3A_977, %lt3A_978 : vector<16xi32>
      %and3A_980 = arith.andi %lt3A_973, %lt3A_979 : vector<16xi1>
      %jit3A_981 = arith.constant 0 : i32
      %broadcast_in_dim3A_982 = vector.broadcast %jit3A_981 : i32 to vector<16xi32>
      %select_n3A_983 = arith.select %and3A_980, %sub3A_969, %broadcast_in_dim3A_982 : vector<16xi1>, vector<16xi32>
      %shift_right_logical3A_984 = arith.constant 7 : i32
      %shift_right_logical3A_985 = vector.broadcast %shift_right_logical3A_984 : i32 to vector<16xi32>
      %shift_right_logical3A_986 = arith.shrui %select_n3A_983, %shift_right_logical3A_985 : vector<16xi32>
      %and3A_987 = arith.constant 127 : i32
      %and3A_988 = vector.broadcast %and3A_987 : i32 to vector<16xi32>
      %and3A_989 = arith.andi %select_n3A_983, %and3A_988 : vector<16xi32>
      tpu.vector_store_idx %arg11[%shift_right_logical3A_986, %and3A_989], %broadcast_in_dim3A_1 masked %and3A_980 {add = true} : memref<128x128xf32, #tpu.memory_space<vmem>>[vector<16xi32>, vector<16xi32>], vector<16xf32>, vector<16xi1>
      %while3A_990 = arith.constant 0 : i32
      scf.yield %while3A_990 : i32
    }
    %while3A_775 = arith.constant 1 : i32
    %while3A_776 = scf.for %while3A_933 = %while3A_772 to %while3A_768 step %while3A_775 iter_args(%while3A_934 = %while3A_774) -> (i32)  : i32 {
      %mul3A_935 = arith.constant 2 : i32
      %mul3A_936 = arith.muli %while3A_933, %mul3A_935 : i32
      %add3A_937 = arith.constant 0 : i32
      %add3A_938 = arith.addi %mul3A_936, %add3A_937 : i32
      %mul3A_939 = arith.constant 16 : i32
      %mul3A_940 = arith.muli %add3A_938, %mul3A_939 : i32
      %get3A = arith.index_cast %mul3A_940 : i32 to index
      %get3A_941 = tpu.vector_load %arg7[%get3A] {strides = array<i32>} : memref<8208xi32, #tpu.memory_space<vmem>>, vector<16xi32>,
      %sub3A = arith.constant 163840 : i32
      %sub3A_942 = vector.broadcast %sub3A : i32 to vector<16xi32>
      %sub3A_943 = arith.subi %get3A_941, %sub3A_942 : vector<16xi32>
      %bitcast_convert_type3A = tpu.bitcast %sub3A_943 : vector<16xi32> -> vector<16xi32>
      %lt3A = arith.constant 16384 : i32
      %lt3A_944 = vector.broadcast %lt3A : i32 to vector<16xi32>
      %lt3A_945 = arith.cmpi ult, %bitcast_convert_type3A, %lt3A_944 : vector<16xi32>
      %mul3A_946 = arith.constant 16 : i32
      %mul3A_947 = arith.muli %add3A_938, %mul3A_946 : i32
      %add3A_948 = vector.broadcast %mul3A_947 : i32 to vector<16xi32>
      %add3A_949 = arith.addi %add3A_948, %iota3A : vector<16xi32>
      %lt3A_950 = vector.broadcast %scan3A_479#2 : i32 to vector<16xi32>
      %lt3A_951 = arith.cmpi slt, %add3A_949, %lt3A_950 : vector<16xi32>
      %and3A = arith.andi %lt3A_945, %lt3A_951 : vector<16xi1>
      %jit3A = arith.constant 0 : i32
      %broadcast_in_dim3A_952 = vector.broadcast %jit3A : i32 to vector<16xi32>
      %select_n3A = arith.select %and3A, %sub3A_943, %broadcast_in_dim3A_952 : vector<16xi1>, vector<16xi32>
      %shift_right_logical3A_953 = arith.constant 7 : i32
      %shift_right_logical3A_954 = vector.broadcast %shift_right_logical3A_953 : i32 to vector<16xi32>
      %shift_right_logical3A_955 = arith.shrui %select_n3A, %shift_right_logical3A_954 : vector<16xi32>
      %and3A_956 = arith.constant 127 : i32
      %and3A_957 = vector.broadcast %and3A_956 : i32 to vector<16xi32>
      %and3A_958 = arith.andi %select_n3A, %and3A_957 : vector<16xi32>
      tpu.vector_store_idx %arg11[%shift_right_logical3A_955, %and3A_958], %broadcast_in_dim3A_1 masked %and3A {add = true} : memref<128x128xf32, #tpu.memory_space<vmem>>[vector<16xi32>, vector<16xi32>], vector<16xf32>, vector<16xi1>
      %mul3A_959 = arith.constant 2 : i32
      %mul3A_960 = arith.muli %while3A_933, %mul3A_959 : i32
      %add3A_961 = arith.constant 1 : i32
      %add3A_962 = arith.addi %mul3A_960, %add3A_961 : i32
      %mul3A_963 = arith.constant 16 : i32
      %mul3A_964 = arith.muli %add3A_962, %mul3A_963 : i32
      %get3A_965 = arith.index_cast %mul3A_964 : i32 to index
      %get3A_966 = tpu.vector_load %arg7[%get3A_965] {strides = array<i32>} : memref<8208xi32, #tpu.memory_space<vmem>>, vector<16xi32>,
      %sub3A_967 = arith.constant 163840 : i32
      %sub3A_968 = vector.broadcast %sub3A_967 : i32 to vector<16xi32>
      %sub3A_969 = arith.subi %get3A_966, %sub3A_968 : vector<16xi32>
      %bitcast_convert_type3A_970 = tpu.bitcast %sub3A_969 : vector<16xi32> -> vector<16xi32>
      %lt3A_971 = arith.constant 16384 : i32
      %lt3A_972 = vector.broadcast %lt3A_971 : i32 to vector<16xi32>
      %lt3A_973 = arith.cmpi ult, %bitcast_convert_type3A_970, %lt3A_972 : vector<16xi32>
      %mul3A_974 = arith.constant 16 : i32
      %mul3A_975 = arith.muli %add3A_962, %mul3A_974 : i32
      %add3A_976 = vector.broadcast %mul3A_975 : i32 to vector<16xi32>
      %add3A_977 = arith.addi %add3A_976, %iota3A : vector<16xi32>
      %lt3A_978 = vector.broadcast %scan3A_479#2 : i32 to vector<16xi32>
      %lt3A_979 = arith.cmpi slt, %add3A_977, %lt3A_978 : vector<16xi32>
      %and3A_980 = arith.andi %lt3A_973, %lt3A_979 : vector<16xi1>
      %jit3A_981 = arith.constant 0 : i32
      %broadcast_in_dim3A_982 = vector.broadcast %jit3A_981 : i32 to vector<16xi32>
      %select_n3A_983 = arith.select %and3A_980, %sub3A_969, %broadcast_in_dim3A_982 : vector<16xi1>, vector<16xi32>
      %shift_right_logical3A_984 = arith.constant 7 : i32
      %shift_right_logical3A_985 = vector.broadcast %shift_right_logical3A_984 : i32 to vector<16xi32>
      %shift_right_logical3A_986 = arith.shrui %select_n3A_983, %shift_right_logical3A_985 : vector<16xi32>
      %and3A_987 = arith.constant 127 : i32
      %and3A_988 = vector.broadcast %and3A_987 : i32 to vector<16xi32>
      %and3A_989 = arith.andi %select_n3A_983, %and3A_988 : vector<16xi32>
      tpu.vector_store_idx %arg11[%shift_right_logical3A_986, %and3A_989], %broadcast_in_dim3A_1 masked %and3A_980 {add = true} : memref<128x128xf32, #tpu.memory_space<vmem>>[vector<16xi32>, vector<16xi32>], vector<16xf32>, vector<16xi1>
      %while3A_990 = arith.constant 0 : i32
      scf.yield %while3A_990 : i32
    }
    %mul3A_777 = arith.constant 2048 : i32
    %mul3A_778 = arith.muli %add3A_466, %mul3A_777 : i32
    %add3A_779 = arith.constant 1280 : i32
    %add3A_780 = arith.addi %mul3A_778, %add3A_779 : i32
    %dma_start3A_781 = arith.constant 0 : i32
    %dma_start3A_782 = tpu.memref_slice %arg3[%add3A_780, %dma_start3A_781] : memref<131072x128xf32, #tpu.memory_space<hbm>> -> memref<128x128xf32, #tpu.memory_space<hbm>>
    %dma_start3A_783 = arith.constant 0 : i32
    %dma_start3A_784 = tpu.memref_slice %arg3[%add3A_780, %dma_start3A_783] : memref<131072x128xf32, #tpu.memory_space<hbm>> -> memref<128x128xf32, #tpu.memory_space<hbm>>
    tpu.enqueue_dma source(%arg11 : memref<128x128xf32, #tpu.memory_space<vmem>>) target(%dma_start3A_784 : memref<128x128xf32, #tpu.memory_space<hbm>>) target_semaphore(%arg18 : memref<!tpu.dma_semaphore, #tpu.memory_space<semaphore_mem>>)
    %dma_wait3A_785 = arith.constant 0 : i32
    %dma_wait3A_786 = tpu.memref_slice %arg3[%add3A_752, %dma_wait3A_785] : memref<131072x128xf32, #tpu.memory_space<hbm>> -> memref<128x128xf32, #tpu.memory_space<hbm>>
    %dma_wait3A_787 = arith.constant 0 : i32
    %dma_wait3A_788 = tpu.memref_slice %arg3[%add3A_752, %dma_wait3A_787] : memref<131072x128xf32, #tpu.memory_space<hbm>> -> memref<128x128xf32, #tpu.memory_space<hbm>>
    tpu.wait_dma2 semaphore(%arg17 : memref<!tpu.dma_semaphore, #tpu.memory_space<semaphore_mem>>) src(%arg10 : memref<128x128xf32, #tpu.memory_space<vmem>>) dst(%dma_wait3A_788 : memref<128x128xf32, #tpu.memory_space<hbm>>)
    tpu.enqueue_dma source(%arg12 : memref<128x128xf32, #tpu.memory_space<vmem_shared>>) target(%arg10 : memref<128x128xf32, #tpu.memory_space<vmem>>) target_semaphore(%arg14 : memref<!tpu.dma_semaphore, #tpu.memory_space<semaphore_mem>>)
    tpu.wait_dma2 semaphore(%arg13 : memref<!tpu.dma_semaphore, #tpu.memory_space<semaphore_mem>>) src(%arg12 : memref<128x128xf32, #tpu.memory_space<vmem_shared>>) dst(%arg9 : memref<128x128xf32, #tpu.memory_space<vmem>>)
    %add3A_789 = arith.constant 31 : i32
    %add3A_790 = arith.addi %scan3A_479#2, %add3A_789 : i32
    %shift_right_logical3A_791 = arith.constant 5 : i32
    %shift_right_logical3A_792 = arith.shrui %add3A_790, %shift_right_logical3A_791 : i32
    %while3A_793 = arith.constant 0 : i32
    %while3A_794 = arith.constant 0 : i32
    %while3A_795 = arith.subi %shift_right_logical3A_792, %while3A_793 : i32
    %while3A_796 = arith.addi %while3A_793, %while3A_795 : i32
    %while3A_797 = arith.constant 1 : i32
    %while3A_798 = arith.divsi %while3A_795, %while3A_797 : i32
    %while3A_799 = arith.muli %while3A_798, %while3A_797 : i32
    %while3A_800 = arith.addi %while3A_793, %while3A_799 : i32
    %while3A_801 = arith.constant 1 : i32
    %while3A_802 = scf.for %while3A_933 = %while3A_793 to %while3A_800 step %while3A_801 iter_args(%while3A_934 = %while3A_794) -> (i32)  : i32 {
      %mul3A_935 = arith.constant 2 : i32
      %mul3A_936 = arith.muli %while3A_933, %mul3A_935 : i32
      %add3A_937 = arith.constant 0 : i32
      %add3A_938 = arith.addi %mul3A_936, %add3A_937 : i32
      %mul3A_939 = arith.constant 16 : i32
      %mul3A_940 = arith.muli %add3A_938, %mul3A_939 : i32
      %get3A = arith.index_cast %mul3A_940 : i32 to index
      %get3A_941 = tpu.vector_load %arg7[%get3A] {strides = array<i32>} : memref<8208xi32, #tpu.memory_space<vmem>>, vector<16xi32>,
      %sub3A = arith.constant 180224 : i32
      %sub3A_942 = vector.broadcast %sub3A : i32 to vector<16xi32>
      %sub3A_943 = arith.subi %get3A_941, %sub3A_942 : vector<16xi32>
      %bitcast_convert_type3A = tpu.bitcast %sub3A_943 : vector<16xi32> -> vector<16xi32>
      %lt3A = arith.constant 16384 : i32
      %lt3A_944 = vector.broadcast %lt3A : i32 to vector<16xi32>
      %lt3A_945 = arith.cmpi ult, %bitcast_convert_type3A, %lt3A_944 : vector<16xi32>
      %mul3A_946 = arith.constant 16 : i32
      %mul3A_947 = arith.muli %add3A_938, %mul3A_946 : i32
      %add3A_948 = vector.broadcast %mul3A_947 : i32 to vector<16xi32>
      %add3A_949 = arith.addi %add3A_948, %iota3A : vector<16xi32>
      %lt3A_950 = vector.broadcast %scan3A_479#2 : i32 to vector<16xi32>
      %lt3A_951 = arith.cmpi slt, %add3A_949, %lt3A_950 : vector<16xi32>
      %and3A = arith.andi %lt3A_945, %lt3A_951 : vector<16xi1>
      %jit3A = arith.constant 0 : i32
      %broadcast_in_dim3A_952 = vector.broadcast %jit3A : i32 to vector<16xi32>
      %select_n3A = arith.select %and3A, %sub3A_943, %broadcast_in_dim3A_952 : vector<16xi1>, vector<16xi32>
      %shift_right_logical3A_953 = arith.constant 7 : i32
      %shift_right_logical3A_954 = vector.broadcast %shift_right_logical3A_953 : i32 to vector<16xi32>
      %shift_right_logical3A_955 = arith.shrui %select_n3A, %shift_right_logical3A_954 : vector<16xi32>
      %and3A_956 = arith.constant 127 : i32
      %and3A_957 = vector.broadcast %and3A_956 : i32 to vector<16xi32>
      %and3A_958 = arith.andi %select_n3A, %and3A_957 : vector<16xi32>
      tpu.vector_store_idx %arg9[%shift_right_logical3A_955, %and3A_958], %broadcast_in_dim3A_1 masked %and3A {add = true} : memref<128x128xf32, #tpu.memory_space<vmem>>[vector<16xi32>, vector<16xi32>], vector<16xf32>, vector<16xi1>
      %mul3A_959 = arith.constant 2 : i32
      %mul3A_960 = arith.muli %while3A_933, %mul3A_959 : i32
      %add3A_961 = arith.constant 1 : i32
      %add3A_962 = arith.addi %mul3A_960, %add3A_961 : i32
      %mul3A_963 = arith.constant 16 : i32
      %mul3A_964 = arith.muli %add3A_962, %mul3A_963 : i32
      %get3A_965 = arith.index_cast %mul3A_964 : i32 to index
      %get3A_966 = tpu.vector_load %arg7[%get3A_965] {strides = array<i32>} : memref<8208xi32, #tpu.memory_space<vmem>>, vector<16xi32>,
      %sub3A_967 = arith.constant 180224 : i32
      %sub3A_968 = vector.broadcast %sub3A_967 : i32 to vector<16xi32>
      %sub3A_969 = arith.subi %get3A_966, %sub3A_968 : vector<16xi32>
      %bitcast_convert_type3A_970 = tpu.bitcast %sub3A_969 : vector<16xi32> -> vector<16xi32>
      %lt3A_971 = arith.constant 16384 : i32
      %lt3A_972 = vector.broadcast %lt3A_971 : i32 to vector<16xi32>
      %lt3A_973 = arith.cmpi ult, %bitcast_convert_type3A_970, %lt3A_972 : vector<16xi32>
      %mul3A_974 = arith.constant 16 : i32
      %mul3A_975 = arith.muli %add3A_962, %mul3A_974 : i32
      %add3A_976 = vector.broadcast %mul3A_975 : i32 to vector<16xi32>
      %add3A_977 = arith.addi %add3A_976, %iota3A : vector<16xi32>
      %lt3A_978 = vector.broadcast %scan3A_479#2 : i32 to vector<16xi32>
      %lt3A_979 = arith.cmpi slt, %add3A_977, %lt3A_978 : vector<16xi32>
      %and3A_980 = arith.andi %lt3A_973, %lt3A_979 : vector<16xi1>
      %jit3A_981 = arith.constant 0 : i32
      %broadcast_in_dim3A_982 = vector.broadcast %jit3A_981 : i32 to vector<16xi32>
      %select_n3A_983 = arith.select %and3A_980, %sub3A_969, %broadcast_in_dim3A_982 : vector<16xi1>, vector<16xi32>
      %shift_right_logical3A_984 = arith.constant 7 : i32
      %shift_right_logical3A_985 = vector.broadcast %shift_right_logical3A_984 : i32 to vector<16xi32>
      %shift_right_logical3A_986 = arith.shrui %select_n3A_983, %shift_right_logical3A_985 : vector<16xi32>
      %and3A_987 = arith.constant 127 : i32
      %and3A_988 = vector.broadcast %and3A_987 : i32 to vector<16xi32>
      %and3A_989 = arith.andi %select_n3A_983, %and3A_988 : vector<16xi32>
      tpu.vector_store_idx %arg9[%shift_right_logical3A_986, %and3A_989], %broadcast_in_dim3A_1 masked %and3A_980 {add = true} : memref<128x128xf32, #tpu.memory_space<vmem>>[vector<16xi32>, vector<16xi32>], vector<16xf32>, vector<16xi1>
      %while3A_990 = arith.constant 0 : i32
      scf.yield %while3A_990 : i32
    }
    %while3A_803 = arith.constant 1 : i32
    %while3A_804 = scf.for %while3A_933 = %while3A_800 to %while3A_796 step %while3A_803 iter_args(%while3A_934 = %while3A_802) -> (i32)  : i32 {
      %mul3A_935 = arith.constant 2 : i32
      %mul3A_936 = arith.muli %while3A_933, %mul3A_935 : i32
      %add3A_937 = arith.constant 0 : i32
      %add3A_938 = arith.addi %mul3A_936, %add3A_937 : i32
      %mul3A_939 = arith.constant 16 : i32
      %mul3A_940 = arith.muli %add3A_938, %mul3A_939 : i32
      %get3A = arith.index_cast %mul3A_940 : i32 to index
      %get3A_941 = tpu.vector_load %arg7[%get3A] {strides = array<i32>} : memref<8208xi32, #tpu.memory_space<vmem>>, vector<16xi32>,
      %sub3A = arith.constant 180224 : i32
      %sub3A_942 = vector.broadcast %sub3A : i32 to vector<16xi32>
      %sub3A_943 = arith.subi %get3A_941, %sub3A_942 : vector<16xi32>
      %bitcast_convert_type3A = tpu.bitcast %sub3A_943 : vector<16xi32> -> vector<16xi32>
      %lt3A = arith.constant 16384 : i32
      %lt3A_944 = vector.broadcast %lt3A : i32 to vector<16xi32>
      %lt3A_945 = arith.cmpi ult, %bitcast_convert_type3A, %lt3A_944 : vector<16xi32>
      %mul3A_946 = arith.constant 16 : i32
      %mul3A_947 = arith.muli %add3A_938, %mul3A_946 : i32
      %add3A_948 = vector.broadcast %mul3A_947 : i32 to vector<16xi32>
      %add3A_949 = arith.addi %add3A_948, %iota3A : vector<16xi32>
      %lt3A_950 = vector.broadcast %scan3A_479#2 : i32 to vector<16xi32>
      %lt3A_951 = arith.cmpi slt, %add3A_949, %lt3A_950 : vector<16xi32>
      %and3A = arith.andi %lt3A_945, %lt3A_951 : vector<16xi1>
      %jit3A = arith.constant 0 : i32
      %broadcast_in_dim3A_952 = vector.broadcast %jit3A : i32 to vector<16xi32>
      %select_n3A = arith.select %and3A, %sub3A_943, %broadcast_in_dim3A_952 : vector<16xi1>, vector<16xi32>
      %shift_right_logical3A_953 = arith.constant 7 : i32
      %shift_right_logical3A_954 = vector.broadcast %shift_right_logical3A_953 : i32 to vector<16xi32>
      %shift_right_logical3A_955 = arith.shrui %select_n3A, %shift_right_logical3A_954 : vector<16xi32>
      %and3A_956 = arith.constant 127 : i32
      %and3A_957 = vector.broadcast %and3A_956 : i32 to vector<16xi32>
      %and3A_958 = arith.andi %select_n3A, %and3A_957 : vector<16xi32>
      tpu.vector_store_idx %arg9[%shift_right_logical3A_955, %and3A_958], %broadcast_in_dim3A_1 masked %and3A {add = true} : memref<128x128xf32, #tpu.memory_space<vmem>>[vector<16xi32>, vector<16xi32>], vector<16xf32>, vector<16xi1>
      %mul3A_959 = arith.constant 2 : i32
      %mul3A_960 = arith.muli %while3A_933, %mul3A_959 : i32
      %add3A_961 = arith.constant 1 : i32
      %add3A_962 = arith.addi %mul3A_960, %add3A_961 : i32
      %mul3A_963 = arith.constant 16 : i32
      %mul3A_964 = arith.muli %add3A_962, %mul3A_963 : i32
      %get3A_965 = arith.index_cast %mul3A_964 : i32 to index
      %get3A_966 = tpu.vector_load %arg7[%get3A_965] {strides = array<i32>} : memref<8208xi32, #tpu.memory_space<vmem>>, vector<16xi32>,
      %sub3A_967 = arith.constant 180224 : i32
      %sub3A_968 = vector.broadcast %sub3A_967 : i32 to vector<16xi32>
      %sub3A_969 = arith.subi %get3A_966, %sub3A_968 : vector<16xi32>
      %bitcast_convert_type3A_970 = tpu.bitcast %sub3A_969 : vector<16xi32> -> vector<16xi32>
      %lt3A_971 = arith.constant 16384 : i32
      %lt3A_972 = vector.broadcast %lt3A_971 : i32 to vector<16xi32>
      %lt3A_973 = arith.cmpi ult, %bitcast_convert_type3A_970, %lt3A_972 : vector<16xi32>
      %mul3A_974 = arith.constant 16 : i32
      %mul3A_975 = arith.muli %add3A_962, %mul3A_974 : i32
      %add3A_976 = vector.broadcast %mul3A_975 : i32 to vector<16xi32>
      %add3A_977 = arith.addi %add3A_976, %iota3A : vector<16xi32>
      %lt3A_978 = vector.broadcast %scan3A_479#2 : i32 to vector<16xi32>
      %lt3A_979 = arith.cmpi slt, %add3A_977, %lt3A_978 : vector<16xi32>
      %and3A_980 = arith.andi %lt3A_973, %lt3A_979 : vector<16xi1>
      %jit3A_981 = arith.constant 0 : i32
      %broadcast_in_dim3A_982 = vector.broadcast %jit3A_981 : i32 to vector<16xi32>
      %select_n3A_983 = arith.select %and3A_980, %sub3A_969, %broadcast_in_dim3A_982 : vector<16xi1>, vector<16xi32>
      %shift_right_logical3A_984 = arith.constant 7 : i32
      %shift_right_logical3A_985 = vector.broadcast %shift_right_logical3A_984 : i32 to vector<16xi32>
      %shift_right_logical3A_986 = arith.shrui %select_n3A_983, %shift_right_logical3A_985 : vector<16xi32>
      %and3A_987 = arith.constant 127 : i32
      %and3A_988 = vector.broadcast %and3A_987 : i32 to vector<16xi32>
      %and3A_989 = arith.andi %select_n3A_983, %and3A_988 : vector<16xi32>
      tpu.vector_store_idx %arg9[%shift_right_logical3A_986, %and3A_989], %broadcast_in_dim3A_1 masked %and3A_980 {add = true} : memref<128x128xf32, #tpu.memory_space<vmem>>[vector<16xi32>, vector<16xi32>], vector<16xf32>, vector<16xi1>
      %while3A_990 = arith.constant 0 : i32
      scf.yield %while3A_990 : i32
    }
    %mul3A_805 = arith.constant 2048 : i32
    %mul3A_806 = arith.muli %add3A_466, %mul3A_805 : i32
    %add3A_807 = arith.constant 1408 : i32
    %add3A_808 = arith.addi %mul3A_806, %add3A_807 : i32
    %dma_start3A_809 = arith.constant 0 : i32
    %dma_start3A_810 = tpu.memref_slice %arg3[%add3A_808, %dma_start3A_809] : memref<131072x128xf32, #tpu.memory_space<hbm>> -> memref<128x128xf32, #tpu.memory_space<hbm>>
    %dma_start3A_811 = arith.constant 0 : i32
    %dma_start3A_812 = tpu.memref_slice %arg3[%add3A_808, %dma_start3A_811] : memref<131072x128xf32, #tpu.memory_space<hbm>> -> memref<128x128xf32, #tpu.memory_space<hbm>>
    tpu.enqueue_dma source(%arg9 : memref<128x128xf32, #tpu.memory_space<vmem>>) target(%dma_start3A_812 : memref<128x128xf32, #tpu.memory_space<hbm>>) target_semaphore(%arg16 : memref<!tpu.dma_semaphore, #tpu.memory_space<semaphore_mem>>)
    %dma_wait3A_813 = arith.constant 0 : i32
    %dma_wait3A_814 = tpu.memref_slice %arg3[%add3A_780, %dma_wait3A_813] : memref<131072x128xf32, #tpu.memory_space<hbm>> -> memref<128x128xf32, #tpu.memory_space<hbm>>
    %dma_wait3A_815 = arith.constant 0 : i32
    %dma_wait3A_816 = tpu.memref_slice %arg3[%add3A_780, %dma_wait3A_815] : memref<131072x128xf32, #tpu.memory_space<hbm>> -> memref<128x128xf32, #tpu.memory_space<hbm>>
    tpu.wait_dma2 semaphore(%arg18 : memref<!tpu.dma_semaphore, #tpu.memory_space<semaphore_mem>>) src(%arg11 : memref<128x128xf32, #tpu.memory_space<vmem>>) dst(%dma_wait3A_816 : memref<128x128xf32, #tpu.memory_space<hbm>>)
    tpu.enqueue_dma source(%arg12 : memref<128x128xf32, #tpu.memory_space<vmem_shared>>) target(%arg11 : memref<128x128xf32, #tpu.memory_space<vmem>>) target_semaphore(%arg15 : memref<!tpu.dma_semaphore, #tpu.memory_space<semaphore_mem>>)
    tpu.wait_dma2 semaphore(%arg14 : memref<!tpu.dma_semaphore, #tpu.memory_space<semaphore_mem>>) src(%arg12 : memref<128x128xf32, #tpu.memory_space<vmem_shared>>) dst(%arg10 : memref<128x128xf32, #tpu.memory_space<vmem>>)
    %add3A_817 = arith.constant 31 : i32
    %add3A_818 = arith.addi %scan3A_479#3, %add3A_817 : i32
    %shift_right_logical3A_819 = arith.constant 5 : i32
    %shift_right_logical3A_820 = arith.shrui %add3A_818, %shift_right_logical3A_819 : i32
    %while3A_821 = arith.constant 0 : i32
    %while3A_822 = arith.constant 0 : i32
    %while3A_823 = arith.subi %shift_right_logical3A_820, %while3A_821 : i32
    %while3A_824 = arith.addi %while3A_821, %while3A_823 : i32
    %while3A_825 = arith.constant 1 : i32
    %while3A_826 = arith.divsi %while3A_823, %while3A_825 : i32
    %while3A_827 = arith.muli %while3A_826, %while3A_825 : i32
    %while3A_828 = arith.addi %while3A_821, %while3A_827 : i32
    %while3A_829 = arith.constant 1 : i32
    %while3A_830 = scf.for %while3A_933 = %while3A_821 to %while3A_828 step %while3A_829 iter_args(%while3A_934 = %while3A_822) -> (i32)  : i32 {
      %mul3A_935 = arith.constant 2 : i32
      %mul3A_936 = arith.muli %while3A_933, %mul3A_935 : i32
      %add3A_937 = arith.constant 0 : i32
      %add3A_938 = arith.addi %mul3A_936, %add3A_937 : i32
      %mul3A_939 = arith.constant 16 : i32
      %mul3A_940 = arith.muli %add3A_938, %mul3A_939 : i32
      %get3A = arith.index_cast %mul3A_940 : i32 to index
      %get3A_941 = tpu.vector_load %arg8[%get3A] {strides = array<i32>} : memref<8208xi32, #tpu.memory_space<vmem>>, vector<16xi32>,
      %sub3A = arith.constant 196608 : i32
      %sub3A_942 = vector.broadcast %sub3A : i32 to vector<16xi32>
      %sub3A_943 = arith.subi %get3A_941, %sub3A_942 : vector<16xi32>
      %bitcast_convert_type3A = tpu.bitcast %sub3A_943 : vector<16xi32> -> vector<16xi32>
      %lt3A = arith.constant 16384 : i32
      %lt3A_944 = vector.broadcast %lt3A : i32 to vector<16xi32>
      %lt3A_945 = arith.cmpi ult, %bitcast_convert_type3A, %lt3A_944 : vector<16xi32>
      %mul3A_946 = arith.constant 16 : i32
      %mul3A_947 = arith.muli %add3A_938, %mul3A_946 : i32
      %add3A_948 = vector.broadcast %mul3A_947 : i32 to vector<16xi32>
      %add3A_949 = arith.addi %add3A_948, %iota3A : vector<16xi32>
      %lt3A_950 = vector.broadcast %scan3A_479#3 : i32 to vector<16xi32>
      %lt3A_951 = arith.cmpi slt, %add3A_949, %lt3A_950 : vector<16xi32>
      %and3A = arith.andi %lt3A_945, %lt3A_951 : vector<16xi1>
      %jit3A = arith.constant 0 : i32
      %broadcast_in_dim3A_952 = vector.broadcast %jit3A : i32 to vector<16xi32>
      %select_n3A = arith.select %and3A, %sub3A_943, %broadcast_in_dim3A_952 : vector<16xi1>, vector<16xi32>
      %shift_right_logical3A_953 = arith.constant 7 : i32
      %shift_right_logical3A_954 = vector.broadcast %shift_right_logical3A_953 : i32 to vector<16xi32>
      %shift_right_logical3A_955 = arith.shrui %select_n3A, %shift_right_logical3A_954 : vector<16xi32>
      %and3A_956 = arith.constant 127 : i32
      %and3A_957 = vector.broadcast %and3A_956 : i32 to vector<16xi32>
      %and3A_958 = arith.andi %select_n3A, %and3A_957 : vector<16xi32>
      tpu.vector_store_idx %arg10[%shift_right_logical3A_955, %and3A_958], %broadcast_in_dim3A_1 masked %and3A {add = true} : memref<128x128xf32, #tpu.memory_space<vmem>>[vector<16xi32>, vector<16xi32>], vector<16xf32>, vector<16xi1>
      %mul3A_959 = arith.constant 2 : i32
      %mul3A_960 = arith.muli %while3A_933, %mul3A_959 : i32
      %add3A_961 = arith.constant 1 : i32
      %add3A_962 = arith.addi %mul3A_960, %add3A_961 : i32
      %mul3A_963 = arith.constant 16 : i32
      %mul3A_964 = arith.muli %add3A_962, %mul3A_963 : i32
      %get3A_965 = arith.index_cast %mul3A_964 : i32 to index
      %get3A_966 = tpu.vector_load %arg8[%get3A_965] {strides = array<i32>} : memref<8208xi32, #tpu.memory_space<vmem>>, vector<16xi32>,
      %sub3A_967 = arith.constant 196608 : i32
      %sub3A_968 = vector.broadcast %sub3A_967 : i32 to vector<16xi32>
      %sub3A_969 = arith.subi %get3A_966, %sub3A_968 : vector<16xi32>
      %bitcast_convert_type3A_970 = tpu.bitcast %sub3A_969 : vector<16xi32> -> vector<16xi32>
      %lt3A_971 = arith.constant 16384 : i32
      %lt3A_972 = vector.broadcast %lt3A_971 : i32 to vector<16xi32>
      %lt3A_973 = arith.cmpi ult, %bitcast_convert_type3A_970, %lt3A_972 : vector<16xi32>
      %mul3A_974 = arith.constant 16 : i32
      %mul3A_975 = arith.muli %add3A_962, %mul3A_974 : i32
      %add3A_976 = vector.broadcast %mul3A_975 : i32 to vector<16xi32>
      %add3A_977 = arith.addi %add3A_976, %iota3A : vector<16xi32>
      %lt3A_978 = vector.broadcast %scan3A_479#3 : i32 to vector<16xi32>
      %lt3A_979 = arith.cmpi slt, %add3A_977, %lt3A_978 : vector<16xi32>
      %and3A_980 = arith.andi %lt3A_973, %lt3A_979 : vector<16xi1>
      %jit3A_981 = arith.constant 0 : i32
      %broadcast_in_dim3A_982 = vector.broadcast %jit3A_981 : i32 to vector<16xi32>
      %select_n3A_983 = arith.select %and3A_980, %sub3A_969, %broadcast_in_dim3A_982 : vector<16xi1>, vector<16xi32>
      %shift_right_logical3A_984 = arith.constant 7 : i32
      %shift_right_logical3A_985 = vector.broadcast %shift_right_logical3A_984 : i32 to vector<16xi32>
      %shift_right_logical3A_986 = arith.shrui %select_n3A_983, %shift_right_logical3A_985 : vector<16xi32>
      %and3A_987 = arith.constant 127 : i32
      %and3A_988 = vector.broadcast %and3A_987 : i32 to vector<16xi32>
      %and3A_989 = arith.andi %select_n3A_983, %and3A_988 : vector<16xi32>
      tpu.vector_store_idx %arg10[%shift_right_logical3A_986, %and3A_989], %broadcast_in_dim3A_1 masked %and3A_980 {add = true} : memref<128x128xf32, #tpu.memory_space<vmem>>[vector<16xi32>, vector<16xi32>], vector<16xf32>, vector<16xi1>
      %while3A_990 = arith.constant 0 : i32
      scf.yield %while3A_990 : i32
    }
    %while3A_831 = arith.constant 1 : i32
    %while3A_832 = scf.for %while3A_933 = %while3A_828 to %while3A_824 step %while3A_831 iter_args(%while3A_934 = %while3A_830) -> (i32)  : i32 {
      %mul3A_935 = arith.constant 2 : i32
      %mul3A_936 = arith.muli %while3A_933, %mul3A_935 : i32
      %add3A_937 = arith.constant 0 : i32
      %add3A_938 = arith.addi %mul3A_936, %add3A_937 : i32
      %mul3A_939 = arith.constant 16 : i32
      %mul3A_940 = arith.muli %add3A_938, %mul3A_939 : i32
      %get3A = arith.index_cast %mul3A_940 : i32 to index
      %get3A_941 = tpu.vector_load %arg8[%get3A] {strides = array<i32>} : memref<8208xi32, #tpu.memory_space<vmem>>, vector<16xi32>,
      %sub3A = arith.constant 196608 : i32
      %sub3A_942 = vector.broadcast %sub3A : i32 to vector<16xi32>
      %sub3A_943 = arith.subi %get3A_941, %sub3A_942 : vector<16xi32>
      %bitcast_convert_type3A = tpu.bitcast %sub3A_943 : vector<16xi32> -> vector<16xi32>
      %lt3A = arith.constant 16384 : i32
      %lt3A_944 = vector.broadcast %lt3A : i32 to vector<16xi32>
      %lt3A_945 = arith.cmpi ult, %bitcast_convert_type3A, %lt3A_944 : vector<16xi32>
      %mul3A_946 = arith.constant 16 : i32
      %mul3A_947 = arith.muli %add3A_938, %mul3A_946 : i32
      %add3A_948 = vector.broadcast %mul3A_947 : i32 to vector<16xi32>
      %add3A_949 = arith.addi %add3A_948, %iota3A : vector<16xi32>
      %lt3A_950 = vector.broadcast %scan3A_479#3 : i32 to vector<16xi32>
      %lt3A_951 = arith.cmpi slt, %add3A_949, %lt3A_950 : vector<16xi32>
      %and3A = arith.andi %lt3A_945, %lt3A_951 : vector<16xi1>
      %jit3A = arith.constant 0 : i32
      %broadcast_in_dim3A_952 = vector.broadcast %jit3A : i32 to vector<16xi32>
      %select_n3A = arith.select %and3A, %sub3A_943, %broadcast_in_dim3A_952 : vector<16xi1>, vector<16xi32>
      %shift_right_logical3A_953 = arith.constant 7 : i32
      %shift_right_logical3A_954 = vector.broadcast %shift_right_logical3A_953 : i32 to vector<16xi32>
      %shift_right_logical3A_955 = arith.shrui %select_n3A, %shift_right_logical3A_954 : vector<16xi32>
      %and3A_956 = arith.constant 127 : i32
      %and3A_957 = vector.broadcast %and3A_956 : i32 to vector<16xi32>
      %and3A_958 = arith.andi %select_n3A, %and3A_957 : vector<16xi32>
      tpu.vector_store_idx %arg10[%shift_right_logical3A_955, %and3A_958], %broadcast_in_dim3A_1 masked %and3A {add = true} : memref<128x128xf32, #tpu.memory_space<vmem>>[vector<16xi32>, vector<16xi32>], vector<16xf32>, vector<16xi1>
      %mul3A_959 = arith.constant 2 : i32
      %mul3A_960 = arith.muli %while3A_933, %mul3A_959 : i32
      %add3A_961 = arith.constant 1 : i32
      %add3A_962 = arith.addi %mul3A_960, %add3A_961 : i32
      %mul3A_963 = arith.constant 16 : i32
      %mul3A_964 = arith.muli %add3A_962, %mul3A_963 : i32
      %get3A_965 = arith.index_cast %mul3A_964 : i32 to index
      %get3A_966 = tpu.vector_load %arg8[%get3A_965] {strides = array<i32>} : memref<8208xi32, #tpu.memory_space<vmem>>, vector<16xi32>,
      %sub3A_967 = arith.constant 196608 : i32
      %sub3A_968 = vector.broadcast %sub3A_967 : i32 to vector<16xi32>
      %sub3A_969 = arith.subi %get3A_966, %sub3A_968 : vector<16xi32>
      %bitcast_convert_type3A_970 = tpu.bitcast %sub3A_969 : vector<16xi32> -> vector<16xi32>
      %lt3A_971 = arith.constant 16384 : i32
      %lt3A_972 = vector.broadcast %lt3A_971 : i32 to vector<16xi32>
      %lt3A_973 = arith.cmpi ult, %bitcast_convert_type3A_970, %lt3A_972 : vector<16xi32>
      %mul3A_974 = arith.constant 16 : i32
      %mul3A_975 = arith.muli %add3A_962, %mul3A_974 : i32
      %add3A_976 = vector.broadcast %mul3A_975 : i32 to vector<16xi32>
      %add3A_977 = arith.addi %add3A_976, %iota3A : vector<16xi32>
      %lt3A_978 = vector.broadcast %scan3A_479#3 : i32 to vector<16xi32>
      %lt3A_979 = arith.cmpi slt, %add3A_977, %lt3A_978 : vector<16xi32>
      %and3A_980 = arith.andi %lt3A_973, %lt3A_979 : vector<16xi1>
      %jit3A_981 = arith.constant 0 : i32
      %broadcast_in_dim3A_982 = vector.broadcast %jit3A_981 : i32 to vector<16xi32>
      %select_n3A_983 = arith.select %and3A_980, %sub3A_969, %broadcast_in_dim3A_982 : vector<16xi1>, vector<16xi32>
      %shift_right_logical3A_984 = arith.constant 7 : i32
      %shift_right_logical3A_985 = vector.broadcast %shift_right_logical3A_984 : i32 to vector<16xi32>
      %shift_right_logical3A_986 = arith.shrui %select_n3A_983, %shift_right_logical3A_985 : vector<16xi32>
      %and3A_987 = arith.constant 127 : i32
      %and3A_988 = vector.broadcast %and3A_987 : i32 to vector<16xi32>
      %and3A_989 = arith.andi %select_n3A_983, %and3A_988 : vector<16xi32>
      tpu.vector_store_idx %arg10[%shift_right_logical3A_986, %and3A_989], %broadcast_in_dim3A_1 masked %and3A_980 {add = true} : memref<128x128xf32, #tpu.memory_space<vmem>>[vector<16xi32>, vector<16xi32>], vector<16xf32>, vector<16xi1>
      %while3A_990 = arith.constant 0 : i32
      scf.yield %while3A_990 : i32
    }
    %mul3A_833 = arith.constant 2048 : i32
    %mul3A_834 = arith.muli %add3A_466, %mul3A_833 : i32
    %add3A_835 = arith.constant 1536 : i32
    %add3A_836 = arith.addi %mul3A_834, %add3A_835 : i32
    %dma_start3A_837 = arith.constant 0 : i32
    %dma_start3A_838 = tpu.memref_slice %arg3[%add3A_836, %dma_start3A_837] : memref<131072x128xf32, #tpu.memory_space<hbm>> -> memref<128x128xf32, #tpu.memory_space<hbm>>
    %dma_start3A_839 = arith.constant 0 : i32
    %dma_start3A_840 = tpu.memref_slice %arg3[%add3A_836, %dma_start3A_839] : memref<131072x128xf32, #tpu.memory_space<hbm>> -> memref<128x128xf32, #tpu.memory_space<hbm>>
    tpu.enqueue_dma source(%arg10 : memref<128x128xf32, #tpu.memory_space<vmem>>) target(%dma_start3A_840 : memref<128x128xf32, #tpu.memory_space<hbm>>) target_semaphore(%arg17 : memref<!tpu.dma_semaphore, #tpu.memory_space<semaphore_mem>>)
    %dma_wait3A_841 = arith.constant 0 : i32
    %dma_wait3A_842 = tpu.memref_slice %arg3[%add3A_808, %dma_wait3A_841] : memref<131072x128xf32, #tpu.memory_space<hbm>> -> memref<128x128xf32, #tpu.memory_space<hbm>>
    %dma_wait3A_843 = arith.constant 0 : i32
    %dma_wait3A_844 = tpu.memref_slice %arg3[%add3A_808, %dma_wait3A_843] : memref<131072x128xf32, #tpu.memory_space<hbm>> -> memref<128x128xf32, #tpu.memory_space<hbm>>
    tpu.wait_dma2 semaphore(%arg16 : memref<!tpu.dma_semaphore, #tpu.memory_space<semaphore_mem>>) src(%arg9 : memref<128x128xf32, #tpu.memory_space<vmem>>) dst(%dma_wait3A_844 : memref<128x128xf32, #tpu.memory_space<hbm>>)
    tpu.enqueue_dma source(%arg12 : memref<128x128xf32, #tpu.memory_space<vmem_shared>>) target(%arg9 : memref<128x128xf32, #tpu.memory_space<vmem>>) target_semaphore(%arg13 : memref<!tpu.dma_semaphore, #tpu.memory_space<semaphore_mem>>)
    tpu.wait_dma2 semaphore(%arg15 : memref<!tpu.dma_semaphore, #tpu.memory_space<semaphore_mem>>) src(%arg12 : memref<128x128xf32, #tpu.memory_space<vmem_shared>>) dst(%arg11 : memref<128x128xf32, #tpu.memory_space<vmem>>)
    %add3A_845 = arith.constant 31 : i32
    %add3A_846 = arith.addi %scan3A_479#3, %add3A_845 : i32
    %shift_right_logical3A_847 = arith.constant 5 : i32
    %shift_right_logical3A_848 = arith.shrui %add3A_846, %shift_right_logical3A_847 : i32
    %while3A_849 = arith.constant 0 : i32
    %while3A_850 = arith.constant 0 : i32
    %while3A_851 = arith.subi %shift_right_logical3A_848, %while3A_849 : i32
    %while3A_852 = arith.addi %while3A_849, %while3A_851 : i32
    %while3A_853 = arith.constant 1 : i32
    %while3A_854 = arith.divsi %while3A_851, %while3A_853 : i32
    %while3A_855 = arith.muli %while3A_854, %while3A_853 : i32
    %while3A_856 = arith.addi %while3A_849, %while3A_855 : i32
    %while3A_857 = arith.constant 1 : i32
    %while3A_858 = scf.for %while3A_933 = %while3A_849 to %while3A_856 step %while3A_857 iter_args(%while3A_934 = %while3A_850) -> (i32)  : i32 {
      %mul3A_935 = arith.constant 2 : i32
      %mul3A_936 = arith.muli %while3A_933, %mul3A_935 : i32
      %add3A_937 = arith.constant 0 : i32
      %add3A_938 = arith.addi %mul3A_936, %add3A_937 : i32
      %mul3A_939 = arith.constant 16 : i32
      %mul3A_940 = arith.muli %add3A_938, %mul3A_939 : i32
      %get3A = arith.index_cast %mul3A_940 : i32 to index
      %get3A_941 = tpu.vector_load %arg8[%get3A] {strides = array<i32>} : memref<8208xi32, #tpu.memory_space<vmem>>, vector<16xi32>,
      %sub3A = arith.constant 212992 : i32
      %sub3A_942 = vector.broadcast %sub3A : i32 to vector<16xi32>
      %sub3A_943 = arith.subi %get3A_941, %sub3A_942 : vector<16xi32>
      %bitcast_convert_type3A = tpu.bitcast %sub3A_943 : vector<16xi32> -> vector<16xi32>
      %lt3A = arith.constant 16384 : i32
      %lt3A_944 = vector.broadcast %lt3A : i32 to vector<16xi32>
      %lt3A_945 = arith.cmpi ult, %bitcast_convert_type3A, %lt3A_944 : vector<16xi32>
      %mul3A_946 = arith.constant 16 : i32
      %mul3A_947 = arith.muli %add3A_938, %mul3A_946 : i32
      %add3A_948 = vector.broadcast %mul3A_947 : i32 to vector<16xi32>
      %add3A_949 = arith.addi %add3A_948, %iota3A : vector<16xi32>
      %lt3A_950 = vector.broadcast %scan3A_479#3 : i32 to vector<16xi32>
      %lt3A_951 = arith.cmpi slt, %add3A_949, %lt3A_950 : vector<16xi32>
      %and3A = arith.andi %lt3A_945, %lt3A_951 : vector<16xi1>
      %jit3A = arith.constant 0 : i32
      %broadcast_in_dim3A_952 = vector.broadcast %jit3A : i32 to vector<16xi32>
      %select_n3A = arith.select %and3A, %sub3A_943, %broadcast_in_dim3A_952 : vector<16xi1>, vector<16xi32>
      %shift_right_logical3A_953 = arith.constant 7 : i32
      %shift_right_logical3A_954 = vector.broadcast %shift_right_logical3A_953 : i32 to vector<16xi32>
      %shift_right_logical3A_955 = arith.shrui %select_n3A, %shift_right_logical3A_954 : vector<16xi32>
      %and3A_956 = arith.constant 127 : i32
      %and3A_957 = vector.broadcast %and3A_956 : i32 to vector<16xi32>
      %and3A_958 = arith.andi %select_n3A, %and3A_957 : vector<16xi32>
      tpu.vector_store_idx %arg11[%shift_right_logical3A_955, %and3A_958], %broadcast_in_dim3A_1 masked %and3A {add = true} : memref<128x128xf32, #tpu.memory_space<vmem>>[vector<16xi32>, vector<16xi32>], vector<16xf32>, vector<16xi1>
      %mul3A_959 = arith.constant 2 : i32
      %mul3A_960 = arith.muli %while3A_933, %mul3A_959 : i32
      %add3A_961 = arith.constant 1 : i32
      %add3A_962 = arith.addi %mul3A_960, %add3A_961 : i32
      %mul3A_963 = arith.constant 16 : i32
      %mul3A_964 = arith.muli %add3A_962, %mul3A_963 : i32
      %get3A_965 = arith.index_cast %mul3A_964 : i32 to index
      %get3A_966 = tpu.vector_load %arg8[%get3A_965] {strides = array<i32>} : memref<8208xi32, #tpu.memory_space<vmem>>, vector<16xi32>,
      %sub3A_967 = arith.constant 212992 : i32
      %sub3A_968 = vector.broadcast %sub3A_967 : i32 to vector<16xi32>
      %sub3A_969 = arith.subi %get3A_966, %sub3A_968 : vector<16xi32>
      %bitcast_convert_type3A_970 = tpu.bitcast %sub3A_969 : vector<16xi32> -> vector<16xi32>
      %lt3A_971 = arith.constant 16384 : i32
      %lt3A_972 = vector.broadcast %lt3A_971 : i32 to vector<16xi32>
      %lt3A_973 = arith.cmpi ult, %bitcast_convert_type3A_970, %lt3A_972 : vector<16xi32>
      %mul3A_974 = arith.constant 16 : i32
      %mul3A_975 = arith.muli %add3A_962, %mul3A_974 : i32
      %add3A_976 = vector.broadcast %mul3A_975 : i32 to vector<16xi32>
      %add3A_977 = arith.addi %add3A_976, %iota3A : vector<16xi32>
      %lt3A_978 = vector.broadcast %scan3A_479#3 : i32 to vector<16xi32>
      %lt3A_979 = arith.cmpi slt, %add3A_977, %lt3A_978 : vector<16xi32>
      %and3A_980 = arith.andi %lt3A_973, %lt3A_979 : vector<16xi1>
      %jit3A_981 = arith.constant 0 : i32
      %broadcast_in_dim3A_982 = vector.broadcast %jit3A_981 : i32 to vector<16xi32>
      %select_n3A_983 = arith.select %and3A_980, %sub3A_969, %broadcast_in_dim3A_982 : vector<16xi1>, vector<16xi32>
      %shift_right_logical3A_984 = arith.constant 7 : i32
      %shift_right_logical3A_985 = vector.broadcast %shift_right_logical3A_984 : i32 to vector<16xi32>
      %shift_right_logical3A_986 = arith.shrui %select_n3A_983, %shift_right_logical3A_985 : vector<16xi32>
      %and3A_987 = arith.constant 127 : i32
      %and3A_988 = vector.broadcast %and3A_987 : i32 to vector<16xi32>
      %and3A_989 = arith.andi %select_n3A_983, %and3A_988 : vector<16xi32>
      tpu.vector_store_idx %arg11[%shift_right_logical3A_986, %and3A_989], %broadcast_in_dim3A_1 masked %and3A_980 {add = true} : memref<128x128xf32, #tpu.memory_space<vmem>>[vector<16xi32>, vector<16xi32>], vector<16xf32>, vector<16xi1>
      %while3A_990 = arith.constant 0 : i32
      scf.yield %while3A_990 : i32
    }
    %while3A_859 = arith.constant 1 : i32
    %while3A_860 = scf.for %while3A_933 = %while3A_856 to %while3A_852 step %while3A_859 iter_args(%while3A_934 = %while3A_858) -> (i32)  : i32 {
      %mul3A_935 = arith.constant 2 : i32
      %mul3A_936 = arith.muli %while3A_933, %mul3A_935 : i32
      %add3A_937 = arith.constant 0 : i32
      %add3A_938 = arith.addi %mul3A_936, %add3A_937 : i32
      %mul3A_939 = arith.constant 16 : i32
      %mul3A_940 = arith.muli %add3A_938, %mul3A_939 : i32
      %get3A = arith.index_cast %mul3A_940 : i32 to index
      %get3A_941 = tpu.vector_load %arg8[%get3A] {strides = array<i32>} : memref<8208xi32, #tpu.memory_space<vmem>>, vector<16xi32>,
      %sub3A = arith.constant 212992 : i32
      %sub3A_942 = vector.broadcast %sub3A : i32 to vector<16xi32>
      %sub3A_943 = arith.subi %get3A_941, %sub3A_942 : vector<16xi32>
      %bitcast_convert_type3A = tpu.bitcast %sub3A_943 : vector<16xi32> -> vector<16xi32>
      %lt3A = arith.constant 16384 : i32
      %lt3A_944 = vector.broadcast %lt3A : i32 to vector<16xi32>
      %lt3A_945 = arith.cmpi ult, %bitcast_convert_type3A, %lt3A_944 : vector<16xi32>
      %mul3A_946 = arith.constant 16 : i32
      %mul3A_947 = arith.muli %add3A_938, %mul3A_946 : i32
      %add3A_948 = vector.broadcast %mul3A_947 : i32 to vector<16xi32>
      %add3A_949 = arith.addi %add3A_948, %iota3A : vector<16xi32>
      %lt3A_950 = vector.broadcast %scan3A_479#3 : i32 to vector<16xi32>
      %lt3A_951 = arith.cmpi slt, %add3A_949, %lt3A_950 : vector<16xi32>
      %and3A = arith.andi %lt3A_945, %lt3A_951 : vector<16xi1>
      %jit3A = arith.constant 0 : i32
      %broadcast_in_dim3A_952 = vector.broadcast %jit3A : i32 to vector<16xi32>
      %select_n3A = arith.select %and3A, %sub3A_943, %broadcast_in_dim3A_952 : vector<16xi1>, vector<16xi32>
      %shift_right_logical3A_953 = arith.constant 7 : i32
      %shift_right_logical3A_954 = vector.broadcast %shift_right_logical3A_953 : i32 to vector<16xi32>
      %shift_right_logical3A_955 = arith.shrui %select_n3A, %shift_right_logical3A_954 : vector<16xi32>
      %and3A_956 = arith.constant 127 : i32
      %and3A_957 = vector.broadcast %and3A_956 : i32 to vector<16xi32>
      %and3A_958 = arith.andi %select_n3A, %and3A_957 : vector<16xi32>
      tpu.vector_store_idx %arg11[%shift_right_logical3A_955, %and3A_958], %broadcast_in_dim3A_1 masked %and3A {add = true} : memref<128x128xf32, #tpu.memory_space<vmem>>[vector<16xi32>, vector<16xi32>], vector<16xf32>, vector<16xi1>
      %mul3A_959 = arith.constant 2 : i32
      %mul3A_960 = arith.muli %while3A_933, %mul3A_959 : i32
      %add3A_961 = arith.constant 1 : i32
      %add3A_962 = arith.addi %mul3A_960, %add3A_961 : i32
      %mul3A_963 = arith.constant 16 : i32
      %mul3A_964 = arith.muli %add3A_962, %mul3A_963 : i32
      %get3A_965 = arith.index_cast %mul3A_964 : i32 to index
      %get3A_966 = tpu.vector_load %arg8[%get3A_965] {strides = array<i32>} : memref<8208xi32, #tpu.memory_space<vmem>>, vector<16xi32>,
      %sub3A_967 = arith.constant 212992 : i32
      %sub3A_968 = vector.broadcast %sub3A_967 : i32 to vector<16xi32>
      %sub3A_969 = arith.subi %get3A_966, %sub3A_968 : vector<16xi32>
      %bitcast_convert_type3A_970 = tpu.bitcast %sub3A_969 : vector<16xi32> -> vector<16xi32>
      %lt3A_971 = arith.constant 16384 : i32
      %lt3A_972 = vector.broadcast %lt3A_971 : i32 to vector<16xi32>
      %lt3A_973 = arith.cmpi ult, %bitcast_convert_type3A_970, %lt3A_972 : vector<16xi32>
      %mul3A_974 = arith.constant 16 : i32
      %mul3A_975 = arith.muli %add3A_962, %mul3A_974 : i32
      %add3A_976 = vector.broadcast %mul3A_975 : i32 to vector<16xi32>
      %add3A_977 = arith.addi %add3A_976, %iota3A : vector<16xi32>
      %lt3A_978 = vector.broadcast %scan3A_479#3 : i32 to vector<16xi32>
      %lt3A_979 = arith.cmpi slt, %add3A_977, %lt3A_978 : vector<16xi32>
      %and3A_980 = arith.andi %lt3A_973, %lt3A_979 : vector<16xi1>
      %jit3A_981 = arith.constant 0 : i32
      %broadcast_in_dim3A_982 = vector.broadcast %jit3A_981 : i32 to vector<16xi32>
      %select_n3A_983 = arith.select %and3A_980, %sub3A_969, %broadcast_in_dim3A_982 : vector<16xi1>, vector<16xi32>
      %shift_right_logical3A_984 = arith.constant 7 : i32
      %shift_right_logical3A_985 = vector.broadcast %shift_right_logical3A_984 : i32 to vector<16xi32>
      %shift_right_logical3A_986 = arith.shrui %select_n3A_983, %shift_right_logical3A_985 : vector<16xi32>
      %and3A_987 = arith.constant 127 : i32
      %and3A_988 = vector.broadcast %and3A_987 : i32 to vector<16xi32>
      %and3A_989 = arith.andi %select_n3A_983, %and3A_988 : vector<16xi32>
      tpu.vector_store_idx %arg11[%shift_right_logical3A_986, %and3A_989], %broadcast_in_dim3A_1 masked %and3A_980 {add = true} : memref<128x128xf32, #tpu.memory_space<vmem>>[vector<16xi32>, vector<16xi32>], vector<16xf32>, vector<16xi1>
      %while3A_990 = arith.constant 0 : i32
      scf.yield %while3A_990 : i32
    }
    %mul3A_861 = arith.constant 2048 : i32
    %mul3A_862 = arith.muli %add3A_466, %mul3A_861 : i32
    %add3A_863 = arith.constant 1664 : i32
    %add3A_864 = arith.addi %mul3A_862, %add3A_863 : i32
    %dma_start3A_865 = arith.constant 0 : i32
    %dma_start3A_866 = tpu.memref_slice %arg3[%add3A_864, %dma_start3A_865] : memref<131072x128xf32, #tpu.memory_space<hbm>> -> memref<128x128xf32, #tpu.memory_space<hbm>>
    %dma_start3A_867 = arith.constant 0 : i32
    %dma_start3A_868 = tpu.memref_slice %arg3[%add3A_864, %dma_start3A_867] : memref<131072x128xf32, #tpu.memory_space<hbm>> -> memref<128x128xf32, #tpu.memory_space<hbm>>
    tpu.enqueue_dma source(%arg11 : memref<128x128xf32, #tpu.memory_space<vmem>>) target(%dma_start3A_868 : memref<128x128xf32, #tpu.memory_space<hbm>>) target_semaphore(%arg18 : memref<!tpu.dma_semaphore, #tpu.memory_space<semaphore_mem>>)
    %dma_wait3A_869 = arith.constant 0 : i32
    %dma_wait3A_870 = tpu.memref_slice %arg3[%add3A_836, %dma_wait3A_869] : memref<131072x128xf32, #tpu.memory_space<hbm>> -> memref<128x128xf32, #tpu.memory_space<hbm>>
    %dma_wait3A_871 = arith.constant 0 : i32
    %dma_wait3A_872 = tpu.memref_slice %arg3[%add3A_836, %dma_wait3A_871] : memref<131072x128xf32, #tpu.memory_space<hbm>> -> memref<128x128xf32, #tpu.memory_space<hbm>>
    tpu.wait_dma2 semaphore(%arg17 : memref<!tpu.dma_semaphore, #tpu.memory_space<semaphore_mem>>) src(%arg10 : memref<128x128xf32, #tpu.memory_space<vmem>>) dst(%dma_wait3A_872 : memref<128x128xf32, #tpu.memory_space<hbm>>)
    tpu.enqueue_dma source(%arg12 : memref<128x128xf32, #tpu.memory_space<vmem_shared>>) target(%arg10 : memref<128x128xf32, #tpu.memory_space<vmem>>) target_semaphore(%arg14 : memref<!tpu.dma_semaphore, #tpu.memory_space<semaphore_mem>>)
    tpu.wait_dma2 semaphore(%arg13 : memref<!tpu.dma_semaphore, #tpu.memory_space<semaphore_mem>>) src(%arg12 : memref<128x128xf32, #tpu.memory_space<vmem_shared>>) dst(%arg9 : memref<128x128xf32, #tpu.memory_space<vmem>>)
    %add3A_873 = arith.constant 31 : i32
    %add3A_874 = arith.addi %scan3A_479#3, %add3A_873 : i32
    %shift_right_logical3A_875 = arith.constant 5 : i32
    %shift_right_logical3A_876 = arith.shrui %add3A_874, %shift_right_logical3A_875 : i32
    %while3A_877 = arith.constant 0 : i32
    %while3A_878 = arith.constant 0 : i32
    %while3A_879 = arith.subi %shift_right_logical3A_876, %while3A_877 : i32
    %while3A_880 = arith.addi %while3A_877, %while3A_879 : i32
    %while3A_881 = arith.constant 1 : i32
    %while3A_882 = arith.divsi %while3A_879, %while3A_881 : i32
    %while3A_883 = arith.muli %while3A_882, %while3A_881 : i32
    %while3A_884 = arith.addi %while3A_877, %while3A_883 : i32
    %while3A_885 = arith.constant 1 : i32
    %while3A_886 = scf.for %while3A_933 = %while3A_877 to %while3A_884 step %while3A_885 iter_args(%while3A_934 = %while3A_878) -> (i32)  : i32 {
      %mul3A_935 = arith.constant 2 : i32
      %mul3A_936 = arith.muli %while3A_933, %mul3A_935 : i32
      %add3A_937 = arith.constant 0 : i32
      %add3A_938 = arith.addi %mul3A_936, %add3A_937 : i32
      %mul3A_939 = arith.constant 16 : i32
      %mul3A_940 = arith.muli %add3A_938, %mul3A_939 : i32
      %get3A = arith.index_cast %mul3A_940 : i32 to index
      %get3A_941 = tpu.vector_load %arg8[%get3A] {strides = array<i32>} : memref<8208xi32, #tpu.memory_space<vmem>>, vector<16xi32>,
      %sub3A = arith.constant 229376 : i32
      %sub3A_942 = vector.broadcast %sub3A : i32 to vector<16xi32>
      %sub3A_943 = arith.subi %get3A_941, %sub3A_942 : vector<16xi32>
      %bitcast_convert_type3A = tpu.bitcast %sub3A_943 : vector<16xi32> -> vector<16xi32>
      %lt3A = arith.constant 16384 : i32
      %lt3A_944 = vector.broadcast %lt3A : i32 to vector<16xi32>
      %lt3A_945 = arith.cmpi ult, %bitcast_convert_type3A, %lt3A_944 : vector<16xi32>
      %mul3A_946 = arith.constant 16 : i32
      %mul3A_947 = arith.muli %add3A_938, %mul3A_946 : i32
      %add3A_948 = vector.broadcast %mul3A_947 : i32 to vector<16xi32>
      %add3A_949 = arith.addi %add3A_948, %iota3A : vector<16xi32>
      %lt3A_950 = vector.broadcast %scan3A_479#3 : i32 to vector<16xi32>
      %lt3A_951 = arith.cmpi slt, %add3A_949, %lt3A_950 : vector<16xi32>
      %and3A = arith.andi %lt3A_945, %lt3A_951 : vector<16xi1>
      %jit3A = arith.constant 0 : i32
      %broadcast_in_dim3A_952 = vector.broadcast %jit3A : i32 to vector<16xi32>
      %select_n3A = arith.select %and3A, %sub3A_943, %broadcast_in_dim3A_952 : vector<16xi1>, vector<16xi32>
      %shift_right_logical3A_953 = arith.constant 7 : i32
      %shift_right_logical3A_954 = vector.broadcast %shift_right_logical3A_953 : i32 to vector<16xi32>
      %shift_right_logical3A_955 = arith.shrui %select_n3A, %shift_right_logical3A_954 : vector<16xi32>
      %and3A_956 = arith.constant 127 : i32
      %and3A_957 = vector.broadcast %and3A_956 : i32 to vector<16xi32>
      %and3A_958 = arith.andi %select_n3A, %and3A_957 : vector<16xi32>
      tpu.vector_store_idx %arg9[%shift_right_logical3A_955, %and3A_958], %broadcast_in_dim3A_1 masked %and3A {add = true} : memref<128x128xf32, #tpu.memory_space<vmem>>[vector<16xi32>, vector<16xi32>], vector<16xf32>, vector<16xi1>
      %mul3A_959 = arith.constant 2 : i32
      %mul3A_960 = arith.muli %while3A_933, %mul3A_959 : i32
      %add3A_961 = arith.constant 1 : i32
      %add3A_962 = arith.addi %mul3A_960, %add3A_961 : i32
      %mul3A_963 = arith.constant 16 : i32
      %mul3A_964 = arith.muli %add3A_962, %mul3A_963 : i32
      %get3A_965 = arith.index_cast %mul3A_964 : i32 to index
      %get3A_966 = tpu.vector_load %arg8[%get3A_965] {strides = array<i32>} : memref<8208xi32, #tpu.memory_space<vmem>>, vector<16xi32>,
      %sub3A_967 = arith.constant 229376 : i32
      %sub3A_968 = vector.broadcast %sub3A_967 : i32 to vector<16xi32>
      %sub3A_969 = arith.subi %get3A_966, %sub3A_968 : vector<16xi32>
      %bitcast_convert_type3A_970 = tpu.bitcast %sub3A_969 : vector<16xi32> -> vector<16xi32>
      %lt3A_971 = arith.constant 16384 : i32
      %lt3A_972 = vector.broadcast %lt3A_971 : i32 to vector<16xi32>
      %lt3A_973 = arith.cmpi ult, %bitcast_convert_type3A_970, %lt3A_972 : vector<16xi32>
      %mul3A_974 = arith.constant 16 : i32
      %mul3A_975 = arith.muli %add3A_962, %mul3A_974 : i32
      %add3A_976 = vector.broadcast %mul3A_975 : i32 to vector<16xi32>
      %add3A_977 = arith.addi %add3A_976, %iota3A : vector<16xi32>
      %lt3A_978 = vector.broadcast %scan3A_479#3 : i32 to vector<16xi32>
      %lt3A_979 = arith.cmpi slt, %add3A_977, %lt3A_978 : vector<16xi32>
      %and3A_980 = arith.andi %lt3A_973, %lt3A_979 : vector<16xi1>
      %jit3A_981 = arith.constant 0 : i32
      %broadcast_in_dim3A_982 = vector.broadcast %jit3A_981 : i32 to vector<16xi32>
      %select_n3A_983 = arith.select %and3A_980, %sub3A_969, %broadcast_in_dim3A_982 : vector<16xi1>, vector<16xi32>
      %shift_right_logical3A_984 = arith.constant 7 : i32
      %shift_right_logical3A_985 = vector.broadcast %shift_right_logical3A_984 : i32 to vector<16xi32>
      %shift_right_logical3A_986 = arith.shrui %select_n3A_983, %shift_right_logical3A_985 : vector<16xi32>
      %and3A_987 = arith.constant 127 : i32
      %and3A_988 = vector.broadcast %and3A_987 : i32 to vector<16xi32>
      %and3A_989 = arith.andi %select_n3A_983, %and3A_988 : vector<16xi32>
      tpu.vector_store_idx %arg9[%shift_right_logical3A_986, %and3A_989], %broadcast_in_dim3A_1 masked %and3A_980 {add = true} : memref<128x128xf32, #tpu.memory_space<vmem>>[vector<16xi32>, vector<16xi32>], vector<16xf32>, vector<16xi1>
      %while3A_990 = arith.constant 0 : i32
      scf.yield %while3A_990 : i32
    }
    %while3A_887 = arith.constant 1 : i32
    %while3A_888 = scf.for %while3A_933 = %while3A_884 to %while3A_880 step %while3A_887 iter_args(%while3A_934 = %while3A_886) -> (i32)  : i32 {
      %mul3A_935 = arith.constant 2 : i32
      %mul3A_936 = arith.muli %while3A_933, %mul3A_935 : i32
      %add3A_937 = arith.constant 0 : i32
      %add3A_938 = arith.addi %mul3A_936, %add3A_937 : i32
      %mul3A_939 = arith.constant 16 : i32
      %mul3A_940 = arith.muli %add3A_938, %mul3A_939 : i32
      %get3A = arith.index_cast %mul3A_940 : i32 to index
      %get3A_941 = tpu.vector_load %arg8[%get3A] {strides = array<i32>} : memref<8208xi32, #tpu.memory_space<vmem>>, vector<16xi32>,
      %sub3A = arith.constant 229376 : i32
      %sub3A_942 = vector.broadcast %sub3A : i32 to vector<16xi32>
      %sub3A_943 = arith.subi %get3A_941, %sub3A_942 : vector<16xi32>
      %bitcast_convert_type3A = tpu.bitcast %sub3A_943 : vector<16xi32> -> vector<16xi32>
      %lt3A = arith.constant 16384 : i32
      %lt3A_944 = vector.broadcast %lt3A : i32 to vector<16xi32>
      %lt3A_945 = arith.cmpi ult, %bitcast_convert_type3A, %lt3A_944 : vector<16xi32>
      %mul3A_946 = arith.constant 16 : i32
      %mul3A_947 = arith.muli %add3A_938, %mul3A_946 : i32
      %add3A_948 = vector.broadcast %mul3A_947 : i32 to vector<16xi32>
      %add3A_949 = arith.addi %add3A_948, %iota3A : vector<16xi32>
      %lt3A_950 = vector.broadcast %scan3A_479#3 : i32 to vector<16xi32>
      %lt3A_951 = arith.cmpi slt, %add3A_949, %lt3A_950 : vector<16xi32>
      %and3A = arith.andi %lt3A_945, %lt3A_951 : vector<16xi1>
      %jit3A = arith.constant 0 : i32
      %broadcast_in_dim3A_952 = vector.broadcast %jit3A : i32 to vector<16xi32>
      %select_n3A = arith.select %and3A, %sub3A_943, %broadcast_in_dim3A_952 : vector<16xi1>, vector<16xi32>
      %shift_right_logical3A_953 = arith.constant 7 : i32
      %shift_right_logical3A_954 = vector.broadcast %shift_right_logical3A_953 : i32 to vector<16xi32>
      %shift_right_logical3A_955 = arith.shrui %select_n3A, %shift_right_logical3A_954 : vector<16xi32>
      %and3A_956 = arith.constant 127 : i32
      %and3A_957 = vector.broadcast %and3A_956 : i32 to vector<16xi32>
      %and3A_958 = arith.andi %select_n3A, %and3A_957 : vector<16xi32>
      tpu.vector_store_idx %arg9[%shift_right_logical3A_955, %and3A_958], %broadcast_in_dim3A_1 masked %and3A {add = true} : memref<128x128xf32, #tpu.memory_space<vmem>>[vector<16xi32>, vector<16xi32>], vector<16xf32>, vector<16xi1>
      %mul3A_959 = arith.constant 2 : i32
      %mul3A_960 = arith.muli %while3A_933, %mul3A_959 : i32
      %add3A_961 = arith.constant 1 : i32
      %add3A_962 = arith.addi %mul3A_960, %add3A_961 : i32
      %mul3A_963 = arith.constant 16 : i32
      %mul3A_964 = arith.muli %add3A_962, %mul3A_963 : i32
      %get3A_965 = arith.index_cast %mul3A_964 : i32 to index
      %get3A_966 = tpu.vector_load %arg8[%get3A_965] {strides = array<i32>} : memref<8208xi32, #tpu.memory_space<vmem>>, vector<16xi32>,
      %sub3A_967 = arith.constant 229376 : i32
      %sub3A_968 = vector.broadcast %sub3A_967 : i32 to vector<16xi32>
      %sub3A_969 = arith.subi %get3A_966, %sub3A_968 : vector<16xi32>
      %bitcast_convert_type3A_970 = tpu.bitcast %sub3A_969 : vector<16xi32> -> vector<16xi32>
      %lt3A_971 = arith.constant 16384 : i32
      %lt3A_972 = vector.broadcast %lt3A_971 : i32 to vector<16xi32>
      %lt3A_973 = arith.cmpi ult, %bitcast_convert_type3A_970, %lt3A_972 : vector<16xi32>
      %mul3A_974 = arith.constant 16 : i32
      %mul3A_975 = arith.muli %add3A_962, %mul3A_974 : i32
      %add3A_976 = vector.broadcast %mul3A_975 : i32 to vector<16xi32>
      %add3A_977 = arith.addi %add3A_976, %iota3A : vector<16xi32>
      %lt3A_978 = vector.broadcast %scan3A_479#3 : i32 to vector<16xi32>
      %lt3A_979 = arith.cmpi slt, %add3A_977, %lt3A_978 : vector<16xi32>
      %and3A_980 = arith.andi %lt3A_973, %lt3A_979 : vector<16xi1>
      %jit3A_981 = arith.constant 0 : i32
      %broadcast_in_dim3A_982 = vector.broadcast %jit3A_981 : i32 to vector<16xi32>
      %select_n3A_983 = arith.select %and3A_980, %sub3A_969, %broadcast_in_dim3A_982 : vector<16xi1>, vector<16xi32>
      %shift_right_logical3A_984 = arith.constant 7 : i32
      %shift_right_logical3A_985 = vector.broadcast %shift_right_logical3A_984 : i32 to vector<16xi32>
      %shift_right_logical3A_986 = arith.shrui %select_n3A_983, %shift_right_logical3A_985 : vector<16xi32>
      %and3A_987 = arith.constant 127 : i32
      %and3A_988 = vector.broadcast %and3A_987 : i32 to vector<16xi32>
      %and3A_989 = arith.andi %select_n3A_983, %and3A_988 : vector<16xi32>
      tpu.vector_store_idx %arg9[%shift_right_logical3A_986, %and3A_989], %broadcast_in_dim3A_1 masked %and3A_980 {add = true} : memref<128x128xf32, #tpu.memory_space<vmem>>[vector<16xi32>, vector<16xi32>], vector<16xf32>, vector<16xi1>
      %while3A_990 = arith.constant 0 : i32
      scf.yield %while3A_990 : i32
    }
    %mul3A_889 = arith.constant 2048 : i32
    %mul3A_890 = arith.muli %add3A_466, %mul3A_889 : i32
    %add3A_891 = arith.constant 1792 : i32
    %add3A_892 = arith.addi %mul3A_890, %add3A_891 : i32
    %dma_start3A_893 = arith.constant 0 : i32
    %dma_start3A_894 = tpu.memref_slice %arg3[%add3A_892, %dma_start3A_893] : memref<131072x128xf32, #tpu.memory_space<hbm>> -> memref<128x128xf32, #tpu.memory_space<hbm>>
    %dma_start3A_895 = arith.constant 0 : i32
    %dma_start3A_896 = tpu.memref_slice %arg3[%add3A_892, %dma_start3A_895] : memref<131072x128xf32, #tpu.memory_space<hbm>> -> memref<128x128xf32, #tpu.memory_space<hbm>>
    tpu.enqueue_dma source(%arg9 : memref<128x128xf32, #tpu.memory_space<vmem>>) target(%dma_start3A_896 : memref<128x128xf32, #tpu.memory_space<hbm>>) target_semaphore(%arg16 : memref<!tpu.dma_semaphore, #tpu.memory_space<semaphore_mem>>)
    tpu.wait_dma2 semaphore(%arg14 : memref<!tpu.dma_semaphore, #tpu.memory_space<semaphore_mem>>) src(%arg12 : memref<128x128xf32, #tpu.memory_space<vmem_shared>>) dst(%arg10 : memref<128x128xf32, #tpu.memory_space<vmem>>)
    %add3A_897 = arith.constant 31 : i32
    %add3A_898 = arith.addi %scan3A_479#3, %add3A_897 : i32
    %shift_right_logical3A_899 = arith.constant 5 : i32
    %shift_right_logical3A_900 = arith.shrui %add3A_898, %shift_right_logical3A_899 : i32
    %while3A_901 = arith.constant 0 : i32
    %while3A_902 = arith.constant 0 : i32
    %while3A_903 = arith.subi %shift_right_logical3A_900, %while3A_901 : i32
    %while3A_904 = arith.addi %while3A_901, %while3A_903 : i32
    %while3A_905 = arith.constant 1 : i32
    %while3A_906 = arith.divsi %while3A_903, %while3A_905 : i32
    %while3A_907 = arith.muli %while3A_906, %while3A_905 : i32
    %while3A_908 = arith.addi %while3A_901, %while3A_907 : i32
    %while3A_909 = arith.constant 1 : i32
    %while3A_910 = scf.for %while3A_933 = %while3A_901 to %while3A_908 step %while3A_909 iter_args(%while3A_934 = %while3A_902) -> (i32)  : i32 {
      %mul3A_935 = arith.constant 2 : i32
      %mul3A_936 = arith.muli %while3A_933, %mul3A_935 : i32
      %add3A_937 = arith.constant 0 : i32
      %add3A_938 = arith.addi %mul3A_936, %add3A_937 : i32
      %mul3A_939 = arith.constant 16 : i32
      %mul3A_940 = arith.muli %add3A_938, %mul3A_939 : i32
      %get3A = arith.index_cast %mul3A_940 : i32 to index
      %get3A_941 = tpu.vector_load %arg8[%get3A] {strides = array<i32>} : memref<8208xi32, #tpu.memory_space<vmem>>, vector<16xi32>,
      %sub3A = arith.constant 245760 : i32
      %sub3A_942 = vector.broadcast %sub3A : i32 to vector<16xi32>
      %sub3A_943 = arith.subi %get3A_941, %sub3A_942 : vector<16xi32>
      %bitcast_convert_type3A = tpu.bitcast %sub3A_943 : vector<16xi32> -> vector<16xi32>
      %lt3A = arith.constant 16384 : i32
      %lt3A_944 = vector.broadcast %lt3A : i32 to vector<16xi32>
      %lt3A_945 = arith.cmpi ult, %bitcast_convert_type3A, %lt3A_944 : vector<16xi32>
      %mul3A_946 = arith.constant 16 : i32
      %mul3A_947 = arith.muli %add3A_938, %mul3A_946 : i32
      %add3A_948 = vector.broadcast %mul3A_947 : i32 to vector<16xi32>
      %add3A_949 = arith.addi %add3A_948, %iota3A : vector<16xi32>
      %lt3A_950 = vector.broadcast %scan3A_479#3 : i32 to vector<16xi32>
      %lt3A_951 = arith.cmpi slt, %add3A_949, %lt3A_950 : vector<16xi32>
      %and3A = arith.andi %lt3A_945, %lt3A_951 : vector<16xi1>
      %jit3A = arith.constant 0 : i32
      %broadcast_in_dim3A_952 = vector.broadcast %jit3A : i32 to vector<16xi32>
      %select_n3A = arith.select %and3A, %sub3A_943, %broadcast_in_dim3A_952 : vector<16xi1>, vector<16xi32>
      %shift_right_logical3A_953 = arith.constant 7 : i32
      %shift_right_logical3A_954 = vector.broadcast %shift_right_logical3A_953 : i32 to vector<16xi32>
      %shift_right_logical3A_955 = arith.shrui %select_n3A, %shift_right_logical3A_954 : vector<16xi32>
      %and3A_956 = arith.constant 127 : i32
      %and3A_957 = vector.broadcast %and3A_956 : i32 to vector<16xi32>
      %and3A_958 = arith.andi %select_n3A, %and3A_957 : vector<16xi32>
      tpu.vector_store_idx %arg10[%shift_right_logical3A_955, %and3A_958], %broadcast_in_dim3A_1 masked %and3A {add = true} : memref<128x128xf32, #tpu.memory_space<vmem>>[vector<16xi32>, vector<16xi32>], vector<16xf32>, vector<16xi1>
      %mul3A_959 = arith.constant 2 : i32
      %mul3A_960 = arith.muli %while3A_933, %mul3A_959 : i32
      %add3A_961 = arith.constant 1 : i32
      %add3A_962 = arith.addi %mul3A_960, %add3A_961 : i32
      %mul3A_963 = arith.constant 16 : i32
      %mul3A_964 = arith.muli %add3A_962, %mul3A_963 : i32
      %get3A_965 = arith.index_cast %mul3A_964 : i32 to index
      %get3A_966 = tpu.vector_load %arg8[%get3A_965] {strides = array<i32>} : memref<8208xi32, #tpu.memory_space<vmem>>, vector<16xi32>,
      %sub3A_967 = arith.constant 245760 : i32
      %sub3A_968 = vector.broadcast %sub3A_967 : i32 to vector<16xi32>
      %sub3A_969 = arith.subi %get3A_966, %sub3A_968 : vector<16xi32>
      %bitcast_convert_type3A_970 = tpu.bitcast %sub3A_969 : vector<16xi32> -> vector<16xi32>
      %lt3A_971 = arith.constant 16384 : i32
      %lt3A_972 = vector.broadcast %lt3A_971 : i32 to vector<16xi32>
      %lt3A_973 = arith.cmpi ult, %bitcast_convert_type3A_970, %lt3A_972 : vector<16xi32>
      %mul3A_974 = arith.constant 16 : i32
      %mul3A_975 = arith.muli %add3A_962, %mul3A_974 : i32
      %add3A_976 = vector.broadcast %mul3A_975 : i32 to vector<16xi32>
      %add3A_977 = arith.addi %add3A_976, %iota3A : vector<16xi32>
      %lt3A_978 = vector.broadcast %scan3A_479#3 : i32 to vector<16xi32>
      %lt3A_979 = arith.cmpi slt, %add3A_977, %lt3A_978 : vector<16xi32>
      %and3A_980 = arith.andi %lt3A_973, %lt3A_979 : vector<16xi1>
      %jit3A_981 = arith.constant 0 : i32
      %broadcast_in_dim3A_982 = vector.broadcast %jit3A_981 : i32 to vector<16xi32>
      %select_n3A_983 = arith.select %and3A_980, %sub3A_969, %broadcast_in_dim3A_982 : vector<16xi1>, vector<16xi32>
      %shift_right_logical3A_984 = arith.constant 7 : i32
      %shift_right_logical3A_985 = vector.broadcast %shift_right_logical3A_984 : i32 to vector<16xi32>
      %shift_right_logical3A_986 = arith.shrui %select_n3A_983, %shift_right_logical3A_985 : vector<16xi32>
      %and3A_987 = arith.constant 127 : i32
      %and3A_988 = vector.broadcast %and3A_987 : i32 to vector<16xi32>
      %and3A_989 = arith.andi %select_n3A_983, %and3A_988 : vector<16xi32>
      tpu.vector_store_idx %arg10[%shift_right_logical3A_986, %and3A_989], %broadcast_in_dim3A_1 masked %and3A_980 {add = true} : memref<128x128xf32, #tpu.memory_space<vmem>>[vector<16xi32>, vector<16xi32>], vector<16xf32>, vector<16xi1>
      %while3A_990 = arith.constant 0 : i32
      scf.yield %while3A_990 : i32
    }
    %while3A_911 = arith.constant 1 : i32
    %while3A_912 = scf.for %while3A_933 = %while3A_908 to %while3A_904 step %while3A_911 iter_args(%while3A_934 = %while3A_910) -> (i32)  : i32 {
      %mul3A_935 = arith.constant 2 : i32
      %mul3A_936 = arith.muli %while3A_933, %mul3A_935 : i32
      %add3A_937 = arith.constant 0 : i32
      %add3A_938 = arith.addi %mul3A_936, %add3A_937 : i32
      %mul3A_939 = arith.constant 16 : i32
      %mul3A_940 = arith.muli %add3A_938, %mul3A_939 : i32
      %get3A = arith.index_cast %mul3A_940 : i32 to index
      %get3A_941 = tpu.vector_load %arg8[%get3A] {strides = array<i32>} : memref<8208xi32, #tpu.memory_space<vmem>>, vector<16xi32>,
      %sub3A = arith.constant 245760 : i32
      %sub3A_942 = vector.broadcast %sub3A : i32 to vector<16xi32>
      %sub3A_943 = arith.subi %get3A_941, %sub3A_942 : vector<16xi32>
      %bitcast_convert_type3A = tpu.bitcast %sub3A_943 : vector<16xi32> -> vector<16xi32>
      %lt3A = arith.constant 16384 : i32
      %lt3A_944 = vector.broadcast %lt3A : i32 to vector<16xi32>
      %lt3A_945 = arith.cmpi ult, %bitcast_convert_type3A, %lt3A_944 : vector<16xi32>
      %mul3A_946 = arith.constant 16 : i32
      %mul3A_947 = arith.muli %add3A_938, %mul3A_946 : i32
      %add3A_948 = vector.broadcast %mul3A_947 : i32 to vector<16xi32>
      %add3A_949 = arith.addi %add3A_948, %iota3A : vector<16xi32>
      %lt3A_950 = vector.broadcast %scan3A_479#3 : i32 to vector<16xi32>
      %lt3A_951 = arith.cmpi slt, %add3A_949, %lt3A_950 : vector<16xi32>
      %and3A = arith.andi %lt3A_945, %lt3A_951 : vector<16xi1>
      %jit3A = arith.constant 0 : i32
      %broadcast_in_dim3A_952 = vector.broadcast %jit3A : i32 to vector<16xi32>
      %select_n3A = arith.select %and3A, %sub3A_943, %broadcast_in_dim3A_952 : vector<16xi1>, vector<16xi32>
      %shift_right_logical3A_953 = arith.constant 7 : i32
      %shift_right_logical3A_954 = vector.broadcast %shift_right_logical3A_953 : i32 to vector<16xi32>
      %shift_right_logical3A_955 = arith.shrui %select_n3A, %shift_right_logical3A_954 : vector<16xi32>
      %and3A_956 = arith.constant 127 : i32
      %and3A_957 = vector.broadcast %and3A_956 : i32 to vector<16xi32>
      %and3A_958 = arith.andi %select_n3A, %and3A_957 : vector<16xi32>
      tpu.vector_store_idx %arg10[%shift_right_logical3A_955, %and3A_958], %broadcast_in_dim3A_1 masked %and3A {add = true} : memref<128x128xf32, #tpu.memory_space<vmem>>[vector<16xi32>, vector<16xi32>], vector<16xf32>, vector<16xi1>
      %mul3A_959 = arith.constant 2 : i32
      %mul3A_960 = arith.muli %while3A_933, %mul3A_959 : i32
      %add3A_961 = arith.constant 1 : i32
      %add3A_962 = arith.addi %mul3A_960, %add3A_961 : i32
      %mul3A_963 = arith.constant 16 : i32
      %mul3A_964 = arith.muli %add3A_962, %mul3A_963 : i32
      %get3A_965 = arith.index_cast %mul3A_964 : i32 to index
      %get3A_966 = tpu.vector_load %arg8[%get3A_965] {strides = array<i32>} : memref<8208xi32, #tpu.memory_space<vmem>>, vector<16xi32>,
      %sub3A_967 = arith.constant 245760 : i32
      %sub3A_968 = vector.broadcast %sub3A_967 : i32 to vector<16xi32>
      %sub3A_969 = arith.subi %get3A_966, %sub3A_968 : vector<16xi32>
      %bitcast_convert_type3A_970 = tpu.bitcast %sub3A_969 : vector<16xi32> -> vector<16xi32>
      %lt3A_971 = arith.constant 16384 : i32
      %lt3A_972 = vector.broadcast %lt3A_971 : i32 to vector<16xi32>
      %lt3A_973 = arith.cmpi ult, %bitcast_convert_type3A_970, %lt3A_972 : vector<16xi32>
      %mul3A_974 = arith.constant 16 : i32
      %mul3A_975 = arith.muli %add3A_962, %mul3A_974 : i32
      %add3A_976 = vector.broadcast %mul3A_975 : i32 to vector<16xi32>
      %add3A_977 = arith.addi %add3A_976, %iota3A : vector<16xi32>
      %lt3A_978 = vector.broadcast %scan3A_479#3 : i32 to vector<16xi32>
      %lt3A_979 = arith.cmpi slt, %add3A_977, %lt3A_978 : vector<16xi32>
      %and3A_980 = arith.andi %lt3A_973, %lt3A_979 : vector<16xi1>
      %jit3A_981 = arith.constant 0 : i32
      %broadcast_in_dim3A_982 = vector.broadcast %jit3A_981 : i32 to vector<16xi32>
      %select_n3A_983 = arith.select %and3A_980, %sub3A_969, %broadcast_in_dim3A_982 : vector<16xi1>, vector<16xi32>
      %shift_right_logical3A_984 = arith.constant 7 : i32
      %shift_right_logical3A_985 = vector.broadcast %shift_right_logical3A_984 : i32 to vector<16xi32>
      %shift_right_logical3A_986 = arith.shrui %select_n3A_983, %shift_right_logical3A_985 : vector<16xi32>
      %and3A_987 = arith.constant 127 : i32
      %and3A_988 = vector.broadcast %and3A_987 : i32 to vector<16xi32>
      %and3A_989 = arith.andi %select_n3A_983, %and3A_988 : vector<16xi32>
      tpu.vector_store_idx %arg10[%shift_right_logical3A_986, %and3A_989], %broadcast_in_dim3A_1 masked %and3A_980 {add = true} : memref<128x128xf32, #tpu.memory_space<vmem>>[vector<16xi32>, vector<16xi32>], vector<16xf32>, vector<16xi1>
      %while3A_990 = arith.constant 0 : i32
      scf.yield %while3A_990 : i32
    }
    %mul3A_913 = arith.constant 2048 : i32
    %mul3A_914 = arith.muli %add3A_466, %mul3A_913 : i32
    %add3A_915 = arith.constant 1920 : i32
    %add3A_916 = arith.addi %mul3A_914, %add3A_915 : i32
    %dma_start3A_917 = arith.constant 0 : i32
    %dma_start3A_918 = tpu.memref_slice %arg3[%add3A_916, %dma_start3A_917] : memref<131072x128xf32, #tpu.memory_space<hbm>> -> memref<128x128xf32, #tpu.memory_space<hbm>>
    %dma_start3A_919 = arith.constant 0 : i32
    %dma_start3A_920 = tpu.memref_slice %arg3[%add3A_916, %dma_start3A_919] : memref<131072x128xf32, #tpu.memory_space<hbm>> -> memref<128x128xf32, #tpu.memory_space<hbm>>
    tpu.enqueue_dma source(%arg10 : memref<128x128xf32, #tpu.memory_space<vmem>>) target(%dma_start3A_920 : memref<128x128xf32, #tpu.memory_space<hbm>>) target_semaphore(%arg17 : memref<!tpu.dma_semaphore, #tpu.memory_space<semaphore_mem>>)
    %dma_wait3A_921 = arith.constant 0 : i32
    %dma_wait3A_922 = tpu.memref_slice %arg3[%add3A_892, %dma_wait3A_921] : memref<131072x128xf32, #tpu.memory_space<hbm>> -> memref<128x128xf32, #tpu.memory_space<hbm>>
    %dma_wait3A_923 = arith.constant 0 : i32
    %dma_wait3A_924 = tpu.memref_slice %arg3[%add3A_892, %dma_wait3A_923] : memref<131072x128xf32, #tpu.memory_space<hbm>> -> memref<128x128xf32, #tpu.memory_space<hbm>>
    tpu.wait_dma2 semaphore(%arg16 : memref<!tpu.dma_semaphore, #tpu.memory_space<semaphore_mem>>) src(%arg9 : memref<128x128xf32, #tpu.memory_space<vmem>>) dst(%dma_wait3A_924 : memref<128x128xf32, #tpu.memory_space<hbm>>)
    %dma_wait3A_925 = arith.constant 0 : i32
    %dma_wait3A_926 = tpu.memref_slice %arg3[%add3A_916, %dma_wait3A_925] : memref<131072x128xf32, #tpu.memory_space<hbm>> -> memref<128x128xf32, #tpu.memory_space<hbm>>
    %dma_wait3A_927 = arith.constant 0 : i32
    %dma_wait3A_928 = tpu.memref_slice %arg3[%add3A_916, %dma_wait3A_927] : memref<131072x128xf32, #tpu.memory_space<hbm>> -> memref<128x128xf32, #tpu.memory_space<hbm>>
    tpu.wait_dma2 semaphore(%arg17 : memref<!tpu.dma_semaphore, #tpu.memory_space<semaphore_mem>>) src(%arg10 : memref<128x128xf32, #tpu.memory_space<vmem>>) dst(%dma_wait3A_928 : memref<128x128xf32, #tpu.memory_space<hbm>>)
    %dma_wait3A_929 = arith.constant 0 : i32
    %dma_wait3A_930 = tpu.memref_slice %arg3[%add3A_864, %dma_wait3A_929] : memref<131072x128xf32, #tpu.memory_space<hbm>> -> memref<128x128xf32, #tpu.memory_space<hbm>>
    %dma_wait3A_931 = arith.constant 0 : i32
    %dma_wait3A_932 = tpu.memref_slice %arg3[%add3A_864, %dma_wait3A_931] : memref<131072x128xf32, #tpu.memory_space<hbm>> -> memref<128x128xf32, #tpu.memory_space<hbm>>
    tpu.wait_dma2 semaphore(%arg18 : memref<!tpu.dma_semaphore, #tpu.memory_space<semaphore_mem>>) src(%arg11 : memref<128x128xf32, #tpu.memory_space<vmem>>) dst(%dma_wait3A_932 : memref<128x128xf32, #tpu.memory_space<hbm>>)
    return
  }
}

</mosaic_0001>

<sc_bundles>
// kernel: kernel.3.cloned.1.call-start
scs
__scs_entry_jumppad:
0x0: {  	(pc) =	sbr.rel $0x88, $3  }
0x1: {  	(tag) =	ssettag $0x0;
	lr =	simm.s32 $0x1  }
0x2: {  	[smem:$0x3FA0] =	sst lr;
	_ =	strace $0xD0000000  }
0x3: {  	_ = 	snop  }
0x4: {  	_ = 	snop  }
0x5: {  	_ = 	snop  }
0x6: {  	_ = 	snop  }
0x7: {  	_ = 	snop  }
__scs_overlays_trampoline_lowered:
0x8: {  	[smem:$0x3FAF] =	sst s0  }
0x9: {  	[smem:$0x3FB0] =	sst s1  }
0xa: {  	[smem:$0x3FB1] =	sst s2  }
0xb: {  	[smem:$0x3FB2] =	sst s3  }
0xc: {  	[smem:$0x3FB3] =	sst s4  }
0xd: {  	[smem:$0x3FB4] =	sst s5  }
0xe: {  	[smem:$0x3FB5] =	sst s6  }
0xf: {  	[smem:$0x3FB6] =	sst s7  }
0x10: {  	[smem:$0x3FB7] =	sst s8  }
0x11: {  	[smem:$0x3FB8] =	sst s9;
	s0 =	simm.s32 @!p0 $0x0  }
0x12: {  	s1 =	sld [smem:$0x3F9E];
	s0 =	simm.s32 @p0 $0x1  }
0x13: {  	[smem:$0x3FB9] =	sst s0;
	s0 =	simm.s32 @!p1 $0x0  }
0x14: {  	s2 =	sld [smem:$0x3F9D];
	s0 =	simm.s32 @p1 $0x1  }
0x15: {  	[smem:$0x3FBA] =	sst s0;
	s0 =	simm.s32 @!p2 $0x0  }
0x16: {  	s3 =	sld [smem:$0x3FDB];
	s0 =	simm.s32 @p2 $0x1  }
0x17: {  	s4 =	simm.s32 $0x1BF5;
	[smem:$0x3FBC] =	sst s0  }
0x18: {  	s0 =	sld [smem:$0x3F9F];
	_ =	swait.ge [sflag:s4], $0x0  }
0x19: {  	s7 =	sld [smem:$0x3FA0]  }
0x1a: {  	s8 =	sadd.s32 $0xFFFFE003, lr  }
0x1b: {  	s9 =	sadd.s32 $0xFFFFFEF7, lr;
	s5 =	simm.s32 $0xFFFFFFFF;
	p2 =	slt.u32 s8, $0xFFFFF086  }
0x1c: {  	p1 =	slt.u32 s9, $0xF7A;
	s5 =	simm.s32 @!p2 $0x0  }
0x1d: {  	s5 =	simm.s32 @p1 $0x1;
	p0 =	seq.s32 s7, s2  }
0x1e: {  	s7 =	smul.u32 @!p0 $0xF7A, s2;
	p2 =	seq.s32 @!p0 s5, $0x0  }
0x1f: {  	s9 =	smul.u32 $0xF7A, s1;
	s8 =	simm.s32 @!p0 $0x1BF5;
	p2 =	por !p2, p0  }
0x20: {  	[sflag:s8] =	ssyncset.s32 @!p0 $0xFFFFF086;
	s6 =	sadd.s32 @!p0 s3, s7;
	s7 =	simm.s32 @!p0 $0x108  }
0x21: {  	s3 =	sadd.s32 s3, s9;
	s6 =	sadd.s32 @!p0 $0x88, s6;
	s7 =	simm.s32 @p2 $0x1082  }
0x22: {  	[simem:s7], [sflag:s8] =	dma.local @!p0 [hbm:s6], $0xF7A  }
0x23: {  	s9 =	sor.u32 $0xD0000000, s2;
	s6 =	simm.s32 $0x108;
	_ =	swait.ge @!p0 [sflag:s8], $0x0  }
0x24: {  	s3 =	sadd.s32 $0x88, s3;
	s6 =	simm.s32 @!p1 $0x1082;
	[sflag:s4] =	ssyncset.s32 $0xFFFFF086  }
0x25: {  	[simem:s6], [sflag:s4] =	dma.local [hbm:s3], $0xF7A  }
0x26: {  	[smem:$0x3FA0] =	sst s1;
	(tag) =	ssettag s2;
	_ =	strace s9  }
0x27: {  	s1 =	sld [smem:$0x3FB0]  }
0x28: {  	s2 =	sld [smem:$0x3FB1]  }
0x29: {  	s4 =	sld [smem:$0x3FB3]  }
0x2a: {  	p0 =	seq.s32 s5, $0x0;
	s5 =	sld [smem:$0x3FB4]  }
0x2b: {  	s6 =	sld [smem:$0x3FB5]  }
0x2c: {  	s7 =	sld [smem:$0x3FB6]  }
0x2d: {  	s3 =	simm.s32 $0x108;
	s8 =	sld [smem:$0x3FB7]  }
0x2e: {  	s3 =	simm.s32 @!p0 $0x1082;
	s9 =	sld [smem:$0x3FB8]  }
0x2f: {  	lr =	sadd.s32 s0, s3;
	s0 =	sld [smem:$0x3FAF]  }
0x30: {  	s3 =	sld [smem:$0x3FB2]  }
0x31: {  	[smem:$0x3FBB] =	sst s10  }
0x32: {  	s10 =	sld [smem:$0x3FB9];
	_ =	sdelay $0x3  }
0x33: {  	p0 =	seq.s32 s10, $0x1;
	s10 =	sld [smem:$0x3FBB];
	_ =	sdelay $0x3  }
0x34: {  	[smem:$0x3FBB] =	sst s10  }
0x35: {  	s10 =	sld [smem:$0x3FBA];
	_ =	sdelay $0x3  }
0x36: {  	p1 =	seq.s32 s10, $0x1;
	s10 =	sld [smem:$0x3FBB];
	_ =	sdelay $0x3  }
0x37: {  	[smem:$0x3FBB] =	sst s10  }
0x38: {  	s10 =	sld [smem:$0x3FBC]  }
0x39: {  	_ = 	snop;
	(pc) =	sbr.ind lr, $3  }
0x3a: {  	_ = 	snop  }
0x3b: {  	_ = 	snop  }
0x3c: {  	p2 =	seq.s32 s10, $0x1;
	s10 =	sld [smem:$0x3FBB]  }
0x3d: {  	_ =	shalt  }
0x3e: {  	_ =	shalt  }
0x3f: {  	_ =	shalt  }
0x40: {  	_ =	shalt  }
0x41: {  	_ =	shalt  }
0x42: {  	_ =	shalt  }
0x43: {  	_ =	shalt  }
0x44: {  	_ =	shalt  }
0x45: {  	_ =	shalt  }
0x46: {  	_ =	shalt  }
0x47: {  	_ =	shalt  }
0x48: {  	_ =	shalt  }
0x49: {  	_ =	shalt  }
0x4a: {  	_ =	shalt  }
0x4b: {  	_ =	shalt  }
0x4c: {  	_ =	shalt  }
0x4d: {  	_ =	shalt  }
0x4e: {  	_ =	shalt  }
0x4f: {  	_ =	shalt  }
0x50: {  	_ =	shalt  }
0x51: {  	_ =	shalt  }
0x52: {  	_ =	shalt  }
0x53: {  	_ =	shalt  }
0x54: {  	_ =	shalt  }
0x55: {  	_ =	shalt  }
0x56: {  	_ =	shalt  }
0x57: {  	_ =	shalt  }
0x58: {  	_ =	shalt  }
0x59: {  	_ =	shalt  }
0x5a: {  	_ =	shalt  }
0x5b: {  	_ =	shalt  }
0x5c: {  	_ =	shalt  }
0x5d: {  	_ =	shalt  }
0x5e: {  	_ =	shalt  }
0x5f: {  	_ =	shalt  }
0x60: {  	_ =	shalt  }
0x61: {  	_ =	shalt  }
0x62: {  	_ =	shalt  }
0x63: {  	_ =	shalt  }
0x64: {  	_ =	shalt  }
0x65: {  	_ =	shalt  }
0x66: {  	_ =	shalt  }
0x67: {  	_ =	shalt  }
0x68: {  	_ =	shalt  }
0x69: {  	_ =	shalt  }
0x6a: {  	_ =	shalt  }
0x6b: {  	_ =	shalt  }
0x6c: {  	_ =	shalt  }
0x6d: {  	_ =	shalt  }
0x6e: {  	_ =	shalt  }
0x6f: {  	_ =	shalt  }
0x70: {  	_ =	shalt  }
0x71: {  	_ =	shalt  }
0x72: {  	_ =	shalt  }
0x73: {  	_ =	shalt  }
0x74: {  	_ =	shalt  }
0x75: {  	_ =	shalt  }
0x76: {  	_ =	shalt  }
0x77: {  	_ =	shalt  }
0x78: {  	_ =	shalt  }
0x79: {  	_ =	shalt  }
0x7a: {  	_ =	shalt  }
0x7b: {  	_ =	shalt  }
0x7c: {  	_ =	shalt  }
0x7d: {  	_ =	shalt  }
0x7e: {  	_ =	shalt  }
0x7f: {  	_ =	shalt  }
0x80: {  	_ =	shalt  }
0x81: {  	_ =	shalt  }
0x82: {  	_ =	shalt  }
0x83: {  	_ =	shalt  }
0x84: {  	_ =	shalt  }
0x85: {  	_ =	shalt  }
0x86: {  	_ =	shalt  }
0x87: {  	_ =	shalt  }
.Lfunc_end0:
.L_simem_size_0:
called_computation_lowered:
.L_overlay_start_0:
0x88: {  	s2 =	sld [smem:$0x3FD9]  }
0x89: {  	s3 =	sld [smem:$0x3FFE];
	_ =	sdelay $0x1  }
0x8a: {  	s1 =	srdreg.scid  }
0x8b: {  	s0 =	sand.u32 $0x1, s1  }
0x8c: {  	s18 =	sshll.u32 s0, $0xA;
	s2 =	sadd.s32 s3, s2  }
0x8d: {  	s2 =	sadd.s32 s2, s18  }
0x8e: {  	[smem:$0x3FC7] =	sst s2  }
0x8f: {  	_ = 	snop  }
0x90: {  	s2 =	sld [smem:$0x3FC9]  }
0x91: {  	s19 =	sld [smem:$0x3FD0];
	(tm) =	ssettm $0x1  }
0x92: {  	s4 =	sld [smem:$0x3FFB];
	_ =	sdelay $0x3  }
0x93: {  	_ =	strace s4  }
0x94: {  	s4 =	sld [smem:$0x3FFC];
	_ =	sdelay $0x3  }
0x95: {  	_ =	strace s4  }
0x96: {  	s4 =	sld [smem:$0x3FFD];
	_ =	sdelay $0x3  }
0x97: {  	_ =	strace s4  }
0x98: {  	_ =	strace $0x8FFFFFFF  }
0x99: {  	s20 =	sld [smem:$0x3FDB];
	_ =	sdelay $0x1  }
0x9a: {  	s5 =	simm.s32 $_scs_section_size  }
0x9b: {  	s6 =	simm.s32 $_size__tile_overlayer_lowered;
	s7 =	simm.s32 $_tile_overlayer_lowered  }
0x9c: {  	s23 =	simm.s32 $0x1BFF;
	s22 =	sshll.u32 s7, $0x1;
	s4 =	sadd.s32 s5, s20  }
0x9d: {  	s8 =	simm.s32 $0x0;
	s21 =	sshll.u32 s6, $0x1;
	s6 =	sadd.s32 s22, s4  }
0x9e: {  	[timem:s8], [sflag:s23] =	dma.local [hbm:s6], s21  }
0x9f: {  	_ =	swait.ge [sflag:s23], s21  }
0xa0: {  	s5 =	ssub.s32 $0x0, s21;
	[sflag:s23] =	ssyncset.done $0x0  }
0xa1: {  	[sflag:s23] =	ssyncadd.s32 s5;
	_ =	sdelay $0x1  }
0xa2: {  	s24 =	simm.s32 $0x1B8B  }
0xa3: {  	_ =	swait.ge [sflag:s24], $0x1  }
0xa4: {  	[sflag:s24] =	ssyncset.done $0x0  }
0xa5: {  	s25 =	simm.s32 $0x1B8E;
	[sflag:s24] =	ssyncadd.s32 $0xFFFFFFFF  }
0xa6: {  	s26 =	simm.s32 $execute0_lowered;
	[smem:$0x3FD2] =	sst s25  }
0xa7: {  	s5 =	sshll.u32 s26, $0x1;
	_ =	strace $0x80000046;
	[dreg:$0x1] =	wrdreg $0xFFFFFFFF  }
0xa8: {  	s28 =	simm.s32 $_size_execute0_lowered;
	s4 =	sadd.s32 s4, s5;
	[dreg:$0x0] =	wrdreg $0x0  }
0xa9: {  	s5 =	sshll.u32 s28, $0x1;
	[dreg:$0x2] =	wrdreg s4  }
0xaa: {  	[dreg:$0x3] =	wrdreg s5  }
0xab: {  	[dreg:$0x4] =	wrdreg $0xC0  }
0xac: {  	_ =	task [dreg:s8], $0x5FFFF  }
0xad: {  	[dreg:$0x1] =	wrdreg $0xFFFFFFFF  }
0xae: {  	[dreg:$0x0] =	wrdreg $0x60  }
0xaf: {  	[dreg:$0x2] =	wrdreg s2  }
0xb0: {  	[dreg:$0x3] =	wrdreg s19  }
0xb1: {  	[dreg:$0x4] =	wrdreg $0x182000  }
0xb2: {  	[dreg:$0x5] =	wrdreg $0x9  }
0xb3: {  	_ =	task.clear_ibuf [dreg:s8], $0x6FFFF;
	_ =	strace $0x90000046  }
0xb4: {  	s29 =	simm.s32 $0x9;
	_ =	strace $0x80000048  }
0xb5: {  	_ =	swait.ge [sflag:s29], $0x1  }
0xb6: {  	[sflag:s29] =	ssyncadd.s32 $0xFFFFFFFF  }
0xb7: {  	_ =	strace $0x90000048  }
0xb8: {  	_ =	sfence  }
0xb9: {  	s30 =	sld [smem:$0x0];
	_ =	sdelay $0x2  }
0xba: {  	s31 =	sshll.u32 s1, $0xD;
	s1 =	sshrl.u32 s1, $0x2  }
0xbb: {  	s3 =	sand.u32 $0x4000, s31;
	s1 =	sadd.s32 s1, s30  }
0xbc: {  	s0 =	sor.u32 s3, s0;
	s1 =	sshll.u32 s1, $0x11  }
0xbd: {  	s0 =	sor.u32 s1, s0  }
0xbe: {  	s0 =	sadd.s32 $0x8F2B, s0  }
0xbf: {  	[sflag:s0] =	ssyncadd.remote.s32 $0x1  }
0xc0: {  	_ =	sfence.sel $0xFFFF  }
0xc1: {  	[dreg:$0x0] =	wrdreg $0xFFFFFFFF;
	(pc) =	sbr.abs _section_cstart, $3  }
0xc2: {  	[dreg:$0x1] =	wrdreg $0xFFFFFFFF  }
0xc3: {  	_ =	task.clear_ibuf [dreg:s8], $0x2FFFF;
	_ =	strace $0x9FFFFFFF  }
0xc4: {  	(tm) =	ssettm $0x7FFFFFFF  }
0xc5: {  	_ =	shalt  }
tec
execute0_lowered:
.L_overlay_start_1:
0x0: {  	(tag) =	ssettag $0x1  }
0x1: {  	s1 =	rddreg [dreg:$0x0]  }
0x2: {  	s2 =	rddreg [dreg:$0x1]  }
0x3: {  	s3 =	srdreg.scid;
	s6 =	stileid.u32  }
0x4: {  	s0 =	simm.s32 $0x0;
	s3 =	sand.u32 $0x1, s3;
	s4 =	sshll.u32 s6, $0x1  }
0x5: {  	[smem:$0x7FF] =	sst s0;
	s5 =	ssub.s32 $0x2, s3;
	s3 =	sor.u32 s3, s4  }
0x6: {  	s11 =	sadd.s32 $0x2800, s2;
	s12 =	sadd.s32 $0x3000, s2;
	s7 =	sshll.u32 s3, $0xC  }
0x7: {  	s14 =	sadd.s32 $0x4000, s2;
	s8 =	sshll.u32 s3, $0x10;
	s18 =	sadd.s32 s1, s7  }
0x8: {  	s4 =	sadd.s32 $0x800, s2;
	s19 =	sadd.s32 s2, s8;
	[dreg:$0x4] =	wrdreg s18  }
0x9: {  	s28 =	sadd.s32 $0x5000, s2;
	s10 =	sadd.s32 s8, s4;
	[dreg:$0x5] =	wrdreg s19  }
0xa: {  	s16 =	sadd.s32 $0x5800, s2;
	s22 =	sadd.s32 s8, s11;
	[dreg:$0x6] =	wrdreg s10  }
0xb: {  	s17 =	sshrl.u32 s5, $0x1;
	s23 =	sadd.s32 s8, s12;
	[dreg:$0xa] =	wrdreg s22  }
0xc: {  	s3 =	sshllo.u32 s3, $0x1;
	s24 =	sadd.s32 s8, s14;
	[dreg:$0xb] =	wrdreg s23  }
0xd: {  	s9 =	ssub.s32 s5, s17;
	s17 =	sadd.s32 s8, s28;
	[dreg:$0xd] =	wrdreg s24  }
0xe: {  	s5 =	sadd.s32 $0x1000, s2;
	s29 =	sadd.s32 s8, s16;
	[dreg:$0x10] =	wrdreg s17  }
0xf: {  	s7 =	sadd.s32 $0x1800, s2;
	s20 =	sadd.s32 s8, s5;
	[dreg:$0x11] =	wrdreg s29  }
0x10: {  	s25 =	sshll.u32 s3, $0xB;
	s21 =	sadd.s32 s8, s7;
	[dreg:$0x7] =	wrdreg s20  }
0x11: {  	s30 =	sadd.s32 $0x6000, s2;
	s1 =	sadd.s32 s1, s25;
	[dreg:$0x8] =	wrdreg s21  }
0x12: {  	s10 =	sadd.s32 $0x2000, s2;
	s18 =	sadd.s32 s8, s30;
	[dreg:$0xe] =	wrdreg s1  }
0x13: {  	s19 =	sadd.s32 $0x7000, s2;
	s13 =	sadd.s32 s8, s10;
	[dreg:$0x12] =	wrdreg s18  }
0x14: {  	s1 =	sadd.s32 $0x4800, s2;
	s31 =	sadd.s32 s8, s19;
	[dreg:$0x9] =	wrdreg s13  }
0x15: {  	s18 =	sadd.s32 $0x6800, s2;
	s26 =	sadd.s32 s8, s1;
	[dreg:$0x14] =	wrdreg s31  }
0x16: {  	s13 =	sadd.s32 $0x3800, s2;
	s20 =	sadd.s32 s8, s18;
	[dreg:$0xf] =	wrdreg s26  }
0x17: {  	s15 =	sadd.s32 s8, s13;
	[dreg:$0x13] =	wrdreg s20;
	s20 =	sadd.s32 $0x7800, s2  }
0x18: {  	[dreg:$0xc] =	wrdreg s15;
	s15 =	sshll.u32 s3, $0xF;
	s8 =	sadd.s32 s8, s20  }
0x19: {  	[dreg:$0x15] =	wrdreg s8;
	s2 =	sadd.s32 s2, s15  }
0x1a: {  	s4 =	sadd.s32 s15, s4;
	[dreg:$0x16] =	wrdreg s2  }
0x1b: {  	s8 =	sadd.s32 s15, s5;
	[dreg:$0x17] =	wrdreg s4  }
0x1c: {  	s21 =	sadd.s32 s15, s7;
	[dreg:$0x18] =	wrdreg s8  }
0x1d: {  	p0 =	sne.s32 s6, $0x0;
	s22 =	sadd.s32 s15, s10;
	[dreg:$0x19] =	wrdreg s21  }
0x1e: {  	s6 =	smax.u32 s9, $0x1;
	s23 =	sadd.s32 s15, s11;
	[dreg:$0x1a] =	wrdreg s22  }
0x1f: {  	s9 =	simm.s32 $0x10200;
	s24 =	sadd.s32 s15, s12;
	[dreg:$0x1b] =	wrdreg s23  }
0x20: {  	s17 =	simm.s32 $0x0;
	s25 =	sadd.s32 s15, s13;
	[dreg:$0x1c] =	wrdreg s24  }
0x21: {  	s26 =	sadd.s32 s15, s14;
	s1 =	sadd.s32 s15, s1;
	[dreg:$0x1d] =	wrdreg s25  }
0x22: {  	s28 =	sadd.s32 s15, s28;
	s29 =	sadd.s32 s15, s16;
	[dreg:$0x1e] =	wrdreg s26  }
0x23: {  	s30 =	sadd.s32 s15, s30;
	s31 =	sadd.s32 s15, s18;
	[dreg:$0x1f] =	wrdreg s1  }
0x24: {  	s5 =	sadd.s32 s15, s20;
	s7 =	simm.s32 $0xC200;
	[smem:$0x7FA] =	sst s28  }
.Ltmp0:
0x25: {  	s10 =	simm.s32 $0x14200;
	[smem:$0x7FB] =	sst s29;
	(pc) =	sbr.rel .LBB2_1-.Ltmp0, $4  }
0x26: {  	s11 =	simm.s32 $0x1;
	s12 =	simm.s32 $0x2;
	[smem:$0x7FC] =	sst s30  }
0x27: {  	s13 =	simm.s32 $0x4;
	s14 =	simm.s32 $0x3;
	s2 =	rddreg [dreg:$0x2]  }
0x28: {  	s16 =	simm.s32 $0x6;
	[smem:$0x7FD] =	sst s31;
	s4 =	sadd.s32 s15, s19  }
0x29: {  	v0 =	vimm.f32 $0.0e+00;
	v1 =	vlaneseq.u32;
	v2 =	vimm.f32 $1.000000000e+00;
	s8 =	simm.s32 $0x7;
	s15 =	simm.s32 $0x5;
	_ =	strace $0x80000047  }
.LBB2_104:
0x2a: {  	[hbm4b:s4+s0] =	stream.linear.scatter [tilespmem:s7], [sflag:$0x4], $0x4000, $0x38;
	[tilespmem:$0x18600] =	vst v63  }
0x2b: {  	_ =	swait.ge [sflag:s12], $0x4000  }
0x2c: {  	[sflag:s12] =	ssyncset.done $0x0  }
0x2d: {  	[sflag:s12] =	ssyncadd.s32 $0xFFFFC000  }
.LBB2_105:
0x2e: {  	[hbm4b:s5+s0] =	stream.linear.scatter [tilespmem:s9], [sflag:$0x5], $0x4000, $0x38;
	[tilespmem:$0x18600] =	vst v63  }
0x2f: {  	_ =	swait.ge [sflag:s13], $0x4000  }
0x30: {  	[sflag:s13] =	ssyncset.done $0x0  }
0x31: {  	s17 =	sadd.s32 $0x1, s17;
	[sflag:s13] =	ssyncadd.s32 $0xFFFFC000  }
0x32: {  	p1 =	sne.s32 s17, s6;
	_ =	swait.ge [sflag:s15], $0x4000  }
.Ltmp1:
0x33: {  	[sflag:s15] =	ssyncset.done $0x0;
	(pc) =	sbr.rel @!p1 .LBB2_106-.Ltmp1, $4  }
0x34: {  	[sflag:s15] =	ssyncadd.s32 $0xFFFFC000  }
0x35: {  	_ =	swait.ge [sflag:s16], $0x4000  }
0x36: {  	[sflag:s16] =	ssyncset.done $0x0  }
0x37: {  	[sflag:s16] =	ssyncadd.s32 $0xFFFFC000  }
.LBB2_1:
.Ltmp2:
0x38: {  	(pc) =	sbr.rel @p0 .LBB2_5-.Ltmp2, $1  }
0x39: {  	_ =	sdelay $0x3  }
0x3a: {  	s18 =	sshra.s32 s0, $0x2;
	s1 =	sadd.s32 $0x200, s0  }
.LBB2_3:
0x3b: {  	p1 =	sne.s32 s1, $0xFE00;
	[tilespmem:s18+$0xC270] =	vst v0  }
0x3c: {  	[tilespmem:s18+$0xC200] =	vst v0  }
0x3d: {  	[tilespmem:s18+$0xC210] =	vst v0  }
.Ltmp3:
0x3e: {  	[tilespmem:s18+$0xC220] =	vst v0;
	(pc) =	sbr.rel @p1 .LBB2_3-.Ltmp3, $4  }
0x3f: {  	[tilespmem:s18+$0xC230] =	vst v0  }
0x40: {  	[tilespmem:s18+$0xC240] =	vst v0  }
0x41: {  	[tilespmem:s18+$0xC250] =	vst v0  }
0x42: {  	[tilespmem:s18+$0xC260] =	vst v0;
	s18 =	sshra.s32 s1, $0x2;
	s1 =	sadd.s32 $0x200, s1  }
0x43: {  	[tilespmem:s18+$0xC270] =	vst v0  }
0x44: {  	[tilespmem:s18+$0xC200] =	vst v0  }
0x45: {  	[tilespmem:s18+$0xC210] =	vst v0  }
0x46: {  	[tilespmem:s18+$0xC220] =	vst v0  }
0x47: {  	[tilespmem:s18+$0xC230] =	vst v0  }
0x48: {  	[tilespmem:s18+$0xC240] =	vst v0  }
0x49: {  	[tilespmem:s18+$0xC250] =	vst v0  }
0x4a: {  	[tilespmem:s18+$0xC260] =	vst v0  }
0x4b: {  	[spmem:s2] =	stream.linear.scatter [tilespmem:s7], [sflag:$0x7], $0x4000, $0x38;
	[tilespmem:$0x18600] =	vst v63  }
0x4c: {  	_ =	swait.ge [sflag:s8], $0x4000  }
0x4d: {  	[sflag:s8] =	ssyncset.done $0x0  }
0x4e: {  	[sflag:s8] =	ssyncadd.s32 $0xFFFFC000  }
.LBB2_5:
0x4f: {  	[bflag:$0x0] =	sbarrier.arrive $0xFFFF  }
0x50: {  	[tilespmem:s7], [sflag:$0x1] =	stream.linear.gather [spmem:s2], $0x4000, $0x38;
	[tilespmem:$0x18600] =	vst v63  }
0x51: {  	_ = 	snop  }
0x52: {  	[tilespmem:s9], [sflag:$0x2] =	stream.linear.gather [spmem:s2], $0x4000, $0x38;
	[tilespmem:$0x18600] =	vst v63  }
0x53: {  	_ = 	snop  }
0x54: {  	[tilespmem:s10], [sflag:$0x3] =	stream.linear.gather [spmem:s2], $0x4000, $0x38;
	[tilespmem:$0x18600] =	vst v63  }
0x55: {  	s1 =	simm.s32 $0x0;
	s3 =	rddreg [dreg:$0x4]  }
0x56: {  	[tilespmem:s1], [sflag:$0x7] =	stream.linear.gather [hbm4b:s3+s1], $0x4000, $0x38;
	[tilespmem:$0x18600] =	vst v63  }
0x57: {  	s18 =	simm.s32 $0x0;
	s19 =	sand.u32 $0x70, s1;
	_ =	swait.ge [sflag:s8], $0x4000  }
0x58: {  	s20 =	sand.u32 $0x3F00, s18;
	s18 =	sand.u32 $0xFFFFFF80, s18;
	[sflag:s8] =	ssyncset.done $0x0  }
0x59: {  	s20 =	sor.u32 s19, s20;
	s18 =	sor.u32 s19, s18;
	[sflag:s8] =	ssyncadd.s32 $0xFFFFC000  }
0x5a: {  	s18 =	sor.u32 $0x80, s18;
	v3 =	vld [tilespmem:s20+$0x0]  }
0x5b: {  	v4 =	vld [tilespmem:s18+$0x0];
	_ =	sdelay $0x3  }
0x5c: {  	v3 =	vshll.u32 v3, $0x9  }
0x5d: {  	v3 =	vadd.s32 v4, v3  }
0x5e: {  	v4 =	vshrl.u32 v3, $0x10  }
0x5f: {  	vm0 =	veq.s32 v4, $0x0  }
0x60: {  	vm1 =	veq.s32 v4, $0x2;
	v5 =	vmpcnt.ones.xlane vm0  }
0x61: {  	vm2 =	veq.s32 v4, $0x1;
	v6 =	vmpcnt.ones.xlane vm1  }
0x62: {  	v7 =	vmpcnt.ones.xlane vm2;
	(v2sf) =	vpush v5, $0x0  }
0x63: {  	(v2sf) =	vpush v6, $0x0  }
0x64: {  	[tilespmem:s1+$0x4000] =	vst.msk vm0, v3;
	(v2sf) =	vpush v7, $0x0  }
0x65: {  	s24 =	simm.s32 $0x10;
	s25 =	simm.s32 $0x20;
	[tilespmem:s1+$0x6080] =	vst.msk vm2, v3  }
0x66: {  	s26 =	sand.u32 $0x3F00, s25;
	s19 =	sand.u32 $0xFFFFFF80, s25;
	s18 =	sand.u32 $0x70, s24;
	vm0 =	veq.s32 v4, $0x3;
	[tilespmem:s1+$0x8100] =	vst.msk vm1, v3  }
0x67: {  	s20 =	sor.u32 s18, s26;
	s18 =	sor.u32 s18, s19;
	[tilespmem:s1+$0xA180] =	vst.msk vm0, v3  }
0x68: {  	s28 =	sor.u32 $0x80, s18;
	v3 =	vld [tilespmem:s20+$0x0]  }
0x69: {  	v4 =	vld [tilespmem:s28+$0x0];
	_ =	sdelay $0x3  }
0x6a: {  	v3 =	vshll.u32 v3, $0x9  }
0x6b: {  	v3 =	vadd.s32 v4, v3  }
0x6c: {  	v4 =	vshrl.u32 v3, $0x10  }
0x6d: {  	vm2 =	veq.s32 v4, $0x0  }
0x6e: {  	vm0 =	veq.s32 v4, $0x2;
	v5 =	vmpcnt.ones.xlane vm2;
	s29 =	spop (v2sf)  }
0x6f: {  	s22 =	simm.s32 $0x1;
	v6 =	vmpcnt.ones.xlane vm0;
	s30 =	spop (v2sf)  }
0x70: {  	s23 =	simm.s32 $0x10;
	vm1 =	veq.s32 v4, $0x1;
	(v2sf) =	vpush v5, $0x0;
	s19 =	sadd.s32 $0x0, s29;
	s31 =	spop (v2sf)  }
0x71: {  	s18 =	simm.s32 $0x20;
	v5 =	vmpcnt.ones.xlane vm1;
	(v2sf) =	vpush v6, $0x0;
	[tilespmem:s19+$0x4000] =	vst.msk vm2, v3;
	s20 =	sadd.s32 $0x0, s30;
	s21 =	sadd.s32 $0x0, s31  }
.LBB2_6:
0x72: {  	s22 =	sadd.s32 $0x1, s22  }
0x73: {  	(v2sf) =	vpush v5, $0x0;
	s1 =	sadd.s32 s21, s19;
	s24 =	smov.u32 s18;
	s18 =	sadd.s32 $0x10, s18  }
0x74: {  	s24 =	sand.u32 $0x70, s24;
	s25 =	sshll.u32 s22, $0x5;
	[tilespmem:s21+$0x6080] =	vst.msk vm1, v3;
	s1 =	sadd.s32 s20, s1  }
0x75: {  	vm1 =	veq.s32 v4, $0x3;
	s26 =	sand.u32 $0x3F00, s25;
	s25 =	sand.u32 $0xFFFFFF80, s25;
	[tilespmem:s20+$0x8100] =	vst.msk vm0, v3;
	s1 =	ssub.s32 s23, s1  }
0x76: {  	s23 =	sshll.u32 s22, $0x4;
	s26 =	sor.u32 s24, s26;
	s24 =	sor.u32 s24, s25;
	[tilespmem:s1+$0xA180] =	vst.msk vm1, v3  }
0x77: {  	p1 =	sne.s32 s18, $0x2000;
	v3 =	vld [tilespmem:s26+$0x0];
	s1 =	sor.u32 $0x80, s24  }
0x78: {  	v4 =	vld [tilespmem:s1+$0x0];
	_ =	sdelay $0x3  }
0x79: {  	v3 =	vshll.u32 v3, $0x9  }
0x7a: {  	v3 =	vadd.s32 v4, v3  }
0x7b: {  	v4 =	vshrl.u32 v3, $0x10  }
.Ltmp4:
0x7c: {  	vm2 =	veq.s32 v4, $0x0;
	vm1 =	veq.s32 v4, $0x1;
	vm0 =	veq.s32 v4, $0x2;
	(pc) =	sbr.rel @p1 .LBB2_6-.Ltmp4, $4  }
0x7d: {  	v6 =	vmpcnt.ones.xlane vm2;
	v5 =	vmpcnt.ones.xlane vm1;
	s1 =	spop (v2sf)  }
0x7e: {  	v7 =	vmpcnt.ones.xlane vm0;
	s24 =	spop (v2sf)  }
0x7f: {  	s19 =	sadd.s32 s19, s1;
	(v2sf) =	vpush v6, $0x0;
	s1 =	spop (v2sf)  }
0x80: {  	s20 =	sadd.s32 s20, s24;
	[tilespmem:s19+$0x4000] =	vst.msk vm2, v3;
	(v2sf) =	vpush v7, $0x0;
	s21 =	sadd.s32 s21, s1  }
0x81: {  	_ =	sdelay $0x3  }
0x82: {  	(v2sf) =	vpush v5, $0x0;
	_ =	sdelay $0x8  }
0x83: {  	s1 =	sadd.s32 s21, s19;
	s22 =	spop (v2sf)  }
0x84: {  	[tilespmem:s21+$0x6080] =	vst.msk vm1, v3;
	s1 =	sadd.s32 s20, s1;
	s29 =	sadd.s32 s19, s22  }
0x85: {  	vm15 =	veq.s32 v4, $0x3;
	[tilespmem:s20+$0x8100] =	vst.msk vm0, v3;
	s1 =	ssub.s32 s23, s1;
	s31 =	sadd.s32 $0x1F, s29  }
0x86: {  	[tilespmem:s1+$0xA180] =	vst.msk vm15, v3;
	s1 =	sshrl.u32 s31, $0x5  }
0x87: {  	p1 =	seq.s32 s1, $0x0  }
.Ltmp5:
0x88: {  	s23 =	spop (v2sf);
	(pc) =	sbr.rel @p1 .LBB2_12-.Ltmp5, $4  }
0x89: {  	s24 =	spop (v2sf)  }
0x8a: {  	_ =	swait.ge [sflag:s11], $0x4000  }
0x8b: {  	[sflag:s11] =	ssyncset.done $0x0  }
0x8c: {  	s25 =	sadd.s32 s20, s23;
	s26 =	sadd.s32 s21, s24;
	[sflag:s11] =	ssyncadd.s32 $0xFFFFC000  }
0x8d: {  	v3 =	vmov s29;
	s30 =	simm.s32 $0x4010;
	s28 =	simm.s32 $0x10;
	s31 =	smov.u32 s1  }
.LBB2_9:
0x8e: {  	v4 =	vld [tilespmem:s30+$0xFFFFFFF0];
	_ =	sdelay $0x2  }
0x8f: {  	s3 =	sadd.s32 $0xFFFFFFF0, s28  }
0x90: {  	v5 =	vor.u32 s3, v1  }
0x91: {  	vm1 =	vlt.s32 v5, v3;
	vm0 =	vlt.u32 v4, $0x4000  }
0x92: {  	vm0 =	vmand vm1, vm0  }
0x93: {  	v4 =	vnsel vm0, $0x0, v4;
	_ =	sdelay $0x4  }
0x94: {  	[tilespmem:v4+s7+$0x0] =	vst.idx.add.f32.msk vm0, v2  }
0x95: {  	v4 =	vld [tilespmem:s30+$0x0];
	_ =	sdelay $0x3  }
0x96: {  	v5 =	vor.u32 s28, v1  }
0x97: {  	vm15 =	vlt.s32 v5, v3;
	vm14 =	vlt.u32 v4, $0x4000  }
0x98: {  	vm0 =	vmand vm15, vm14  }
0x99: {  	p2 =	sne.s32 s31, $0x1;
	v4 =	vnsel vm0, $0x0, v4  }
.Ltmp6:
0x9a: {  	_ = 	snop;
	(pc) =	sbr.rel @p2 .LBB2_9-.Ltmp6, $2  }
0x9b: {  	_ =	sdelay $0x2  }
0x9c: {  	s31 =	sadd.s32 $0xFFFFFFFF, s31;
	s28 =	sadd.s32 $0x20, s28;
	s30 =	sadd.s32 $0x20, s30;
	[tilespmem:v4+s7+$0x0] =	vst.idx.add.f32.msk vm0, v2  }
0x9d: {  	s3 =	rddreg [dreg:$0x5]  }
0x9e: {  	[hbm4b:s3+s0] =	stream.linear.scatter [tilespmem:s7], [sflag:$0x4], $0x4000, $0x38;
	[tilespmem:$0x18600] =	vst v63  }
0x9f: {  	_ =	swait.ge [sflag:s12], $0x4000  }
0xa0: {  	s30 =	simm.s32 $0x4010;
	[sflag:s12] =	ssyncset.done $0x0  }
0xa1: {  	s31 =	simm.s32 $0x10;
	s28 =	smov.u32 s1;
	[sflag:s12] =	ssyncadd.s32 $0xFFFFC000  }
.LBB2_11:
0xa2: {  	v4 =	vld [tilespmem:s30+$0xFFFFFFF0];
	_ =	sdelay $0x3  }
0xa3: {  	s3 =	sadd.s32 $0xFFFFFFF0, s31  }
0xa4: {  	v5 =	vor.u32 s3, v1;
	v4 =	vadd.s32 $0xFFFFC000, v4  }
0xa5: {  	vm1 =	vlt.s32 v5, v3;
	vm0 =	vlt.u32 v4, $0x4000  }
0xa6: {  	vm0 =	vmand vm1, vm0  }
0xa7: {  	v4 =	vnsel vm0, $0x0, v4;
	_ =	sdelay $0x4  }
0xa8: {  	[tilespmem:v4+s9+$0x0] =	vst.idx.add.f32.msk vm0, v2  }
0xa9: {  	v4 =	vld [tilespmem:s30+$0x0];
	_ =	sdelay $0x4  }
0xaa: {  	v5 =	vor.u32 s31, v1;
	v4 =	vadd.s32 $0xFFFFC000, v4  }
0xab: {  	vm15 =	vlt.s32 v5, v3;
	vm14 =	vlt.u32 v4, $0x4000  }
0xac: {  	vm0 =	vmand vm15, vm14  }
0xad: {  	p2 =	seq.s32 s28, $0x1;
	v4 =	vnsel vm0, $0x0, v4  }
.Ltmp7:
0xae: {  	_ = 	snop;
	(pc) =	sbr.rel @!p2 .LBB2_11-.Ltmp7, $2  }
0xaf: {  	_ =	sdelay $0x2  }
0xb0: {  	s28 =	sadd.s32 $0xFFFFFFFF, s28;
	s31 =	sadd.s32 $0x20, s31;
	s30 =	sadd.s32 $0x20, s30;
	[tilespmem:v4+s9+$0x0] =	vst.idx.add.f32.msk vm0, v2  }
.Ltmp8:
0xb1: {  	_ = 	snop;
	(pc) =	sbr.rel .LBB2_13-.Ltmp8, $1  }
0xb2: {  	_ =	sdelay $0x3  }
.LBB2_12:
0xb3: {  	s3 =	rddreg [dreg:$0x5]  }
0xb4: {  	[hbm4b:s3+s0] =	stream.linear.scatter [tilespmem:s7], [sflag:$0x4], $0x4000, $0x38;
	[tilespmem:$0x18600] =	vst v63  }
0xb5: {  	_ =	swait.ge [sflag:s12], $0x4000  }
0xb6: {  	[sflag:s12] =	ssyncset.done $0x0  }
0xb7: {  	[sflag:s12] =	ssyncadd.s32 $0xFFFFC000  }
.LBB2_13:
0xb8: {  	s3 =	rddreg [dreg:$0x6]  }
0xb9: {  	[hbm4b:s3+s0] =	stream.linear.scatter [tilespmem:s9], [sflag:$0x5], $0x4000, $0x38;
	[tilespmem:$0x18600] =	vst v63  }
0xba: {  	_ =	swait.ge [sflag:s13], $0x4000  }
0xbb: {  	[sflag:s13] =	ssyncset.done $0x0  }
.Ltmp9:
0xbc: {  	[sflag:s13] =	ssyncadd.s32 $0xFFFFC000;
	(pc) =	sbr.rel @p1 .LBB2_16-.Ltmp9, $4  }
0xbd: {  	[tilespmem:s7], [sflag:$0x1] =	stream.linear.gather [spmem:s2], $0x4000, $0x38;
	[tilespmem:$0x18600] =	vst v63  }
0xbe: {  	_ =	swait.ge [sflag:s14], $0x4000  }
0xbf: {  	[sflag:s14] =	ssyncset.done $0x0  }
0xc0: {  	[sflag:s14] =	ssyncadd.s32 $0xFFFFC000  }
0xc1: {  	v3 =	vmov s29;
	s30 =	simm.s32 $0x4010;
	s31 =	simm.s32 $0x10;
	s28 =	smov.u32 s1  }
.LBB2_15:
0xc2: {  	v4 =	vld [tilespmem:s30+$0xFFFFFFF0];
	_ =	sdelay $0x3  }
0xc3: {  	s3 =	sadd.s32 $0xFFFFFFF0, s31  }
0xc4: {  	v5 =	vor.u32 s3, v1;
	v4 =	vadd.s32 $0xFFFF8000, v4  }
0xc5: {  	vm1 =	vlt.s32 v5, v3;
	vm0 =	vlt.u32 v4, $0x4000  }
0xc6: {  	vm0 =	vmand vm1, vm0  }
0xc7: {  	v4 =	vnsel vm0, $0x0, v4;
	_ =	sdelay $0x4  }
0xc8: {  	[tilespmem:v4+s10+$0x0] =	vst.idx.add.f32.msk vm0, v2  }
0xc9: {  	v4 =	vld [tilespmem:s30+$0x0];
	_ =	sdelay $0x4  }
0xca: {  	v5 =	vor.u32 s31, v1;
	v4 =	vadd.s32 $0xFFFF8000, v4  }
0xcb: {  	vm15 =	vlt.s32 v5, v3;
	vm14 =	vlt.u32 v4, $0x4000  }
0xcc: {  	vm0 =	vmand vm15, vm14  }
0xcd: {  	p2 =	sne.s32 s28, $0x1;
	v4 =	vnsel vm0, $0x0, v4  }
.Ltmp10:
0xce: {  	_ = 	snop;
	(pc) =	sbr.rel @p2 .LBB2_15-.Ltmp10, $2  }
0xcf: {  	_ =	sdelay $0x2  }
0xd0: {  	s28 =	sadd.s32 $0xFFFFFFFF, s28;
	s31 =	sadd.s32 $0x20, s31;
	s30 =	sadd.s32 $0x20, s30;
	[tilespmem:v4+s10+$0x0] =	vst.idx.add.f32.msk vm0, v2  }
.LBB2_16:
0xd1: {  	s3 =	rddreg [dreg:$0x7]  }
0xd2: {  	[hbm4b:s3+s0] =	stream.linear.scatter [tilespmem:s10], [sflag:$0x6], $0x4000, $0x38;
	[tilespmem:$0x18600] =	vst v63  }
0xd3: {  	_ =	swait.ge [sflag:s15], $0x4000  }
0xd4: {  	[sflag:s15] =	ssyncset.done $0x0  }
.Ltmp11:
0xd5: {  	[sflag:s15] =	ssyncadd.s32 $0xFFFFC000;
	(pc) =	sbr.rel @p1 .LBB2_19-.Ltmp11, $4  }
0xd6: {  	[tilespmem:s9], [sflag:$0x2] =	stream.linear.gather [spmem:s2], $0x4000, $0x38;
	[tilespmem:$0x18600] =	vst v63  }
0xd7: {  	_ =	swait.ge [sflag:s11], $0x4000  }
0xd8: {  	[sflag:s11] =	ssyncset.done $0x0  }
0xd9: {  	[sflag:s11] =	ssyncadd.s32 $0xFFFFC000  }
0xda: {  	v3 =	vmov s29;
	s29 =	simm.s32 $0x4010;
	s28 =	simm.s32 $0x10  }
.LBB2_18:
0xdb: {  	v4 =	vld [tilespmem:s29+$0xFFFFFFF0];
	_ =	sdelay $0x3  }
0xdc: {  	s3 =	sadd.s32 $0xFFFFFFF0, s28  }
0xdd: {  	v5 =	vor.u32 s3, v1;
	v4 =	vadd.s32 $0xFFFF4000, v4  }
0xde: {  	vm1 =	vlt.s32 v5, v3;
	vm0 =	vlt.u32 v4, $0x4000  }
0xdf: {  	vm0 =	vmand vm1, vm0  }
0xe0: {  	v4 =	vnsel vm0, $0x0, v4;
	_ =	sdelay $0x4  }
0xe1: {  	[tilespmem:v4+s7+$0x0] =	vst.idx.add.f32.msk vm0, v2  }
0xe2: {  	v4 =	vld [tilespmem:s29+$0x0];
	_ =	sdelay $0x4  }
0xe3: {  	v5 =	vor.u32 s28, v1;
	v4 =	vadd.s32 $0xFFFF4000, v4  }
0xe4: {  	vm15 =	vlt.s32 v5, v3;
	vm14 =	vlt.u32 v4, $0x4000  }
0xe5: {  	vm0 =	vmand vm15, vm14  }
0xe6: {  	p1 =	sne.s32 s1, $0x1;
	v4 =	vnsel vm0, $0x0, v4  }
.Ltmp12:
0xe7: {  	_ = 	snop;
	(pc) =	sbr.rel @p1 .LBB2_18-.Ltmp12, $2  }
0xe8: {  	_ =	sdelay $0x2  }
0xe9: {  	s1 =	sadd.s32 $0xFFFFFFFF, s1;
	s28 =	sadd.s32 $0x20, s28;
	s29 =	sadd.s32 $0x20, s29;
	[tilespmem:v4+s7+$0x0] =	vst.idx.add.f32.msk vm0, v2  }
.LBB2_19:
0xea: {  	s1 =	rddreg [dreg:$0x8];
	s31 =	sadd.s32 $0x1F, s26  }
0xeb: {  	[hbm4b:s1+s0] =	stream.linear.scatter [tilespmem:s7], [sflag:$0x4], $0x4000, $0x38;
	[tilespmem:$0x18600] =	vst v63  }
0xec: {  	s28 =	sshrl.u32 s31, $0x5;
	_ =	swait.ge [sflag:s16], $0x4000  }
0xed: {  	p1 =	seq.s32 s28, $0x0;
	[sflag:s16] =	ssyncset.done $0x0  }
.Ltmp13:
0xee: {  	[sflag:s16] =	ssyncadd.s32 $0xFFFFC000;
	(pc) =	sbr.rel @p1 .LBB2_22-.Ltmp13, $4  }
0xef: {  	[tilespmem:s10], [sflag:$0x3] =	stream.linear.gather [spmem:s2], $0x4000, $0x38;
	[tilespmem:$0x18600] =	vst v63  }
0xf0: {  	_ =	swait.ge [sflag:s12], $0x4000  }
0xf1: {  	[sflag:s12] =	ssyncset.done $0x0  }
0xf2: {  	[sflag:s12] =	ssyncadd.s32 $0xFFFFC000  }
0xf3: {  	v3 =	vmov s26;
	s29 =	simm.s32 $0x6090;
	s30 =	simm.s32 $0x10;
	s1 =	smov.u32 s28  }
.LBB2_21:
0xf4: {  	v4 =	vld [tilespmem:s29+$0xFFFFFFF0];
	_ =	sdelay $0x3  }
0xf5: {  	s3 =	sadd.s32 $0xFFFFFFF0, s30  }
0xf6: {  	v5 =	vor.u32 s3, v1;
	v4 =	vadd.s32 $0xFFFF0000, v4  }
0xf7: {  	vm1 =	vlt.s32 v5, v3;
	vm0 =	vlt.u32 v4, $0x4000  }
0xf8: {  	vm0 =	vmand vm1, vm0  }
0xf9: {  	v4 =	vnsel vm0, $0x0, v4;
	_ =	sdelay $0x4  }
0xfa: {  	[tilespmem:v4+s9+$0x0] =	vst.idx.add.f32.msk vm0, v2  }
0xfb: {  	v4 =	vld [tilespmem:s29+$0x0];
	_ =	sdelay $0x4  }
0xfc: {  	v5 =	vor.u32 s30, v1;
	v4 =	vadd.s32 $0xFFFF0000, v4  }
0xfd: {  	vm15 =	vlt.s32 v5, v3;
	vm14 =	vlt.u32 v4, $0x4000  }
0xfe: {  	vm0 =	vmand vm15, vm14  }
0xff: {  	p2 =	sne.s32 s1, $0x1;
	v4 =	vnsel vm0, $0x0, v4  }
.Ltmp14:
0x100: {  	_ = 	snop;
	(pc) =	sbr.rel @p2 .LBB2_21-.Ltmp14, $2  }
0x101: {  	_ =	sdelay $0x2  }
0x102: {  	s1 =	sadd.s32 $0xFFFFFFFF, s1;
	s30 =	sadd.s32 $0x20, s30;
	s29 =	sadd.s32 $0x20, s29;
	[tilespmem:v4+s9+$0x0] =	vst.idx.add.f32.msk vm0, v2  }
.LBB2_22:
0x103: {  	s1 =	rddreg [dreg:$0x9]  }
0x104: {  	[hbm4b:s1+s0] =	stream.linear.scatter [tilespmem:s9], [sflag:$0x5], $0x4000, $0x38;
	[tilespmem:$0x18600] =	vst v63  }
0x105: {  	_ =	swait.ge [sflag:s13], $0x4000  }
0x106: {  	[sflag:s13] =	ssyncset.done $0x0  }
.Ltmp15:
0x107: {  	[sflag:s13] =	ssyncadd.s32 $0xFFFFC000;
	(pc) =	sbr.rel @p1 .LBB2_25-.Ltmp15, $4  }
0x108: {  	[tilespmem:s7], [sflag:$0x1] =	stream.linear.gather [spmem:s2], $0x4000, $0x38;
	[tilespmem:$0x18600] =	vst v63  }
0x109: {  	_ =	swait.ge [sflag:s14], $0x4000  }
0x10a: {  	[sflag:s14] =	ssyncset.done $0x0  }
0x10b: {  	[sflag:s14] =	ssyncadd.s32 $0xFFFFC000  }
0x10c: {  	v3 =	vmov s26;
	s29 =	simm.s32 $0x6090;
	s30 =	simm.s32 $0x10;
	s1 =	smov.u32 s28  }
.LBB2_24:
0x10d: {  	v4 =	vld [tilespmem:s29+$0xFFFFFFF0];
	_ =	sdelay $0x3  }
0x10e: {  	s3 =	sadd.s32 $0xFFFFFFF0, s30  }
0x10f: {  	v5 =	vor.u32 s3, v1;
	v4 =	vadd.s32 $0xFFFEC000, v4  }
0x110: {  	vm1 =	vlt.s32 v5, v3;
	vm0 =	vlt.u32 v4, $0x4000  }
0x111: {  	vm0 =	vmand vm1, vm0  }
0x112: {  	v4 =	vnsel vm0, $0x0, v4;
	_ =	sdelay $0x4  }
0x113: {  	[tilespmem:v4+s10+$0x0] =	vst.idx.add.f32.msk vm0, v2  }
0x114: {  	v4 =	vld [tilespmem:s29+$0x0];
	_ =	sdelay $0x4  }
0x115: {  	v5 =	vor.u32 s30, v1;
	v4 =	vadd.s32 $0xFFFEC000, v4  }
0x116: {  	vm15 =	vlt.s32 v5, v3;
	vm14 =	vlt.u32 v4, $0x4000  }
0x117: {  	vm0 =	vmand vm15, vm14  }
0x118: {  	p2 =	sne.s32 s1, $0x1;
	v4 =	vnsel vm0, $0x0, v4  }
.Ltmp16:
0x119: {  	_ = 	snop;
	(pc) =	sbr.rel @p2 .LBB2_24-.Ltmp16, $2  }
0x11a: {  	_ =	sdelay $0x2  }
0x11b: {  	s1 =	sadd.s32 $0xFFFFFFFF, s1;
	s30 =	sadd.s32 $0x20, s30;
	s29 =	sadd.s32 $0x20, s29;
	[tilespmem:v4+s10+$0x0] =	vst.idx.add.f32.msk vm0, v2  }
.LBB2_25:
0x11c: {  	s1 =	rddreg [dreg:$0xa]  }
0x11d: {  	[hbm4b:s1+s0] =	stream.linear.scatter [tilespmem:s10], [sflag:$0x6], $0x4000, $0x38;
	[tilespmem:$0x18600] =	vst v63  }
0x11e: {  	_ =	swait.ge [sflag:s15], $0x4000  }
0x11f: {  	[sflag:s15] =	ssyncset.done $0x0  }
.Ltmp17:
0x120: {  	[sflag:s15] =	ssyncadd.s32 $0xFFFFC000;
	(pc) =	sbr.rel @p1 .LBB2_28-.Ltmp17, $4  }
0x121: {  	[tilespmem:s9], [sflag:$0x2] =	stream.linear.gather [spmem:s2], $0x4000, $0x38;
	[tilespmem:$0x18600] =	vst v63  }
0x122: {  	_ =	swait.ge [sflag:s11], $0x4000  }
0x123: {  	[sflag:s11] =	ssyncset.done $0x0  }
0x124: {  	[sflag:s11] =	ssyncadd.s32 $0xFFFFC000  }
0x125: {  	v3 =	vmov s26;
	s29 =	simm.s32 $0x6090;
	s30 =	simm.s32 $0x10;
	s1 =	smov.u32 s28  }
.LBB2_27:
0x126: {  	v4 =	vld [tilespmem:s29+$0xFFFFFFF0];
	_ =	sdelay $0x3  }
0x127: {  	s3 =	sadd.s32 $0xFFFFFFF0, s30  }
0x128: {  	v5 =	vor.u32 s3, v1;
	v4 =	vadd.s32 $0xFFFE8000, v4  }
0x129: {  	vm1 =	vlt.s32 v5, v3;
	vm0 =	vlt.u32 v4, $0x4000  }
0x12a: {  	vm0 =	vmand vm1, vm0  }
0x12b: {  	v4 =	vnsel vm0, $0x0, v4;
	_ =	sdelay $0x4  }
0x12c: {  	[tilespmem:v4+s7+$0x0] =	vst.idx.add.f32.msk vm0, v2  }
0x12d: {  	v4 =	vld [tilespmem:s29+$0x0];
	_ =	sdelay $0x4  }
0x12e: {  	v5 =	vor.u32 s30, v1;
	v4 =	vadd.s32 $0xFFFE8000, v4  }
0x12f: {  	vm15 =	vlt.s32 v5, v3;
	vm14 =	vlt.u32 v4, $0x4000  }
0x130: {  	vm0 =	vmand vm15, vm14  }
0x131: {  	p2 =	sne.s32 s1, $0x1;
	v4 =	vnsel vm0, $0x0, v4  }
.Ltmp18:
0x132: {  	_ = 	snop;
	(pc) =	sbr.rel @p2 .LBB2_27-.Ltmp18, $2  }
0x133: {  	_ =	sdelay $0x2  }
0x134: {  	s1 =	sadd.s32 $0xFFFFFFFF, s1;
	s30 =	sadd.s32 $0x20, s30;
	s29 =	sadd.s32 $0x20, s29;
	[tilespmem:v4+s7+$0x0] =	vst.idx.add.f32.msk vm0, v2  }
.LBB2_28:
0x135: {  	s1 =	rddreg [dreg:$0xb]  }
0x136: {  	[hbm4b:s1+s0] =	stream.linear.scatter [tilespmem:s7], [sflag:$0x4], $0x4000, $0x38;
	[tilespmem:$0x18600] =	vst v63  }
0x137: {  	_ =	swait.ge [sflag:s16], $0x4000  }
0x138: {  	[sflag:s16] =	ssyncset.done $0x0  }
.Ltmp19:
0x139: {  	[sflag:s16] =	ssyncadd.s32 $0xFFFFC000;
	(pc) =	sbr.rel @p1 .LBB2_31-.Ltmp19, $4  }
0x13a: {  	[tilespmem:s10], [sflag:$0x3] =	stream.linear.gather [spmem:s2], $0x4000, $0x38;
	[tilespmem:$0x18600] =	vst v63  }
0x13b: {  	_ =	swait.ge [sflag:s12], $0x4000  }
0x13c: {  	[sflag:s12] =	ssyncset.done $0x0  }
0x13d: {  	[sflag:s12] =	ssyncadd.s32 $0xFFFFC000  }
0x13e: {  	v3 =	vmov s26;
	s26 =	simm.s32 $0x6090;
	s1 =	simm.s32 $0x10  }
.LBB2_30:
0x13f: {  	v4 =	vld [tilespmem:s26+$0xFFFFFFF0];
	_ =	sdelay $0x3  }
0x140: {  	s3 =	sadd.s32 $0xFFFFFFF0, s1  }
0x141: {  	v5 =	vor.u32 s3, v1;
	v4 =	vadd.s32 $0xFFFE4000, v4  }
0x142: {  	vm1 =	vlt.s32 v5, v3;
	vm0 =	vlt.u32 v4, $0x4000  }
0x143: {  	vm0 =	vmand vm1, vm0  }
0x144: {  	v4 =	vnsel vm0, $0x0, v4;
	_ =	sdelay $0x4  }
0x145: {  	[tilespmem:v4+s9+$0x0] =	vst.idx.add.f32.msk vm0, v2  }
0x146: {  	v4 =	vld [tilespmem:s26+$0x0];
	_ =	sdelay $0x4  }
0x147: {  	v5 =	vor.u32 s1, v1;
	v4 =	vadd.s32 $0xFFFE4000, v4  }
0x148: {  	vm15 =	vlt.s32 v5, v3;
	vm14 =	vlt.u32 v4, $0x4000  }
0x149: {  	vm0 =	vmand vm15, vm14  }
0x14a: {  	p1 =	sne.s32 s28, $0x1;
	v4 =	vnsel vm0, $0x0, v4  }
.Ltmp20:
0x14b: {  	_ = 	snop;
	(pc) =	sbr.rel @p1 .LBB2_30-.Ltmp20, $2  }
0x14c: {  	_ =	sdelay $0x2  }
0x14d: {  	s28 =	sadd.s32 $0xFFFFFFFF, s28;
	s1 =	sadd.s32 $0x20, s1;
	s26 =	sadd.s32 $0x20, s26;
	[tilespmem:v4+s9+$0x0] =	vst.idx.add.f32.msk vm0, v2  }
.LBB2_31:
0x14e: {  	s1 =	rddreg [dreg:$0xc];
	s31 =	sadd.s32 $0x1F, s25  }
0x14f: {  	[hbm4b:s1+s0] =	stream.linear.scatter [tilespmem:s9], [sflag:$0x5], $0x4000, $0x38;
	[tilespmem:$0x18600] =	vst v63  }
0x150: {  	s26 =	sshrl.u32 s31, $0x5;
	_ =	swait.ge [sflag:s13], $0x4000  }
0x151: {  	p1 =	seq.s32 s26, $0x0;
	[sflag:s13] =	ssyncset.done $0x0  }
.Ltmp21:
0x152: {  	[sflag:s13] =	ssyncadd.s32 $0xFFFFC000;
	(pc) =	sbr.rel @p1 .LBB2_34-.Ltmp21, $4  }
0x153: {  	[tilespmem:s7], [sflag:$0x1] =	stream.linear.gather [spmem:s2], $0x4000, $0x38;
	[tilespmem:$0x18600] =	vst v63  }
0x154: {  	_ =	swait.ge [sflag:s14], $0x4000  }
0x155: {  	[sflag:s14] =	ssyncset.done $0x0  }
0x156: {  	[sflag:s14] =	ssyncadd.s32 $0xFFFFC000  }
0x157: {  	v3 =	vmov s25;
	s28 =	simm.s32 $0x8110;
	s29 =	simm.s32 $0x10;
	s1 =	smov.u32 s26  }
.LBB2_33:
0x158: {  	v4 =	vld [tilespmem:s28+$0xFFFFFFF0];
	_ =	sdelay $0x3  }
0x159: {  	s3 =	sadd.s32 $0xFFFFFFF0, s29  }
0x15a: {  	v5 =	vor.u32 s3, v1;
	v4 =	vadd.s32 $0xFFFE0000, v4  }
0x15b: {  	vm1 =	vlt.s32 v5, v3;
	vm0 =	vlt.u32 v4, $0x4000  }
0x15c: {  	vm0 =	vmand vm1, vm0  }
0x15d: {  	v4 =	vnsel vm0, $0x0, v4;
	_ =	sdelay $0x4  }
0x15e: {  	[tilespmem:v4+s10+$0x0] =	vst.idx.add.f32.msk vm0, v2  }
0x15f: {  	v4 =	vld [tilespmem:s28+$0x0];
	_ =	sdelay $0x4  }
0x160: {  	v5 =	vor.u32 s29, v1;
	v4 =	vadd.s32 $0xFFFE0000, v4  }
0x161: {  	vm15 =	vlt.s32 v5, v3;
	vm14 =	vlt.u32 v4, $0x4000  }
0x162: {  	vm0 =	vmand vm15, vm14  }
0x163: {  	p2 =	sne.s32 s1, $0x1;
	v4 =	vnsel vm0, $0x0, v4  }
.Ltmp22:
0x164: {  	_ = 	snop;
	(pc) =	sbr.rel @p2 .LBB2_33-.Ltmp22, $2  }
0x165: {  	_ =	sdelay $0x2  }
0x166: {  	s1 =	sadd.s32 $0xFFFFFFFF, s1;
	s29 =	sadd.s32 $0x20, s29;
	s28 =	sadd.s32 $0x20, s28;
	[tilespmem:v4+s10+$0x0] =	vst.idx.add.f32.msk vm0, v2  }
.LBB2_34:
0x167: {  	s1 =	rddreg [dreg:$0xd]  }
0x168: {  	[hbm4b:s1+s0] =	stream.linear.scatter [tilespmem:s10], [sflag:$0x6], $0x4000, $0x38;
	[tilespmem:$0x18600] =	vst v63  }
0x169: {  	_ =	swait.ge [sflag:s15], $0x4000  }
0x16a: {  	[sflag:s15] =	ssyncset.done $0x0  }
.Ltmp23:
0x16b: {  	[sflag:s15] =	ssyncadd.s32 $0xFFFFC000;
	(pc) =	sbr.rel @p1 .LBB2_37-.Ltmp23, $4  }
0x16c: {  	[tilespmem:s9], [sflag:$0x2] =	stream.linear.gather [spmem:s2], $0x4000, $0x38;
	[tilespmem:$0x18600] =	vst v63  }
0x16d: {  	_ =	swait.ge [sflag:s11], $0x4000  }
0x16e: {  	[sflag:s11] =	ssyncset.done $0x0  }
0x16f: {  	[sflag:s11] =	ssyncadd.s32 $0xFFFFC000  }
0x170: {  	v3 =	vmov s25;
	s28 =	simm.s32 $0x8110;
	s29 =	simm.s32 $0x10;
	s1 =	smov.u32 s26  }
.LBB2_36:
0x171: {  	v4 =	vld [tilespmem:s28+$0xFFFFFFF0];
	_ =	sdelay $0x3  }
0x172: {  	s3 =	sadd.s32 $0xFFFFFFF0, s29  }
0x173: {  	v5 =	vor.u32 s3, v1;
	v4 =	vadd.s32 $0xFFFDC000, v4  }
0x174: {  	vm1 =	vlt.s32 v5, v3;
	vm0 =	vlt.u32 v4, $0x4000  }
0x175: {  	vm0 =	vmand vm1, vm0  }
0x176: {  	v4 =	vnsel vm0, $0x0, v4;
	_ =	sdelay $0x4  }
0x177: {  	[tilespmem:v4+s7+$0x0] =	vst.idx.add.f32.msk vm0, v2  }
0x178: {  	v4 =	vld [tilespmem:s28+$0x0];
	_ =	sdelay $0x4  }
0x179: {  	v5 =	vor.u32 s29, v1;
	v4 =	vadd.s32 $0xFFFDC000, v4  }
0x17a: {  	vm15 =	vlt.s32 v5, v3;
	vm14 =	vlt.u32 v4, $0x4000  }
0x17b: {  	vm0 =	vmand vm15, vm14  }
0x17c: {  	p2 =	sne.s32 s1, $0x1;
	v4 =	vnsel vm0, $0x0, v4  }
.Ltmp24:
0x17d: {  	_ = 	snop;
	(pc) =	sbr.rel @p2 .LBB2_36-.Ltmp24, $2  }
0x17e: {  	_ =	sdelay $0x2  }
0x17f: {  	s1 =	sadd.s32 $0xFFFFFFFF, s1;
	s29 =	sadd.s32 $0x20, s29;
	s28 =	sadd.s32 $0x20, s28;
	[tilespmem:v4+s7+$0x0] =	vst.idx.add.f32.msk vm0, v2  }
.LBB2_37:
0x180: {  	s1 =	rddreg [dreg:$0xf]  }
0x181: {  	[hbm4b:s1+s0] =	stream.linear.scatter [tilespmem:s7], [sflag:$0x4], $0x4000, $0x38;
	[tilespmem:$0x18600] =	vst v63  }
0x182: {  	_ =	swait.ge [sflag:s16], $0x4000  }
0x183: {  	[sflag:s16] =	ssyncset.done $0x0  }
.Ltmp25:
0x184: {  	[sflag:s16] =	ssyncadd.s32 $0xFFFFC000;
	(pc) =	sbr.rel @p1 .LBB2_40-.Ltmp25, $4  }
0x185: {  	[tilespmem:s10], [sflag:$0x3] =	stream.linear.gather [spmem:s2], $0x4000, $0x38;
	[tilespmem:$0x18600] =	vst v63  }
0x186: {  	_ =	swait.ge [sflag:s12], $0x4000  }
0x187: {  	[sflag:s12] =	ssyncset.done $0x0  }
0x188: {  	[sflag:s12] =	ssyncadd.s32 $0xFFFFC000  }
0x189: {  	v3 =	vmov s25;
	s28 =	simm.s32 $0x8110;
	s29 =	simm.s32 $0x10;
	s1 =	smov.u32 s26  }
.LBB2_39:
0x18a: {  	v4 =	vld [tilespmem:s28+$0xFFFFFFF0];
	_ =	sdelay $0x3  }
0x18b: {  	s3 =	sadd.s32 $0xFFFFFFF0, s29  }
0x18c: {  	v5 =	vor.u32 s3, v1;
	v4 =	vadd.s32 $0xFFFD8000, v4  }
0x18d: {  	vm1 =	vlt.s32 v5, v3;
	vm0 =	vlt.u32 v4, $0x4000  }
0x18e: {  	vm0 =	vmand vm1, vm0  }
0x18f: {  	v4 =	vnsel vm0, $0x0, v4;
	_ =	sdelay $0x4  }
0x190: {  	[tilespmem:v4+s9+$0x0] =	vst.idx.add.f32.msk vm0, v2  }
0x191: {  	v4 =	vld [tilespmem:s28+$0x0];
	_ =	sdelay $0x4  }
0x192: {  	v5 =	vor.u32 s29, v1;
	v4 =	vadd.s32 $0xFFFD8000, v4  }
0x193: {  	vm15 =	vlt.s32 v5, v3;
	vm14 =	vlt.u32 v4, $0x4000  }
0x194: {  	vm0 =	vmand vm15, vm14  }
0x195: {  	p2 =	sne.s32 s1, $0x1;
	v4 =	vnsel vm0, $0x0, v4  }
.Ltmp26:
0x196: {  	_ = 	snop;
	(pc) =	sbr.rel @p2 .LBB2_39-.Ltmp26, $2  }
0x197: {  	_ =	sdelay $0x2  }
0x198: {  	s1 =	sadd.s32 $0xFFFFFFFF, s1;
	s29 =	sadd.s32 $0x20, s29;
	s28 =	sadd.s32 $0x20, s28;
	[tilespmem:v4+s9+$0x0] =	vst.idx.add.f32.msk vm0, v2  }
.LBB2_40:
0x199: {  	s1 =	rddreg [dreg:$0x10]  }
0x19a: {  	[hbm4b:s1+s0] =	stream.linear.scatter [tilespmem:s9], [sflag:$0x5], $0x4000, $0x38;
	[tilespmem:$0x18600] =	vst v63  }
0x19b: {  	_ =	swait.ge [sflag:s13], $0x4000  }
0x19c: {  	[sflag:s13] =	ssyncset.done $0x0  }
.Ltmp27:
0x19d: {  	[sflag:s13] =	ssyncadd.s32 $0xFFFFC000;
	(pc) =	sbr.rel @p1 .LBB2_43-.Ltmp27, $4  }
0x19e: {  	[tilespmem:s7], [sflag:$0x1] =	stream.linear.gather [spmem:s2], $0x4000, $0x38;
	[tilespmem:$0x18600] =	vst v63  }
0x19f: {  	_ =	swait.ge [sflag:s14], $0x4000  }
0x1a0: {  	[sflag:s14] =	ssyncset.done $0x0  }
0x1a1: {  	[sflag:s14] =	ssyncadd.s32 $0xFFFFC000  }
0x1a2: {  	v3 =	vmov s25;
	s25 =	simm.s32 $0x8110;
	s1 =	simm.s32 $0x10  }
.LBB2_42:
0x1a3: {  	v4 =	vld [tilespmem:s25+$0xFFFFFFF0];
	_ =	sdelay $0x3  }
0x1a4: {  	s3 =	sadd.s32 $0xFFFFFFF0, s1  }
0x1a5: {  	v5 =	vor.u32 s3, v1;
	v4 =	vadd.s32 $0xFFFD4000, v4  }
0x1a6: {  	vm1 =	vlt.s32 v5, v3;
	vm0 =	vlt.u32 v4, $0x4000  }
0x1a7: {  	vm0 =	vmand vm1, vm0  }
0x1a8: {  	v4 =	vnsel vm0, $0x0, v4;
	_ =	sdelay $0x4  }
0x1a9: {  	[tilespmem:v4+s10+$0x0] =	vst.idx.add.f32.msk vm0, v2  }
0x1aa: {  	v4 =	vld [tilespmem:s25+$0x0];
	_ =	sdelay $0x4  }
0x1ab: {  	v5 =	vor.u32 s1, v1;
	v4 =	vadd.s32 $0xFFFD4000, v4  }
0x1ac: {  	vm15 =	vlt.s32 v5, v3;
	vm14 =	vlt.u32 v4, $0x4000  }
0x1ad: {  	vm0 =	vmand vm15, vm14  }
0x1ae: {  	p1 =	sne.s32 s26, $0x1;
	v4 =	vnsel vm0, $0x0, v4  }
.Ltmp28:
0x1af: {  	_ = 	snop;
	(pc) =	sbr.rel @p1 .LBB2_42-.Ltmp28, $2  }
0x1b0: {  	_ =	sdelay $0x2  }
0x1b1: {  	s26 =	sadd.s32 $0xFFFFFFFF, s26;
	s1 =	sadd.s32 $0x20, s1;
	s25 =	sadd.s32 $0x20, s25;
	[tilespmem:v4+s10+$0x0] =	vst.idx.add.f32.msk vm0, v2  }
.LBB2_43:
0x1b2: {  	s1 =	sadd.s32 s24, s22  }
0x1b3: {  	s3 =	rddreg [dreg:$0x11];
	s1 =	sadd.s32 s23, s1  }
0x1b4: {  	[hbm4b:s3+s0] =	stream.linear.scatter [tilespmem:s10], [sflag:$0x6], $0x4000, $0x38;
	[tilespmem:$0x18600] =	vst v63  }
0x1b5: {  	s1 =	sadd.s32 s19, s1  }
0x1b6: {  	s1 =	sadd.s32 s21, s1  }
0x1b7: {  	s1 =	sadd.s32 s20, s1  }
0x1b8: {  	s19 =	ssub.s32 s18, s1  }
0x1b9: {  	s1 =	sadd.s32 $0x1F, s19  }
0x1ba: {  	_ =	swait.ge [sflag:s15], $0x4000;
	s18 =	sshrl.u32 s1, $0x5  }
0x1bb: {  	[sflag:s15] =	ssyncset.done $0x0;
	p1 =	seq.s32 s18, $0x0  }
.Ltmp29:
0x1bc: {  	[sflag:s15] =	ssyncadd.s32 $0xFFFFC000;
	(pc) =	sbr.rel @p1 .LBB2_46-.Ltmp29, $4  }
0x1bd: {  	[tilespmem:s9], [sflag:$0x2] =	stream.linear.gather [spmem:s2], $0x4000, $0x38;
	[tilespmem:$0x18600] =	vst v63  }
0x1be: {  	_ =	swait.ge [sflag:s11], $0x4000  }
0x1bf: {  	[sflag:s11] =	ssyncset.done $0x0  }
0x1c0: {  	[sflag:s11] =	ssyncadd.s32 $0xFFFFC000  }
0x1c1: {  	v3 =	vmov s19;
	s20 =	simm.s32 $0x0;
	s21 =	simm.s32 $0xA190;
	s1 =	simm.s32 $0x10  }
.LBB2_45:
0x1c2: {  	v4 =	vld [tilespmem:s21+$0xFFFFFFF0];
	_ =	sdelay $0x3  }
0x1c3: {  	s3 =	sadd.s32 $0xFFFFFFF0, s1  }
0x1c4: {  	v5 =	vor.u32 s3, v1;
	v4 =	vadd.s32 $0xFFFD0000, v4  }
0x1c5: {  	vm1 =	vlt.s32 v5, v3;
	vm0 =	vlt.u32 v4, $0x4000  }
0x1c6: {  	vm0 =	vmand vm1, vm0  }
0x1c7: {  	v4 =	vnsel vm0, $0x0, v4;
	_ =	sdelay $0x4  }
0x1c8: {  	[tilespmem:v4+s7+$0x0] =	vst.idx.add.f32.msk vm0, v2  }
0x1c9: {  	v4 =	vld [tilespmem:s21+$0x0];
	_ =	sdelay $0x4  }
0x1ca: {  	v5 =	vor.u32 s1, v1;
	v4 =	vadd.s32 $0xFFFD0000, v4  }
0x1cb: {  	vm15 =	vlt.s32 v5, v3;
	vm14 =	vlt.u32 v4, $0x4000  }
0x1cc: {  	s20 =	sadd.s32 $0x1, s20;
	vm0 =	vmand vm15, vm14  }
0x1cd: {  	p2 =	slt.u32 s20, s18;
	v4 =	vnsel vm0, $0x0, v4  }
.Ltmp30:
0x1ce: {  	_ = 	snop;
	(pc) =	sbr.rel @p2 .LBB2_45-.Ltmp30, $2  }
0x1cf: {  	_ =	sdelay $0x2  }
0x1d0: {  	s1 =	sadd.s32 $0x20, s1;
	s21 =	sadd.s32 $0x20, s21;
	[tilespmem:v4+s7+$0x0] =	vst.idx.add.f32.msk vm0, v2  }
.LBB2_46:
0x1d1: {  	s1 =	rddreg [dreg:$0x12]  }
0x1d2: {  	[hbm4b:s1+s0] =	stream.linear.scatter [tilespmem:s7], [sflag:$0x4], $0x4000, $0x38;
	[tilespmem:$0x18600] =	vst v63  }
0x1d3: {  	_ =	swait.ge [sflag:s16], $0x4000  }
0x1d4: {  	[sflag:s16] =	ssyncset.done $0x0  }
.Ltmp31:
0x1d5: {  	[sflag:s16] =	ssyncadd.s32 $0xFFFFC000;
	(pc) =	sbr.rel @p1 .LBB2_49-.Ltmp31, $4  }
0x1d6: {  	[tilespmem:s10], [sflag:$0x3] =	stream.linear.gather [spmem:s2], $0x4000, $0x38;
	[tilespmem:$0x18600] =	vst v63  }
0x1d7: {  	_ =	swait.ge [sflag:s12], $0x4000  }
0x1d8: {  	[sflag:s12] =	ssyncset.done $0x0  }
0x1d9: {  	[sflag:s12] =	ssyncadd.s32 $0xFFFFC000  }
0x1da: {  	v3 =	vmov s19;
	s20 =	simm.s32 $0x0;
	s21 =	simm.s32 $0xA190;
	s1 =	simm.s32 $0x10  }
.LBB2_48:
0x1db: {  	v4 =	vld [tilespmem:s21+$0xFFFFFFF0];
	_ =	sdelay $0x3  }
0x1dc: {  	s3 =	sadd.s32 $0xFFFFFFF0, s1  }
0x1dd: {  	v5 =	vor.u32 s3, v1;
	v4 =	vadd.s32 $0xFFFCC000, v4  }
0x1de: {  	vm1 =	vlt.s32 v5, v3;
	vm0 =	vlt.u32 v4, $0x4000  }
0x1df: {  	vm0 =	vmand vm1, vm0  }
0x1e0: {  	v4 =	vnsel vm0, $0x0, v4;
	_ =	sdelay $0x4  }
0x1e1: {  	[tilespmem:v4+s9+$0x0] =	vst.idx.add.f32.msk vm0, v2  }
0x1e2: {  	v4 =	vld [tilespmem:s21+$0x0];
	_ =	sdelay $0x4  }
0x1e3: {  	v5 =	vor.u32 s1, v1;
	v4 =	vadd.s32 $0xFFFCC000, v4  }
0x1e4: {  	vm15 =	vlt.s32 v5, v3;
	vm14 =	vlt.u32 v4, $0x4000  }
0x1e5: {  	s20 =	sadd.s32 $0x1, s20;
	vm0 =	vmand vm15, vm14  }
0x1e6: {  	p2 =	slt.u32 s20, s18;
	v4 =	vnsel vm0, $0x0, v4  }
.Ltmp32:
0x1e7: {  	_ = 	snop;
	(pc) =	sbr.rel @p2 .LBB2_48-.Ltmp32, $2  }
0x1e8: {  	_ =	sdelay $0x2  }
0x1e9: {  	s1 =	sadd.s32 $0x20, s1;
	s21 =	sadd.s32 $0x20, s21;
	[tilespmem:v4+s9+$0x0] =	vst.idx.add.f32.msk vm0, v2  }
.LBB2_49:
0x1ea: {  	s1 =	rddreg [dreg:$0x13]  }
0x1eb: {  	[hbm4b:s1+s0] =	stream.linear.scatter [tilespmem:s9], [sflag:$0x5], $0x4000, $0x38;
	[tilespmem:$0x18600] =	vst v63  }
0x1ec: {  	_ =	swait.ge [sflag:s13], $0x4000  }
0x1ed: {  	[sflag:s13] =	ssyncset.done $0x0  }
.Ltmp33:
0x1ee: {  	[sflag:s13] =	ssyncadd.s32 $0xFFFFC000;
	(pc) =	sbr.rel @p1 .LBB2_52-.Ltmp33, $4  }
0x1ef: {  	[tilespmem:s7], [sflag:$0x1] =	stream.linear.gather [spmem:s2], $0x4000, $0x38;
	[tilespmem:$0x18600] =	vst v63  }
0x1f0: {  	_ =	swait.ge [sflag:s14], $0x4000  }
0x1f1: {  	[sflag:s14] =	ssyncset.done $0x0  }
0x1f2: {  	[sflag:s14] =	ssyncadd.s32 $0xFFFFC000  }
0x1f3: {  	v3 =	vmov s19;
	s20 =	simm.s32 $0x0;
	s21 =	simm.s32 $0xA190;
	s1 =	simm.s32 $0x10  }
.LBB2_51:
0x1f4: {  	v4 =	vld [tilespmem:s21+$0xFFFFFFF0];
	_ =	sdelay $0x3  }
0x1f5: {  	s3 =	sadd.s32 $0xFFFFFFF0, s1  }
0x1f6: {  	v5 =	vor.u32 s3, v1;
	v4 =	vadd.s32 $0xFFFC8000, v4  }
0x1f7: {  	vm1 =	vlt.s32 v5, v3;
	vm0 =	vlt.u32 v4, $0x4000  }
0x1f8: {  	vm0 =	vmand vm1, vm0  }
0x1f9: {  	v4 =	vnsel vm0, $0x0, v4;
	_ =	sdelay $0x4  }
0x1fa: {  	[tilespmem:v4+s10+$0x0] =	vst.idx.add.f32.msk vm0, v2  }
0x1fb: {  	v4 =	vld [tilespmem:s21+$0x0];
	_ =	sdelay $0x4  }
0x1fc: {  	v5 =	vor.u32 s1, v1;
	v4 =	vadd.s32 $0xFFFC8000, v4  }
0x1fd: {  	vm15 =	vlt.s32 v5, v3;
	vm14 =	vlt.u32 v4, $0x4000  }
0x1fe: {  	s20 =	sadd.s32 $0x1, s20;
	vm0 =	vmand vm15, vm14  }
0x1ff: {  	p2 =	slt.u32 s20, s18;
	v4 =	vnsel vm0, $0x0, v4  }
.Ltmp34:
0x200: {  	_ = 	snop;
	(pc) =	sbr.rel @p2 .LBB2_51-.Ltmp34, $2  }
0x201: {  	_ =	sdelay $0x2  }
0x202: {  	s1 =	sadd.s32 $0x20, s1;
	s21 =	sadd.s32 $0x20, s21;
	[tilespmem:v4+s10+$0x0] =	vst.idx.add.f32.msk vm0, v2  }
.LBB2_52:
0x203: {  	s1 =	rddreg [dreg:$0x14]  }
0x204: {  	[hbm4b:s1+s0] =	stream.linear.scatter [tilespmem:s10], [sflag:$0x6], $0x4000, $0x38;
	[tilespmem:$0x18600] =	vst v63  }
0x205: {  	_ =	swait.ge [sflag:s15], $0x4000  }
0x206: {  	[sflag:s15] =	ssyncset.done $0x0  }
.Ltmp35:
0x207: {  	[sflag:s15] =	ssyncadd.s32 $0xFFFFC000;
	(pc) =	sbr.rel @p1 .LBB2_55-.Ltmp35, $4  }
0x208: {  	[tilespmem:s9], [sflag:$0x2] =	stream.linear.gather [spmem:s2], $0x4000, $0x38;
	[tilespmem:$0x18600] =	vst v63  }
0x209: {  	_ =	swait.ge [sflag:s11], $0x4000  }
0x20a: {  	[sflag:s11] =	ssyncset.done $0x0  }
0x20b: {  	[sflag:s11] =	ssyncadd.s32 $0xFFFFC000  }
0x20c: {  	v3 =	vmov s19;
	s19 =	simm.s32 $0x0;
	s20 =	simm.s32 $0xA190;
	s1 =	simm.s32 $0x10  }
.LBB2_54:
0x20d: {  	v4 =	vld [tilespmem:s20+$0xFFFFFFF0];
	_ =	sdelay $0x3  }
0x20e: {  	s3 =	sadd.s32 $0xFFFFFFF0, s1  }
0x20f: {  	v5 =	vor.u32 s3, v1;
	v4 =	vadd.s32 $0xFFFC4000, v4  }
0x210: {  	vm1 =	vlt.s32 v5, v3;
	vm0 =	vlt.u32 v4, $0x4000  }
0x211: {  	vm0 =	vmand vm1, vm0  }
0x212: {  	v4 =	vnsel vm0, $0x0, v4;
	_ =	sdelay $0x4  }
0x213: {  	[tilespmem:v4+s7+$0x0] =	vst.idx.add.f32.msk vm0, v2  }
0x214: {  	v4 =	vld [tilespmem:s20+$0x0];
	_ =	sdelay $0x4  }
0x215: {  	v5 =	vor.u32 s1, v1;
	v4 =	vadd.s32 $0xFFFC4000, v4  }
0x216: {  	vm15 =	vlt.s32 v5, v3;
	vm14 =	vlt.u32 v4, $0x4000  }
0x217: {  	s19 =	sadd.s32 $0x1, s19;
	vm0 =	vmand vm15, vm14  }
0x218: {  	p1 =	slt.u32 s19, s18;
	v4 =	vnsel vm0, $0x0, v4  }
.Ltmp36:
0x219: {  	_ = 	snop;
	(pc) =	sbr.rel @p1 .LBB2_54-.Ltmp36, $2  }
0x21a: {  	_ =	sdelay $0x2  }
0x21b: {  	s1 =	sadd.s32 $0x20, s1;
	s20 =	sadd.s32 $0x20, s20;
	[tilespmem:v4+s7+$0x0] =	vst.idx.add.f32.msk vm0, v2  }
.LBB2_55:
0x21c: {  	s1 =	simm.s32 $0x0;
	s3 =	rddreg [dreg:$0x15]  }
0x21d: {  	[hbm4b:s3+s1] =	stream.linear.scatter [tilespmem:s7], [sflag:$0x4], $0x4000, $0x38;
	[tilespmem:$0x18600] =	vst v63  }
0x21e: {  	_ =	swait.ge [sflag:s16], $0x4000  }
0x21f: {  	[sflag:s16] =	ssyncset.done $0x0  }
0x220: {  	[sflag:s16] =	ssyncadd.s32 $0xFFFFC000  }
0x221: {  	[tilespmem:s10], [sflag:$0x3] =	stream.linear.gather [spmem:s2], $0x4000, $0x38;
	[tilespmem:$0x18600] =	vst v63  }
0x222: {  	s22 =	rddreg [dreg:$0xe]  }
0x223: {  	[tilespmem:s1], [sflag:$0x7] =	stream.linear.gather [hbm4b:s22+s1], $0x4000, $0x38;
	[tilespmem:$0x18600] =	vst v63  }
0x224: {  	s23 =	simm.s32 $0x0;
	s18 =	sand.u32 $0x70, s1;
	_ =	swait.ge [sflag:s8], $0x4000  }
0x225: {  	s19 =	sand.u32 $0x3F00, s23;
	s3 =	sand.u32 $0xFFFFFF80, s23;
	[sflag:s8] =	ssyncset.done $0x0  }
0x226: {  	s19 =	sor.u32 s18, s19;
	s3 =	sor.u32 s18, s3;
	[sflag:s8] =	ssyncadd.s32 $0xFFFFC000  }
0x227: {  	s3 =	sor.u32 $0x80, s3;
	v3 =	vld [tilespmem:s19+$0x0]  }
0x228: {  	v4 =	vld [tilespmem:s3+$0x0];
	_ =	sdelay $0x3  }
0x229: {  	v3 =	vshll.u32 v3, $0x9  }
0x22a: {  	v3 =	vadd.s32 v4, v3  }
0x22b: {  	v4 =	vshrl.u32 v3, $0x10  }
0x22c: {  	vm0 =	veq.s32 v4, $0x0  }
0x22d: {  	vm1 =	veq.s32 v4, $0x2;
	v5 =	vmpcnt.ones.xlane vm0  }
0x22e: {  	vm2 =	veq.s32 v4, $0x1;
	v6 =	vmpcnt.ones.xlane vm1  }
0x22f: {  	v7 =	vmpcnt.ones.xlane vm2;
	(v2sf) =	vpush v5, $0x0  }
0x230: {  	(v2sf) =	vpush v6, $0x0  }
0x231: {  	[tilespmem:s1+$0x4000] =	vst.msk vm0, v3;
	(v2sf) =	vpush v7, $0x0  }
0x232: {  	s24 =	simm.s32 $0x10;
	s25 =	simm.s32 $0x20;
	[tilespmem:s1+$0x6080] =	vst.msk vm2, v3  }
0x233: {  	s26 =	sand.u32 $0x3F00, s25;
	s18 =	sand.u32 $0xFFFFFF80, s25;
	s3 =	sand.u32 $0x70, s24;
	vm0 =	veq.s32 v4, $0x3;
	[tilespmem:s1+$0x8100] =	vst.msk vm1, v3  }
0x234: {  	s19 =	sor.u32 s3, s26;
	s3 =	sor.u32 s3, s18;
	[tilespmem:s1+$0xA180] =	vst.msk vm0, v3  }
0x235: {  	s28 =	sor.u32 $0x80, s3;
	v3 =	vld [tilespmem:s19+$0x0]  }
0x236: {  	v4 =	vld [tilespmem:s28+$0x0];
	_ =	sdelay $0x3  }
0x237: {  	v3 =	vshll.u32 v3, $0x9  }
0x238: {  	v3 =	vadd.s32 v4, v3  }
0x239: {  	v4 =	vshrl.u32 v3, $0x10  }
0x23a: {  	vm2 =	veq.s32 v4, $0x0  }
0x23b: {  	vm0 =	veq.s32 v4, $0x2;
	v5 =	vmpcnt.ones.xlane vm2;
	s29 =	spop (v2sf)  }
0x23c: {  	s23 =	simm.s32 $0x10;
	v6 =	vmpcnt.ones.xlane vm0;
	s30 =	spop (v2sf)  }
0x23d: {  	s22 =	simm.s32 $0x1;
	vm1 =	veq.s32 v4, $0x1;
	(v2sf) =	vpush v5, $0x0;
	s19 =	sadd.s32 $0x0, s29;
	s31 =	spop (v2sf)  }
0x23e: {  	s18 =	simm.s32 $0x20;
	v5 =	vmpcnt.ones.xlane vm1;
	(v2sf) =	vpush v6, $0x0;
	[tilespmem:s19+$0x4000] =	vst.msk vm2, v3;
	s20 =	sadd.s32 $0x0, s30;
	s21 =	sadd.s32 $0x0, s31  }
.LBB2_56:
0x23f: {  	s22 =	sadd.s32 $0x1, s22  }
0x240: {  	(v2sf) =	vpush v5, $0x0;
	s1 =	sadd.s32 s21, s19;
	s3 =	smov.u32 s18;
	s18 =	sadd.s32 $0x10, s18  }
0x241: {  	s3 =	sand.u32 $0x70, s3;
	s24 =	sshll.u32 s22, $0x5;
	[tilespmem:s21+$0x6080] =	vst.msk vm1, v3;
	s1 =	sadd.s32 s20, s1  }
0x242: {  	vm1 =	veq.s32 v4, $0x3;
	s25 =	sand.u32 $0x3F00, s24;
	s24 =	sand.u32 $0xFFFFFF80, s24;
	[tilespmem:s20+$0x8100] =	vst.msk vm0, v3;
	s1 =	ssub.s32 s23, s1  }
0x243: {  	s23 =	sshll.u32 s22, $0x4;
	s25 =	sor.u32 s3, s25;
	s3 =	sor.u32 s3, s24;
	[tilespmem:s1+$0xA180] =	vst.msk vm1, v3  }
0x244: {  	p1 =	sne.s32 s18, $0x2000;
	v3 =	vld [tilespmem:s25+$0x0];
	s1 =	sor.u32 $0x80, s3  }
0x245: {  	v4 =	vld [tilespmem:s1+$0x0];
	_ =	sdelay $0x3  }
0x246: {  	v3 =	vshll.u32 v3, $0x9  }
0x247: {  	v3 =	vadd.s32 v4, v3  }
0x248: {  	v4 =	vshrl.u32 v3, $0x10  }
.Ltmp37:
0x249: {  	vm2 =	veq.s32 v4, $0x0;
	vm1 =	veq.s32 v4, $0x1;
	vm0 =	veq.s32 v4, $0x2;
	(pc) =	sbr.rel @p1 .LBB2_56-.Ltmp37, $4  }
0x24a: {  	v6 =	vmpcnt.ones.xlane vm2;
	v5 =	vmpcnt.ones.xlane vm1;
	s1 =	spop (v2sf)  }
0x24b: {  	v7 =	vmpcnt.ones.xlane vm0;
	s3 =	spop (v2sf)  }
0x24c: {  	s19 =	sadd.s32 s19, s1;
	(v2sf) =	vpush v6, $0x0;
	s1 =	spop (v2sf)  }
0x24d: {  	s20 =	sadd.s32 s20, s3;
	[tilespmem:s19+$0x4000] =	vst.msk vm2, v3;
	(v2sf) =	vpush v7, $0x0;
	s21 =	sadd.s32 s21, s1  }
0x24e: {  	_ =	sdelay $0x3  }
0x24f: {  	(v2sf) =	vpush v5, $0x0;
	_ =	sdelay $0x8  }
0x250: {  	s22 =	spop (v2sf)  }
0x251: {  	s29 =	sadd.s32 s19, s22  }
0x252: {  	s31 =	sadd.s32 $0x1F, s29  }
0x253: {  	s1 =	sadd.s32 s21, s19;
	s28 =	sshrl.u32 s31, $0x5  }
0x254: {  	[tilespmem:s21+$0x6080] =	vst.msk vm1, v3;
	s1 =	sadd.s32 s20, s1;
	p1 =	seq.s32 s28, $0x0  }
.Ltmp38:
0x255: {  	vm15 =	veq.s32 v4, $0x3;
	[tilespmem:s20+$0x8100] =	vst.msk vm0, v3;
	s1 =	ssub.s32 s23, s1;
	s23 =	spop (v2sf);
	(pc) =	sbr.rel @p1 .LBB2_60-.Ltmp38, $4  }
0x256: {  	[tilespmem:s1+$0xA180] =	vst.msk vm15, v3;
	s24 =	spop (v2sf)  }
0x257: {  	_ =	swait.ge [sflag:s12], $0x4000  }
0x258: {  	[sflag:s12] =	ssyncset.done $0x0  }
0x259: {  	s25 =	sadd.s32 s20, s23;
	s26 =	sadd.s32 s21, s24;
	[sflag:s12] =	ssyncadd.s32 $0xFFFFC000  }
0x25a: {  	v3 =	vmov s29;
	s1 =	simm.s32 $0x4010;
	s30 =	simm.s32 $0x10;
	s31 =	smov.u32 s28  }
.LBB2_59:
0x25b: {  	v4 =	vld [tilespmem:s1+$0xFFFFFFF0];
	_ =	sdelay $0x2  }
0x25c: {  	s3 =	sadd.s32 $0xFFFFFFF0, s30  }
0x25d: {  	v5 =	vor.u32 s3, v1  }
0x25e: {  	vm1 =	vlt.s32 v5, v3;
	vm0 =	vlt.u32 v4, $0x4000  }
0x25f: {  	vm0 =	vmand vm1, vm0  }
0x260: {  	v4 =	vnsel vm0, $0x0, v4;
	_ =	sdelay $0x4  }
0x261: {  	[tilespmem:v4+s9+$0x0] =	vst.idx.add.f32.msk vm0, v2  }
0x262: {  	v4 =	vld [tilespmem:s1+$0x0];
	_ =	sdelay $0x3  }
0x263: {  	v5 =	vor.u32 s30, v1  }
0x264: {  	vm15 =	vlt.s32 v5, v3;
	vm14 =	vlt.u32 v4, $0x4000  }
0x265: {  	vm0 =	vmand vm15, vm14  }
0x266: {  	p2 =	sne.s32 s31, $0x1;
	v4 =	vnsel vm0, $0x0, v4  }
.Ltmp39:
0x267: {  	_ = 	snop;
	(pc) =	sbr.rel @p2 .LBB2_59-.Ltmp39, $2  }
0x268: {  	_ =	sdelay $0x2  }
0x269: {  	s31 =	sadd.s32 $0xFFFFFFFF, s31;
	s30 =	sadd.s32 $0x20, s30;
	s1 =	sadd.s32 $0x20, s1;
	[tilespmem:v4+s9+$0x0] =	vst.idx.add.f32.msk vm0, v2  }
.LBB2_60:
0x26a: {  	s1 =	rddreg [dreg:$0x16]  }
0x26b: {  	[hbm4b:s1+s0] =	stream.linear.scatter [tilespmem:s9], [sflag:$0x5], $0x4000, $0x38;
	[tilespmem:$0x18600] =	vst v63  }
0x26c: {  	_ =	swait.ge [sflag:s13], $0x4000  }
0x26d: {  	[sflag:s13] =	ssyncset.done $0x0  }
.Ltmp40:
0x26e: {  	[sflag:s13] =	ssyncadd.s32 $0xFFFFC000;
	(pc) =	sbr.rel @p1 .LBB2_63-.Ltmp40, $4  }
0x26f: {  	[tilespmem:s7], [sflag:$0x1] =	stream.linear.gather [spmem:s2], $0x4000, $0x38;
	[tilespmem:$0x18600] =	vst v63  }
0x270: {  	_ =	swait.ge [sflag:s14], $0x4000  }
0x271: {  	[sflag:s14] =	ssyncset.done $0x0  }
0x272: {  	[sflag:s14] =	ssyncadd.s32 $0xFFFFC000  }
0x273: {  	v3 =	vmov s29;
	s30 =	simm.s32 $0x4010;
	s31 =	simm.s32 $0x10;
	s1 =	smov.u32 s28  }
.LBB2_62:
0x274: {  	v4 =	vld [tilespmem:s30+$0xFFFFFFF0];
	_ =	sdelay $0x3  }
0x275: {  	s3 =	sadd.s32 $0xFFFFFFF0, s31  }
0x276: {  	v5 =	vor.u32 s3, v1;
	v4 =	vadd.s32 $0xFFFFC000, v4  }
0x277: {  	vm1 =	vlt.s32 v5, v3;
	vm0 =	vlt.u32 v4, $0x4000  }
0x278: {  	vm0 =	vmand vm1, vm0  }
0x279: {  	v4 =	vnsel vm0, $0x0, v4;
	_ =	sdelay $0x4  }
0x27a: {  	[tilespmem:v4+s10+$0x0] =	vst.idx.add.f32.msk vm0, v2  }
0x27b: {  	v4 =	vld [tilespmem:s30+$0x0];
	_ =	sdelay $0x4  }
0x27c: {  	v5 =	vor.u32 s31, v1;
	v4 =	vadd.s32 $0xFFFFC000, v4  }
0x27d: {  	vm15 =	vlt.s32 v5, v3;
	vm14 =	vlt.u32 v4, $0x4000  }
0x27e: {  	vm0 =	vmand vm15, vm14  }
0x27f: {  	p2 =	sne.s32 s1, $0x1;
	v4 =	vnsel vm0, $0x0, v4  }
.Ltmp41:
0x280: {  	_ = 	snop;
	(pc) =	sbr.rel @p2 .LBB2_62-.Ltmp41, $2  }
0x281: {  	_ =	sdelay $0x2  }
0x282: {  	s1 =	sadd.s32 $0xFFFFFFFF, s1;
	s31 =	sadd.s32 $0x20, s31;
	s30 =	sadd.s32 $0x20, s30;
	[tilespmem:v4+s10+$0x0] =	vst.idx.add.f32.msk vm0, v2  }
.LBB2_63:
0x283: {  	s1 =	rddreg [dreg:$0x17]  }
0x284: {  	[hbm4b:s1+s0] =	stream.linear.scatter [tilespmem:s10], [sflag:$0x6], $0x4000, $0x38;
	[tilespmem:$0x18600] =	vst v63  }
0x285: {  	_ =	swait.ge [sflag:s15], $0x4000  }
0x286: {  	[sflag:s15] =	ssyncset.done $0x0  }
.Ltmp42:
0x287: {  	[sflag:s15] =	ssyncadd.s32 $0xFFFFC000;
	(pc) =	sbr.rel @p1 .LBB2_66-.Ltmp42, $4  }
0x288: {  	[tilespmem:s9], [sflag:$0x2] =	stream.linear.gather [spmem:s2], $0x4000, $0x38;
	[tilespmem:$0x18600] =	vst v63  }
0x289: {  	_ =	swait.ge [sflag:s11], $0x4000  }
0x28a: {  	[sflag:s11] =	ssyncset.done $0x0  }
0x28b: {  	[sflag:s11] =	ssyncadd.s32 $0xFFFFC000  }
0x28c: {  	v3 =	vmov s29;
	s30 =	simm.s32 $0x4010;
	s31 =	simm.s32 $0x10;
	s1 =	smov.u32 s28  }
.LBB2_65:
0x28d: {  	v4 =	vld [tilespmem:s30+$0xFFFFFFF0];
	_ =	sdelay $0x3  }
0x28e: {  	s3 =	sadd.s32 $0xFFFFFFF0, s31  }
0x28f: {  	v5 =	vor.u32 s3, v1;
	v4 =	vadd.s32 $0xFFFF8000, v4  }
0x290: {  	vm1 =	vlt.s32 v5, v3;
	vm0 =	vlt.u32 v4, $0x4000  }
0x291: {  	vm0 =	vmand vm1, vm0  }
0x292: {  	v4 =	vnsel vm0, $0x0, v4;
	_ =	sdelay $0x4  }
0x293: {  	[tilespmem:v4+s7+$0x0] =	vst.idx.add.f32.msk vm0, v2  }
0x294: {  	v4 =	vld [tilespmem:s30+$0x0];
	_ =	sdelay $0x4  }
0x295: {  	v5 =	vor.u32 s31, v1;
	v4 =	vadd.s32 $0xFFFF8000, v4  }
0x296: {  	vm15 =	vlt.s32 v5, v3;
	vm14 =	vlt.u32 v4, $0x4000  }
0x297: {  	vm0 =	vmand vm15, vm14  }
0x298: {  	p2 =	sne.s32 s1, $0x1;
	v4 =	vnsel vm0, $0x0, v4  }
.Ltmp43:
0x299: {  	_ = 	snop;
	(pc) =	sbr.rel @p2 .LBB2_65-.Ltmp43, $2  }
0x29a: {  	_ =	sdelay $0x2  }
0x29b: {  	s1 =	sadd.s32 $0xFFFFFFFF, s1;
	s31 =	sadd.s32 $0x20, s31;
	s30 =	sadd.s32 $0x20, s30;
	[tilespmem:v4+s7+$0x0] =	vst.idx.add.f32.msk vm0, v2  }
.LBB2_66:
0x29c: {  	s1 =	rddreg [dreg:$0x18]  }
0x29d: {  	[hbm4b:s1+s0] =	stream.linear.scatter [tilespmem:s7], [sflag:$0x4], $0x4000, $0x38;
	[tilespmem:$0x18600] =	vst v63  }
0x29e: {  	_ =	swait.ge [sflag:s16], $0x4000  }
0x29f: {  	[sflag:s16] =	ssyncset.done $0x0  }
.Ltmp44:
0x2a0: {  	[sflag:s16] =	ssyncadd.s32 $0xFFFFC000;
	(pc) =	sbr.rel @p1 .LBB2_69-.Ltmp44, $4  }
0x2a1: {  	[tilespmem:s10], [sflag:$0x3] =	stream.linear.gather [spmem:s2], $0x4000, $0x38;
	[tilespmem:$0x18600] =	vst v63  }
0x2a2: {  	_ =	swait.ge [sflag:s12], $0x4000  }
0x2a3: {  	[sflag:s12] =	ssyncset.done $0x0  }
0x2a4: {  	[sflag:s12] =	ssyncadd.s32 $0xFFFFC000  }
0x2a5: {  	v3 =	vmov s29;
	s29 =	simm.s32 $0x4010;
	s1 =	simm.s32 $0x10  }
.LBB2_68:
0x2a6: {  	v4 =	vld [tilespmem:s29+$0xFFFFFFF0];
	_ =	sdelay $0x3  }
0x2a7: {  	s3 =	sadd.s32 $0xFFFFFFF0, s1  }
0x2a8: {  	v5 =	vor.u32 s3, v1;
	v4 =	vadd.s32 $0xFFFF4000, v4  }
0x2a9: {  	vm1 =	vlt.s32 v5, v3;
	vm0 =	vlt.u32 v4, $0x4000  }
0x2aa: {  	vm0 =	vmand vm1, vm0  }
0x2ab: {  	v4 =	vnsel vm0, $0x0, v4;
	_ =	sdelay $0x4  }
0x2ac: {  	[tilespmem:v4+s9+$0x0] =	vst.idx.add.f32.msk vm0, v2  }
0x2ad: {  	v4 =	vld [tilespmem:s29+$0x0];
	_ =	sdelay $0x4  }
0x2ae: {  	v5 =	vor.u32 s1, v1;
	v4 =	vadd.s32 $0xFFFF4000, v4  }
0x2af: {  	vm15 =	vlt.s32 v5, v3;
	vm14 =	vlt.u32 v4, $0x4000  }
0x2b0: {  	vm0 =	vmand vm15, vm14  }
0x2b1: {  	p1 =	sne.s32 s28, $0x1;
	v4 =	vnsel vm0, $0x0, v4  }
.Ltmp45:
0x2b2: {  	_ = 	snop;
	(pc) =	sbr.rel @p1 .LBB2_68-.Ltmp45, $2  }
0x2b3: {  	_ =	sdelay $0x2  }
0x2b4: {  	s28 =	sadd.s32 $0xFFFFFFFF, s28;
	s1 =	sadd.s32 $0x20, s1;
	s29 =	sadd.s32 $0x20, s29;
	[tilespmem:v4+s9+$0x0] =	vst.idx.add.f32.msk vm0, v2  }
.LBB2_69:
0x2b5: {  	s1 =	rddreg [dreg:$0x19];
	s31 =	sadd.s32 $0x1F, s26  }
0x2b6: {  	[hbm4b:s1+s0] =	stream.linear.scatter [tilespmem:s9], [sflag:$0x5], $0x4000, $0x38;
	[tilespmem:$0x18600] =	vst v63  }
0x2b7: {  	s28 =	sshrl.u32 s31, $0x5;
	_ =	swait.ge [sflag:s13], $0x4000  }
0x2b8: {  	p1 =	seq.s32 s28, $0x0;
	[sflag:s13] =	ssyncset.done $0x0  }
.Ltmp46:
0x2b9: {  	[sflag:s13] =	ssyncadd.s32 $0xFFFFC000;
	(pc) =	sbr.rel @p1 .LBB2_72-.Ltmp46, $4  }
0x2ba: {  	[tilespmem:s7], [sflag:$0x1] =	stream.linear.gather [spmem:s2], $0x4000, $0x38;
	[tilespmem:$0x18600] =	vst v63  }
0x2bb: {  	_ =	swait.ge [sflag:s14], $0x4000  }
0x2bc: {  	[sflag:s14] =	ssyncset.done $0x0  }
0x2bd: {  	[sflag:s14] =	ssyncadd.s32 $0xFFFFC000  }
0x2be: {  	v3 =	vmov s26;
	s29 =	simm.s32 $0x6090;
	s30 =	simm.s32 $0x10;
	s1 =	smov.u32 s28  }
.LBB2_71:
0x2bf: {  	v4 =	vld [tilespmem:s29+$0xFFFFFFF0];
	_ =	sdelay $0x3  }
0x2c0: {  	s3 =	sadd.s32 $0xFFFFFFF0, s30  }
0x2c1: {  	v5 =	vor.u32 s3, v1;
	v4 =	vadd.s32 $0xFFFF0000, v4  }
0x2c2: {  	vm1 =	vlt.s32 v5, v3;
	vm0 =	vlt.u32 v4, $0x4000  }
0x2c3: {  	vm0 =	vmand vm1, vm0  }
0x2c4: {  	v4 =	vnsel vm0, $0x0, v4;
	_ =	sdelay $0x4  }
0x2c5: {  	[tilespmem:v4+s10+$0x0] =	vst.idx.add.f32.msk vm0, v2  }
0x2c6: {  	v4 =	vld [tilespmem:s29+$0x0];
	_ =	sdelay $0x4  }
0x2c7: {  	v5 =	vor.u32 s30, v1;
	v4 =	vadd.s32 $0xFFFF0000, v4  }
0x2c8: {  	vm15 =	vlt.s32 v5, v3;
	vm14 =	vlt.u32 v4, $0x4000  }
0x2c9: {  	vm0 =	vmand vm15, vm14  }
0x2ca: {  	p2 =	sne.s32 s1, $0x1;
	v4 =	vnsel vm0, $0x0, v4  }
.Ltmp47:
0x2cb: {  	_ = 	snop;
	(pc) =	sbr.rel @p2 .LBB2_71-.Ltmp47, $2  }
0x2cc: {  	_ =	sdelay $0x2  }
0x2cd: {  	s1 =	sadd.s32 $0xFFFFFFFF, s1;
	s30 =	sadd.s32 $0x20, s30;
	s29 =	sadd.s32 $0x20, s29;
	[tilespmem:v4+s10+$0x0] =	vst.idx.add.f32.msk vm0, v2  }
.LBB2_72:
0x2ce: {  	s1 =	rddreg [dreg:$0x1a]  }
0x2cf: {  	[hbm4b:s1+s0] =	stream.linear.scatter [tilespmem:s10], [sflag:$0x6], $0x4000, $0x38;
	[tilespmem:$0x18600] =	vst v63  }
0x2d0: {  	_ =	swait.ge [sflag:s15], $0x4000  }
0x2d1: {  	[sflag:s15] =	ssyncset.done $0x0  }
.Ltmp48:
0x2d2: {  	[sflag:s15] =	ssyncadd.s32 $0xFFFFC000;
	(pc) =	sbr.rel @p1 .LBB2_75-.Ltmp48, $4  }
0x2d3: {  	[tilespmem:s9], [sflag:$0x2] =	stream.linear.gather [spmem:s2], $0x4000, $0x38;
	[tilespmem:$0x18600] =	vst v63  }
0x2d4: {  	_ =	swait.ge [sflag:s11], $0x4000  }
0x2d5: {  	[sflag:s11] =	ssyncset.done $0x0  }
0x2d6: {  	[sflag:s11] =	ssyncadd.s32 $0xFFFFC000  }
0x2d7: {  	v3 =	vmov s26;
	s29 =	simm.s32 $0x6090;
	s30 =	simm.s32 $0x10;
	s1 =	smov.u32 s28  }
.LBB2_74:
0x2d8: {  	v4 =	vld [tilespmem:s29+$0xFFFFFFF0];
	_ =	sdelay $0x3  }
0x2d9: {  	s3 =	sadd.s32 $0xFFFFFFF0, s30  }
0x2da: {  	v5 =	vor.u32 s3, v1;
	v4 =	vadd.s32 $0xFFFEC000, v4  }
0x2db: {  	vm1 =	vlt.s32 v5, v3;
	vm0 =	vlt.u32 v4, $0x4000  }
0x2dc: {  	vm0 =	vmand vm1, vm0  }
0x2dd: {  	v4 =	vnsel vm0, $0x0, v4;
	_ =	sdelay $0x4  }
0x2de: {  	[tilespmem:v4+s7+$0x0] =	vst.idx.add.f32.msk vm0, v2  }
0x2df: {  	v4 =	vld [tilespmem:s29+$0x0];
	_ =	sdelay $0x4  }
0x2e0: {  	v5 =	vor.u32 s30, v1;
	v4 =	vadd.s32 $0xFFFEC000, v4  }
0x2e1: {  	vm15 =	vlt.s32 v5, v3;
	vm14 =	vlt.u32 v4, $0x4000  }
0x2e2: {  	vm0 =	vmand vm15, vm14  }
0x2e3: {  	p2 =	sne.s32 s1, $0x1;
	v4 =	vnsel vm0, $0x0, v4  }
.Ltmp49:
0x2e4: {  	_ = 	snop;
	(pc) =	sbr.rel @p2 .LBB2_74-.Ltmp49, $2  }
0x2e5: {  	_ =	sdelay $0x2  }
0x2e6: {  	s1 =	sadd.s32 $0xFFFFFFFF, s1;
	s30 =	sadd.s32 $0x20, s30;
	s29 =	sadd.s32 $0x20, s29;
	[tilespmem:v4+s7+$0x0] =	vst.idx.add.f32.msk vm0, v2  }
.LBB2_75:
0x2e7: {  	s1 =	rddreg [dreg:$0x1b]  }
0x2e8: {  	[hbm4b:s1+s0] =	stream.linear.scatter [tilespmem:s7], [sflag:$0x4], $0x4000, $0x38;
	[tilespmem:$0x18600] =	vst v63  }
0x2e9: {  	_ =	swait.ge [sflag:s16], $0x4000  }
0x2ea: {  	[sflag:s16] =	ssyncset.done $0x0  }
.Ltmp50:
0x2eb: {  	[sflag:s16] =	ssyncadd.s32 $0xFFFFC000;
	(pc) =	sbr.rel @p1 .LBB2_78-.Ltmp50, $4  }
0x2ec: {  	[tilespmem:s10], [sflag:$0x3] =	stream.linear.gather [spmem:s2], $0x4000, $0x38;
	[tilespmem:$0x18600] =	vst v63  }
0x2ed: {  	_ =	swait.ge [sflag:s12], $0x4000  }
0x2ee: {  	[sflag:s12] =	ssyncset.done $0x0  }
0x2ef: {  	[sflag:s12] =	ssyncadd.s32 $0xFFFFC000  }
0x2f0: {  	v3 =	vmov s26;
	s29 =	simm.s32 $0x6090;
	s30 =	simm.s32 $0x10;
	s1 =	smov.u32 s28  }
.LBB2_77:
0x2f1: {  	v4 =	vld [tilespmem:s29+$0xFFFFFFF0];
	_ =	sdelay $0x3  }
0x2f2: {  	s3 =	sadd.s32 $0xFFFFFFF0, s30  }
0x2f3: {  	v5 =	vor.u32 s3, v1;
	v4 =	vadd.s32 $0xFFFE8000, v4  }
0x2f4: {  	vm1 =	vlt.s32 v5, v3;
	vm0 =	vlt.u32 v4, $0x4000  }
0x2f5: {  	vm0 =	vmand vm1, vm0  }
0x2f6: {  	v4 =	vnsel vm0, $0x0, v4;
	_ =	sdelay $0x4  }
0x2f7: {  	[tilespmem:v4+s9+$0x0] =	vst.idx.add.f32.msk vm0, v2  }
0x2f8: {  	v4 =	vld [tilespmem:s29+$0x0];
	_ =	sdelay $0x4  }
0x2f9: {  	v5 =	vor.u32 s30, v1;
	v4 =	vadd.s32 $0xFFFE8000, v4  }
0x2fa: {  	vm15 =	vlt.s32 v5, v3;
	vm14 =	vlt.u32 v4, $0x4000  }
0x2fb: {  	vm0 =	vmand vm15, vm14  }
0x2fc: {  	p2 =	sne.s32 s1, $0x1;
	v4 =	vnsel vm0, $0x0, v4  }
.Ltmp51:
0x2fd: {  	_ = 	snop;
	(pc) =	sbr.rel @p2 .LBB2_77-.Ltmp51, $2  }
0x2fe: {  	_ =	sdelay $0x2  }
0x2ff: {  	s1 =	sadd.s32 $0xFFFFFFFF, s1;
	s30 =	sadd.s32 $0x20, s30;
	s29 =	sadd.s32 $0x20, s29;
	[tilespmem:v4+s9+$0x0] =	vst.idx.add.f32.msk vm0, v2  }
.LBB2_78:
0x300: {  	s1 =	rddreg [dreg:$0x1c]  }
0x301: {  	[hbm4b:s1+s0] =	stream.linear.scatter [tilespmem:s9], [sflag:$0x5], $0x4000, $0x38;
	[tilespmem:$0x18600] =	vst v63  }
0x302: {  	_ =	swait.ge [sflag:s13], $0x4000  }
0x303: {  	[sflag:s13] =	ssyncset.done $0x0  }
.Ltmp52:
0x304: {  	[sflag:s13] =	ssyncadd.s32 $0xFFFFC000;
	(pc) =	sbr.rel @p1 .LBB2_81-.Ltmp52, $4  }
0x305: {  	[tilespmem:s7], [sflag:$0x1] =	stream.linear.gather [spmem:s2], $0x4000, $0x38;
	[tilespmem:$0x18600] =	vst v63  }
0x306: {  	_ =	swait.ge [sflag:s14], $0x4000  }
0x307: {  	[sflag:s14] =	ssyncset.done $0x0  }
0x308: {  	[sflag:s14] =	ssyncadd.s32 $0xFFFFC000  }
0x309: {  	v3 =	vmov s26;
	s26 =	simm.s32 $0x6090;
	s1 =	simm.s32 $0x10  }
.LBB2_80:
0x30a: {  	v4 =	vld [tilespmem:s26+$0xFFFFFFF0];
	_ =	sdelay $0x3  }
0x30b: {  	s3 =	sadd.s32 $0xFFFFFFF0, s1  }
0x30c: {  	v5 =	vor.u32 s3, v1;
	v4 =	vadd.s32 $0xFFFE4000, v4  }
0x30d: {  	vm1 =	vlt.s32 v5, v3;
	vm0 =	vlt.u32 v4, $0x4000  }
0x30e: {  	vm0 =	vmand vm1, vm0  }
0x30f: {  	v4 =	vnsel vm0, $0x0, v4;
	_ =	sdelay $0x4  }
0x310: {  	[tilespmem:v4+s10+$0x0] =	vst.idx.add.f32.msk vm0, v2  }
0x311: {  	v4 =	vld [tilespmem:s26+$0x0];
	_ =	sdelay $0x4  }
0x312: {  	v5 =	vor.u32 s1, v1;
	v4 =	vadd.s32 $0xFFFE4000, v4  }
0x313: {  	vm15 =	vlt.s32 v5, v3;
	vm14 =	vlt.u32 v4, $0x4000  }
0x314: {  	vm0 =	vmand vm15, vm14  }
0x315: {  	p1 =	sne.s32 s28, $0x1;
	v4 =	vnsel vm0, $0x0, v4  }
.Ltmp53:
0x316: {  	_ = 	snop;
	(pc) =	sbr.rel @p1 .LBB2_80-.Ltmp53, $2  }
0x317: {  	_ =	sdelay $0x2  }
0x318: {  	s28 =	sadd.s32 $0xFFFFFFFF, s28;
	s1 =	sadd.s32 $0x20, s1;
	s26 =	sadd.s32 $0x20, s26;
	[tilespmem:v4+s10+$0x0] =	vst.idx.add.f32.msk vm0, v2  }
.LBB2_81:
0x319: {  	s1 =	rddreg [dreg:$0x1d];
	s31 =	sadd.s32 $0x1F, s25  }
0x31a: {  	[hbm4b:s1+s0] =	stream.linear.scatter [tilespmem:s10], [sflag:$0x6], $0x4000, $0x38;
	[tilespmem:$0x18600] =	vst v63  }
0x31b: {  	s26 =	sshrl.u32 s31, $0x5;
	_ =	swait.ge [sflag:s15], $0x4000  }
0x31c: {  	p1 =	seq.s32 s26, $0x0;
	[sflag:s15] =	ssyncset.done $0x0  }
.Ltmp54:
0x31d: {  	[sflag:s15] =	ssyncadd.s32 $0xFFFFC000;
	(pc) =	sbr.rel @p1 .LBB2_84-.Ltmp54, $4  }
0x31e: {  	[tilespmem:s9], [sflag:$0x2] =	stream.linear.gather [spmem:s2], $0x4000, $0x38;
	[tilespmem:$0x18600] =	vst v63  }
0x31f: {  	_ =	swait.ge [sflag:s11], $0x4000  }
0x320: {  	[sflag:s11] =	ssyncset.done $0x0  }
0x321: {  	[sflag:s11] =	ssyncadd.s32 $0xFFFFC000  }
0x322: {  	v3 =	vmov s25;
	s28 =	simm.s32 $0x8110;
	s29 =	simm.s32 $0x10;
	s1 =	smov.u32 s26  }
.LBB2_83:
0x323: {  	v4 =	vld [tilespmem:s28+$0xFFFFFFF0];
	_ =	sdelay $0x3  }
0x324: {  	s3 =	sadd.s32 $0xFFFFFFF0, s29  }
0x325: {  	v5 =	vor.u32 s3, v1;
	v4 =	vadd.s32 $0xFFFE0000, v4  }
0x326: {  	vm1 =	vlt.s32 v5, v3;
	vm0 =	vlt.u32 v4, $0x4000  }
0x327: {  	vm0 =	vmand vm1, vm0  }
0x328: {  	v4 =	vnsel vm0, $0x0, v4;
	_ =	sdelay $0x4  }
0x329: {  	[tilespmem:v4+s7+$0x0] =	vst.idx.add.f32.msk vm0, v2  }
0x32a: {  	v4 =	vld [tilespmem:s28+$0x0];
	_ =	sdelay $0x4  }
0x32b: {  	v5 =	vor.u32 s29, v1;
	v4 =	vadd.s32 $0xFFFE0000, v4  }
0x32c: {  	vm15 =	vlt.s32 v5, v3;
	vm14 =	vlt.u32 v4, $0x4000  }
0x32d: {  	vm0 =	vmand vm15, vm14  }
0x32e: {  	p2 =	sne.s32 s1, $0x1;
	v4 =	vnsel vm0, $0x0, v4  }
.Ltmp55:
0x32f: {  	_ = 	snop;
	(pc) =	sbr.rel @p2 .LBB2_83-.Ltmp55, $2  }
0x330: {  	_ =	sdelay $0x2  }
0x331: {  	s1 =	sadd.s32 $0xFFFFFFFF, s1;
	s29 =	sadd.s32 $0x20, s29;
	s28 =	sadd.s32 $0x20, s28;
	[tilespmem:v4+s7+$0x0] =	vst.idx.add.f32.msk vm0, v2  }
.LBB2_84:
0x332: {  	s1 =	rddreg [dreg:$0x1e]  }
0x333: {  	[hbm4b:s1+s0] =	stream.linear.scatter [tilespmem:s7], [sflag:$0x4], $0x4000, $0x38;
	[tilespmem:$0x18600] =	vst v63  }
0x334: {  	_ =	swait.ge [sflag:s16], $0x4000  }
0x335: {  	[sflag:s16] =	ssyncset.done $0x0  }
.Ltmp56:
0x336: {  	[sflag:s16] =	ssyncadd.s32 $0xFFFFC000;
	(pc) =	sbr.rel @p1 .LBB2_87-.Ltmp56, $4  }
0x337: {  	[tilespmem:s10], [sflag:$0x3] =	stream.linear.gather [spmem:s2], $0x4000, $0x38;
	[tilespmem:$0x18600] =	vst v63  }
0x338: {  	_ =	swait.ge [sflag:s12], $0x4000  }
0x339: {  	[sflag:s12] =	ssyncset.done $0x0  }
0x33a: {  	[sflag:s12] =	ssyncadd.s32 $0xFFFFC000  }
0x33b: {  	v3 =	vmov s25;
	s28 =	simm.s32 $0x8110;
	s29 =	simm.s32 $0x10;
	s1 =	smov.u32 s26  }
.LBB2_86:
0x33c: {  	v4 =	vld [tilespmem:s28+$0xFFFFFFF0];
	_ =	sdelay $0x3  }
0x33d: {  	s3 =	sadd.s32 $0xFFFFFFF0, s29  }
0x33e: {  	v5 =	vor.u32 s3, v1;
	v4 =	vadd.s32 $0xFFFDC000, v4  }
0x33f: {  	vm1 =	vlt.s32 v5, v3;
	vm0 =	vlt.u32 v4, $0x4000  }
0x340: {  	vm0 =	vmand vm1, vm0  }
0x341: {  	v4 =	vnsel vm0, $0x0, v4;
	_ =	sdelay $0x4  }
0x342: {  	[tilespmem:v4+s9+$0x0] =	vst.idx.add.f32.msk vm0, v2  }
0x343: {  	v4 =	vld [tilespmem:s28+$0x0];
	_ =	sdelay $0x4  }
0x344: {  	v5 =	vor.u32 s29, v1;
	v4 =	vadd.s32 $0xFFFDC000, v4  }
0x345: {  	vm15 =	vlt.s32 v5, v3;
	vm14 =	vlt.u32 v4, $0x4000  }
0x346: {  	vm0 =	vmand vm15, vm14  }
0x347: {  	p2 =	sne.s32 s1, $0x1;
	v4 =	vnsel vm0, $0x0, v4  }
.Ltmp57:
0x348: {  	_ = 	snop;
	(pc) =	sbr.rel @p2 .LBB2_86-.Ltmp57, $2  }
0x349: {  	_ =	sdelay $0x2  }
0x34a: {  	s1 =	sadd.s32 $0xFFFFFFFF, s1;
	s29 =	sadd.s32 $0x20, s29;
	s28 =	sadd.s32 $0x20, s28;
	[tilespmem:v4+s9+$0x0] =	vst.idx.add.f32.msk vm0, v2  }
.LBB2_87:
0x34b: {  	s1 =	rddreg [dreg:$0x1f]  }
0x34c: {  	[hbm4b:s1+s0] =	stream.linear.scatter [tilespmem:s9], [sflag:$0x5], $0x4000, $0x38;
	[tilespmem:$0x18600] =	vst v63  }
0x34d: {  	_ =	swait.ge [sflag:s13], $0x4000  }
0x34e: {  	[sflag:s13] =	ssyncset.done $0x0  }
.Ltmp58:
0x34f: {  	[sflag:s13] =	ssyncadd.s32 $0xFFFFC000;
	(pc) =	sbr.rel @p1 .LBB2_90-.Ltmp58, $4  }
0x350: {  	[tilespmem:s7], [sflag:$0x1] =	stream.linear.gather [spmem:s2], $0x4000, $0x38;
	[tilespmem:$0x18600] =	vst v63  }
0x351: {  	_ =	swait.ge [sflag:s14], $0x4000  }
0x352: {  	[sflag:s14] =	ssyncset.done $0x0  }
0x353: {  	[sflag:s14] =	ssyncadd.s32 $0xFFFFC000  }
0x354: {  	v3 =	vmov s25;
	s28 =	simm.s32 $0x8110;
	s29 =	simm.s32 $0x10;
	s1 =	smov.u32 s26  }
.LBB2_89:
0x355: {  	v4 =	vld [tilespmem:s28+$0xFFFFFFF0];
	_ =	sdelay $0x3  }
0x356: {  	s3 =	sadd.s32 $0xFFFFFFF0, s29  }
0x357: {  	v5 =	vor.u32 s3, v1;
	v4 =	vadd.s32 $0xFFFD8000, v4  }
0x358: {  	vm1 =	vlt.s32 v5, v3;
	vm0 =	vlt.u32 v4, $0x4000  }
0x359: {  	vm0 =	vmand vm1, vm0  }
0x35a: {  	v4 =	vnsel vm0, $0x0, v4;
	_ =	sdelay $0x4  }
0x35b: {  	[tilespmem:v4+s10+$0x0] =	vst.idx.add.f32.msk vm0, v2  }
0x35c: {  	v4 =	vld [tilespmem:s28+$0x0];
	_ =	sdelay $0x4  }
0x35d: {  	v5 =	vor.u32 s29, v1;
	v4 =	vadd.s32 $0xFFFD8000, v4  }
0x35e: {  	vm15 =	vlt.s32 v5, v3;
	vm14 =	vlt.u32 v4, $0x4000  }
0x35f: {  	vm0 =	vmand vm15, vm14  }
0x360: {  	p2 =	sne.s32 s1, $0x1;
	v4 =	vnsel vm0, $0x0, v4  }
.Ltmp59:
0x361: {  	_ = 	snop;
	(pc) =	sbr.rel @p2 .LBB2_89-.Ltmp59, $2  }
0x362: {  	_ =	sdelay $0x2  }
0x363: {  	s1 =	sadd.s32 $0xFFFFFFFF, s1;
	s29 =	sadd.s32 $0x20, s29;
	s28 =	sadd.s32 $0x20, s28;
	[tilespmem:v4+s10+$0x0] =	vst.idx.add.f32.msk vm0, v2  }
.LBB2_90:
0x364: {  	s1 =	sld [smem:$0x7FA];
	_ =	sdelay $0x2  }
0x365: {  	[hbm4b:s1+s0] =	stream.linear.scatter [tilespmem:s10], [sflag:$0x6], $0x4000, $0x38;
	[tilespmem:$0x18600] =	vst v63  }
0x366: {  	_ =	swait.ge [sflag:s15], $0x4000  }
0x367: {  	[sflag:s15] =	ssyncset.done $0x0  }
.Ltmp60:
0x368: {  	[sflag:s15] =	ssyncadd.s32 $0xFFFFC000;
	(pc) =	sbr.rel @p1 .LBB2_93-.Ltmp60, $4  }
0x369: {  	[tilespmem:s9], [sflag:$0x2] =	stream.linear.gather [spmem:s2], $0x4000, $0x38;
	[tilespmem:$0x18600] =	vst v63  }
0x36a: {  	_ =	swait.ge [sflag:s11], $0x4000  }
0x36b: {  	[sflag:s11] =	ssyncset.done $0x0  }
0x36c: {  	[sflag:s11] =	ssyncadd.s32 $0xFFFFC000  }
0x36d: {  	v3 =	vmov s25;
	s25 =	simm.s32 $0x8110;
	s1 =	simm.s32 $0x10  }
.LBB2_92:
0x36e: {  	v4 =	vld [tilespmem:s25+$0xFFFFFFF0];
	_ =	sdelay $0x3  }
0x36f: {  	s3 =	sadd.s32 $0xFFFFFFF0, s1  }
0x370: {  	v5 =	vor.u32 s3, v1;
	v4 =	vadd.s32 $0xFFFD4000, v4  }
0x371: {  	vm1 =	vlt.s32 v5, v3;
	vm0 =	vlt.u32 v4, $0x4000  }
0x372: {  	vm0 =	vmand vm1, vm0  }
0x373: {  	v4 =	vnsel vm0, $0x0, v4;
	_ =	sdelay $0x4  }
0x374: {  	[tilespmem:v4+s7+$0x0] =	vst.idx.add.f32.msk vm0, v2  }
0x375: {  	v4 =	vld [tilespmem:s25+$0x0];
	_ =	sdelay $0x4  }
0x376: {  	v5 =	vor.u32 s1, v1;
	v4 =	vadd.s32 $0xFFFD4000, v4  }
0x377: {  	vm15 =	vlt.s32 v5, v3;
	vm14 =	vlt.u32 v4, $0x4000  }
0x378: {  	vm0 =	vmand vm15, vm14  }
0x379: {  	p1 =	sne.s32 s26, $0x1;
	v4 =	vnsel vm0, $0x0, v4  }
.Ltmp61:
0x37a: {  	_ = 	snop;
	(pc) =	sbr.rel @p1 .LBB2_92-.Ltmp61, $2  }
0x37b: {  	_ =	sdelay $0x2  }
0x37c: {  	s26 =	sadd.s32 $0xFFFFFFFF, s26;
	s1 =	sadd.s32 $0x20, s1;
	s25 =	sadd.s32 $0x20, s25;
	[tilespmem:v4+s7+$0x0] =	vst.idx.add.f32.msk vm0, v2  }
.LBB2_93:
0x37d: {  	s1 =	sadd.s32 s24, s22;
	s3 =	sld [smem:$0x7FB]  }
0x37e: {  	s1 =	sadd.s32 s23, s1  }
0x37f: {  	s1 =	sadd.s32 s19, s1  }
0x380: {  	[hbm4b:s3+s0] =	stream.linear.scatter [tilespmem:s7], [sflag:$0x4], $0x4000, $0x38;
	[tilespmem:$0x18600] =	vst v63  }
0x381: {  	s1 =	sadd.s32 s21, s1  }
0x382: {  	s1 =	sadd.s32 s20, s1  }
0x383: {  	s19 =	ssub.s32 s18, s1  }
0x384: {  	s1 =	sadd.s32 $0x1F, s19  }
0x385: {  	_ =	swait.ge [sflag:s16], $0x4000;
	s18 =	sshrl.u32 s1, $0x5  }
0x386: {  	[sflag:s16] =	ssyncset.done $0x0;
	p1 =	seq.s32 s18, $0x0  }
.Ltmp62:
0x387: {  	[sflag:s16] =	ssyncadd.s32 $0xFFFFC000;
	(pc) =	sbr.rel @p1 .LBB2_96-.Ltmp62, $4  }
0x388: {  	[tilespmem:s10], [sflag:$0x3] =	stream.linear.gather [spmem:s2], $0x4000, $0x38;
	[tilespmem:$0x18600] =	vst v63  }
0x389: {  	_ =	swait.ge [sflag:s12], $0x4000  }
0x38a: {  	[sflag:s12] =	ssyncset.done $0x0  }
0x38b: {  	[sflag:s12] =	ssyncadd.s32 $0xFFFFC000  }
0x38c: {  	v3 =	vmov s19;
	s20 =	simm.s32 $0x0;
	s21 =	simm.s32 $0xA190;
	s1 =	simm.s32 $0x10  }
.LBB2_95:
0x38d: {  	v4 =	vld [tilespmem:s21+$0xFFFFFFF0];
	_ =	sdelay $0x3  }
0x38e: {  	s3 =	sadd.s32 $0xFFFFFFF0, s1  }
0x38f: {  	v5 =	vor.u32 s3, v1;
	v4 =	vadd.s32 $0xFFFD0000, v4  }
0x390: {  	vm1 =	vlt.s32 v5, v3;
	vm0 =	vlt.u32 v4, $0x4000  }
0x391: {  	vm0 =	vmand vm1, vm0  }
0x392: {  	v4 =	vnsel vm0, $0x0, v4;
	_ =	sdelay $0x4  }
0x393: {  	[tilespmem:v4+s9+$0x0] =	vst.idx.add.f32.msk vm0, v2  }
0x394: {  	v4 =	vld [tilespmem:s21+$0x0];
	_ =	sdelay $0x4  }
0x395: {  	v5 =	vor.u32 s1, v1;
	v4 =	vadd.s32 $0xFFFD0000, v4  }
0x396: {  	vm15 =	vlt.s32 v5, v3;
	vm14 =	vlt.u32 v4, $0x4000  }
0x397: {  	s20 =	sadd.s32 $0x1, s20;
	vm0 =	vmand vm15, vm14  }
0x398: {  	p2 =	slt.u32 s20, s18;
	v4 =	vnsel vm0, $0x0, v4  }
.Ltmp63:
0x399: {  	_ = 	snop;
	(pc) =	sbr.rel @p2 .LBB2_95-.Ltmp63, $2  }
0x39a: {  	_ =	sdelay $0x2  }
0x39b: {  	s1 =	sadd.s32 $0x20, s1;
	s21 =	sadd.s32 $0x20, s21;
	[tilespmem:v4+s9+$0x0] =	vst.idx.add.f32.msk vm0, v2  }
.LBB2_96:
0x39c: {  	s1 =	sld [smem:$0x7FC];
	_ =	sdelay $0x2  }
0x39d: {  	[hbm4b:s1+s0] =	stream.linear.scatter [tilespmem:s9], [sflag:$0x5], $0x4000, $0x38;
	[tilespmem:$0x18600] =	vst v63  }
0x39e: {  	_ =	swait.ge [sflag:s13], $0x4000  }
0x39f: {  	[sflag:s13] =	ssyncset.done $0x0  }
.Ltmp64:
0x3a0: {  	[sflag:s13] =	ssyncadd.s32 $0xFFFFC000;
	(pc) =	sbr.rel @p1 .LBB2_99-.Ltmp64, $4  }
0x3a1: {  	[tilespmem:s7], [sflag:$0x1] =	stream.linear.gather [spmem:s2], $0x4000, $0x38;
	[tilespmem:$0x18600] =	vst v63  }
0x3a2: {  	_ =	swait.ge [sflag:s14], $0x4000  }
0x3a3: {  	[sflag:s14] =	ssyncset.done $0x0  }
0x3a4: {  	[sflag:s14] =	ssyncadd.s32 $0xFFFFC000  }
0x3a5: {  	v3 =	vmov s19;
	s20 =	simm.s32 $0x0;
	s21 =	simm.s32 $0xA190;
	s1 =	simm.s32 $0x10  }
.LBB2_98:
0x3a6: {  	v4 =	vld [tilespmem:s21+$0xFFFFFFF0];
	_ =	sdelay $0x3  }
0x3a7: {  	s3 =	sadd.s32 $0xFFFFFFF0, s1  }
0x3a8: {  	v5 =	vor.u32 s3, v1;
	v4 =	vadd.s32 $0xFFFCC000, v4  }
0x3a9: {  	vm1 =	vlt.s32 v5, v3;
	vm0 =	vlt.u32 v4, $0x4000  }
0x3aa: {  	vm0 =	vmand vm1, vm0  }
0x3ab: {  	v4 =	vnsel vm0, $0x0, v4;
	_ =	sdelay $0x4  }
0x3ac: {  	[tilespmem:v4+s10+$0x0] =	vst.idx.add.f32.msk vm0, v2  }
0x3ad: {  	v4 =	vld [tilespmem:s21+$0x0];
	_ =	sdelay $0x4  }
0x3ae: {  	v5 =	vor.u32 s1, v1;
	v4 =	vadd.s32 $0xFFFCC000, v4  }
0x3af: {  	vm15 =	vlt.s32 v5, v3;
	vm14 =	vlt.u32 v4, $0x4000  }
0x3b0: {  	s20 =	sadd.s32 $0x1, s20;
	vm0 =	vmand vm15, vm14  }
0x3b1: {  	p2 =	slt.u32 s20, s18;
	v4 =	vnsel vm0, $0x0, v4  }
.Ltmp65:
0x3b2: {  	_ = 	snop;
	(pc) =	sbr.rel @p2 .LBB2_98-.Ltmp65, $2  }
0x3b3: {  	_ =	sdelay $0x2  }
0x3b4: {  	s1 =	sadd.s32 $0x20, s1;
	s21 =	sadd.s32 $0x20, s21;
	[tilespmem:v4+s10+$0x0] =	vst.idx.add.f32.msk vm0, v2  }
.LBB2_99:
0x3b5: {  	s1 =	sld [smem:$0x7FD];
	_ =	sdelay $0x2  }
0x3b6: {  	[hbm4b:s1+s0] =	stream.linear.scatter [tilespmem:s10], [sflag:$0x6], $0x4000, $0x38;
	[tilespmem:$0x18600] =	vst v63  }
0x3b7: {  	_ =	swait.ge [sflag:s15], $0x4000  }
0x3b8: {  	[sflag:s15] =	ssyncset.done $0x0  }
.Ltmp66:
0x3b9: {  	[sflag:s15] =	ssyncadd.s32 $0xFFFFC000;
	(pc) =	sbr.rel @p1 .LBB2_104-.Ltmp66, $4  }
0x3ba: {  	[tilespmem:s9], [sflag:$0x2] =	stream.linear.gather [spmem:s2], $0x4000, $0x38;
	[tilespmem:$0x18600] =	vst v63  }
0x3bb: {  	_ =	swait.ge [sflag:s11], $0x4000  }
0x3bc: {  	[sflag:s11] =	ssyncset.done $0x0  }
0x3bd: {  	[sflag:s11] =	ssyncadd.s32 $0xFFFFC000  }
0x3be: {  	v3 =	vmov s19;
	s19 =	simm.s32 $0x0;
	s20 =	simm.s32 $0xA190;
	s1 =	simm.s32 $0x10  }
.LBB2_101:
0x3bf: {  	v4 =	vld [tilespmem:s20+$0xFFFFFFF0];
	_ =	sdelay $0x3  }
0x3c0: {  	s3 =	sadd.s32 $0xFFFFFFF0, s1  }
0x3c1: {  	v5 =	vor.u32 s3, v1;
	v4 =	vadd.s32 $0xFFFC8000, v4  }
0x3c2: {  	vm1 =	vlt.s32 v5, v3;
	vm0 =	vlt.u32 v4, $0x4000  }
0x3c3: {  	vm0 =	vmand vm1, vm0  }
0x3c4: {  	v4 =	vnsel vm0, $0x0, v4;
	_ =	sdelay $0x4  }
0x3c5: {  	[tilespmem:v4+s7+$0x0] =	vst.idx.add.f32.msk vm0, v2  }
0x3c6: {  	v4 =	vld [tilespmem:s20+$0x0];
	_ =	sdelay $0x4  }
0x3c7: {  	v5 =	vor.u32 s1, v1;
	v4 =	vadd.s32 $0xFFFC8000, v4  }
0x3c8: {  	vm15 =	vlt.s32 v5, v3;
	vm14 =	vlt.u32 v4, $0x4000  }
0x3c9: {  	s19 =	sadd.s32 $0x1, s19;
	vm0 =	vmand vm15, vm14  }
0x3ca: {  	p1 =	slt.u32 s19, s18;
	v4 =	vnsel vm0, $0x0, v4  }
.Ltmp67:
0x3cb: {  	_ = 	snop;
	(pc) =	sbr.rel @p1 .LBB2_101-.Ltmp67, $2  }
0x3cc: {  	_ =	sdelay $0x2  }
0x3cd: {  	s1 =	sadd.s32 $0x20, s1;
	s20 =	sadd.s32 $0x20, s20;
	[tilespmem:v4+s7+$0x0] =	vst.idx.add.f32.msk vm0, v2  }
0x3ce: {  	s19 =	simm.s32 $0x0  }
0x3cf: {  	[hbm4b:s4+s19] =	stream.linear.scatter [tilespmem:s7], [sflag:$0x4], $0x4000, $0x38;
	[tilespmem:$0x18600] =	vst v63  }
0x3d0: {  	_ =	swait.ge [sflag:s12], $0x4000  }
0x3d1: {  	[sflag:s12] =	ssyncset.done $0x0  }
0x3d2: {  	s20 =	simm.s32 $0xA190;
	s1 =	simm.s32 $0x10;
	[sflag:s12] =	ssyncadd.s32 $0xFFFFC000  }
.LBB2_103:
0x3d3: {  	v4 =	vld [tilespmem:s20+$0xFFFFFFF0];
	_ =	sdelay $0x3  }
0x3d4: {  	s3 =	sadd.s32 $0xFFFFFFF0, s1  }
0x3d5: {  	v5 =	vor.u32 s3, v1;
	v4 =	vadd.s32 $0xFFFC4000, v4  }
0x3d6: {  	vm1 =	vlt.s32 v5, v3;
	vm0 =	vlt.u32 v4, $0x4000  }
0x3d7: {  	vm0 =	vmand vm1, vm0  }
0x3d8: {  	v4 =	vnsel vm0, $0x0, v4;
	_ =	sdelay $0x4  }
0x3d9: {  	[tilespmem:v4+s9+$0x0] =	vst.idx.add.f32.msk vm0, v2  }
0x3da: {  	v4 =	vld [tilespmem:s20+$0x0];
	_ =	sdelay $0x4  }
0x3db: {  	v5 =	vor.u32 s1, v1;
	v4 =	vadd.s32 $0xFFFC4000, v4  }
0x3dc: {  	vm15 =	vlt.s32 v5, v3;
	vm14 =	vlt.u32 v4, $0x4000  }
0x3dd: {  	s19 =	sadd.s32 $0x1, s19;
	vm0 =	vmand vm15, vm14  }
0x3de: {  	p1 =	slt.u32 s19, s18;
	v4 =	vnsel vm0, $0x0, v4  }
.Ltmp68:
0x3df: {  	_ = 	snop;
	(pc) =	sbr.rel @p1 .LBB2_103-.Ltmp68, $2  }
0x3e0: {  	_ =	sdelay $0x2  }
0x3e1: {  	s1 =	sadd.s32 $0x20, s1;
	s20 =	sadd.s32 $0x20, s20;
	[tilespmem:v4+s9+$0x0] =	vst.idx.add.f32.msk vm0, v2  }
.Ltmp69:
0x3e2: {  	_ = 	snop;
	(pc) =	sbr.rel .LBB2_105-.Ltmp69, $1  }
0x3e3: {  	_ =	sdelay $0x3  }
.LBB2_106:
0x3e4: {  	_ =	sfence.sel $0x180000  }
0x3e5: {  	[bflag:$0x0] =	sbarrier.arrive $0xFFFF  }
0x3e6: {  	_ =	strace $0x90000047  }
0x3e7: {  	[bflag:$0x2] =	sbarrier.arrive $0xFFFF  }
0x3e8: {  	s0 =	rddreg [dreg:$0x3]  }
0x3e9: {  	s0 =	sadd.s32 @!p0 $0x100000, s0  }
0x3ea: {  	[sflag:s0] =	ssyncadd.tile.s32 @!p0 $0x1;
	_ =	shalt  }
.Lfunc_end2:
_tile_overlayer_lowered:
.L_overlay_start_2:
0x3eb: {  	(tag) =	ssettag $0x2  }
0x3ec: {  	s0 =	rddreg [dreg:$0x0];
	s2 =	stileid.u32  }
0x3ed: {  	s1 =	rddreg [dreg:$0x1];
	p0 =	sne.s32 s2, $0x0  }
0x3ee: {  	s3 =	rddreg [dreg:$0x2];
	[bflag:$0x3] =	sbarrier.arrive $0xFFFF;
	s2 =	simm.s32 @!p0 $0x1C07  }
0x3ef: {  	[timem:s3], [sflag:s2] =	dma.local @!p0 [hbm:s0], s1  }
0x3f0: {  	s0 =	simm.s32 @!p0 $0x7  }
0x3f1: {  	_ =	swait.ge @!p0 [sflag:s0], s1  }
0x3f2: {  	s1 =	ssub.s32 @!p0 $0x0, s1;
	[sflag:s0] =	ssyncset.done @!p0 $0x0  }
0x3f3: {  	[sflag:s0] =	ssyncadd.s32 @!p0 s1  }
0x3f4: {  	[bflag:$0x3] =	sbarrier.arrive $0xFFFF  }
0x3f5: {  	_ =	shalt  }

</sc_bundles>
